<compile_context>
chip_gen: v7x
topology: tpu7x:2x2x1
jax: 0.10.2.dev20260603
libtpu: 0.0.44.dev20260713+nightly
codegen_flags: <defaults>
</compile_context>

<pallas_src>
import functools

import jax
import jax.numpy as jnp
from jax import lax
from jax.experimental import pallas as pl
from jax.experimental.pallas import tpu as pltpu
from jax.experimental.pallas import tpu_sc as plsc

EMB_DIM = 64
BATCH, SEQ = 16384, 50
NUM_CORES = 2
NUM_SUBCORES = 16
NW = NUM_CORES * NUM_SUBCORES
CHUNK = 128
NCB = BATCH // CHUNK
CB_PER_W = NCB // NW
RT = EMB_DIM // 8
JB = 2
NB = 3
NBATCH = SEQ * (CB_PER_W // JB)
PITCH = 129
TROWS = JB * RT * 8


def _make_gather():
    mesh = plsc.VectorSubcoreMesh(core_axis_name="c", subcore_axis_name="s")

    @functools.partial(
        pl.kernel,
        mesh=mesh,
        out_type=jax.ShapeDtypeStruct((SEQ, RT, NCB, 8, CHUNK), jnp.float32),
        scratch_types=[
            pltpu.VMEM((7, CB_PER_W, 8, CHUNK), jnp.int32),
            pltpu.VMEM((NB, JB, CHUNK, EMB_DIM), jnp.float32),
            pltpu.VMEM((NB, JB, RT, 8, PITCH), jnp.float32),
            pltpu.SemaphoreType.DMA((NB,)),
            pltpu.SemaphoreType.DMA((NB,)),
        ],
        compiler_params=pltpu.CompilerParams(use_tc_tiling_on_sc=False,
                                             needs_layout_passes=False),
    )
    def gather_kernel(idx_hbm, table_hbm, out_hbm, idx_v, rows_v, tbuf,
                      gsem, wsem):
        wid = lax.axis_index("s") * NUM_CORES + lax.axis_index("c")
        lane = jax.lax.iota(jnp.int32, 16)
        rid = [jnp.full((16,), 2 * g, jnp.int32) + lane // 8 for g in range(4)]
        kid = lane % 8

        def fire_gathers(t, bb):
            s = t // 2
            jbase = (t % 2) * JB
            for j in range(JB):
                pltpu.async_copy(
                    table_hbm.at[idx_v.at[s // 8, jbase + j, s % 8]],
                    rows_v.at[bb, j], gsem.at[bb])

        def wait_gathers(bb):
            for j in range(JB):
                pltpu.make_async_copy(table_hbm.at[idx_v.at[0, 0, 0]],
                                      rows_v.at[bb, j], gsem.at[bb]).wait()

        def wait_writes(bb):
            for j in range(JB):
                pltpu.make_async_copy(
                    tbuf.at[bb, j, pl.ds(0, RT), pl.ds(0, 8), pl.ds(0, CHUNK)],
                    out_hbm.at[0, pl.ds(0, RT), 0], wsem.at[bb]).wait()

        def transpose(bb):
            def tbody(lq, carry):
                for lu in range(4):
                    ll = lq * 4 + lu
                    l_full = jnp.full((16,), 0, jnp.int32) + ll
                    for j in range(JB):
                        src = rows_v.at[bb, j]
                        dst = tbuf.at[bb, j]
                        for g in range(4):
                            v = src[ll, pl.ds(g * 16, 16)]
                            plsc.store_scatter(dst, [rid[g], kid, l_full], v)
                return carry

            lax.fori_loop(0, CHUNK // 4, tbody, 0, unroll=False)

        def fire_writes(t, bb):
            s = t // 2
            cb0 = wid * CB_PER_W + (t % 2) * JB
            for j in range(JB):
                pltpu.async_copy(
                    tbuf.at[bb, j, pl.ds(0, RT), pl.ds(0, 8), pl.ds(0, CHUNK)],
                    out_hbm.at[s, pl.ds(0, RT), cb0 + j], wsem.at[bb])

        pltpu.sync_copy(idx_hbm.at[:, pl.ds(wid * CB_PER_W, CB_PER_W)], idx_v)
        fire_gathers(0, 0)
        fire_gathers(1, 1)

        def body(i, carry):
            for u in range(NB):
                t = i * NB + u

                @pl.when(t <= NBATCH - 1)
                def _step():
                    @pl.when(t + 2 <= NBATCH - 1)
                    def _pref():
                        fire_gathers(t + 2, (u + 2) % NB)

                    wait_gathers(u)

                    @pl.when(t >= NB)
                    def _drain():
                        wait_writes(u)

                    transpose(u)
                    fire_writes(t, u)
            return carry

        lax.fori_loop(0, (NBATCH + NB - 1) // NB, body, 0, unroll=False)
        for bb in range(NB):
            wait_writes(bb)

    return gather_kernel


_gather = _make_gather()


def kernel(input, weight):
    input = input.astype(jnp.int32)
    iv = jnp.pad(input.T, ((0, 56 - SEQ), (0, 0)))
    iv = iv.reshape(7, 8, NCB, CHUNK).transpose(0, 2, 1, 3)
    out5 = _gather(iv, weight)
    return out5.transpose(2, 4, 0, 1, 3).reshape(BATCH, SEQ, EMB_DIM)

# --- scband reference (transcript-rebuilt; emitter-appended) ---
"""Pipeline reference for scband-frozen-embedding-64287070486746 (READ-ONLY COPY).

The authoritative reference and input builder live on the scoring server;
editing this copy changes nothing except your own understanding.
"""

import jax, jax.numpy as jnp
import numpy as np

NUM_EMBEDDINGS = 1000000
EMBEDDING_DIM = 64

def setup_inputs(seed: int = 0) -> dict:
    key = jax.random.key(seed)
    k1, k2 = jax.random.split(key)
    input_idx = jax.random.randint(k1, (16384, 50), 0, NUM_EMBEDDINGS, dtype=jnp.int64) if jax.config.jax_enable_x64 else jax.random.randint(k1, (16384, 50), 0, NUM_EMBEDDINGS, dtype=jnp.int32)
    weight = jax.random.normal(k2, (NUM_EMBEDDINGS, EMBEDDING_DIM), dtype=jnp.float32) * 0.02
    return {"input": input_idx, "weight": weight}

def reference(input, weight):
    # FrozenEmbedding.forward with num_embeddings_per_partition is None:
    # plain F.embedding lookup (no padding_idx, no max_norm)
    return jnp.take(weight, input, axis=0)

if __name__ == "__main__":
    import jax
    _d = setup_inputs()
    print(jax.jit(kernel)(*tuple(_d.values())))

</pallas_src>

<mosaic_0001>
#map = affine_map<(d0, d1) -> (0, 0, 0, 0)>
#map1 = affine_map<(d0, d1) -> (0, 0)>
#map2 = affine_map<(d0, d1) -> (0, 0, 0, 0, 0)>
module attributes {stable_mosaic.version = 14 : i64} {
  func.func @gather_kernel(%arg0: i32, %arg1: i32, %arg2: memref<7x128x8x128xi32, #tpu.memory_space<hbm>>, %arg3: memref<1000000x64xf32, #tpu.memory_space<hbm>>, %arg4: memref<50x8x128x8x128xf32, #tpu.memory_space<hbm>>, %arg5: memref<7x4x8x128xi32, #tpu.memory_space<vmem>>, %arg6: memref<3x2x128x64xf32, #tpu.memory_space<vmem>>, %arg7: memref<3x2x8x8x129xf32, #tpu.memory_space<vmem>>, %arg8: memref<3x!tpu.dma_semaphore, #tpu.memory_space<semaphore_mem>>, %arg9: memref<3x!tpu.dma_semaphore, #tpu.memory_space<semaphore_mem>>) attributes {dimension_semantics = [#tpu.dimension_semantics<core_parallel>, #tpu.dimension_semantics<subcore_parallel>], iteration_bounds = array<i64: 2, 16>, scalar_prefetch = 0 : i64, scratch_operands = 5 : i64, tpu.core_type = #tpu.core_type<sc_vector_subcore>, window_params = [{transform_indices = #map}, {transform_indices = #map1}, {transform_indices = #map2}]} {
    %mul3A = arith.constant 2 : i32
    %mul3A_0 = arith.muli %arg1, %mul3A : i32
    %add3A = arith.addi %mul3A_0, %arg0 : i32
    %iota3A = tpu.iota {dimensions = array<i32: 0>} : vector<16xi32>
    %broadcast_in_dim3A = arith.constant 0 : i32
    %broadcast_in_dim3A_1 = vector.broadcast %broadcast_in_dim3A : i32 to vector<16xi32>
    %jit3A = arith.constant 8 : i32
    %div3A = vector.broadcast %jit3A : i32 to vector<16xi32>
    %div3A_2 = arith.divsi %iota3A, %div3A : vector<16xi32>
    %sign3A = arith.constant 0 : i32
    %sign3A_3 = vector.broadcast %sign3A : i32 to vector<16xi32>
    %sign3A_4 = arith.cmpi sgt, %iota3A, %sign3A_3 : vector<16xi32>
    %sign3A_5 = arith.extui %sign3A_4 : vector<16xi1> to vector<16xi32>
    %sign3A_6 = arith.constant 0 : i32
    %sign3A_7 = vector.broadcast %sign3A_6 : i32 to vector<16xi32>
    %sign3A_8 = arith.cmpi slt, %iota3A, %sign3A_7 : vector<16xi32>
    %sign3A_9 = arith.extui %sign3A_8 : vector<16xi1> to vector<16xi32>
    %sign3A_10 = arith.subi %sign3A_5, %sign3A_9 : vector<16xi32>
    %sign3A_11 = arith.constant 0 : i32
    %sign3A_12 = arith.cmpi sgt, %jit3A, %sign3A_11 : i32
    %sign3A_13 = arith.extui %sign3A_12 : i1 to i32
    %sign3A_14 = arith.constant 0 : i32
    %sign3A_15 = arith.cmpi slt, %jit3A, %sign3A_14 : i32
    %sign3A_16 = arith.extui %sign3A_15 : i1 to i32
    %sign3A_17 = arith.subi %sign3A_13, %sign3A_16 : i32
    %ne3A = vector.broadcast %sign3A_17 : i32 to vector<16xi32>
    %ne3A_18 = arith.cmpi ne, %sign3A_10, %ne3A : vector<16xi32>
    %rem3A = vector.broadcast %jit3A : i32 to vector<16xi32>
    %rem3A_19 = arith.remsi %iota3A, %rem3A : vector<16xi32>
    %ne3A_20 = arith.constant 0 : i32
    %ne3A_21 = vector.broadcast %ne3A_20 : i32 to vector<16xi32>
    %ne3A_22 = arith.cmpi ne, %rem3A_19, %ne3A_21 : vector<16xi32>
    %and3A = arith.andi %ne3A_18, %ne3A_22 : vector<16xi1>
    %sub3A = arith.constant 1 : i32
    %sub3A_23 = vector.broadcast %sub3A : i32 to vector<16xi32>
    %sub3A_24 = arith.subi %div3A_2, %sub3A_23 : vector<16xi32>
    %select_n3A = arith.select %and3A, %sub3A_24, %div3A_2 : vector<16xi1>, vector<16xi32>
    %add3A_25 = arith.addi %broadcast_in_dim3A_1, %select_n3A : vector<16xi32>
    %broadcast_in_dim3A_26 = arith.constant 2 : i32
    %broadcast_in_dim3A_27 = vector.broadcast %broadcast_in_dim3A_26 : i32 to vector<16xi32>
    %jit3A_28 = arith.constant 8 : i32
    %div3A_29 = vector.broadcast %jit3A_28 : i32 to vector<16xi32>
    %div3A_30 = arith.divsi %iota3A, %div3A_29 : vector<16xi32>
    %sign3A_31 = arith.constant 0 : i32
    %sign3A_32 = vector.broadcast %sign3A_31 : i32 to vector<16xi32>
    %sign3A_33 = arith.cmpi sgt, %iota3A, %sign3A_32 : vector<16xi32>
    %sign3A_34 = arith.extui %sign3A_33 : vector<16xi1> to vector<16xi32>
    %sign3A_35 = arith.constant 0 : i32
    %sign3A_36 = vector.broadcast %sign3A_35 : i32 to vector<16xi32>
    %sign3A_37 = arith.cmpi slt, %iota3A, %sign3A_36 : vector<16xi32>
    %sign3A_38 = arith.extui %sign3A_37 : vector<16xi1> to vector<16xi32>
    %sign3A_39 = arith.subi %sign3A_34, %sign3A_38 : vector<16xi32>
    %sign3A_40 = arith.constant 0 : i32
    %sign3A_41 = arith.cmpi sgt, %jit3A_28, %sign3A_40 : i32
    %sign3A_42 = arith.extui %sign3A_41 : i1 to i32
    %sign3A_43 = arith.constant 0 : i32
    %sign3A_44 = arith.cmpi slt, %jit3A_28, %sign3A_43 : i32
    %sign3A_45 = arith.extui %sign3A_44 : i1 to i32
    %sign3A_46 = arith.subi %sign3A_42, %sign3A_45 : i32
    %ne3A_47 = vector.broadcast %sign3A_46 : i32 to vector<16xi32>
    %ne3A_48 = arith.cmpi ne, %sign3A_39, %ne3A_47 : vector<16xi32>
    %rem3A_49 = vector.broadcast %jit3A_28 : i32 to vector<16xi32>
    %rem3A_50 = arith.remsi %iota3A, %rem3A_49 : vector<16xi32>
    %ne3A_51 = arith.constant 0 : i32
    %ne3A_52 = vector.broadcast %ne3A_51 : i32 to vector<16xi32>
    %ne3A_53 = arith.cmpi ne, %rem3A_50, %ne3A_52 : vector<16xi32>
    %and3A_54 = arith.andi %ne3A_48, %ne3A_53 : vector<16xi1>
    %sub3A_55 = arith.constant 1 : i32
    %sub3A_56 = vector.broadcast %sub3A_55 : i32 to vector<16xi32>
    %sub3A_57 = arith.subi %div3A_30, %sub3A_56 : vector<16xi32>
    %select_n3A_58 = arith.select %and3A_54, %sub3A_57, %div3A_30 : vector<16xi1>, vector<16xi32>
    %add3A_59 = arith.addi %broadcast_in_dim3A_27, %select_n3A_58 : vector<16xi32>
    %broadcast_in_dim3A_60 = arith.constant 4 : i32
    %broadcast_in_dim3A_61 = vector.broadcast %broadcast_in_dim3A_60 : i32 to vector<16xi32>
    %jit3A_62 = arith.constant 8 : i32
    %div3A_63 = vector.broadcast %jit3A_62 : i32 to vector<16xi32>
    %div3A_64 = arith.divsi %iota3A, %div3A_63 : vector<16xi32>
    %sign3A_65 = arith.constant 0 : i32
    %sign3A_66 = vector.broadcast %sign3A_65 : i32 to vector<16xi32>
    %sign3A_67 = arith.cmpi sgt, %iota3A, %sign3A_66 : vector<16xi32>
    %sign3A_68 = arith.extui %sign3A_67 : vector<16xi1> to vector<16xi32>
    %sign3A_69 = arith.constant 0 : i32
    %sign3A_70 = vector.broadcast %sign3A_69 : i32 to vector<16xi32>
    %sign3A_71 = arith.cmpi slt, %iota3A, %sign3A_70 : vector<16xi32>
    %sign3A_72 = arith.extui %sign3A_71 : vector<16xi1> to vector<16xi32>
    %sign3A_73 = arith.subi %sign3A_68, %sign3A_72 : vector<16xi32>
    %sign3A_74 = arith.constant 0 : i32
    %sign3A_75 = arith.cmpi sgt, %jit3A_62, %sign3A_74 : i32
    %sign3A_76 = arith.extui %sign3A_75 : i1 to i32
    %sign3A_77 = arith.constant 0 : i32
    %sign3A_78 = arith.cmpi slt, %jit3A_62, %sign3A_77 : i32
    %sign3A_79 = arith.extui %sign3A_78 : i1 to i32
    %sign3A_80 = arith.subi %sign3A_76, %sign3A_79 : i32
    %ne3A_81 = vector.broadcast %sign3A_80 : i32 to vector<16xi32>
    %ne3A_82 = arith.cmpi ne, %sign3A_73, %ne3A_81 : vector<16xi32>
    %rem3A_83 = vector.broadcast %jit3A_62 : i32 to vector<16xi32>
    %rem3A_84 = arith.remsi %iota3A, %rem3A_83 : vector<16xi32>
    %ne3A_85 = arith.constant 0 : i32
    %ne3A_86 = vector.broadcast %ne3A_85 : i32 to vector<16xi32>
    %ne3A_87 = arith.cmpi ne, %rem3A_84, %ne3A_86 : vector<16xi32>
    %and3A_88 = arith.andi %ne3A_82, %ne3A_87 : vector<16xi1>
    %sub3A_89 = arith.constant 1 : i32
    %sub3A_90 = vector.broadcast %sub3A_89 : i32 to vector<16xi32>
    %sub3A_91 = arith.subi %div3A_64, %sub3A_90 : vector<16xi32>
    %select_n3A_92 = arith.select %and3A_88, %sub3A_91, %div3A_64 : vector<16xi1>, vector<16xi32>
    %add3A_93 = arith.addi %broadcast_in_dim3A_61, %select_n3A_92 : vector<16xi32>
    %broadcast_in_dim3A_94 = arith.constant 6 : i32
    %broadcast_in_dim3A_95 = vector.broadcast %broadcast_in_dim3A_94 : i32 to vector<16xi32>
    %jit3A_96 = arith.constant 8 : i32
    %div3A_97 = vector.broadcast %jit3A_96 : i32 to vector<16xi32>
    %div3A_98 = arith.divsi %iota3A, %div3A_97 : vector<16xi32>
    %sign3A_99 = arith.constant 0 : i32
    %sign3A_100 = vector.broadcast %sign3A_99 : i32 to vector<16xi32>
    %sign3A_101 = arith.cmpi sgt, %iota3A, %sign3A_100 : vector<16xi32>
    %sign3A_102 = arith.extui %sign3A_101 : vector<16xi1> to vector<16xi32>
    %sign3A_103 = arith.constant 0 : i32
    %sign3A_104 = vector.broadcast %sign3A_103 : i32 to vector<16xi32>
    %sign3A_105 = arith.cmpi slt, %iota3A, %sign3A_104 : vector<16xi32>
    %sign3A_106 = arith.extui %sign3A_105 : vector<16xi1> to vector<16xi32>
    %sign3A_107 = arith.subi %sign3A_102, %sign3A_106 : vector<16xi32>
    %sign3A_108 = arith.constant 0 : i32
    %sign3A_109 = arith.cmpi sgt, %jit3A_96, %sign3A_108 : i32
    %sign3A_110 = arith.extui %sign3A_109 : i1 to i32
    %sign3A_111 = arith.constant 0 : i32
    %sign3A_112 = arith.cmpi slt, %jit3A_96, %sign3A_111 : i32
    %sign3A_113 = arith.extui %sign3A_112 : i1 to i32
    %sign3A_114 = arith.subi %sign3A_110, %sign3A_113 : i32
    %ne3A_115 = vector.broadcast %sign3A_114 : i32 to vector<16xi32>
    %ne3A_116 = arith.cmpi ne, %sign3A_107, %ne3A_115 : vector<16xi32>
    %rem3A_117 = vector.broadcast %jit3A_96 : i32 to vector<16xi32>
    %rem3A_118 = arith.remsi %iota3A, %rem3A_117 : vector<16xi32>
    %ne3A_119 = arith.constant 0 : i32
    %ne3A_120 = vector.broadcast %ne3A_119 : i32 to vector<16xi32>
    %ne3A_121 = arith.cmpi ne, %rem3A_118, %ne3A_120 : vector<16xi32>
    %and3A_122 = arith.andi %ne3A_116, %ne3A_121 : vector<16xi1>
    %sub3A_123 = arith.constant 1 : i32
    %sub3A_124 = vector.broadcast %sub3A_123 : i32 to vector<16xi32>
    %sub3A_125 = arith.subi %div3A_98, %sub3A_124 : vector<16xi32>
    %select_n3A_126 = arith.select %and3A_122, %sub3A_125, %div3A_98 : vector<16xi1>, vector<16xi32>
    %add3A_127 = arith.addi %broadcast_in_dim3A_95, %select_n3A_126 : vector<16xi32>
    %jit3A_128 = arith.constant 8 : i32
    %eq3A = arith.constant 0 : i32
    %eq3A_129 = arith.cmpi eq, %jit3A_128, %eq3A : i32
    %jit3A_130 = arith.constant 1 : i32
    %select_n3A_131 = arith.select %eq3A_129, %jit3A_130, %jit3A_128 : i32
    %rem3A_132 = vector.broadcast %select_n3A_131 : i32 to vector<16xi32>
    %rem3A_133 = arith.remsi %iota3A, %rem3A_132 : vector<16xi32>
    %ne3A_134 = arith.constant 0 : i32
    %ne3A_135 = vector.broadcast %ne3A_134 : i32 to vector<16xi32>
    %ne3A_136 = arith.cmpi ne, %rem3A_133, %ne3A_135 : vector<16xi32>
    %lt3A = arith.constant 0 : i32
    %lt3A_137 = vector.broadcast %lt3A : i32 to vector<16xi32>
    %lt3A_138 = arith.cmpi slt, %rem3A_133, %lt3A_137 : vector<16xi32>
    %lt3A_139 = arith.constant 0 : i32
    %lt3A_140 = arith.cmpi slt, %select_n3A_131, %lt3A_139 : i32
    %ne3A_141 = vector.broadcast %lt3A_140 : i1 to vector<16xi1>
    %ne3A_142 = vector.broadcast %ne3A_141 : vector<16xi1> to vector<16xi1>
    %ne3A_143 = arith.xori %lt3A_138, %ne3A_142 : vector<16xi1>
    %and3A_144 = arith.andi %ne3A_143, %ne3A_136 : vector<16xi1>
    %add3A_145 = vector.broadcast %select_n3A_131 : i32 to vector<16xi32>
    %add3A_146 = arith.addi %rem3A_133, %add3A_145 : vector<16xi32>
    %select_n3A_147 = arith.select %and3A_144, %add3A_146, %rem3A_133 : vector<16xi1>, vector<16xi32>
    %mul3A_148 = arith.constant 4 : i32
    %mul3A_149 = arith.muli %add3A, %mul3A_148 : i32
    "tpu.region"() ({
      %run_scoped3A = tpu.sem_alloc : memref<!tpu.dma_semaphore, #tpu.memory_space<semaphore_mem>>
      %dma_start3A_387 = arith.constant 0 : i32
      %dma_start3A_388 = arith.constant 0 : i32
      %dma_start3A_389 = arith.constant 0 : i32
      %dma_start3A_390 = tpu.memref_slice %arg2[%dma_start3A_387, %mul3A_149, %dma_start3A_388, %dma_start3A_389] : memref<7x128x8x128xi32, #tpu.memory_space<hbm>> -> memref<7x4x8x128xi32, #tpu.memory_space<hbm>>
      %dma_start3A_391 = arith.constant 0 : i32
      %dma_start3A_392 = arith.constant 0 : i32
      %dma_start3A_393 = arith.constant 0 : i32
      %dma_start3A_394 = tpu.memref_slice %arg2[%dma_start3A_391, %mul3A_149, %dma_start3A_392, %dma_start3A_393] : memref<7x128x8x128xi32, #tpu.memory_space<hbm>> -> memref<7x4x8x128xi32, #tpu.memory_space<hbm>>
      tpu.enqueue_dma source(%dma_start3A_394 : memref<7x4x8x128xi32, #tpu.memory_space<hbm>>) target(%arg5 : memref<7x4x8x128xi32, #tpu.memory_space<vmem>>) target_semaphore(%run_scoped3A : memref<!tpu.dma_semaphore, #tpu.memory_space<semaphore_mem>>)
      %dma_wait3A_395 = arith.constant 0 : i32
      %dma_wait3A_396 = arith.constant 0 : i32
      %dma_wait3A_397 = arith.constant 0 : i32
      %dma_wait3A_398 = tpu.memref_slice %arg2[%dma_wait3A_395, %mul3A_149, %dma_wait3A_396, %dma_wait3A_397] : memref<7x128x8x128xi32, #tpu.memory_space<hbm>> -> memref<7x4x8x128xi32, #tpu.memory_space<hbm>>
      %dma_wait3A_399 = arith.constant 0 : i32
      %dma_wait3A_400 = arith.constant 0 : i32
      %dma_wait3A_401 = arith.constant 0 : i32
      %dma_wait3A_402 = tpu.memref_slice %arg2[%dma_wait3A_399, %mul3A_149, %dma_wait3A_400, %dma_wait3A_401] : memref<7x128x8x128xi32, #tpu.memory_space<hbm>> -> memref<7x4x8x128xi32, #tpu.memory_space<hbm>>
      tpu.wait_dma2 semaphore(%run_scoped3A : memref<!tpu.dma_semaphore, #tpu.memory_space<semaphore_mem>>) src(%dma_wait3A_402 : memref<7x4x8x128xi32, #tpu.memory_space<hbm>>) dst(%arg5 : memref<7x4x8x128xi32, #tpu.memory_space<vmem>>)
      tpu.yield
    }) : () -> ()
    %dma_start3A = arith.constant 0 : i32
    %dma_start3A_150 = arith.constant 0 : i32
    %dma_start3A_151 = arith.constant 0 : i32
    %dma_start3A_152 = arith.constant 0 : i32
    %dma_start3A_153 = arith.constant 0 : i32
    %dma_start3A_154 = arith.constant 0 : i32
    %dma_start3A_155 = arith.constant 0 : i32
    %dma_start3A_156 = arith.constant 0 : i32
    %dma_start3A_157 = tpu.memref_slice %arg6[%dma_start3A_152, %dma_start3A_153, %dma_start3A_155, %dma_start3A_156] : memref<3x2x128x64xf32, #tpu.memory_space<vmem>> -> memref<1x1x128x64xf32, #tpu.memory_space<vmem>>
    %dma_start3A_158 = tpu.memref_squeeze %dma_start3A_157 : memref<1x1x128x64xf32, #tpu.memory_space<vmem>> -> memref<128x64xf32, #tpu.memory_space<vmem>>
    %dma_start3A_159 = arith.constant 0 : i32
    %dma_start3A_160 = tpu.memref_slice %arg5[%dma_start3A, %dma_start3A_150, %dma_start3A_151, %dma_start3A_159] : memref<7x4x8x128xi32, #tpu.memory_space<vmem>> -> memref<1x1x1x128xi32, #tpu.memory_space<vmem>>
    %dma_start3A_161 = tpu.memref_squeeze %dma_start3A_160 : memref<1x1x1x128xi32, #tpu.memory_space<vmem>> -> memref<128xi32, #tpu.memory_space<vmem>>
    %dma_start3A_162 = arith.constant 0 : i32
    %dma_start3A_163 = arith.constant 0 : i32
    %dma_start3A_164 = tpu.memref_slice %arg3[%dma_start3A_162, %dma_start3A_163] : memref<1000000x64xf32, #tpu.memory_space<hbm>> -> memref<1000000x64xf32, #tpu.memory_space<hbm>>
    %dma_start3A_165 = tpu.memref_slice %arg8[%dma_start3A_154] : memref<3x!tpu.dma_semaphore, #tpu.memory_space<semaphore_mem>> -> memref<1x!tpu.dma_semaphore, #tpu.memory_space<semaphore_mem>>
    %dma_start3A_166 = tpu.memref_squeeze %dma_start3A_165 : memref<1x!tpu.dma_semaphore, #tpu.memory_space<semaphore_mem>> -> memref<!tpu.dma_semaphore, #tpu.memory_space<semaphore_mem>>
    tpu.enqueue_indirect_dma source(%dma_start3A_164 : memref<1000000x64xf32, #tpu.memory_space<hbm>>) target(%dma_start3A_158 : memref<128x64xf32, #tpu.memory_space<vmem>>) offsets(%dma_start3A_161 : memref<128xi32, #tpu.memory_space<vmem>>) semaphore(%dma_start3A_166 : memref<!tpu.dma_semaphore, #tpu.memory_space<semaphore_mem>>)
    %dma_start3A_167 = arith.constant 0 : i32
    %dma_start3A_168 = arith.constant 1 : i32
    %dma_start3A_169 = arith.constant 0 : i32
    %dma_start3A_170 = arith.constant 0 : i32
    %dma_start3A_171 = arith.constant 1 : i32
    %dma_start3A_172 = arith.constant 0 : i32
    %dma_start3A_173 = arith.constant 0 : i32
    %dma_start3A_174 = arith.constant 0 : i32
    %dma_start3A_175 = tpu.memref_slice %arg6[%dma_start3A_170, %dma_start3A_171, %dma_start3A_173, %dma_start3A_174] : memref<3x2x128x64xf32, #tpu.memory_space<vmem>> -> memref<1x1x128x64xf32, #tpu.memory_space<vmem>>
    %dma_start3A_176 = tpu.memref_squeeze %dma_start3A_175 : memref<1x1x128x64xf32, #tpu.memory_space<vmem>> -> memref<128x64xf32, #tpu.memory_space<vmem>>
    %dma_start3A_177 = arith.constant 0 : i32
    %dma_start3A_178 = tpu.memref_slice %arg5[%dma_start3A_167, %dma_start3A_168, %dma_start3A_169, %dma_start3A_177] : memref<7x4x8x128xi32, #tpu.memory_space<vmem>> -> memref<1x1x1x128xi32, #tpu.memory_space<vmem>>
    %dma_start3A_179 = tpu.memref_squeeze %dma_start3A_178 : memref<1x1x1x128xi32, #tpu.memory_space<vmem>> -> memref<128xi32, #tpu.memory_space<vmem>>
    %dma_start3A_180 = arith.constant 0 : i32
    %dma_start3A_181 = arith.constant 0 : i32
    %dma_start3A_182 = tpu.memref_slice %arg3[%dma_start3A_180, %dma_start3A_181] : memref<1000000x64xf32, #tpu.memory_space<hbm>> -> memref<1000000x64xf32, #tpu.memory_space<hbm>>
    %dma_start3A_183 = tpu.memref_slice %arg8[%dma_start3A_172] : memref<3x!tpu.dma_semaphore, #tpu.memory_space<semaphore_mem>> -> memref<1x!tpu.dma_semaphore, #tpu.memory_space<semaphore_mem>>
    %dma_start3A_184 = tpu.memref_squeeze %dma_start3A_183 : memref<1x!tpu.dma_semaphore, #tpu.memory_space<semaphore_mem>> -> memref<!tpu.dma_semaphore, #tpu.memory_space<semaphore_mem>>
    tpu.enqueue_indirect_dma source(%dma_start3A_182 : memref<1000000x64xf32, #tpu.memory_space<hbm>>) target(%dma_start3A_176 : memref<128x64xf32, #tpu.memory_space<vmem>>) offsets(%dma_start3A_179 : memref<128xi32, #tpu.memory_space<vmem>>) semaphore(%dma_start3A_184 : memref<!tpu.dma_semaphore, #tpu.memory_space<semaphore_mem>>)
    %dma_start3A_185 = arith.constant 0 : i32
    %dma_start3A_186 = arith.constant 2 : i32
    %dma_start3A_187 = arith.constant 0 : i32
    %dma_start3A_188 = arith.constant 1 : i32
    %dma_start3A_189 = arith.constant 0 : i32
    %dma_start3A_190 = arith.constant 1 : i32
    %dma_start3A_191 = arith.constant 0 : i32
    %dma_start3A_192 = arith.constant 0 : i32
    %dma_start3A_193 = tpu.memref_slice %arg6[%dma_start3A_188, %dma_start3A_189, %dma_start3A_191, %dma_start3A_192] : memref<3x2x128x64xf32, #tpu.memory_space<vmem>> -> memref<1x1x128x64xf32, #tpu.memory_space<vmem>>
    %dma_start3A_194 = tpu.memref_squeeze %dma_start3A_193 : memref<1x1x128x64xf32, #tpu.memory_space<vmem>> -> memref<128x64xf32, #tpu.memory_space<vmem>>
    %dma_start3A_195 = arith.constant 0 : i32
    %dma_start3A_196 = tpu.memref_slice %arg5[%dma_start3A_185, %dma_start3A_186, %dma_start3A_187, %dma_start3A_195] : memref<7x4x8x128xi32, #tpu.memory_space<vmem>> -> memref<1x1x1x128xi32, #tpu.memory_space<vmem>>
    %dma_start3A_197 = tpu.memref_squeeze %dma_start3A_196 : memref<1x1x1x128xi32, #tpu.memory_space<vmem>> -> memref<128xi32, #tpu.memory_space<vmem>>
    %dma_start3A_198 = arith.constant 0 : i32
    %dma_start3A_199 = arith.constant 0 : i32
    %dma_start3A_200 = tpu.memref_slice %arg3[%dma_start3A_198, %dma_start3A_199] : memref<1000000x64xf32, #tpu.memory_space<hbm>> -> memref<1000000x64xf32, #tpu.memory_space<hbm>>
    %dma_start3A_201 = tpu.memref_slice %arg8[%dma_start3A_190] : memref<3x!tpu.dma_semaphore, #tpu.memory_space<semaphore_mem>> -> memref<1x!tpu.dma_semaphore, #tpu.memory_space<semaphore_mem>>
    %dma_start3A_202 = tpu.memref_squeeze %dma_start3A_201 : memref<1x!tpu.dma_semaphore, #tpu.memory_space<semaphore_mem>> -> memref<!tpu.dma_semaphore, #tpu.memory_space<semaphore_mem>>
    tpu.enqueue_indirect_dma source(%dma_start3A_200 : memref<1000000x64xf32, #tpu.memory_space<hbm>>) target(%dma_start3A_194 : memref<128x64xf32, #tpu.memory_space<vmem>>) offsets(%dma_start3A_197 : memref<128xi32, #tpu.memory_space<vmem>>) semaphore(%dma_start3A_202 : memref<!tpu.dma_semaphore, #tpu.memory_space<semaphore_mem>>)
    %dma_start3A_203 = arith.constant 0 : i32
    %dma_start3A_204 = arith.constant 3 : i32
    %dma_start3A_205 = arith.constant 0 : i32
    %dma_start3A_206 = arith.constant 1 : i32
    %dma_start3A_207 = arith.constant 1 : i32
    %dma_start3A_208 = arith.constant 1 : i32
    %dma_start3A_209 = arith.constant 0 : i32
    %dma_start3A_210 = arith.constant 0 : i32
    %dma_start3A_211 = tpu.memref_slice %arg6[%dma_start3A_206, %dma_start3A_207, %dma_start3A_209, %dma_start3A_210] : memref<3x2x128x64xf32, #tpu.memory_space<vmem>> -> memref<1x1x128x64xf32, #tpu.memory_space<vmem>>
    %dma_start3A_212 = tpu.memref_squeeze %dma_start3A_211 : memref<1x1x128x64xf32, #tpu.memory_space<vmem>> -> memref<128x64xf32, #tpu.memory_space<vmem>>
    %dma_start3A_213 = arith.constant 0 : i32
    %dma_start3A_214 = tpu.memref_slice %arg5[%dma_start3A_203, %dma_start3A_204, %dma_start3A_205, %dma_start3A_213] : memref<7x4x8x128xi32, #tpu.memory_space<vmem>> -> memref<1x1x1x128xi32, #tpu.memory_space<vmem>>
    %dma_start3A_215 = tpu.memref_squeeze %dma_start3A_214 : memref<1x1x1x128xi32, #tpu.memory_space<vmem>> -> memref<128xi32, #tpu.memory_space<vmem>>
    %dma_start3A_216 = arith.constant 0 : i32
    %dma_start3A_217 = arith.constant 0 : i32
    %dma_start3A_218 = tpu.memref_slice %arg3[%dma_start3A_216, %dma_start3A_217] : memref<1000000x64xf32, #tpu.memory_space<hbm>> -> memref<1000000x64xf32, #tpu.memory_space<hbm>>
    %dma_start3A_219 = tpu.memref_slice %arg8[%dma_start3A_208] : memref<3x!tpu.dma_semaphore, #tpu.memory_space<semaphore_mem>> -> memref<1x!tpu.dma_semaphore, #tpu.memory_space<semaphore_mem>>
    %dma_start3A_220 = tpu.memref_squeeze %dma_start3A_219 : memref<1x!tpu.dma_semaphore, #tpu.memory_space<semaphore_mem>> -> memref<!tpu.dma_semaphore, #tpu.memory_space<semaphore_mem>>
    tpu.enqueue_indirect_dma source(%dma_start3A_218 : memref<1000000x64xf32, #tpu.memory_space<hbm>>) target(%dma_start3A_212 : memref<128x64xf32, #tpu.memory_space<vmem>>) offsets(%dma_start3A_215 : memref<128xi32, #tpu.memory_space<vmem>>) semaphore(%dma_start3A_220 : memref<!tpu.dma_semaphore, #tpu.memory_space<semaphore_mem>>)
    %scan3A = arith.constant 0 : i32
    %scan3A_221 = arith.constant 0 : i32
    %scan3A_222 = arith.constant 34 : i32
    %scan3A_223 = arith.addi %scan3A_221, %scan3A_222 : i32
    %scan3A_224 = arith.constant 1 : i32
    scf.for %scan3A_387 = %scan3A_221 to %scan3A_223 step %scan3A_224  : i32 {
      %mul3A_388 = arith.constant 3 : i32
      %mul3A_389 = arith.muli %scan3A_387, %mul3A_388 : i32
      %add3A_390 = arith.constant 0 : i32
      %add3A_391 = arith.addi %mul3A_389, %add3A_390 : i32
      %le3A = arith.constant 99 : i32
      %le3A_392 = arith.cmpi sle, %add3A_391, %le3A : i32
      %convert_element_type3A = arith.extui %le3A_392 : i1 to i32
      %cond3A = arith.constant 0 : i32
      %cond3A_393 = arith.cmpi ne, %convert_element_type3A, %cond3A : i32
      scf.if %cond3A_393 {
        %add3A_412 = arith.constant 2 : i32
        %add3A_413 = arith.addi %add3A_391, %add3A_412 : i32
        %le3A_414 = arith.constant 99 : i32
        %le3A_415 = arith.cmpi sle, %add3A_413, %le3A_414 : i32
        %convert_element_type3A_416 = arith.extui %le3A_415 : i1 to i32
        %cond3A_417 = arith.constant 0 : i32
        %cond3A_418 = arith.cmpi ne, %convert_element_type3A_416, %cond3A_417 : i32
        scf.if %cond3A_418 {
          %add3A_564 = arith.constant 2 : i32
          %add3A_565 = arith.addi %add3A_391, %add3A_564 : i32
          %jit3A_566 = arith.constant 2 : i32
          %div3A_567 = arith.divsi %add3A_565, %jit3A_566 : i32
          %sign3A_568 = arith.constant 0 : i32
          %sign3A_569 = arith.cmpi sgt, %add3A_565, %sign3A_568 : i32
          %sign3A_570 = arith.extui %sign3A_569 : i1 to i32
          %sign3A_571 = arith.constant 0 : i32
          %sign3A_572 = arith.cmpi slt, %add3A_565, %sign3A_571 : i32
          %sign3A_573 = arith.extui %sign3A_572 : i1 to i32
          %sign3A_574 = arith.subi %sign3A_570, %sign3A_573 : i32
          %sign3A_575 = arith.constant 0 : i32
          %sign3A_576 = arith.cmpi sgt, %jit3A_566, %sign3A_575 : i32
          %sign3A_577 = arith.extui %sign3A_576 : i1 to i32
          %sign3A_578 = arith.constant 0 : i32
          %sign3A_579 = arith.cmpi slt, %jit3A_566, %sign3A_578 : i32
          %sign3A_580 = arith.extui %sign3A_579 : i1 to i32
          %sign3A_581 = arith.subi %sign3A_577, %sign3A_580 : i32
          %ne3A_582 = arith.cmpi ne, %sign3A_574, %sign3A_581 : i32
          %rem3A_583 = arith.remsi %add3A_565, %jit3A_566 : i32
          %ne3A_584 = arith.constant 0 : i32
          %ne3A_585 = arith.cmpi ne, %rem3A_583, %ne3A_584 : i32
          %and3A_586 = arith.andi %ne3A_582, %ne3A_585 : i1
          %sub3A_587 = arith.constant 1 : i32
          %sub3A_588 = arith.subi %div3A_567, %sub3A_587 : i32
          %select_n3A_589 = arith.select %and3A_586, %sub3A_588, %div3A_567 : i32
          %jit3A_590 = arith.constant 2 : i32
          %eq3A_591 = arith.constant 0 : i32
          %eq3A_592 = arith.cmpi eq, %jit3A_590, %eq3A_591 : i32
          %jit3A_593 = arith.constant 1 : i32
          %select_n3A_594 = arith.select %eq3A_592, %jit3A_593, %jit3A_590 : i32
          %rem3A_595 = arith.remsi %add3A_565, %select_n3A_594 : i32
          %ne3A_596 = arith.constant 0 : i32
          %ne3A_597 = arith.cmpi ne, %rem3A_595, %ne3A_596 : i32
          %lt3A_598 = arith.constant 0 : i32
          %lt3A_599 = arith.cmpi slt, %rem3A_595, %lt3A_598 : i32
          %lt3A_600 = arith.constant 0 : i32
          %lt3A_601 = arith.cmpi slt, %select_n3A_594, %lt3A_600 : i32
          %ne3A_602 = arith.xori %lt3A_599, %lt3A_601 : i1
          %and3A_603 = arith.andi %ne3A_602, %ne3A_597 : i1
          %add3A_604 = arith.addi %rem3A_595, %select_n3A_594 : i32
          %select_n3A_605 = arith.select %and3A_603, %add3A_604, %rem3A_595 : i32
          %mul3A_606 = arith.constant 2 : i32
          %mul3A_607 = arith.muli %select_n3A_605, %mul3A_606 : i32
          %jit3A_608 = arith.constant 8 : i32
          %div3A_609 = arith.divsi %select_n3A_589, %jit3A_608 : i32
          %sign3A_610 = arith.constant 0 : i32
          %sign3A_611 = arith.cmpi sgt, %select_n3A_589, %sign3A_610 : i32
          %sign3A_612 = arith.extui %sign3A_611 : i1 to i32
          %sign3A_613 = arith.constant 0 : i32
          %sign3A_614 = arith.cmpi slt, %select_n3A_589, %sign3A_613 : i32
          %sign3A_615 = arith.extui %sign3A_614 : i1 to i32
          %sign3A_616 = arith.subi %sign3A_612, %sign3A_615 : i32
          %sign3A_617 = arith.constant 0 : i32
          %sign3A_618 = arith.cmpi sgt, %jit3A_608, %sign3A_617 : i32
          %sign3A_619 = arith.extui %sign3A_618 : i1 to i32
          %sign3A_620 = arith.constant 0 : i32
          %sign3A_621 = arith.cmpi slt, %jit3A_608, %sign3A_620 : i32
          %sign3A_622 = arith.extui %sign3A_621 : i1 to i32
          %sign3A_623 = arith.subi %sign3A_619, %sign3A_622 : i32
          %ne3A_624 = arith.cmpi ne, %sign3A_616, %sign3A_623 : i32
          %rem3A_625 = arith.remsi %select_n3A_589, %jit3A_608 : i32
          %ne3A_626 = arith.constant 0 : i32
          %ne3A_627 = arith.cmpi ne, %rem3A_625, %ne3A_626 : i32
          %and3A_628 = arith.andi %ne3A_624, %ne3A_627 : i1
          %sub3A_629 = arith.constant 1 : i32
          %sub3A_630 = arith.subi %div3A_609, %sub3A_629 : i32
          %select_n3A_631 = arith.select %and3A_628, %sub3A_630, %div3A_609 : i32
          %add3A_632 = arith.constant 0 : i32
          %add3A_633 = arith.addi %mul3A_607, %add3A_632 : i32
          %jit3A_634 = arith.constant 8 : i32
          %eq3A_635 = arith.constant 0 : i32
          %eq3A_636 = arith.cmpi eq, %jit3A_634, %eq3A_635 : i32
          %jit3A_637 = arith.constant 1 : i32
          %select_n3A_638 = arith.select %eq3A_636, %jit3A_637, %jit3A_634 : i32
          %rem3A_639 = arith.remsi %select_n3A_589, %select_n3A_638 : i32
          %ne3A_640 = arith.constant 0 : i32
          %ne3A_641 = arith.cmpi ne, %rem3A_639, %ne3A_640 : i32
          %lt3A_642 = arith.constant 0 : i32
          %lt3A_643 = arith.cmpi slt, %rem3A_639, %lt3A_642 : i32
          %lt3A_644 = arith.constant 0 : i32
          %lt3A_645 = arith.cmpi slt, %select_n3A_638, %lt3A_644 : i32
          %ne3A_646 = arith.xori %lt3A_643, %lt3A_645 : i1
          %and3A_647 = arith.andi %ne3A_646, %ne3A_641 : i1
          %add3A_648 = arith.addi %rem3A_639, %select_n3A_638 : i32
          %select_n3A_649 = arith.select %and3A_647, %add3A_648, %rem3A_639 : i32
          %dma_start3A_650 = arith.constant 2 : i32
          %dma_start3A_651 = arith.constant 0 : i32
          %dma_start3A_652 = arith.constant 2 : i32
          %dma_start3A_653 = arith.constant 0 : i32
          %dma_start3A_654 = arith.constant 0 : i32
          %dma_start3A_655 = tpu.memref_slice %arg6[%dma_start3A_650, %dma_start3A_651, %dma_start3A_653, %dma_start3A_654] : memref<3x2x128x64xf32, #tpu.memory_space<vmem>> -> memref<1x1x128x64xf32, #tpu.memory_space<vmem>>
          %dma_start3A_656 = tpu.memref_squeeze %dma_start3A_655 : memref<1x1x128x64xf32, #tpu.memory_space<vmem>> -> memref<128x64xf32, #tpu.memory_space<vmem>>
          %dma_start3A_657 = arith.constant 0 : i32
          %dma_start3A_658 = tpu.memref_slice %arg5[%select_n3A_631, %add3A_633, %select_n3A_649, %dma_start3A_657] : memref<7x4x8x128xi32, #tpu.memory_space<vmem>> -> memref<1x1x1x128xi32, #tpu.memory_space<vmem>>
          %dma_start3A_659 = tpu.memref_squeeze %dma_start3A_658 : memref<1x1x1x128xi32, #tpu.memory_space<vmem>> -> memref<128xi32, #tpu.memory_space<vmem>>
          %dma_start3A_660 = arith.constant 0 : i32
          %dma_start3A_661 = arith.constant 0 : i32
          %dma_start3A_662 = tpu.memref_slice %arg3[%dma_start3A_660, %dma_start3A_661] : memref<1000000x64xf32, #tpu.memory_space<hbm>> -> memref<1000000x64xf32, #tpu.memory_space<hbm>>
          %dma_start3A_663 = tpu.memref_slice %arg8[%dma_start3A_652] : memref<3x!tpu.dma_semaphore, #tpu.memory_space<semaphore_mem>> -> memref<1x!tpu.dma_semaphore, #tpu.memory_space<semaphore_mem>>
          %dma_start3A_664 = tpu.memref_squeeze %dma_start3A_663 : memref<1x!tpu.dma_semaphore, #tpu.memory_space<semaphore_mem>> -> memref<!tpu.dma_semaphore, #tpu.memory_space<semaphore_mem>>
          tpu.enqueue_indirect_dma source(%dma_start3A_662 : memref<1000000x64xf32, #tpu.memory_space<hbm>>) target(%dma_start3A_656 : memref<128x64xf32, #tpu.memory_space<vmem>>) offsets(%dma_start3A_659 : memref<128xi32, #tpu.memory_space<vmem>>) semaphore(%dma_start3A_664 : memref<!tpu.dma_semaphore, #tpu.memory_space<semaphore_mem>>)
          %jit3A_665 = arith.constant 8 : i32
          %div3A_666 = arith.divsi %select_n3A_589, %jit3A_665 : i32
          %sign3A_667 = arith.constant 0 : i32
          %sign3A_668 = arith.cmpi sgt, %select_n3A_589, %sign3A_667 : i32
          %sign3A_669 = arith.extui %sign3A_668 : i1 to i32
          %sign3A_670 = arith.constant 0 : i32
          %sign3A_671 = arith.cmpi slt, %select_n3A_589, %sign3A_670 : i32
          %sign3A_672 = arith.extui %sign3A_671 : i1 to i32
          %sign3A_673 = arith.subi %sign3A_669, %sign3A_672 : i32
          %sign3A_674 = arith.constant 0 : i32
          %sign3A_675 = arith.cmpi sgt, %jit3A_665, %sign3A_674 : i32
          %sign3A_676 = arith.extui %sign3A_675 : i1 to i32
          %sign3A_677 = arith.constant 0 : i32
          %sign3A_678 = arith.cmpi slt, %jit3A_665, %sign3A_677 : i32
          %sign3A_679 = arith.extui %sign3A_678 : i1 to i32
          %sign3A_680 = arith.subi %sign3A_676, %sign3A_679 : i32
          %ne3A_681 = arith.cmpi ne, %sign3A_673, %sign3A_680 : i32
          %rem3A_682 = arith.remsi %select_n3A_589, %jit3A_665 : i32
          %ne3A_683 = arith.constant 0 : i32
          %ne3A_684 = arith.cmpi ne, %rem3A_682, %ne3A_683 : i32
          %and3A_685 = arith.andi %ne3A_681, %ne3A_684 : i1
          %sub3A_686 = arith.constant 1 : i32
          %sub3A_687 = arith.subi %div3A_666, %sub3A_686 : i32
          %select_n3A_688 = arith.select %and3A_685, %sub3A_687, %div3A_666 : i32
          %add3A_689 = arith.constant 1 : i32
          %add3A_690 = arith.addi %mul3A_607, %add3A_689 : i32
          %jit3A_691 = arith.constant 8 : i32
          %eq3A_692 = arith.constant 0 : i32
          %eq3A_693 = arith.cmpi eq, %jit3A_691, %eq3A_692 : i32
          %jit3A_694 = arith.constant 1 : i32
          %select_n3A_695 = arith.select %eq3A_693, %jit3A_694, %jit3A_691 : i32
          %rem3A_696 = arith.remsi %select_n3A_589, %select_n3A_695 : i32
          %ne3A_697 = arith.constant 0 : i32
          %ne3A_698 = arith.cmpi ne, %rem3A_696, %ne3A_697 : i32
          %lt3A_699 = arith.constant 0 : i32
          %lt3A_700 = arith.cmpi slt, %rem3A_696, %lt3A_699 : i32
          %lt3A_701 = arith.constant 0 : i32
          %lt3A_702 = arith.cmpi slt, %select_n3A_695, %lt3A_701 : i32
          %ne3A_703 = arith.xori %lt3A_700, %lt3A_702 : i1
          %and3A_704 = arith.andi %ne3A_703, %ne3A_698 : i1
          %add3A_705 = arith.addi %rem3A_696, %select_n3A_695 : i32
          %select_n3A_706 = arith.select %and3A_704, %add3A_705, %rem3A_696 : i32
          %dma_start3A_707 = arith.constant 2 : i32
          %dma_start3A_708 = arith.constant 1 : i32
          %dma_start3A_709 = arith.constant 2 : i32
          %dma_start3A_710 = arith.constant 0 : i32
          %dma_start3A_711 = arith.constant 0 : i32
          %dma_start3A_712 = tpu.memref_slice %arg6[%dma_start3A_707, %dma_start3A_708, %dma_start3A_710, %dma_start3A_711] : memref<3x2x128x64xf32, #tpu.memory_space<vmem>> -> memref<1x1x128x64xf32, #tpu.memory_space<vmem>>
          %dma_start3A_713 = tpu.memref_squeeze %dma_start3A_712 : memref<1x1x128x64xf32, #tpu.memory_space<vmem>> -> memref<128x64xf32, #tpu.memory_space<vmem>>
          %dma_start3A_714 = arith.constant 0 : i32
          %dma_start3A_715 = tpu.memref_slice %arg5[%select_n3A_688, %add3A_690, %select_n3A_706, %dma_start3A_714] : memref<7x4x8x128xi32, #tpu.memory_space<vmem>> -> memref<1x1x1x128xi32, #tpu.memory_space<vmem>>
          %dma_start3A_716 = tpu.memref_squeeze %dma_start3A_715 : memref<1x1x1x128xi32, #tpu.memory_space<vmem>> -> memref<128xi32, #tpu.memory_space<vmem>>
          %dma_start3A_717 = arith.constant 0 : i32
          %dma_start3A_718 = arith.constant 0 : i32
          %dma_start3A_719 = tpu.memref_slice %arg3[%dma_start3A_717, %dma_start3A_718] : memref<1000000x64xf32, #tpu.memory_space<hbm>> -> memref<1000000x64xf32, #tpu.memory_space<hbm>>
          %dma_start3A_720 = tpu.memref_slice %arg8[%dma_start3A_709] : memref<3x!tpu.dma_semaphore, #tpu.memory_space<semaphore_mem>> -> memref<1x!tpu.dma_semaphore, #tpu.memory_space<semaphore_mem>>
          %dma_start3A_721 = tpu.memref_squeeze %dma_start3A_720 : memref<1x!tpu.dma_semaphore, #tpu.memory_space<semaphore_mem>> -> memref<!tpu.dma_semaphore, #tpu.memory_space<semaphore_mem>>
          tpu.enqueue_indirect_dma source(%dma_start3A_719 : memref<1000000x64xf32, #tpu.memory_space<hbm>>) target(%dma_start3A_713 : memref<128x64xf32, #tpu.memory_space<vmem>>) offsets(%dma_start3A_716 : memref<128xi32, #tpu.memory_space<vmem>>) semaphore(%dma_start3A_721 : memref<!tpu.dma_semaphore, #tpu.memory_space<semaphore_mem>>)
        } else {
        }
        %dma_wait3A_419 = arith.constant 0 : i32
        %dma_wait3A_420 = arith.constant 0 : i32
        %dma_wait3A_421 = arith.constant 0 : i32
        %dma_wait3A_422 = arith.constant 0 : i32
        %dma_wait3A_423 = arith.constant 0 : i32
        %dma_wait3A_424 = arith.constant 0 : i32
        %dma_wait3A_425 = arith.constant 0 : i32
        %dma_wait3A_426 = arith.constant 0 : i32
        %dma_wait3A_427 = tpu.memref_slice %arg6[%dma_wait3A_422, %dma_wait3A_423, %dma_wait3A_425, %dma_wait3A_426] : memref<3x2x128x64xf32, #tpu.memory_space<vmem>> -> memref<1x1x128x64xf32, #tpu.memory_space<vmem>>
        %dma_wait3A_428 = tpu.memref_squeeze %dma_wait3A_427 : memref<1x1x128x64xf32, #tpu.memory_space<vmem>> -> memref<128x64xf32, #tpu.memory_space<vmem>>
        %dma_wait3A_429 = arith.constant 0 : i32
        %dma_wait3A_430 = tpu.memref_slice %arg5[%dma_wait3A_419, %dma_wait3A_420, %dma_wait3A_421, %dma_wait3A_429] : memref<7x4x8x128xi32, #tpu.memory_space<vmem>> -> memref<1x1x1x128xi32, #tpu.memory_space<vmem>>
        %dma_wait3A_431 = tpu.memref_squeeze %dma_wait3A_430 : memref<1x1x1x128xi32, #tpu.memory_space<vmem>> -> memref<128xi32, #tpu.memory_space<vmem>>
        %dma_wait3A_432 = arith.constant 0 : i32
        %dma_wait3A_433 = arith.constant 0 : i32
        %dma_wait3A_434 = tpu.memref_slice %arg3[%dma_wait3A_432, %dma_wait3A_433] : memref<1000000x64xf32, #tpu.memory_space<hbm>> -> memref<1000000x64xf32, #tpu.memory_space<hbm>>
        %dma_wait3A_435 = tpu.memref_slice %arg8[%dma_wait3A_424] : memref<3x!tpu.dma_semaphore, #tpu.memory_space<semaphore_mem>> -> memref<1x!tpu.dma_semaphore, #tpu.memory_space<semaphore_mem>>
        %dma_wait3A_436 = tpu.memref_squeeze %dma_wait3A_435 : memref<1x!tpu.dma_semaphore, #tpu.memory_space<semaphore_mem>> -> memref<!tpu.dma_semaphore, #tpu.memory_space<semaphore_mem>>
        tpu.wait_indirect_dma semaphore(%dma_wait3A_436 : memref<!tpu.dma_semaphore, #tpu.memory_space<semaphore_mem>>) src(%dma_wait3A_434 : memref<1000000x64xf32, #tpu.memory_space<hbm>>) dst(%dma_wait3A_428 : memref<128x64xf32, #tpu.memory_space<vmem>>)
        %dma_wait3A_437 = arith.constant 0 : i32
        %dma_wait3A_438 = arith.constant 0 : i32
        %dma_wait3A_439 = arith.constant 0 : i32
        %dma_wait3A_440 = arith.constant 0 : i32
        %dma_wait3A_441 = arith.constant 1 : i32
        %dma_wait3A_442 = arith.constant 0 : i32
        %dma_wait3A_443 = arith.constant 0 : i32
        %dma_wait3A_444 = arith.constant 0 : i32
        %dma_wait3A_445 = tpu.memref_slice %arg6[%dma_wait3A_440, %dma_wait3A_441, %dma_wait3A_443, %dma_wait3A_444] : memref<3x2x128x64xf32, #tpu.memory_space<vmem>> -> memref<1x1x128x64xf32, #tpu.memory_space<vmem>>
        %dma_wait3A_446 = tpu.memref_squeeze %dma_wait3A_445 : memref<1x1x128x64xf32, #tpu.memory_space<vmem>> -> memref<128x64xf32, #tpu.memory_space<vmem>>
        %dma_wait3A_447 = arith.constant 0 : i32
        %dma_wait3A_448 = tpu.memref_slice %arg5[%dma_wait3A_437, %dma_wait3A_438, %dma_wait3A_439, %dma_wait3A_447] : memref<7x4x8x128xi32, #tpu.memory_space<vmem>> -> memref<1x1x1x128xi32, #tpu.memory_space<vmem>>
        %dma_wait3A_449 = tpu.memref_squeeze %dma_wait3A_448 : memref<1x1x1x128xi32, #tpu.memory_space<vmem>> -> memref<128xi32, #tpu.memory_space<vmem>>
        %dma_wait3A_450 = arith.constant 0 : i32
        %dma_wait3A_451 = arith.constant 0 : i32
        %dma_wait3A_452 = tpu.memref_slice %arg3[%dma_wait3A_450, %dma_wait3A_451] : memref<1000000x64xf32, #tpu.memory_space<hbm>> -> memref<1000000x64xf32, #tpu.memory_space<hbm>>
        %dma_wait3A_453 = tpu.memref_slice %arg8[%dma_wait3A_442] : memref<3x!tpu.dma_semaphore, #tpu.memory_space<semaphore_mem>> -> memref<1x!tpu.dma_semaphore, #tpu.memory_space<semaphore_mem>>
        %dma_wait3A_454 = tpu.memref_squeeze %dma_wait3A_453 : memref<1x!tpu.dma_semaphore, #tpu.memory_space<semaphore_mem>> -> memref<!tpu.dma_semaphore, #tpu.memory_space<semaphore_mem>>
        tpu.wait_indirect_dma semaphore(%dma_wait3A_454 : memref<!tpu.dma_semaphore, #tpu.memory_space<semaphore_mem>>) src(%dma_wait3A_452 : memref<1000000x64xf32, #tpu.memory_space<hbm>>) dst(%dma_wait3A_446 : memref<128x64xf32, #tpu.memory_space<vmem>>)
        %ge3A = arith.constant 3 : i32
        %ge3A_455 = arith.cmpi sge, %add3A_391, %ge3A : i32
        %convert_element_type3A_456 = arith.extui %ge3A_455 : i1 to i32
        %cond3A_457 = arith.constant 0 : i32
        %cond3A_458 = arith.cmpi ne, %convert_element_type3A_456, %cond3A_457 : i32
        scf.if %cond3A_458 {
          %dma_wait3A_564 = arith.constant 0 : i32
          %dma_wait3A_565 = arith.constant 0 : i32
          %dma_wait3A_566 = arith.constant 0 : i32
          %dma_wait3A_567 = arith.constant 0 : i32
          %dma_wait3A_568 = arith.constant 0 : i32
          %dma_wait3A_569 = arith.constant 0 : i32
          %dma_wait3A_570 = arith.constant 0 : i32
          %dma_wait3A_571 = arith.constant 0 : i32
          %dma_wait3A_572 = tpu.memref_slice %arg7[%dma_wait3A_564, %dma_wait3A_565, %dma_wait3A_569, %dma_wait3A_570, %dma_wait3A_571] : memref<3x2x8x8x129xf32, #tpu.memory_space<vmem>> -> memref<1x1x8x8x128xf32, #tpu.memory_space<vmem>>
          %dma_wait3A_573 = tpu.memref_squeeze %dma_wait3A_572 : memref<1x1x8x8x128xf32, #tpu.memory_space<vmem>> -> memref<8x8x128xf32, #tpu.memory_space<vmem>>
          %dma_wait3A_574 = arith.constant 0 : i32
          %dma_wait3A_575 = arith.constant 0 : i32
          %dma_wait3A_576 = arith.constant 0 : i32
          %dma_wait3A_577 = tpu.memref_slice %arg4[%dma_wait3A_566, %dma_wait3A_574, %dma_wait3A_567, %dma_wait3A_575, %dma_wait3A_576] : memref<50x8x128x8x128xf32, #tpu.memory_space<hbm>> -> memref<1x8x1x8x128xf32, #tpu.memory_space<hbm>>
          %dma_wait3A_578 = tpu.memref_squeeze %dma_wait3A_577 : memref<1x8x1x8x128xf32, #tpu.memory_space<hbm>> -> memref<8x8x128xf32, #tpu.memory_space<hbm>>
          %dma_wait3A_579 = tpu.memref_slice %arg9[%dma_wait3A_568] : memref<3x!tpu.dma_semaphore, #tpu.memory_space<semaphore_mem>> -> memref<1x!tpu.dma_semaphore, #tpu.memory_space<semaphore_mem>>
          %dma_wait3A_580 = tpu.memref_squeeze %dma_wait3A_579 : memref<1x!tpu.dma_semaphore, #tpu.memory_space<semaphore_mem>> -> memref<!tpu.dma_semaphore, #tpu.memory_space<semaphore_mem>>
          %dma_wait3A_581 = arith.constant 0 : i32
          %dma_wait3A_582 = arith.constant 0 : i32
          %dma_wait3A_583 = arith.constant 0 : i32
          %dma_wait3A_584 = tpu.memref_slice %arg4[%dma_wait3A_566, %dma_wait3A_581, %dma_wait3A_567, %dma_wait3A_582, %dma_wait3A_583] : memref<50x8x128x8x128xf32, #tpu.memory_space<hbm>> -> memref<1x8x1x8x128xf32, #tpu.memory_space<hbm>>
          %dma_wait3A_585 = tpu.memref_squeeze %dma_wait3A_584 : memref<1x8x1x8x128xf32, #tpu.memory_space<hbm>> -> memref<8x8x128xf32, #tpu.memory_space<hbm>>
          %dma_wait3A_586 = arith.constant 0 : i32
          %dma_wait3A_587 = arith.constant 0 : i32
          %dma_wait3A_588 = arith.constant 0 : i32
          %dma_wait3A_589 = tpu.memref_slice %arg7[%dma_wait3A_564, %dma_wait3A_565, %dma_wait3A_586, %dma_wait3A_587, %dma_wait3A_588] : memref<3x2x8x8x129xf32, #tpu.memory_space<vmem>> -> memref<1x1x8x8x128xf32, #tpu.memory_space<vmem>>
          %dma_wait3A_590 = tpu.memref_squeeze %dma_wait3A_589 : memref<1x1x8x8x128xf32, #tpu.memory_space<vmem>> -> memref<8x8x128xf32, #tpu.memory_space<vmem>>
          tpu.wait_dma2 semaphore(%dma_wait3A_580 : memref<!tpu.dma_semaphore, #tpu.memory_space<semaphore_mem>>) src(%dma_wait3A_590 : memref<8x8x128xf32, #tpu.memory_space<vmem>>) dst(%dma_wait3A_585 : memref<8x8x128xf32, #tpu.memory_space<hbm>>)
          %dma_wait3A_591 = arith.constant 0 : i32
          %dma_wait3A_592 = arith.constant 1 : i32
          %dma_wait3A_593 = arith.constant 0 : i32
          %dma_wait3A_594 = arith.constant 0 : i32
          %dma_wait3A_595 = arith.constant 0 : i32
          %dma_wait3A_596 = arith.constant 0 : i32
          %dma_wait3A_597 = arith.constant 0 : i32
          %dma_wait3A_598 = arith.constant 0 : i32
          %dma_wait3A_599 = tpu.memref_slice %arg7[%dma_wait3A_591, %dma_wait3A_592, %dma_wait3A_596, %dma_wait3A_597, %dma_wait3A_598] : memref<3x2x8x8x129xf32, #tpu.memory_space<vmem>> -> memref<1x1x8x8x128xf32, #tpu.memory_space<vmem>>
          %dma_wait3A_600 = tpu.memref_squeeze %dma_wait3A_599 : memref<1x1x8x8x128xf32, #tpu.memory_space<vmem>> -> memref<8x8x128xf32, #tpu.memory_space<vmem>>
          %dma_wait3A_601 = arith.constant 0 : i32
          %dma_wait3A_602 = arith.constant 0 : i32
          %dma_wait3A_603 = arith.constant 0 : i32
          %dma_wait3A_604 = tpu.memref_slice %arg4[%dma_wait3A_593, %dma_wait3A_601, %dma_wait3A_594, %dma_wait3A_602, %dma_wait3A_603] : memref<50x8x128x8x128xf32, #tpu.memory_space<hbm>> -> memref<1x8x1x8x128xf32, #tpu.memory_space<hbm>>
          %dma_wait3A_605 = tpu.memref_squeeze %dma_wait3A_604 : memref<1x8x1x8x128xf32, #tpu.memory_space<hbm>> -> memref<8x8x128xf32, #tpu.memory_space<hbm>>
          %dma_wait3A_606 = tpu.memref_slice %arg9[%dma_wait3A_595] : memref<3x!tpu.dma_semaphore, #tpu.memory_space<semaphore_mem>> -> memref<1x!tpu.dma_semaphore, #tpu.memory_space<semaphore_mem>>
          %dma_wait3A_607 = tpu.memref_squeeze %dma_wait3A_606 : memref<1x!tpu.dma_semaphore, #tpu.memory_space<semaphore_mem>> -> memref<!tpu.dma_semaphore, #tpu.memory_space<semaphore_mem>>
          %dma_wait3A_608 = arith.constant 0 : i32
          %dma_wait3A_609 = arith.constant 0 : i32
          %dma_wait3A_610 = arith.constant 0 : i32
          %dma_wait3A_611 = tpu.memref_slice %arg4[%dma_wait3A_593, %dma_wait3A_608, %dma_wait3A_594, %dma_wait3A_609, %dma_wait3A_610] : memref<50x8x128x8x128xf32, #tpu.memory_space<hbm>> -> memref<1x8x1x8x128xf32, #tpu.memory_space<hbm>>
          %dma_wait3A_612 = tpu.memref_squeeze %dma_wait3A_611 : memref<1x8x1x8x128xf32, #tpu.memory_space<hbm>> -> memref<8x8x128xf32, #tpu.memory_space<hbm>>
          %dma_wait3A_613 = arith.constant 0 : i32
          %dma_wait3A_614 = arith.constant 0 : i32
          %dma_wait3A_615 = arith.constant 0 : i32
          %dma_wait3A_616 = tpu.memref_slice %arg7[%dma_wait3A_591, %dma_wait3A_592, %dma_wait3A_613, %dma_wait3A_614, %dma_wait3A_615] : memref<3x2x8x8x129xf32, #tpu.memory_space<vmem>> -> memref<1x1x8x8x128xf32, #tpu.memory_space<vmem>>
          %dma_wait3A_617 = tpu.memref_squeeze %dma_wait3A_616 : memref<1x1x8x8x128xf32, #tpu.memory_space<vmem>> -> memref<8x8x128xf32, #tpu.memory_space<vmem>>
          tpu.wait_dma2 semaphore(%dma_wait3A_607 : memref<!tpu.dma_semaphore, #tpu.memory_space<semaphore_mem>>) src(%dma_wait3A_617 : memref<8x8x128xf32, #tpu.memory_space<vmem>>) dst(%dma_wait3A_612 : memref<8x8x128xf32, #tpu.memory_space<hbm>>)
        } else {
        }
        %scan3A_459 = arith.constant 0 : i32
        %scan3A_460 = arith.constant 0 : i32
        %scan3A_461 = arith.constant 32 : i32
        %scan3A_462 = arith.addi %scan3A_460, %scan3A_461 : i32
        %scan3A_463 = arith.constant 1 : i32
        scf.for %scan3A_564 = %scan3A_460 to %scan3A_462 step %scan3A_463  : i32 {
          %mul3A_565 = arith.constant 4 : i32
          %mul3A_566 = arith.muli %scan3A_564, %mul3A_565 : i32
          %add3A_567 = arith.constant 0 : i32
          %add3A_568 = arith.addi %mul3A_566, %add3A_567 : i32
          %broadcast_in_dim3A_569 = arith.constant 0 : i32
          %broadcast_in_dim3A_570 = vector.broadcast %broadcast_in_dim3A_569 : i32 to vector<16xi32>
          %add3A_571 = vector.broadcast %add3A_568 : i32 to vector<16xi32>
          %add3A_572 = arith.addi %broadcast_in_dim3A_570, %add3A_571 : vector<16xi32>
          %get3A = arith.constant 0 : i32
          %get3A_573 = arith.constant 0 : i32
          %get3A_574 = arith.constant 0 : i32
          %get3A_575 = arith.constant 0 : i32
          %get3A_576 = tpu.memref_slice %arg6[%get3A, %get3A_573, %get3A_574, %get3A_575] : memref<3x2x128x64xf32, #tpu.memory_space<vmem>> -> memref<1x1x128x64xf32, #tpu.memory_space<vmem>>
          %get3A_577 = tpu.memref_squeeze %get3A_576 : memref<1x1x128x64xf32, #tpu.memory_space<vmem>> -> memref<128x64xf32, #tpu.memory_space<vmem>>
          %get3A_578 = arith.index_cast %add3A_568 : i32 to index
          %get3A_579 = arith.constant 0 : index
          %get3A_580 = tpu.vector_load %get3A_577[%get3A_578, %get3A_579] {strides = array<i32>} : memref<128x64xf32, #tpu.memory_space<vmem>>, vector<16xf32>,
          %scatter3A = arith.constant 0 : i32
          %scatter3A_581 = arith.constant 0 : i32
          %scatter3A_582 = arith.constant 0 : i32
          %scatter3A_583 = arith.constant 0 : i32
          %scatter3A_584 = arith.constant 0 : i32
          %scatter3A_585 = tpu.memref_slice %arg7[%scatter3A, %scatter3A_581, %scatter3A_582, %scatter3A_583, %scatter3A_584] : memref<3x2x8x8x129xf32, #tpu.memory_space<vmem>> -> memref<1x1x8x8x129xf32, #tpu.memory_space<vmem>>
          %scatter3A_586 = tpu.memref_squeeze %scatter3A_585 : memref<1x1x8x8x129xf32, #tpu.memory_space<vmem>> -> memref<8x8x129xf32, #tpu.memory_space<vmem>>
          tpu.vector_store_idx %scatter3A_586[%add3A_25, %select_n3A_147, %add3A_572], %get3A_580 : memref<8x8x129xf32, #tpu.memory_space<vmem>>[vector<16xi32>, vector<16xi32>, vector<16xi32>], vector<16xf32>,
          %get3A_587 = arith.constant 0 : i32
          %get3A_588 = arith.constant 0 : i32
          %get3A_589 = arith.constant 0 : i32
          %get3A_590 = arith.constant 0 : i32
          %get3A_591 = tpu.memref_slice %arg6[%get3A_587, %get3A_588, %get3A_589, %get3A_590] : memref<3x2x128x64xf32, #tpu.memory_space<vmem>> -> memref<1x1x128x64xf32, #tpu.memory_space<vmem>>
          %get3A_592 = tpu.memref_squeeze %get3A_591 : memref<1x1x128x64xf32, #tpu.memory_space<vmem>> -> memref<128x64xf32, #tpu.memory_space<vmem>>
          %get3A_593 = arith.index_cast %add3A_568 : i32 to index
          %get3A_594 = arith.constant 16 : index
          %get3A_595 = tpu.vector_load %get3A_592[%get3A_593, %get3A_594] {strides = array<i32>} : memref<128x64xf32, #tpu.memory_space<vmem>>, vector<16xf32>,
          %scatter3A_596 = arith.constant 0 : i32
          %scatter3A_597 = arith.constant 0 : i32
          %scatter3A_598 = arith.constant 0 : i32
          %scatter3A_599 = arith.constant 0 : i32
          %scatter3A_600 = arith.constant 0 : i32
          %scatter3A_601 = tpu.memref_slice %arg7[%scatter3A_596, %scatter3A_597, %scatter3A_598, %scatter3A_599, %scatter3A_600] : memref<3x2x8x8x129xf32, #tpu.memory_space<vmem>> -> memref<1x1x8x8x129xf32, #tpu.memory_space<vmem>>
          %scatter3A_602 = tpu.memref_squeeze %scatter3A_601 : memref<1x1x8x8x129xf32, #tpu.memory_space<vmem>> -> memref<8x8x129xf32, #tpu.memory_space<vmem>>
          tpu.vector_store_idx %scatter3A_602[%add3A_59, %select_n3A_147, %add3A_572], %get3A_595 : memref<8x8x129xf32, #tpu.memory_space<vmem>>[vector<16xi32>, vector<16xi32>, vector<16xi32>], vector<16xf32>,
          %get3A_603 = arith.constant 0 : i32
          %get3A_604 = arith.constant 0 : i32
          %get3A_605 = arith.constant 0 : i32
          %get3A_606 = arith.constant 0 : i32
          %get3A_607 = tpu.memref_slice %arg6[%get3A_603, %get3A_604, %get3A_605, %get3A_606] : memref<3x2x128x64xf32, #tpu.memory_space<vmem>> -> memref<1x1x128x64xf32, #tpu.memory_space<vmem>>
          %get3A_608 = tpu.memref_squeeze %get3A_607 : memref<1x1x128x64xf32, #tpu.memory_space<vmem>> -> memref<128x64xf32, #tpu.memory_space<vmem>>
          %get3A_609 = arith.index_cast %add3A_568 : i32 to index
          %get3A_610 = arith.constant 32 : index
          %get3A_611 = tpu.vector_load %get3A_608[%get3A_609, %get3A_610] {strides = array<i32>} : memref<128x64xf32, #tpu.memory_space<vmem>>, vector<16xf32>,
          %scatter3A_612 = arith.constant 0 : i32
          %scatter3A_613 = arith.constant 0 : i32
          %scatter3A_614 = arith.constant 0 : i32
          %scatter3A_615 = arith.constant 0 : i32
          %scatter3A_616 = arith.constant 0 : i32
          %scatter3A_617 = tpu.memref_slice %arg7[%scatter3A_612, %scatter3A_613, %scatter3A_614, %scatter3A_615, %scatter3A_616] : memref<3x2x8x8x129xf32, #tpu.memory_space<vmem>> -> memref<1x1x8x8x129xf32, #tpu.memory_space<vmem>>
          %scatter3A_618 = tpu.memref_squeeze %scatter3A_617 : memref<1x1x8x8x129xf32, #tpu.memory_space<vmem>> -> memref<8x8x129xf32, #tpu.memory_space<vmem>>
          tpu.vector_store_idx %scatter3A_618[%add3A_93, %select_n3A_147, %add3A_572], %get3A_611 : memref<8x8x129xf32, #tpu.memory_space<vmem>>[vector<16xi32>, vector<16xi32>, vector<16xi32>], vector<16xf32>,
          %get3A_619 = arith.constant 0 : i32
          %get3A_620 = arith.constant 0 : i32
          %get3A_621 = arith.constant 0 : i32
          %get3A_622 = arith.constant 0 : i32
          %get3A_623 = tpu.memref_slice %arg6[%get3A_619, %get3A_620, %get3A_621, %get3A_622] : memref<3x2x128x64xf32, #tpu.memory_space<vmem>> -> memref<1x1x128x64xf32, #tpu.memory_space<vmem>>
          %get3A_624 = tpu.memref_squeeze %get3A_623 : memref<1x1x128x64xf32, #tpu.memory_space<vmem>> -> memref<128x64xf32, #tpu.memory_space<vmem>>
          %get3A_625 = arith.index_cast %add3A_568 : i32 to index
          %get3A_626 = arith.constant 48 : index
          %get3A_627 = tpu.vector_load %get3A_624[%get3A_625, %get3A_626] {strides = array<i32>} : memref<128x64xf32, #tpu.memory_space<vmem>>, vector<16xf32>,
          %scatter3A_628 = arith.constant 0 : i32
          %scatter3A_629 = arith.constant 0 : i32
          %scatter3A_630 = arith.constant 0 : i32
          %scatter3A_631 = arith.constant 0 : i32
          %scatter3A_632 = arith.constant 0 : i32
          %scatter3A_633 = tpu.memref_slice %arg7[%scatter3A_628, %scatter3A_629, %scatter3A_630, %scatter3A_631, %scatter3A_632] : memref<3x2x8x8x129xf32, #tpu.memory_space<vmem>> -> memref<1x1x8x8x129xf32, #tpu.memory_space<vmem>>
          %scatter3A_634 = tpu.memref_squeeze %scatter3A_633 : memref<1x1x8x8x129xf32, #tpu.memory_space<vmem>> -> memref<8x8x129xf32, #tpu.memory_space<vmem>>
          tpu.vector_store_idx %scatter3A_634[%add3A_127, %select_n3A_147, %add3A_572], %get3A_627 : memref<8x8x129xf32, #tpu.memory_space<vmem>>[vector<16xi32>, vector<16xi32>, vector<16xi32>], vector<16xf32>,
          %get3A_635 = arith.constant 0 : i32
          %get3A_636 = arith.constant 1 : i32
          %get3A_637 = arith.constant 0 : i32
          %get3A_638 = arith.constant 0 : i32
          %get3A_639 = tpu.memref_slice %arg6[%get3A_635, %get3A_636, %get3A_637, %get3A_638] : memref<3x2x128x64xf32, #tpu.memory_space<vmem>> -> memref<1x1x128x64xf32, #tpu.memory_space<vmem>>
          %get3A_640 = tpu.memref_squeeze %get3A_639 : memref<1x1x128x64xf32, #tpu.memory_space<vmem>> -> memref<128x64xf32, #tpu.memory_space<vmem>>
          %get3A_641 = arith.index_cast %add3A_568 : i32 to index
          %get3A_642 = arith.constant 0 : index
          %get3A_643 = tpu.vector_load %get3A_640[%get3A_641, %get3A_642] {strides = array<i32>} : memref<128x64xf32, #tpu.memory_space<vmem>>, vector<16xf32>,
          %scatter3A_644 = arith.constant 0 : i32
          %scatter3A_645 = arith.constant 1 : i32
          %scatter3A_646 = arith.constant 0 : i32
          %scatter3A_647 = arith.constant 0 : i32
          %scatter3A_648 = arith.constant 0 : i32
          %scatter3A_649 = tpu.memref_slice %arg7[%scatter3A_644, %scatter3A_645, %scatter3A_646, %scatter3A_647, %scatter3A_648] : memref<3x2x8x8x129xf32, #tpu.memory_space<vmem>> -> memref<1x1x8x8x129xf32, #tpu.memory_space<vmem>>
          %scatter3A_650 = tpu.memref_squeeze %scatter3A_649 : memref<1x1x8x8x129xf32, #tpu.memory_space<vmem>> -> memref<8x8x129xf32, #tpu.memory_space<vmem>>
          tpu.vector_store_idx %scatter3A_650[%add3A_25, %select_n3A_147, %add3A_572], %get3A_643 : memref<8x8x129xf32, #tpu.memory_space<vmem>>[vector<16xi32>, vector<16xi32>, vector<16xi32>], vector<16xf32>,
          %get3A_651 = arith.constant 0 : i32
          %get3A_652 = arith.constant 1 : i32
          %get3A_653 = arith.constant 0 : i32
          %get3A_654 = arith.constant 0 : i32
          %get3A_655 = tpu.memref_slice %arg6[%get3A_651, %get3A_652, %get3A_653, %get3A_654] : memref<3x2x128x64xf32, #tpu.memory_space<vmem>> -> memref<1x1x128x64xf32, #tpu.memory_space<vmem>>
          %get3A_656 = tpu.memref_squeeze %get3A_655 : memref<1x1x128x64xf32, #tpu.memory_space<vmem>> -> memref<128x64xf32, #tpu.memory_space<vmem>>
          %get3A_657 = arith.index_cast %add3A_568 : i32 to index
          %get3A_658 = arith.constant 16 : index
          %get3A_659 = tpu.vector_load %get3A_656[%get3A_657, %get3A_658] {strides = array<i32>} : memref<128x64xf32, #tpu.memory_space<vmem>>, vector<16xf32>,
          %scatter3A_660 = arith.constant 0 : i32
          %scatter3A_661 = arith.constant 1 : i32
          %scatter3A_662 = arith.constant 0 : i32
          %scatter3A_663 = arith.constant 0 : i32
          %scatter3A_664 = arith.constant 0 : i32
          %scatter3A_665 = tpu.memref_slice %arg7[%scatter3A_660, %scatter3A_661, %scatter3A_662, %scatter3A_663, %scatter3A_664] : memref<3x2x8x8x129xf32, #tpu.memory_space<vmem>> -> memref<1x1x8x8x129xf32, #tpu.memory_space<vmem>>
          %scatter3A_666 = tpu.memref_squeeze %scatter3A_665 : memref<1x1x8x8x129xf32, #tpu.memory_space<vmem>> -> memref<8x8x129xf32, #tpu.memory_space<vmem>>
          tpu.vector_store_idx %scatter3A_666[%add3A_59, %select_n3A_147, %add3A_572], %get3A_659 : memref<8x8x129xf32, #tpu.memory_space<vmem>>[vector<16xi32>, vector<16xi32>, vector<16xi32>], vector<16xf32>,
          %get3A_667 = arith.constant 0 : i32
          %get3A_668 = arith.constant 1 : i32
          %get3A_669 = arith.constant 0 : i32
          %get3A_670 = arith.constant 0 : i32
          %get3A_671 = tpu.memref_slice %arg6[%get3A_667, %get3A_668, %get3A_669, %get3A_670] : memref<3x2x128x64xf32, #tpu.memory_space<vmem>> -> memref<1x1x128x64xf32, #tpu.memory_space<vmem>>
          %get3A_672 = tpu.memref_squeeze %get3A_671 : memref<1x1x128x64xf32, #tpu.memory_space<vmem>> -> memref<128x64xf32, #tpu.memory_space<vmem>>
          %get3A_673 = arith.index_cast %add3A_568 : i32 to index
          %get3A_674 = arith.constant 32 : index
          %get3A_675 = tpu.vector_load %get3A_672[%get3A_673, %get3A_674] {strides = array<i32>} : memref<128x64xf32, #tpu.memory_space<vmem>>, vector<16xf32>,
          %scatter3A_676 = arith.constant 0 : i32
          %scatter3A_677 = arith.constant 1 : i32
          %scatter3A_678 = arith.constant 0 : i32
          %scatter3A_679 = arith.constant 0 : i32
          %scatter3A_680 = arith.constant 0 : i32
          %scatter3A_681 = tpu.memref_slice %arg7[%scatter3A_676, %scatter3A_677, %scatter3A_678, %scatter3A_679, %scatter3A_680] : memref<3x2x8x8x129xf32, #tpu.memory_space<vmem>> -> memref<1x1x8x8x129xf32, #tpu.memory_space<vmem>>
          %scatter3A_682 = tpu.memref_squeeze %scatter3A_681 : memref<1x1x8x8x129xf32, #tpu.memory_space<vmem>> -> memref<8x8x129xf32, #tpu.memory_space<vmem>>
          tpu.vector_store_idx %scatter3A_682[%add3A_93, %select_n3A_147, %add3A_572], %get3A_675 : memref<8x8x129xf32, #tpu.memory_space<vmem>>[vector<16xi32>, vector<16xi32>, vector<16xi32>], vector<16xf32>,
          %get3A_683 = arith.constant 0 : i32
          %get3A_684 = arith.constant 1 : i32
          %get3A_685 = arith.constant 0 : i32
          %get3A_686 = arith.constant 0 : i32
          %get3A_687 = tpu.memref_slice %arg6[%get3A_683, %get3A_684, %get3A_685, %get3A_686] : memref<3x2x128x64xf32, #tpu.memory_space<vmem>> -> memref<1x1x128x64xf32, #tpu.memory_space<vmem>>
          %get3A_688 = tpu.memref_squeeze %get3A_687 : memref<1x1x128x64xf32, #tpu.memory_space<vmem>> -> memref<128x64xf32, #tpu.memory_space<vmem>>
          %get3A_689 = arith.index_cast %add3A_568 : i32 to index
          %get3A_690 = arith.constant 48 : index
          %get3A_691 = tpu.vector_load %get3A_688[%get3A_689, %get3A_690] {strides = array<i32>} : memref<128x64xf32, #tpu.memory_space<vmem>>, vector<16xf32>,
          %scatter3A_692 = arith.constant 0 : i32
          %scatter3A_693 = arith.constant 1 : i32
          %scatter3A_694 = arith.constant 0 : i32
          %scatter3A_695 = arith.constant 0 : i32
          %scatter3A_696 = arith.constant 0 : i32
          %scatter3A_697 = tpu.memref_slice %arg7[%scatter3A_692, %scatter3A_693, %scatter3A_694, %scatter3A_695, %scatter3A_696] : memref<3x2x8x8x129xf32, #tpu.memory_space<vmem>> -> memref<1x1x8x8x129xf32, #tpu.memory_space<vmem>>
          %scatter3A_698 = tpu.memref_squeeze %scatter3A_697 : memref<1x1x8x8x129xf32, #tpu.memory_space<vmem>> -> memref<8x8x129xf32, #tpu.memory_space<vmem>>
          tpu.vector_store_idx %scatter3A_698[%add3A_127, %select_n3A_147, %add3A_572], %get3A_691 : memref<8x8x129xf32, #tpu.memory_space<vmem>>[vector<16xi32>, vector<16xi32>, vector<16xi32>], vector<16xf32>,
          %mul3A_699 = arith.constant 4 : i32
          %mul3A_700 = arith.muli %scan3A_564, %mul3A_699 : i32
          %add3A_701 = arith.constant 1 : i32
          %add3A_702 = arith.addi %mul3A_700, %add3A_701 : i32
          %broadcast_in_dim3A_703 = arith.constant 0 : i32
          %broadcast_in_dim3A_704 = vector.broadcast %broadcast_in_dim3A_703 : i32 to vector<16xi32>
          %add3A_705 = vector.broadcast %add3A_702 : i32 to vector<16xi32>
          %add3A_706 = arith.addi %broadcast_in_dim3A_704, %add3A_705 : vector<16xi32>
          %get3A_707 = arith.constant 0 : i32
          %get3A_708 = arith.constant 0 : i32
          %get3A_709 = arith.constant 0 : i32
          %get3A_710 = arith.constant 0 : i32
          %get3A_711 = tpu.memref_slice %arg6[%get3A_707, %get3A_708, %get3A_709, %get3A_710] : memref<3x2x128x64xf32, #tpu.memory_space<vmem>> -> memref<1x1x128x64xf32, #tpu.memory_space<vmem>>
          %get3A_712 = tpu.memref_squeeze %get3A_711 : memref<1x1x128x64xf32, #tpu.memory_space<vmem>> -> memref<128x64xf32, #tpu.memory_space<vmem>>
          %get3A_713 = arith.index_cast %add3A_702 : i32 to index
          %get3A_714 = arith.constant 0 : index
          %get3A_715 = tpu.vector_load %get3A_712[%get3A_713, %get3A_714] {strides = array<i32>} : memref<128x64xf32, #tpu.memory_space<vmem>>, vector<16xf32>,
          %scatter3A_716 = arith.constant 0 : i32
          %scatter3A_717 = arith.constant 0 : i32
          %scatter3A_718 = arith.constant 0 : i32
          %scatter3A_719 = arith.constant 0 : i32
          %scatter3A_720 = arith.constant 0 : i32
          %scatter3A_721 = tpu.memref_slice %arg7[%scatter3A_716, %scatter3A_717, %scatter3A_718, %scatter3A_719, %scatter3A_720] : memref<3x2x8x8x129xf32, #tpu.memory_space<vmem>> -> memref<1x1x8x8x129xf32, #tpu.memory_space<vmem>>
          %scatter3A_722 = tpu.memref_squeeze %scatter3A_721 : memref<1x1x8x8x129xf32, #tpu.memory_space<vmem>> -> memref<8x8x129xf32, #tpu.memory_space<vmem>>
          tpu.vector_store_idx %scatter3A_722[%add3A_25, %select_n3A_147, %add3A_706], %get3A_715 : memref<8x8x129xf32, #tpu.memory_space<vmem>>[vector<16xi32>, vector<16xi32>, vector<16xi32>], vector<16xf32>,
          %get3A_723 = arith.constant 0 : i32
          %get3A_724 = arith.constant 0 : i32
          %get3A_725 = arith.constant 0 : i32
          %get3A_726 = arith.constant 0 : i32
          %get3A_727 = tpu.memref_slice %arg6[%get3A_723, %get3A_724, %get3A_725, %get3A_726] : memref<3x2x128x64xf32, #tpu.memory_space<vmem>> -> memref<1x1x128x64xf32, #tpu.memory_space<vmem>>
          %get3A_728 = tpu.memref_squeeze %get3A_727 : memref<1x1x128x64xf32, #tpu.memory_space<vmem>> -> memref<128x64xf32, #tpu.memory_space<vmem>>
          %get3A_729 = arith.index_cast %add3A_702 : i32 to index
          %get3A_730 = arith.constant 16 : index
          %get3A_731 = tpu.vector_load %get3A_728[%get3A_729, %get3A_730] {strides = array<i32>} : memref<128x64xf32, #tpu.memory_space<vmem>>, vector<16xf32>,
          %scatter3A_732 = arith.constant 0 : i32
          %scatter3A_733 = arith.constant 0 : i32
          %scatter3A_734 = arith.constant 0 : i32
          %scatter3A_735 = arith.constant 0 : i32
          %scatter3A_736 = arith.constant 0 : i32
          %scatter3A_737 = tpu.memref_slice %arg7[%scatter3A_732, %scatter3A_733, %scatter3A_734, %scatter3A_735, %scatter3A_736] : memref<3x2x8x8x129xf32, #tpu.memory_space<vmem>> -> memref<1x1x8x8x129xf32, #tpu.memory_space<vmem>>
          %scatter3A_738 = tpu.memref_squeeze %scatter3A_737 : memref<1x1x8x8x129xf32, #tpu.memory_space<vmem>> -> memref<8x8x129xf32, #tpu.memory_space<vmem>>
          tpu.vector_store_idx %scatter3A_738[%add3A_59, %select_n3A_147, %add3A_706], %get3A_731 : memref<8x8x129xf32, #tpu.memory_space<vmem>>[vector<16xi32>, vector<16xi32>, vector<16xi32>], vector<16xf32>,
          %get3A_739 = arith.constant 0 : i32
          %get3A_740 = arith.constant 0 : i32
          %get3A_741 = arith.constant 0 : i32
          %get3A_742 = arith.constant 0 : i32
          %get3A_743 = tpu.memref_slice %arg6[%get3A_739, %get3A_740, %get3A_741, %get3A_742] : memref<3x2x128x64xf32, #tpu.memory_space<vmem>> -> memref<1x1x128x64xf32, #tpu.memory_space<vmem>>
          %get3A_744 = tpu.memref_squeeze %get3A_743 : memref<1x1x128x64xf32, #tpu.memory_space<vmem>> -> memref<128x64xf32, #tpu.memory_space<vmem>>
          %get3A_745 = arith.index_cast %add3A_702 : i32 to index
          %get3A_746 = arith.constant 32 : index
          %get3A_747 = tpu.vector_load %get3A_744[%get3A_745, %get3A_746] {strides = array<i32>} : memref<128x64xf32, #tpu.memory_space<vmem>>, vector<16xf32>,
          %scatter3A_748 = arith.constant 0 : i32
          %scatter3A_749 = arith.constant 0 : i32
          %scatter3A_750 = arith.constant 0 : i32
          %scatter3A_751 = arith.constant 0 : i32
          %scatter3A_752 = arith.constant 0 : i32
          %scatter3A_753 = tpu.memref_slice %arg7[%scatter3A_748, %scatter3A_749, %scatter3A_750, %scatter3A_751, %scatter3A_752] : memref<3x2x8x8x129xf32, #tpu.memory_space<vmem>> -> memref<1x1x8x8x129xf32, #tpu.memory_space<vmem>>
          %scatter3A_754 = tpu.memref_squeeze %scatter3A_753 : memref<1x1x8x8x129xf32, #tpu.memory_space<vmem>> -> memref<8x8x129xf32, #tpu.memory_space<vmem>>
          tpu.vector_store_idx %scatter3A_754[%add3A_93, %select_n3A_147, %add3A_706], %get3A_747 : memref<8x8x129xf32, #tpu.memory_space<vmem>>[vector<16xi32>, vector<16xi32>, vector<16xi32>], vector<16xf32>,
          %get3A_755 = arith.constant 0 : i32
          %get3A_756 = arith.constant 0 : i32
          %get3A_757 = arith.constant 0 : i32
          %get3A_758 = arith.constant 0 : i32
          %get3A_759 = tpu.memref_slice %arg6[%get3A_755, %get3A_756, %get3A_757, %get3A_758] : memref<3x2x128x64xf32, #tpu.memory_space<vmem>> -> memref<1x1x128x64xf32, #tpu.memory_space<vmem>>
          %get3A_760 = tpu.memref_squeeze %get3A_759 : memref<1x1x128x64xf32, #tpu.memory_space<vmem>> -> memref<128x64xf32, #tpu.memory_space<vmem>>
          %get3A_761 = arith.index_cast %add3A_702 : i32 to index
          %get3A_762 = arith.constant 48 : index
          %get3A_763 = tpu.vector_load %get3A_760[%get3A_761, %get3A_762] {strides = array<i32>} : memref<128x64xf32, #tpu.memory_space<vmem>>, vector<16xf32>,
          %scatter3A_764 = arith.constant 0 : i32
          %scatter3A_765 = arith.constant 0 : i32
          %scatter3A_766 = arith.constant 0 : i32
          %scatter3A_767 = arith.constant 0 : i32
          %scatter3A_768 = arith.constant 0 : i32
          %scatter3A_769 = tpu.memref_slice %arg7[%scatter3A_764, %scatter3A_765, %scatter3A_766, %scatter3A_767, %scatter3A_768] : memref<3x2x8x8x129xf32, #tpu.memory_space<vmem>> -> memref<1x1x8x8x129xf32, #tpu.memory_space<vmem>>
          %scatter3A_770 = tpu.memref_squeeze %scatter3A_769 : memref<1x1x8x8x129xf32, #tpu.memory_space<vmem>> -> memref<8x8x129xf32, #tpu.memory_space<vmem>>
          tpu.vector_store_idx %scatter3A_770[%add3A_127, %select_n3A_147, %add3A_706], %get3A_763 : memref<8x8x129xf32, #tpu.memory_space<vmem>>[vector<16xi32>, vector<16xi32>, vector<16xi32>], vector<16xf32>,
          %get3A_771 = arith.constant 0 : i32
          %get3A_772 = arith.constant 1 : i32
          %get3A_773 = arith.constant 0 : i32
          %get3A_774 = arith.constant 0 : i32
          %get3A_775 = tpu.memref_slice %arg6[%get3A_771, %get3A_772, %get3A_773, %get3A_774] : memref<3x2x128x64xf32, #tpu.memory_space<vmem>> -> memref<1x1x128x64xf32, #tpu.memory_space<vmem>>
          %get3A_776 = tpu.memref_squeeze %get3A_775 : memref<1x1x128x64xf32, #tpu.memory_space<vmem>> -> memref<128x64xf32, #tpu.memory_space<vmem>>
          %get3A_777 = arith.index_cast %add3A_702 : i32 to index
          %get3A_778 = arith.constant 0 : index
          %get3A_779 = tpu.vector_load %get3A_776[%get3A_777, %get3A_778] {strides = array<i32>} : memref<128x64xf32, #tpu.memory_space<vmem>>, vector<16xf32>,
          %scatter3A_780 = arith.constant 0 : i32
          %scatter3A_781 = arith.constant 1 : i32
          %scatter3A_782 = arith.constant 0 : i32
          %scatter3A_783 = arith.constant 0 : i32
          %scatter3A_784 = arith.constant 0 : i32
          %scatter3A_785 = tpu.memref_slice %arg7[%scatter3A_780, %scatter3A_781, %scatter3A_782, %scatter3A_783, %scatter3A_784] : memref<3x2x8x8x129xf32, #tpu.memory_space<vmem>> -> memref<1x1x8x8x129xf32, #tpu.memory_space<vmem>>
          %scatter3A_786 = tpu.memref_squeeze %scatter3A_785 : memref<1x1x8x8x129xf32, #tpu.memory_space<vmem>> -> memref<8x8x129xf32, #tpu.memory_space<vmem>>
          tpu.vector_store_idx %scatter3A_786[%add3A_25, %select_n3A_147, %add3A_706], %get3A_779 : memref<8x8x129xf32, #tpu.memory_space<vmem>>[vector<16xi32>, vector<16xi32>, vector<16xi32>], vector<16xf32>,
          %get3A_787 = arith.constant 0 : i32
          %get3A_788 = arith.constant 1 : i32
          %get3A_789 = arith.constant 0 : i32
          %get3A_790 = arith.constant 0 : i32
          %get3A_791 = tpu.memref_slice %arg6[%get3A_787, %get3A_788, %get3A_789, %get3A_790] : memref<3x2x128x64xf32, #tpu.memory_space<vmem>> -> memref<1x1x128x64xf32, #tpu.memory_space<vmem>>
          %get3A_792 = tpu.memref_squeeze %get3A_791 : memref<1x1x128x64xf32, #tpu.memory_space<vmem>> -> memref<128x64xf32, #tpu.memory_space<vmem>>
          %get3A_793 = arith.index_cast %add3A_702 : i32 to index
          %get3A_794 = arith.constant 16 : index
          %get3A_795 = tpu.vector_load %get3A_792[%get3A_793, %get3A_794] {strides = array<i32>} : memref<128x64xf32, #tpu.memory_space<vmem>>, vector<16xf32>,
          %scatter3A_796 = arith.constant 0 : i32
          %scatter3A_797 = arith.constant 1 : i32
          %scatter3A_798 = arith.constant 0 : i32
          %scatter3A_799 = arith.constant 0 : i32
          %scatter3A_800 = arith.constant 0 : i32
          %scatter3A_801 = tpu.memref_slice %arg7[%scatter3A_796, %scatter3A_797, %scatter3A_798, %scatter3A_799, %scatter3A_800] : memref<3x2x8x8x129xf32, #tpu.memory_space<vmem>> -> memref<1x1x8x8x129xf32, #tpu.memory_space<vmem>>
          %scatter3A_802 = tpu.memref_squeeze %scatter3A_801 : memref<1x1x8x8x129xf32, #tpu.memory_space<vmem>> -> memref<8x8x129xf32, #tpu.memory_space<vmem>>
          tpu.vector_store_idx %scatter3A_802[%add3A_59, %select_n3A_147, %add3A_706], %get3A_795 : memref<8x8x129xf32, #tpu.memory_space<vmem>>[vector<16xi32>, vector<16xi32>, vector<16xi32>], vector<16xf32>,
          %get3A_803 = arith.constant 0 : i32
          %get3A_804 = arith.constant 1 : i32
          %get3A_805 = arith.constant 0 : i32
          %get3A_806 = arith.constant 0 : i32
          %get3A_807 = tpu.memref_slice %arg6[%get3A_803, %get3A_804, %get3A_805, %get3A_806] : memref<3x2x128x64xf32, #tpu.memory_space<vmem>> -> memref<1x1x128x64xf32, #tpu.memory_space<vmem>>
          %get3A_808 = tpu.memref_squeeze %get3A_807 : memref<1x1x128x64xf32, #tpu.memory_space<vmem>> -> memref<128x64xf32, #tpu.memory_space<vmem>>
          %get3A_809 = arith.index_cast %add3A_702 : i32 to index
          %get3A_810 = arith.constant 32 : index
          %get3A_811 = tpu.vector_load %get3A_808[%get3A_809, %get3A_810] {strides = array<i32>} : memref<128x64xf32, #tpu.memory_space<vmem>>, vector<16xf32>,
          %scatter3A_812 = arith.constant 0 : i32
          %scatter3A_813 = arith.constant 1 : i32
          %scatter3A_814 = arith.constant 0 : i32
          %scatter3A_815 = arith.constant 0 : i32
          %scatter3A_816 = arith.constant 0 : i32
          %scatter3A_817 = tpu.memref_slice %arg7[%scatter3A_812, %scatter3A_813, %scatter3A_814, %scatter3A_815, %scatter3A_816] : memref<3x2x8x8x129xf32, #tpu.memory_space<vmem>> -> memref<1x1x8x8x129xf32, #tpu.memory_space<vmem>>
          %scatter3A_818 = tpu.memref_squeeze %scatter3A_817 : memref<1x1x8x8x129xf32, #tpu.memory_space<vmem>> -> memref<8x8x129xf32, #tpu.memory_space<vmem>>
          tpu.vector_store_idx %scatter3A_818[%add3A_93, %select_n3A_147, %add3A_706], %get3A_811 : memref<8x8x129xf32, #tpu.memory_space<vmem>>[vector<16xi32>, vector<16xi32>, vector<16xi32>], vector<16xf32>,
          %get3A_819 = arith.constant 0 : i32
          %get3A_820 = arith.constant 1 : i32
          %get3A_821 = arith.constant 0 : i32
          %get3A_822 = arith.constant 0 : i32
          %get3A_823 = tpu.memref_slice %arg6[%get3A_819, %get3A_820, %get3A_821, %get3A_822] : memref<3x2x128x64xf32, #tpu.memory_space<vmem>> -> memref<1x1x128x64xf32, #tpu.memory_space<vmem>>
          %get3A_824 = tpu.memref_squeeze %get3A_823 : memref<1x1x128x64xf32, #tpu.memory_space<vmem>> -> memref<128x64xf32, #tpu.memory_space<vmem>>
          %get3A_825 = arith.index_cast %add3A_702 : i32 to index
          %get3A_826 = arith.constant 48 : index
          %get3A_827 = tpu.vector_load %get3A_824[%get3A_825, %get3A_826] {strides = array<i32>} : memref<128x64xf32, #tpu.memory_space<vmem>>, vector<16xf32>,
          %scatter3A_828 = arith.constant 0 : i32
          %scatter3A_829 = arith.constant 1 : i32
          %scatter3A_830 = arith.constant 0 : i32
          %scatter3A_831 = arith.constant 0 : i32
          %scatter3A_832 = arith.constant 0 : i32
          %scatter3A_833 = tpu.memref_slice %arg7[%scatter3A_828, %scatter3A_829, %scatter3A_830, %scatter3A_831, %scatter3A_832] : memref<3x2x8x8x129xf32, #tpu.memory_space<vmem>> -> memref<1x1x8x8x129xf32, #tpu.memory_space<vmem>>
          %scatter3A_834 = tpu.memref_squeeze %scatter3A_833 : memref<1x1x8x8x129xf32, #tpu.memory_space<vmem>> -> memref<8x8x129xf32, #tpu.memory_space<vmem>>
          tpu.vector_store_idx %scatter3A_834[%add3A_127, %select_n3A_147, %add3A_706], %get3A_827 : memref<8x8x129xf32, #tpu.memory_space<vmem>>[vector<16xi32>, vector<16xi32>, vector<16xi32>], vector<16xf32>,
          %mul3A_835 = arith.constant 4 : i32
          %mul3A_836 = arith.muli %scan3A_564, %mul3A_835 : i32
          %add3A_837 = arith.constant 2 : i32
          %add3A_838 = arith.addi %mul3A_836, %add3A_837 : i32
          %broadcast_in_dim3A_839 = arith.constant 0 : i32
          %broadcast_in_dim3A_840 = vector.broadcast %broadcast_in_dim3A_839 : i32 to vector<16xi32>
          %add3A_841 = vector.broadcast %add3A_838 : i32 to vector<16xi32>
          %add3A_842 = arith.addi %broadcast_in_dim3A_840, %add3A_841 : vector<16xi32>
          %get3A_843 = arith.constant 0 : i32
          %get3A_844 = arith.constant 0 : i32
          %get3A_845 = arith.constant 0 : i32
          %get3A_846 = arith.constant 0 : i32
          %get3A_847 = tpu.memref_slice %arg6[%get3A_843, %get3A_844, %get3A_845, %get3A_846] : memref<3x2x128x64xf32, #tpu.memory_space<vmem>> -> memref<1x1x128x64xf32, #tpu.memory_space<vmem>>
          %get3A_848 = tpu.memref_squeeze %get3A_847 : memref<1x1x128x64xf32, #tpu.memory_space<vmem>> -> memref<128x64xf32, #tpu.memory_space<vmem>>
          %get3A_849 = arith.index_cast %add3A_838 : i32 to index
          %get3A_850 = arith.constant 0 : index
          %get3A_851 = tpu.vector_load %get3A_848[%get3A_849, %get3A_850] {strides = array<i32>} : memref<128x64xf32, #tpu.memory_space<vmem>>, vector<16xf32>,
          %scatter3A_852 = arith.constant 0 : i32
          %scatter3A_853 = arith.constant 0 : i32
          %scatter3A_854 = arith.constant 0 : i32
          %scatter3A_855 = arith.constant 0 : i32
          %scatter3A_856 = arith.constant 0 : i32
          %scatter3A_857 = tpu.memref_slice %arg7[%scatter3A_852, %scatter3A_853, %scatter3A_854, %scatter3A_855, %scatter3A_856] : memref<3x2x8x8x129xf32, #tpu.memory_space<vmem>> -> memref<1x1x8x8x129xf32, #tpu.memory_space<vmem>>
          %scatter3A_858 = tpu.memref_squeeze %scatter3A_857 : memref<1x1x8x8x129xf32, #tpu.memory_space<vmem>> -> memref<8x8x129xf32, #tpu.memory_space<vmem>>
          tpu.vector_store_idx %scatter3A_858[%add3A_25, %select_n3A_147, %add3A_842], %get3A_851 : memref<8x8x129xf32, #tpu.memory_space<vmem>>[vector<16xi32>, vector<16xi32>, vector<16xi32>], vector<16xf32>,
          %get3A_859 = arith.constant 0 : i32
          %get3A_860 = arith.constant 0 : i32
          %get3A_861 = arith.constant 0 : i32
          %get3A_862 = arith.constant 0 : i32
          %get3A_863 = tpu.memref_slice %arg6[%get3A_859, %get3A_860, %get3A_861, %get3A_862] : memref<3x2x128x64xf32, #tpu.memory_space<vmem>> -> memref<1x1x128x64xf32, #tpu.memory_space<vmem>>
          %get3A_864 = tpu.memref_squeeze %get3A_863 : memref<1x1x128x64xf32, #tpu.memory_space<vmem>> -> memref<128x64xf32, #tpu.memory_space<vmem>>
          %get3A_865 = arith.index_cast %add3A_838 : i32 to index
          %get3A_866 = arith.constant 16 : index
          %get3A_867 = tpu.vector_load %get3A_864[%get3A_865, %get3A_866] {strides = array<i32>} : memref<128x64xf32, #tpu.memory_space<vmem>>, vector<16xf32>,
          %scatter3A_868 = arith.constant 0 : i32
          %scatter3A_869 = arith.constant 0 : i32
          %scatter3A_870 = arith.constant 0 : i32
          %scatter3A_871 = arith.constant 0 : i32
          %scatter3A_872 = arith.constant 0 : i32
          %scatter3A_873 = tpu.memref_slice %arg7[%scatter3A_868, %scatter3A_869, %scatter3A_870, %scatter3A_871, %scatter3A_872] : memref<3x2x8x8x129xf32, #tpu.memory_space<vmem>> -> memref<1x1x8x8x129xf32, #tpu.memory_space<vmem>>
          %scatter3A_874 = tpu.memref_squeeze %scatter3A_873 : memref<1x1x8x8x129xf32, #tpu.memory_space<vmem>> -> memref<8x8x129xf32, #tpu.memory_space<vmem>>
          tpu.vector_store_idx %scatter3A_874[%add3A_59, %select_n3A_147, %add3A_842], %get3A_867 : memref<8x8x129xf32, #tpu.memory_space<vmem>>[vector<16xi32>, vector<16xi32>, vector<16xi32>], vector<16xf32>,
          %get3A_875 = arith.constant 0 : i32
          %get3A_876 = arith.constant 0 : i32
          %get3A_877 = arith.constant 0 : i32
          %get3A_878 = arith.constant 0 : i32
          %get3A_879 = tpu.memref_slice %arg6[%get3A_875, %get3A_876, %get3A_877, %get3A_878] : memref<3x2x128x64xf32, #tpu.memory_space<vmem>> -> memref<1x1x128x64xf32, #tpu.memory_space<vmem>>
          %get3A_880 = tpu.memref_squeeze %get3A_879 : memref<1x1x128x64xf32, #tpu.memory_space<vmem>> -> memref<128x64xf32, #tpu.memory_space<vmem>>
          %get3A_881 = arith.index_cast %add3A_838 : i32 to index
          %get3A_882 = arith.constant 32 : index
          %get3A_883 = tpu.vector_load %get3A_880[%get3A_881, %get3A_882] {strides = array<i32>} : memref<128x64xf32, #tpu.memory_space<vmem>>, vector<16xf32>,
          %scatter3A_884 = arith.constant 0 : i32
          %scatter3A_885 = arith.constant 0 : i32
          %scatter3A_886 = arith.constant 0 : i32
          %scatter3A_887 = arith.constant 0 : i32
          %scatter3A_888 = arith.constant 0 : i32
          %scatter3A_889 = tpu.memref_slice %arg7[%scatter3A_884, %scatter3A_885, %scatter3A_886, %scatter3A_887, %scatter3A_888] : memref<3x2x8x8x129xf32, #tpu.memory_space<vmem>> -> memref<1x1x8x8x129xf32, #tpu.memory_space<vmem>>
          %scatter3A_890 = tpu.memref_squeeze %scatter3A_889 : memref<1x1x8x8x129xf32, #tpu.memory_space<vmem>> -> memref<8x8x129xf32, #tpu.memory_space<vmem>>
          tpu.vector_store_idx %scatter3A_890[%add3A_93, %select_n3A_147, %add3A_842], %get3A_883 : memref<8x8x129xf32, #tpu.memory_space<vmem>>[vector<16xi32>, vector<16xi32>, vector<16xi32>], vector<16xf32>,
          %get3A_891 = arith.constant 0 : i32
          %get3A_892 = arith.constant 0 : i32
          %get3A_893 = arith.constant 0 : i32
          %get3A_894 = arith.constant 0 : i32
          %get3A_895 = tpu.memref_slice %arg6[%get3A_891, %get3A_892, %get3A_893, %get3A_894] : memref<3x2x128x64xf32, #tpu.memory_space<vmem>> -> memref<1x1x128x64xf32, #tpu.memory_space<vmem>>
          %get3A_896 = tpu.memref_squeeze %get3A_895 : memref<1x1x128x64xf32, #tpu.memory_space<vmem>> -> memref<128x64xf32, #tpu.memory_space<vmem>>
          %get3A_897 = arith.index_cast %add3A_838 : i32 to index
          %get3A_898 = arith.constant 48 : index
          %get3A_899 = tpu.vector_load %get3A_896[%get3A_897, %get3A_898] {strides = array<i32>} : memref<128x64xf32, #tpu.memory_space<vmem>>, vector<16xf32>,
          %scatter3A_900 = arith.constant 0 : i32
          %scatter3A_901 = arith.constant 0 : i32
          %scatter3A_902 = arith.constant 0 : i32
          %scatter3A_903 = arith.constant 0 : i32
          %scatter3A_904 = arith.constant 0 : i32
          %scatter3A_905 = tpu.memref_slice %arg7[%scatter3A_900, %scatter3A_901, %scatter3A_902, %scatter3A_903, %scatter3A_904] : memref<3x2x8x8x129xf32, #tpu.memory_space<vmem>> -> memref<1x1x8x8x129xf32, #tpu.memory_space<vmem>>
          %scatter3A_906 = tpu.memref_squeeze %scatter3A_905 : memref<1x1x8x8x129xf32, #tpu.memory_space<vmem>> -> memref<8x8x129xf32, #tpu.memory_space<vmem>>
          tpu.vector_store_idx %scatter3A_906[%add3A_127, %select_n3A_147, %add3A_842], %get3A_899 : memref<8x8x129xf32, #tpu.memory_space<vmem>>[vector<16xi32>, vector<16xi32>, vector<16xi32>], vector<16xf32>,
          %get3A_907 = arith.constant 0 : i32
          %get3A_908 = arith.constant 1 : i32
          %get3A_909 = arith.constant 0 : i32
          %get3A_910 = arith.constant 0 : i32
          %get3A_911 = tpu.memref_slice %arg6[%get3A_907, %get3A_908, %get3A_909, %get3A_910] : memref<3x2x128x64xf32, #tpu.memory_space<vmem>> -> memref<1x1x128x64xf32, #tpu.memory_space<vmem>>
          %get3A_912 = tpu.memref_squeeze %get3A_911 : memref<1x1x128x64xf32, #tpu.memory_space<vmem>> -> memref<128x64xf32, #tpu.memory_space<vmem>>
          %get3A_913 = arith.index_cast %add3A_838 : i32 to index
          %get3A_914 = arith.constant 0 : index
          %get3A_915 = tpu.vector_load %get3A_912[%get3A_913, %get3A_914] {strides = array<i32>} : memref<128x64xf32, #tpu.memory_space<vmem>>, vector<16xf32>,
          %scatter3A_916 = arith.constant 0 : i32
          %scatter3A_917 = arith.constant 1 : i32
          %scatter3A_918 = arith.constant 0 : i32
          %scatter3A_919 = arith.constant 0 : i32
          %scatter3A_920 = arith.constant 0 : i32
          %scatter3A_921 = tpu.memref_slice %arg7[%scatter3A_916, %scatter3A_917, %scatter3A_918, %scatter3A_919, %scatter3A_920] : memref<3x2x8x8x129xf32, #tpu.memory_space<vmem>> -> memref<1x1x8x8x129xf32, #tpu.memory_space<vmem>>
          %scatter3A_922 = tpu.memref_squeeze %scatter3A_921 : memref<1x1x8x8x129xf32, #tpu.memory_space<vmem>> -> memref<8x8x129xf32, #tpu.memory_space<vmem>>
          tpu.vector_store_idx %scatter3A_922[%add3A_25, %select_n3A_147, %add3A_842], %get3A_915 : memref<8x8x129xf32, #tpu.memory_space<vmem>>[vector<16xi32>, vector<16xi32>, vector<16xi32>], vector<16xf32>,
          %get3A_923 = arith.constant 0 : i32
          %get3A_924 = arith.constant 1 : i32
          %get3A_925 = arith.constant 0 : i32
          %get3A_926 = arith.constant 0 : i32
          %get3A_927 = tpu.memref_slice %arg6[%get3A_923, %get3A_924, %get3A_925, %get3A_926] : memref<3x2x128x64xf32, #tpu.memory_space<vmem>> -> memref<1x1x128x64xf32, #tpu.memory_space<vmem>>
          %get3A_928 = tpu.memref_squeeze %get3A_927 : memref<1x1x128x64xf32, #tpu.memory_space<vmem>> -> memref<128x64xf32, #tpu.memory_space<vmem>>
          %get3A_929 = arith.index_cast %add3A_838 : i32 to index
          %get3A_930 = arith.constant 16 : index
          %get3A_931 = tpu.vector_load %get3A_928[%get3A_929, %get3A_930] {strides = array<i32>} : memref<128x64xf32, #tpu.memory_space<vmem>>, vector<16xf32>,
          %scatter3A_932 = arith.constant 0 : i32
          %scatter3A_933 = arith.constant 1 : i32
          %scatter3A_934 = arith.constant 0 : i32
          %scatter3A_935 = arith.constant 0 : i32
          %scatter3A_936 = arith.constant 0 : i32
          %scatter3A_937 = tpu.memref_slice %arg7[%scatter3A_932, %scatter3A_933, %scatter3A_934, %scatter3A_935, %scatter3A_936] : memref<3x2x8x8x129xf32, #tpu.memory_space<vmem>> -> memref<1x1x8x8x129xf32, #tpu.memory_space<vmem>>
          %scatter3A_938 = tpu.memref_squeeze %scatter3A_937 : memref<1x1x8x8x129xf32, #tpu.memory_space<vmem>> -> memref<8x8x129xf32, #tpu.memory_space<vmem>>
          tpu.vector_store_idx %scatter3A_938[%add3A_59, %select_n3A_147, %add3A_842], %get3A_931 : memref<8x8x129xf32, #tpu.memory_space<vmem>>[vector<16xi32>, vector<16xi32>, vector<16xi32>], vector<16xf32>,
          %get3A_939 = arith.constant 0 : i32
          %get3A_940 = arith.constant 1 : i32
          %get3A_941 = arith.constant 0 : i32
          %get3A_942 = arith.constant 0 : i32
          %get3A_943 = tpu.memref_slice %arg6[%get3A_939, %get3A_940, %get3A_941, %get3A_942] : memref<3x2x128x64xf32, #tpu.memory_space<vmem>> -> memref<1x1x128x64xf32, #tpu.memory_space<vmem>>
          %get3A_944 = tpu.memref_squeeze %get3A_943 : memref<1x1x128x64xf32, #tpu.memory_space<vmem>> -> memref<128x64xf32, #tpu.memory_space<vmem>>
          %get3A_945 = arith.index_cast %add3A_838 : i32 to index
          %get3A_946 = arith.constant 32 : index
          %get3A_947 = tpu.vector_load %get3A_944[%get3A_945, %get3A_946] {strides = array<i32>} : memref<128x64xf32, #tpu.memory_space<vmem>>, vector<16xf32>,
          %scatter3A_948 = arith.constant 0 : i32
          %scatter3A_949 = arith.constant 1 : i32
          %scatter3A_950 = arith.constant 0 : i32
          %scatter3A_951 = arith.constant 0 : i32
          %scatter3A_952 = arith.constant 0 : i32
          %scatter3A_953 = tpu.memref_slice %arg7[%scatter3A_948, %scatter3A_949, %scatter3A_950, %scatter3A_951, %scatter3A_952] : memref<3x2x8x8x129xf32, #tpu.memory_space<vmem>> -> memref<1x1x8x8x129xf32, #tpu.memory_space<vmem>>
          %scatter3A_954 = tpu.memref_squeeze %scatter3A_953 : memref<1x1x8x8x129xf32, #tpu.memory_space<vmem>> -> memref<8x8x129xf32, #tpu.memory_space<vmem>>
          tpu.vector_store_idx %scatter3A_954[%add3A_93, %select_n3A_147, %add3A_842], %get3A_947 : memref<8x8x129xf32, #tpu.memory_space<vmem>>[vector<16xi32>, vector<16xi32>, vector<16xi32>], vector<16xf32>,
          %get3A_955 = arith.constant 0 : i32
          %get3A_956 = arith.constant 1 : i32
          %get3A_957 = arith.constant 0 : i32
          %get3A_958 = arith.constant 0 : i32
          %get3A_959 = tpu.memref_slice %arg6[%get3A_955, %get3A_956, %get3A_957, %get3A_958] : memref<3x2x128x64xf32, #tpu.memory_space<vmem>> -> memref<1x1x128x64xf32, #tpu.memory_space<vmem>>
          %get3A_960 = tpu.memref_squeeze %get3A_959 : memref<1x1x128x64xf32, #tpu.memory_space<vmem>> -> memref<128x64xf32, #tpu.memory_space<vmem>>
          %get3A_961 = arith.index_cast %add3A_838 : i32 to index
          %get3A_962 = arith.constant 48 : index
          %get3A_963 = tpu.vector_load %get3A_960[%get3A_961, %get3A_962] {strides = array<i32>} : memref<128x64xf32, #tpu.memory_space<vmem>>, vector<16xf32>,
          %scatter3A_964 = arith.constant 0 : i32
          %scatter3A_965 = arith.constant 1 : i32
          %scatter3A_966 = arith.constant 0 : i32
          %scatter3A_967 = arith.constant 0 : i32
          %scatter3A_968 = arith.constant 0 : i32
          %scatter3A_969 = tpu.memref_slice %arg7[%scatter3A_964, %scatter3A_965, %scatter3A_966, %scatter3A_967, %scatter3A_968] : memref<3x2x8x8x129xf32, #tpu.memory_space<vmem>> -> memref<1x1x8x8x129xf32, #tpu.memory_space<vmem>>
          %scatter3A_970 = tpu.memref_squeeze %scatter3A_969 : memref<1x1x8x8x129xf32, #tpu.memory_space<vmem>> -> memref<8x8x129xf32, #tpu.memory_space<vmem>>
          tpu.vector_store_idx %scatter3A_970[%add3A_127, %select_n3A_147, %add3A_842], %get3A_963 : memref<8x8x129xf32, #tpu.memory_space<vmem>>[vector<16xi32>, vector<16xi32>, vector<16xi32>], vector<16xf32>,
          %mul3A_971 = arith.constant 4 : i32
          %mul3A_972 = arith.muli %scan3A_564, %mul3A_971 : i32
          %add3A_973 = arith.constant 3 : i32
          %add3A_974 = arith.addi %mul3A_972, %add3A_973 : i32
          %broadcast_in_dim3A_975 = arith.constant 0 : i32
          %broadcast_in_dim3A_976 = vector.broadcast %broadcast_in_dim3A_975 : i32 to vector<16xi32>
          %add3A_977 = vector.broadcast %add3A_974 : i32 to vector<16xi32>
          %add3A_978 = arith.addi %broadcast_in_dim3A_976, %add3A_977 : vector<16xi32>
          %get3A_979 = arith.constant 0 : i32
          %get3A_980 = arith.constant 0 : i32
          %get3A_981 = arith.constant 0 : i32
          %get3A_982 = arith.constant 0 : i32
          %get3A_983 = tpu.memref_slice %arg6[%get3A_979, %get3A_980, %get3A_981, %get3A_982] : memref<3x2x128x64xf32, #tpu.memory_space<vmem>> -> memref<1x1x128x64xf32, #tpu.memory_space<vmem>>
          %get3A_984 = tpu.memref_squeeze %get3A_983 : memref<1x1x128x64xf32, #tpu.memory_space<vmem>> -> memref<128x64xf32, #tpu.memory_space<vmem>>
          %get3A_985 = arith.index_cast %add3A_974 : i32 to index
          %get3A_986 = arith.constant 0 : index
          %get3A_987 = tpu.vector_load %get3A_984[%get3A_985, %get3A_986] {strides = array<i32>} : memref<128x64xf32, #tpu.memory_space<vmem>>, vector<16xf32>,
          %scatter3A_988 = arith.constant 0 : i32
          %scatter3A_989 = arith.constant 0 : i32
          %scatter3A_990 = arith.constant 0 : i32
          %scatter3A_991 = arith.constant 0 : i32
          %scatter3A_992 = arith.constant 0 : i32
          %scatter3A_993 = tpu.memref_slice %arg7[%scatter3A_988, %scatter3A_989, %scatter3A_990, %scatter3A_991, %scatter3A_992] : memref<3x2x8x8x129xf32, #tpu.memory_space<vmem>> -> memref<1x1x8x8x129xf32, #tpu.memory_space<vmem>>
          %scatter3A_994 = tpu.memref_squeeze %scatter3A_993 : memref<1x1x8x8x129xf32, #tpu.memory_space<vmem>> -> memref<8x8x129xf32, #tpu.memory_space<vmem>>
          tpu.vector_store_idx %scatter3A_994[%add3A_25, %select_n3A_147, %add3A_978], %get3A_987 : memref<8x8x129xf32, #tpu.memory_space<vmem>>[vector<16xi32>, vector<16xi32>, vector<16xi32>], vector<16xf32>,
          %get3A_995 = arith.constant 0 : i32
          %get3A_996 = arith.constant 0 : i32
          %get3A_997 = arith.constant 0 : i32
          %get3A_998 = arith.constant 0 : i32
          %get3A_999 = tpu.memref_slice %arg6[%get3A_995, %get3A_996, %get3A_997, %get3A_998] : memref<3x2x128x64xf32, #tpu.memory_space<vmem>> -> memref<1x1x128x64xf32, #tpu.memory_space<vmem>>
          %get3A_1000 = tpu.memref_squeeze %get3A_999 : memref<1x1x128x64xf32, #tpu.memory_space<vmem>> -> memref<128x64xf32, #tpu.memory_space<vmem>>
          %get3A_1001 = arith.index_cast %add3A_974 : i32 to index
          %get3A_1002 = arith.constant 16 : index
          %get3A_1003 = tpu.vector_load %get3A_1000[%get3A_1001, %get3A_1002] {strides = array<i32>} : memref<128x64xf32, #tpu.memory_space<vmem>>, vector<16xf32>,
          %scatter3A_1004 = arith.constant 0 : i32
          %scatter3A_1005 = arith.constant 0 : i32
          %scatter3A_1006 = arith.constant 0 : i32
          %scatter3A_1007 = arith.constant 0 : i32
          %scatter3A_1008 = arith.constant 0 : i32
          %scatter3A_1009 = tpu.memref_slice %arg7[%scatter3A_1004, %scatter3A_1005, %scatter3A_1006, %scatter3A_1007, %scatter3A_1008] : memref<3x2x8x8x129xf32, #tpu.memory_space<vmem>> -> memref<1x1x8x8x129xf32, #tpu.memory_space<vmem>>
          %scatter3A_1010 = tpu.memref_squeeze %scatter3A_1009 : memref<1x1x8x8x129xf32, #tpu.memory_space<vmem>> -> memref<8x8x129xf32, #tpu.memory_space<vmem>>
          tpu.vector_store_idx %scatter3A_1010[%add3A_59, %select_n3A_147, %add3A_978], %get3A_1003 : memref<8x8x129xf32, #tpu.memory_space<vmem>>[vector<16xi32>, vector<16xi32>, vector<16xi32>], vector<16xf32>,
          %get3A_1011 = arith.constant 0 : i32
          %get3A_1012 = arith.constant 0 : i32
          %get3A_1013 = arith.constant 0 : i32
          %get3A_1014 = arith.constant 0 : i32
          %get3A_1015 = tpu.memref_slice %arg6[%get3A_1011, %get3A_1012, %get3A_1013, %get3A_1014] : memref<3x2x128x64xf32, #tpu.memory_space<vmem>> -> memref<1x1x128x64xf32, #tpu.memory_space<vmem>>
          %get3A_1016 = tpu.memref_squeeze %get3A_1015 : memref<1x1x128x64xf32, #tpu.memory_space<vmem>> -> memref<128x64xf32, #tpu.memory_space<vmem>>
          %get3A_1017 = arith.index_cast %add3A_974 : i32 to index
          %get3A_1018 = arith.constant 32 : index
          %get3A_1019 = tpu.vector_load %get3A_1016[%get3A_1017, %get3A_1018] {strides = array<i32>} : memref<128x64xf32, #tpu.memory_space<vmem>>, vector<16xf32>,
          %scatter3A_1020 = arith.constant 0 : i32
          %scatter3A_1021 = arith.constant 0 : i32
          %scatter3A_1022 = arith.constant 0 : i32
          %scatter3A_1023 = arith.constant 0 : i32
          %scatter3A_1024 = arith.constant 0 : i32
          %scatter3A_1025 = tpu.memref_slice %arg7[%scatter3A_1020, %scatter3A_1021, %scatter3A_1022, %scatter3A_1023, %scatter3A_1024] : memref<3x2x8x8x129xf32, #tpu.memory_space<vmem>> -> memref<1x1x8x8x129xf32, #tpu.memory_space<vmem>>
          %scatter3A_1026 = tpu.memref_squeeze %scatter3A_1025 : memref<1x1x8x8x129xf32, #tpu.memory_space<vmem>> -> memref<8x8x129xf32, #tpu.memory_space<vmem>>
          tpu.vector_store_idx %scatter3A_1026[%add3A_93, %select_n3A_147, %add3A_978], %get3A_1019 : memref<8x8x129xf32, #tpu.memory_space<vmem>>[vector<16xi32>, vector<16xi32>, vector<16xi32>], vector<16xf32>,
          %get3A_1027 = arith.constant 0 : i32
          %get3A_1028 = arith.constant 0 : i32
          %get3A_1029 = arith.constant 0 : i32
          %get3A_1030 = arith.constant 0 : i32
          %get3A_1031 = tpu.memref_slice %arg6[%get3A_1027, %get3A_1028, %get3A_1029, %get3A_1030] : memref<3x2x128x64xf32, #tpu.memory_space<vmem>> -> memref<1x1x128x64xf32, #tpu.memory_space<vmem>>
          %get3A_1032 = tpu.memref_squeeze %get3A_1031 : memref<1x1x128x64xf32, #tpu.memory_space<vmem>> -> memref<128x64xf32, #tpu.memory_space<vmem>>
          %get3A_1033 = arith.index_cast %add3A_974 : i32 to index
          %get3A_1034 = arith.constant 48 : index
          %get3A_1035 = tpu.vector_load %get3A_1032[%get3A_1033, %get3A_1034] {strides = array<i32>} : memref<128x64xf32, #tpu.memory_space<vmem>>, vector<16xf32>,
          %scatter3A_1036 = arith.constant 0 : i32
          %scatter3A_1037 = arith.constant 0 : i32
          %scatter3A_1038 = arith.constant 0 : i32
          %scatter3A_1039 = arith.constant 0 : i32
          %scatter3A_1040 = arith.constant 0 : i32
          %scatter3A_1041 = tpu.memref_slice %arg7[%scatter3A_1036, %scatter3A_1037, %scatter3A_1038, %scatter3A_1039, %scatter3A_1040] : memref<3x2x8x8x129xf32, #tpu.memory_space<vmem>> -> memref<1x1x8x8x129xf32, #tpu.memory_space<vmem>>
          %scatter3A_1042 = tpu.memref_squeeze %scatter3A_1041 : memref<1x1x8x8x129xf32, #tpu.memory_space<vmem>> -> memref<8x8x129xf32, #tpu.memory_space<vmem>>
          tpu.vector_store_idx %scatter3A_1042[%add3A_127, %select_n3A_147, %add3A_978], %get3A_1035 : memref<8x8x129xf32, #tpu.memory_space<vmem>>[vector<16xi32>, vector<16xi32>, vector<16xi32>], vector<16xf32>,
          %get3A_1043 = arith.constant 0 : i32
          %get3A_1044 = arith.constant 1 : i32
          %get3A_1045 = arith.constant 0 : i32
          %get3A_1046 = arith.constant 0 : i32
          %get3A_1047 = tpu.memref_slice %arg6[%get3A_1043, %get3A_1044, %get3A_1045, %get3A_1046] : memref<3x2x128x64xf32, #tpu.memory_space<vmem>> -> memref<1x1x128x64xf32, #tpu.memory_space<vmem>>
          %get3A_1048 = tpu.memref_squeeze %get3A_1047 : memref<1x1x128x64xf32, #tpu.memory_space<vmem>> -> memref<128x64xf32, #tpu.memory_space<vmem>>
          %get3A_1049 = arith.index_cast %add3A_974 : i32 to index
          %get3A_1050 = arith.constant 0 : index
          %get3A_1051 = tpu.vector_load %get3A_1048[%get3A_1049, %get3A_1050] {strides = array<i32>} : memref<128x64xf32, #tpu.memory_space<vmem>>, vector<16xf32>,
          %scatter3A_1052 = arith.constant 0 : i32
          %scatter3A_1053 = arith.constant 1 : i32
          %scatter3A_1054 = arith.constant 0 : i32
          %scatter3A_1055 = arith.constant 0 : i32
          %scatter3A_1056 = arith.constant 0 : i32
          %scatter3A_1057 = tpu.memref_slice %arg7[%scatter3A_1052, %scatter3A_1053, %scatter3A_1054, %scatter3A_1055, %scatter3A_1056] : memref<3x2x8x8x129xf32, #tpu.memory_space<vmem>> -> memref<1x1x8x8x129xf32, #tpu.memory_space<vmem>>
          %scatter3A_1058 = tpu.memref_squeeze %scatter3A_1057 : memref<1x1x8x8x129xf32, #tpu.memory_space<vmem>> -> memref<8x8x129xf32, #tpu.memory_space<vmem>>
          tpu.vector_store_idx %scatter3A_1058[%add3A_25, %select_n3A_147, %add3A_978], %get3A_1051 : memref<8x8x129xf32, #tpu.memory_space<vmem>>[vector<16xi32>, vector<16xi32>, vector<16xi32>], vector<16xf32>,
          %get3A_1059 = arith.constant 0 : i32
          %get3A_1060 = arith.constant 1 : i32
          %get3A_1061 = arith.constant 0 : i32
          %get3A_1062 = arith.constant 0 : i32
          %get3A_1063 = tpu.memref_slice %arg6[%get3A_1059, %get3A_1060, %get3A_1061, %get3A_1062] : memref<3x2x128x64xf32, #tpu.memory_space<vmem>> -> memref<1x1x128x64xf32, #tpu.memory_space<vmem>>
          %get3A_1064 = tpu.memref_squeeze %get3A_1063 : memref<1x1x128x64xf32, #tpu.memory_space<vmem>> -> memref<128x64xf32, #tpu.memory_space<vmem>>
          %get3A_1065 = arith.index_cast %add3A_974 : i32 to index
          %get3A_1066 = arith.constant 16 : index
          %get3A_1067 = tpu.vector_load %get3A_1064[%get3A_1065, %get3A_1066] {strides = array<i32>} : memref<128x64xf32, #tpu.memory_space<vmem>>, vector<16xf32>,
          %scatter3A_1068 = arith.constant 0 : i32
          %scatter3A_1069 = arith.constant 1 : i32
          %scatter3A_1070 = arith.constant 0 : i32
          %scatter3A_1071 = arith.constant 0 : i32
          %scatter3A_1072 = arith.constant 0 : i32
          %scatter3A_1073 = tpu.memref_slice %arg7[%scatter3A_1068, %scatter3A_1069, %scatter3A_1070, %scatter3A_1071, %scatter3A_1072] : memref<3x2x8x8x129xf32, #tpu.memory_space<vmem>> -> memref<1x1x8x8x129xf32, #tpu.memory_space<vmem>>
          %scatter3A_1074 = tpu.memref_squeeze %scatter3A_1073 : memref<1x1x8x8x129xf32, #tpu.memory_space<vmem>> -> memref<8x8x129xf32, #tpu.memory_space<vmem>>
          tpu.vector_store_idx %scatter3A_1074[%add3A_59, %select_n3A_147, %add3A_978], %get3A_1067 : memref<8x8x129xf32, #tpu.memory_space<vmem>>[vector<16xi32>, vector<16xi32>, vector<16xi32>], vector<16xf32>,
          %get3A_1075 = arith.constant 0 : i32
          %get3A_1076 = arith.constant 1 : i32
          %get3A_1077 = arith.constant 0 : i32
          %get3A_1078 = arith.constant 0 : i32
          %get3A_1079 = tpu.memref_slice %arg6[%get3A_1075, %get3A_1076, %get3A_1077, %get3A_1078] : memref<3x2x128x64xf32, #tpu.memory_space<vmem>> -> memref<1x1x128x64xf32, #tpu.memory_space<vmem>>
          %get3A_1080 = tpu.memref_squeeze %get3A_1079 : memref<1x1x128x64xf32, #tpu.memory_space<vmem>> -> memref<128x64xf32, #tpu.memory_space<vmem>>
          %get3A_1081 = arith.index_cast %add3A_974 : i32 to index
          %get3A_1082 = arith.constant 32 : index
          %get3A_1083 = tpu.vector_load %get3A_1080[%get3A_1081, %get3A_1082] {strides = array<i32>} : memref<128x64xf32, #tpu.memory_space<vmem>>, vector<16xf32>,
          %scatter3A_1084 = arith.constant 0 : i32
          %scatter3A_1085 = arith.constant 1 : i32
          %scatter3A_1086 = arith.constant 0 : i32
          %scatter3A_1087 = arith.constant 0 : i32
          %scatter3A_1088 = arith.constant 0 : i32
          %scatter3A_1089 = tpu.memref_slice %arg7[%scatter3A_1084, %scatter3A_1085, %scatter3A_1086, %scatter3A_1087, %scatter3A_1088] : memref<3x2x8x8x129xf32, #tpu.memory_space<vmem>> -> memref<1x1x8x8x129xf32, #tpu.memory_space<vmem>>
          %scatter3A_1090 = tpu.memref_squeeze %scatter3A_1089 : memref<1x1x8x8x129xf32, #tpu.memory_space<vmem>> -> memref<8x8x129xf32, #tpu.memory_space<vmem>>
          tpu.vector_store_idx %scatter3A_1090[%add3A_93, %select_n3A_147, %add3A_978], %get3A_1083 : memref<8x8x129xf32, #tpu.memory_space<vmem>>[vector<16xi32>, vector<16xi32>, vector<16xi32>], vector<16xf32>,
          %get3A_1091 = arith.constant 0 : i32
          %get3A_1092 = arith.constant 1 : i32
          %get3A_1093 = arith.constant 0 : i32
          %get3A_1094 = arith.constant 0 : i32
          %get3A_1095 = tpu.memref_slice %arg6[%get3A_1091, %get3A_1092, %get3A_1093, %get3A_1094] : memref<3x2x128x64xf32, #tpu.memory_space<vmem>> -> memref<1x1x128x64xf32, #tpu.memory_space<vmem>>
          %get3A_1096 = tpu.memref_squeeze %get3A_1095 : memref<1x1x128x64xf32, #tpu.memory_space<vmem>> -> memref<128x64xf32, #tpu.memory_space<vmem>>
          %get3A_1097 = arith.index_cast %add3A_974 : i32 to index
          %get3A_1098 = arith.constant 48 : index
          %get3A_1099 = tpu.vector_load %get3A_1096[%get3A_1097, %get3A_1098] {strides = array<i32>} : memref<128x64xf32, #tpu.memory_space<vmem>>, vector<16xf32>,
          %scatter3A_1100 = arith.constant 0 : i32
          %scatter3A_1101 = arith.constant 1 : i32
          %scatter3A_1102 = arith.constant 0 : i32
          %scatter3A_1103 = arith.constant 0 : i32
          %scatter3A_1104 = arith.constant 0 : i32
          %scatter3A_1105 = tpu.memref_slice %arg7[%scatter3A_1100, %scatter3A_1101, %scatter3A_1102, %scatter3A_1103, %scatter3A_1104] : memref<3x2x8x8x129xf32, #tpu.memory_space<vmem>> -> memref<1x1x8x8x129xf32, #tpu.memory_space<vmem>>
          %scatter3A_1106 = tpu.memref_squeeze %scatter3A_1105 : memref<1x1x8x8x129xf32, #tpu.memory_space<vmem>> -> memref<8x8x129xf32, #tpu.memory_space<vmem>>
          tpu.vector_store_idx %scatter3A_1106[%add3A_127, %select_n3A_147, %add3A_978], %get3A_1099 : memref<8x8x129xf32, #tpu.memory_space<vmem>>[vector<16xi32>, vector<16xi32>, vector<16xi32>], vector<16xf32>,
        }
        %scan3A_464 = arith.constant 32 : i32
        %jit3A_465 = arith.constant 2 : i32
        %div3A_466 = arith.divsi %add3A_391, %jit3A_465 : i32
        %sign3A_467 = arith.constant 0 : i32
        %sign3A_468 = arith.cmpi sgt, %add3A_391, %sign3A_467 : i32
        %sign3A_469 = arith.extui %sign3A_468 : i1 to i32
        %sign3A_470 = arith.constant 0 : i32
        %sign3A_471 = arith.cmpi slt, %add3A_391, %sign3A_470 : i32
        %sign3A_472 = arith.extui %sign3A_471 : i1 to i32
        %sign3A_473 = arith.subi %sign3A_469, %sign3A_472 : i32
        %sign3A_474 = arith.constant 0 : i32
        %sign3A_475 = arith.cmpi sgt, %jit3A_465, %sign3A_474 : i32
        %sign3A_476 = arith.extui %sign3A_475 : i1 to i32
        %sign3A_477 = arith.constant 0 : i32
        %sign3A_478 = arith.cmpi slt, %jit3A_465, %sign3A_477 : i32
        %sign3A_479 = arith.extui %sign3A_478 : i1 to i32
        %sign3A_480 = arith.subi %sign3A_476, %sign3A_479 : i32
        %ne3A_481 = arith.cmpi ne, %sign3A_473, %sign3A_480 : i32
        %rem3A_482 = arith.remsi %add3A_391, %jit3A_465 : i32
        %ne3A_483 = arith.constant 0 : i32
        %ne3A_484 = arith.cmpi ne, %rem3A_482, %ne3A_483 : i32
        %and3A_485 = arith.andi %ne3A_481, %ne3A_484 : i1
        %sub3A_486 = arith.constant 1 : i32
        %sub3A_487 = arith.subi %div3A_466, %sub3A_486 : i32
        %select_n3A_488 = arith.select %and3A_485, %sub3A_487, %div3A_466 : i32
        %mul3A_489 = arith.constant 4 : i32
        %mul3A_490 = arith.muli %add3A, %mul3A_489 : i32
        %jit3A_491 = arith.constant 2 : i32
        %eq3A_492 = arith.constant 0 : i32
        %eq3A_493 = arith.cmpi eq, %jit3A_491, %eq3A_492 : i32
        %jit3A_494 = arith.constant 1 : i32
        %select_n3A_495 = arith.select %eq3A_493, %jit3A_494, %jit3A_491 : i32
        %rem3A_496 = arith.remsi %add3A_391, %select_n3A_495 : i32
        %ne3A_497 = arith.constant 0 : i32
        %ne3A_498 = arith.cmpi ne, %rem3A_496, %ne3A_497 : i32
        %lt3A_499 = arith.constant 0 : i32
        %lt3A_500 = arith.cmpi slt, %rem3A_496, %lt3A_499 : i32
        %lt3A_501 = arith.constant 0 : i32
        %lt3A_502 = arith.cmpi slt, %select_n3A_495, %lt3A_501 : i32
        %ne3A_503 = arith.xori %lt3A_500, %lt3A_502 : i1
        %and3A_504 = arith.andi %ne3A_503, %ne3A_498 : i1
        %add3A_505 = arith.addi %rem3A_496, %select_n3A_495 : i32
        %select_n3A_506 = arith.select %and3A_504, %add3A_505, %rem3A_496 : i32
        %mul3A_507 = arith.constant 2 : i32
        %mul3A_508 = arith.muli %select_n3A_506, %mul3A_507 : i32
        %add3A_509 = arith.addi %mul3A_490, %mul3A_508 : i32
        %add3A_510 = arith.constant 0 : i32
        %add3A_511 = arith.addi %add3A_509, %add3A_510 : i32
        %dma_start3A_512 = arith.constant 0 : i32
        %dma_start3A_513 = arith.constant 0 : i32
        %dma_start3A_514 = arith.constant 0 : i32
        %dma_start3A_515 = arith.constant 0 : i32
        %dma_start3A_516 = arith.constant 0 : i32
        %dma_start3A_517 = arith.constant 0 : i32
        %dma_start3A_518 = tpu.memref_slice %arg7[%dma_start3A_512, %dma_start3A_513, %dma_start3A_515, %dma_start3A_516, %dma_start3A_517] : memref<3x2x8x8x129xf32, #tpu.memory_space<vmem>> -> memref<1x1x8x8x128xf32, #tpu.memory_space<vmem>>
        %dma_start3A_519 = tpu.memref_squeeze %dma_start3A_518 : memref<1x1x8x8x128xf32, #tpu.memory_space<vmem>> -> memref<8x8x128xf32, #tpu.memory_space<vmem>>
        %dma_start3A_520 = arith.constant 0 : i32
        %dma_start3A_521 = arith.constant 0 : i32
        %dma_start3A_522 = arith.constant 0 : i32
        %dma_start3A_523 = tpu.memref_slice %arg4[%select_n3A_488, %dma_start3A_520, %add3A_511, %dma_start3A_521, %dma_start3A_522] : memref<50x8x128x8x128xf32, #tpu.memory_space<hbm>> -> memref<1x8x1x8x128xf32, #tpu.memory_space<hbm>>
        %dma_start3A_524 = tpu.memref_squeeze %dma_start3A_523 : memref<1x8x1x8x128xf32, #tpu.memory_space<hbm>> -> memref<8x8x128xf32, #tpu.memory_space<hbm>>
        %dma_start3A_525 = tpu.memref_slice %arg9[%dma_start3A_514] : memref<3x!tpu.dma_semaphore, #tpu.memory_space<semaphore_mem>> -> memref<1x!tpu.dma_semaphore, #tpu.memory_space<semaphore_mem>>
        %dma_start3A_526 = tpu.memref_squeeze %dma_start3A_525 : memref<1x!tpu.dma_semaphore, #tpu.memory_space<semaphore_mem>> -> memref<!tpu.dma_semaphore, #tpu.memory_space<semaphore_mem>>
        %dma_start3A_527 = arith.constant 0 : i32
        %dma_start3A_528 = arith.constant 0 : i32
        %dma_start3A_529 = arith.constant 0 : i32
        %dma_start3A_530 = tpu.memref_slice %arg4[%select_n3A_488, %dma_start3A_527, %add3A_511, %dma_start3A_528, %dma_start3A_529] : memref<50x8x128x8x128xf32, #tpu.memory_space<hbm>> -> memref<1x8x1x8x128xf32, #tpu.memory_space<hbm>>
        %dma_start3A_531 = tpu.memref_squeeze %dma_start3A_530 : memref<1x8x1x8x128xf32, #tpu.memory_space<hbm>> -> memref<8x8x128xf32, #tpu.memory_space<hbm>>
        %dma_start3A_532 = arith.constant 0 : i32
        %dma_start3A_533 = arith.constant 0 : i32
        %dma_start3A_534 = arith.constant 0 : i32
        %dma_start3A_535 = tpu.memref_slice %arg7[%dma_start3A_512, %dma_start3A_513, %dma_start3A_532, %dma_start3A_533, %dma_start3A_534] : memref<3x2x8x8x129xf32, #tpu.memory_space<vmem>> -> memref<1x1x8x8x128xf32, #tpu.memory_space<vmem>>
        %dma_start3A_536 = tpu.memref_squeeze %dma_start3A_535 : memref<1x1x8x8x128xf32, #tpu.memory_space<vmem>> -> memref<8x8x128xf32, #tpu.memory_space<vmem>>
        tpu.enqueue_dma source(%dma_start3A_536 : memref<8x8x128xf32, #tpu.memory_space<vmem>>) target(%dma_start3A_531 : memref<8x8x128xf32, #tpu.memory_space<hbm>>) target_semaphore(%dma_start3A_526 : memref<!tpu.dma_semaphore, #tpu.memory_space<semaphore_mem>>)
        %add3A_537 = arith.constant 1 : i32
        %add3A_538 = arith.addi %add3A_509, %add3A_537 : i32
        %dma_start3A_539 = arith.constant 0 : i32
        %dma_start3A_540 = arith.constant 1 : i32
        %dma_start3A_541 = arith.constant 0 : i32
        %dma_start3A_542 = arith.constant 0 : i32
        %dma_start3A_543 = arith.constant 0 : i32
        %dma_start3A_544 = arith.constant 0 : i32
        %dma_start3A_545 = tpu.memref_slice %arg7[%dma_start3A_539, %dma_start3A_540, %dma_start3A_542, %dma_start3A_543, %dma_start3A_544] : memref<3x2x8x8x129xf32, #tpu.memory_space<vmem>> -> memref<1x1x8x8x128xf32, #tpu.memory_space<vmem>>
        %dma_start3A_546 = tpu.memref_squeeze %dma_start3A_545 : memref<1x1x8x8x128xf32, #tpu.memory_space<vmem>> -> memref<8x8x128xf32, #tpu.memory_space<vmem>>
        %dma_start3A_547 = arith.constant 0 : i32
        %dma_start3A_548 = arith.constant 0 : i32
        %dma_start3A_549 = arith.constant 0 : i32
        %dma_start3A_550 = tpu.memref_slice %arg4[%select_n3A_488, %dma_start3A_547, %add3A_538, %dma_start3A_548, %dma_start3A_549] : memref<50x8x128x8x128xf32, #tpu.memory_space<hbm>> -> memref<1x8x1x8x128xf32, #tpu.memory_space<hbm>>
        %dma_start3A_551 = tpu.memref_squeeze %dma_start3A_550 : memref<1x8x1x8x128xf32, #tpu.memory_space<hbm>> -> memref<8x8x128xf32, #tpu.memory_space<hbm>>
        %dma_start3A_552 = tpu.memref_slice %arg9[%dma_start3A_541] : memref<3x!tpu.dma_semaphore, #tpu.memory_space<semaphore_mem>> -> memref<1x!tpu.dma_semaphore, #tpu.memory_space<semaphore_mem>>
        %dma_start3A_553 = tpu.memref_squeeze %dma_start3A_552 : memref<1x!tpu.dma_semaphore, #tpu.memory_space<semaphore_mem>> -> memref<!tpu.dma_semaphore, #tpu.memory_space<semaphore_mem>>
        %dma_start3A_554 = arith.constant 0 : i32
        %dma_start3A_555 = arith.constant 0 : i32
        %dma_start3A_556 = arith.constant 0 : i32
        %dma_start3A_557 = tpu.memref_slice %arg4[%select_n3A_488, %dma_start3A_554, %add3A_538, %dma_start3A_555, %dma_start3A_556] : memref<50x8x128x8x128xf32, #tpu.memory_space<hbm>> -> memref<1x8x1x8x128xf32, #tpu.memory_space<hbm>>
        %dma_start3A_558 = tpu.memref_squeeze %dma_start3A_557 : memref<1x8x1x8x128xf32, #tpu.memory_space<hbm>> -> memref<8x8x128xf32, #tpu.memory_space<hbm>>
        %dma_start3A_559 = arith.constant 0 : i32
        %dma_start3A_560 = arith.constant 0 : i32
        %dma_start3A_561 = arith.constant 0 : i32
        %dma_start3A_562 = tpu.memref_slice %arg7[%dma_start3A_539, %dma_start3A_540, %dma_start3A_559, %dma_start3A_560, %dma_start3A_561] : memref<3x2x8x8x129xf32, #tpu.memory_space<vmem>> -> memref<1x1x8x8x128xf32, #tpu.memory_space<vmem>>
        %dma_start3A_563 = tpu.memref_squeeze %dma_start3A_562 : memref<1x1x8x8x128xf32, #tpu.memory_space<vmem>> -> memref<8x8x128xf32, #tpu.memory_space<vmem>>
        tpu.enqueue_dma source(%dma_start3A_563 : memref<8x8x128xf32, #tpu.memory_space<vmem>>) target(%dma_start3A_558 : memref<8x8x128xf32, #tpu.memory_space<hbm>>) target_semaphore(%dma_start3A_553 : memref<!tpu.dma_semaphore, #tpu.memory_space<semaphore_mem>>)
      } else {
      }
      %mul3A_394 = arith.constant 3 : i32
      %mul3A_395 = arith.muli %scan3A_387, %mul3A_394 : i32
      %add3A_396 = arith.constant 1 : i32
      %add3A_397 = arith.addi %mul3A_395, %add3A_396 : i32
      %le3A_398 = arith.constant 99 : i32
      %le3A_399 = arith.cmpi sle, %add3A_397, %le3A_398 : i32
      %convert_element_type3A_400 = arith.extui %le3A_399 : i1 to i32
      %cond3A_401 = arith.constant 0 : i32
      %cond3A_402 = arith.cmpi ne, %convert_element_type3A_400, %cond3A_401 : i32
      scf.if %cond3A_402 {
        %add3A_412 = arith.constant 2 : i32
        %add3A_413 = arith.addi %add3A_397, %add3A_412 : i32
        %le3A_414 = arith.constant 99 : i32
        %le3A_415 = arith.cmpi sle, %add3A_413, %le3A_414 : i32
        %convert_element_type3A_416 = arith.extui %le3A_415 : i1 to i32
        %cond3A_417 = arith.constant 0 : i32
        %cond3A_418 = arith.cmpi ne, %convert_element_type3A_416, %cond3A_417 : i32
        scf.if %cond3A_418 {
          %add3A_564 = arith.constant 2 : i32
          %add3A_565 = arith.addi %add3A_397, %add3A_564 : i32
          %jit3A_566 = arith.constant 2 : i32
          %div3A_567 = arith.divsi %add3A_565, %jit3A_566 : i32
          %sign3A_568 = arith.constant 0 : i32
          %sign3A_569 = arith.cmpi sgt, %add3A_565, %sign3A_568 : i32
          %sign3A_570 = arith.extui %sign3A_569 : i1 to i32
          %sign3A_571 = arith.constant 0 : i32
          %sign3A_572 = arith.cmpi slt, %add3A_565, %sign3A_571 : i32
          %sign3A_573 = arith.extui %sign3A_572 : i1 to i32
          %sign3A_574 = arith.subi %sign3A_570, %sign3A_573 : i32
          %sign3A_575 = arith.constant 0 : i32
          %sign3A_576 = arith.cmpi sgt, %jit3A_566, %sign3A_575 : i32
          %sign3A_577 = arith.extui %sign3A_576 : i1 to i32
          %sign3A_578 = arith.constant 0 : i32
          %sign3A_579 = arith.cmpi slt, %jit3A_566, %sign3A_578 : i32
          %sign3A_580 = arith.extui %sign3A_579 : i1 to i32
          %sign3A_581 = arith.subi %sign3A_577, %sign3A_580 : i32
          %ne3A_582 = arith.cmpi ne, %sign3A_574, %sign3A_581 : i32
          %rem3A_583 = arith.remsi %add3A_565, %jit3A_566 : i32
          %ne3A_584 = arith.constant 0 : i32
          %ne3A_585 = arith.cmpi ne, %rem3A_583, %ne3A_584 : i32
          %and3A_586 = arith.andi %ne3A_582, %ne3A_585 : i1
          %sub3A_587 = arith.constant 1 : i32
          %sub3A_588 = arith.subi %div3A_567, %sub3A_587 : i32
          %select_n3A_589 = arith.select %and3A_586, %sub3A_588, %div3A_567 : i32
          %jit3A_590 = arith.constant 2 : i32
          %eq3A_591 = arith.constant 0 : i32
          %eq3A_592 = arith.cmpi eq, %jit3A_590, %eq3A_591 : i32
          %jit3A_593 = arith.constant 1 : i32
          %select_n3A_594 = arith.select %eq3A_592, %jit3A_593, %jit3A_590 : i32
          %rem3A_595 = arith.remsi %add3A_565, %select_n3A_594 : i32
          %ne3A_596 = arith.constant 0 : i32
          %ne3A_597 = arith.cmpi ne, %rem3A_595, %ne3A_596 : i32
          %lt3A_598 = arith.constant 0 : i32
          %lt3A_599 = arith.cmpi slt, %rem3A_595, %lt3A_598 : i32
          %lt3A_600 = arith.constant 0 : i32
          %lt3A_601 = arith.cmpi slt, %select_n3A_594, %lt3A_600 : i32
          %ne3A_602 = arith.xori %lt3A_599, %lt3A_601 : i1
          %and3A_603 = arith.andi %ne3A_602, %ne3A_597 : i1
          %add3A_604 = arith.addi %rem3A_595, %select_n3A_594 : i32
          %select_n3A_605 = arith.select %and3A_603, %add3A_604, %rem3A_595 : i32
          %mul3A_606 = arith.constant 2 : i32
          %mul3A_607 = arith.muli %select_n3A_605, %mul3A_606 : i32
          %jit3A_608 = arith.constant 8 : i32
          %div3A_609 = arith.divsi %select_n3A_589, %jit3A_608 : i32
          %sign3A_610 = arith.constant 0 : i32
          %sign3A_611 = arith.cmpi sgt, %select_n3A_589, %sign3A_610 : i32
          %sign3A_612 = arith.extui %sign3A_611 : i1 to i32
          %sign3A_613 = arith.constant 0 : i32
          %sign3A_614 = arith.cmpi slt, %select_n3A_589, %sign3A_613 : i32
          %sign3A_615 = arith.extui %sign3A_614 : i1 to i32
          %sign3A_616 = arith.subi %sign3A_612, %sign3A_615 : i32
          %sign3A_617 = arith.constant 0 : i32
          %sign3A_618 = arith.cmpi sgt, %jit3A_608, %sign3A_617 : i32
          %sign3A_619 = arith.extui %sign3A_618 : i1 to i32
          %sign3A_620 = arith.constant 0 : i32
          %sign3A_621 = arith.cmpi slt, %jit3A_608, %sign3A_620 : i32
          %sign3A_622 = arith.extui %sign3A_621 : i1 to i32
          %sign3A_623 = arith.subi %sign3A_619, %sign3A_622 : i32
          %ne3A_624 = arith.cmpi ne, %sign3A_616, %sign3A_623 : i32
          %rem3A_625 = arith.remsi %select_n3A_589, %jit3A_608 : i32
          %ne3A_626 = arith.constant 0 : i32
          %ne3A_627 = arith.cmpi ne, %rem3A_625, %ne3A_626 : i32
          %and3A_628 = arith.andi %ne3A_624, %ne3A_627 : i1
          %sub3A_629 = arith.constant 1 : i32
          %sub3A_630 = arith.subi %div3A_609, %sub3A_629 : i32
          %select_n3A_631 = arith.select %and3A_628, %sub3A_630, %div3A_609 : i32
          %add3A_632 = arith.constant 0 : i32
          %add3A_633 = arith.addi %mul3A_607, %add3A_632 : i32
          %jit3A_634 = arith.constant 8 : i32
          %eq3A_635 = arith.constant 0 : i32
          %eq3A_636 = arith.cmpi eq, %jit3A_634, %eq3A_635 : i32
          %jit3A_637 = arith.constant 1 : i32
          %select_n3A_638 = arith.select %eq3A_636, %jit3A_637, %jit3A_634 : i32
          %rem3A_639 = arith.remsi %select_n3A_589, %select_n3A_638 : i32
          %ne3A_640 = arith.constant 0 : i32
          %ne3A_641 = arith.cmpi ne, %rem3A_639, %ne3A_640 : i32
          %lt3A_642 = arith.constant 0 : i32
          %lt3A_643 = arith.cmpi slt, %rem3A_639, %lt3A_642 : i32
          %lt3A_644 = arith.constant 0 : i32
          %lt3A_645 = arith.cmpi slt, %select_n3A_638, %lt3A_644 : i32
          %ne3A_646 = arith.xori %lt3A_643, %lt3A_645 : i1
          %and3A_647 = arith.andi %ne3A_646, %ne3A_641 : i1
          %add3A_648 = arith.addi %rem3A_639, %select_n3A_638 : i32
          %select_n3A_649 = arith.select %and3A_647, %add3A_648, %rem3A_639 : i32
          %dma_start3A_650 = arith.constant 0 : i32
          %dma_start3A_651 = arith.constant 0 : i32
          %dma_start3A_652 = arith.constant 0 : i32
          %dma_start3A_653 = arith.constant 0 : i32
          %dma_start3A_654 = arith.constant 0 : i32
          %dma_start3A_655 = tpu.memref_slice %arg6[%dma_start3A_650, %dma_start3A_651, %dma_start3A_653, %dma_start3A_654] : memref<3x2x128x64xf32, #tpu.memory_space<vmem>> -> memref<1x1x128x64xf32, #tpu.memory_space<vmem>>
          %dma_start3A_656 = tpu.memref_squeeze %dma_start3A_655 : memref<1x1x128x64xf32, #tpu.memory_space<vmem>> -> memref<128x64xf32, #tpu.memory_space<vmem>>
          %dma_start3A_657 = arith.constant 0 : i32
          %dma_start3A_658 = tpu.memref_slice %arg5[%select_n3A_631, %add3A_633, %select_n3A_649, %dma_start3A_657] : memref<7x4x8x128xi32, #tpu.memory_space<vmem>> -> memref<1x1x1x128xi32, #tpu.memory_space<vmem>>
          %dma_start3A_659 = tpu.memref_squeeze %dma_start3A_658 : memref<1x1x1x128xi32, #tpu.memory_space<vmem>> -> memref<128xi32, #tpu.memory_space<vmem>>
          %dma_start3A_660 = arith.constant 0 : i32
          %dma_start3A_661 = arith.constant 0 : i32
          %dma_start3A_662 = tpu.memref_slice %arg3[%dma_start3A_660, %dma_start3A_661] : memref<1000000x64xf32, #tpu.memory_space<hbm>> -> memref<1000000x64xf32, #tpu.memory_space<hbm>>
          %dma_start3A_663 = tpu.memref_slice %arg8[%dma_start3A_652] : memref<3x!tpu.dma_semaphore, #tpu.memory_space<semaphore_mem>> -> memref<1x!tpu.dma_semaphore, #tpu.memory_space<semaphore_mem>>
          %dma_start3A_664 = tpu.memref_squeeze %dma_start3A_663 : memref<1x!tpu.dma_semaphore, #tpu.memory_space<semaphore_mem>> -> memref<!tpu.dma_semaphore, #tpu.memory_space<semaphore_mem>>
          tpu.enqueue_indirect_dma source(%dma_start3A_662 : memref<1000000x64xf32, #tpu.memory_space<hbm>>) target(%dma_start3A_656 : memref<128x64xf32, #tpu.memory_space<vmem>>) offsets(%dma_start3A_659 : memref<128xi32, #tpu.memory_space<vmem>>) semaphore(%dma_start3A_664 : memref<!tpu.dma_semaphore, #tpu.memory_space<semaphore_mem>>)
          %jit3A_665 = arith.constant 8 : i32
          %div3A_666 = arith.divsi %select_n3A_589, %jit3A_665 : i32
          %sign3A_667 = arith.constant 0 : i32
          %sign3A_668 = arith.cmpi sgt, %select_n3A_589, %sign3A_667 : i32
          %sign3A_669 = arith.extui %sign3A_668 : i1 to i32
          %sign3A_670 = arith.constant 0 : i32
          %sign3A_671 = arith.cmpi slt, %select_n3A_589, %sign3A_670 : i32
          %sign3A_672 = arith.extui %sign3A_671 : i1 to i32
          %sign3A_673 = arith.subi %sign3A_669, %sign3A_672 : i32
          %sign3A_674 = arith.constant 0 : i32
          %sign3A_675 = arith.cmpi sgt, %jit3A_665, %sign3A_674 : i32
          %sign3A_676 = arith.extui %sign3A_675 : i1 to i32
          %sign3A_677 = arith.constant 0 : i32
          %sign3A_678 = arith.cmpi slt, %jit3A_665, %sign3A_677 : i32
          %sign3A_679 = arith.extui %sign3A_678 : i1 to i32
          %sign3A_680 = arith.subi %sign3A_676, %sign3A_679 : i32
          %ne3A_681 = arith.cmpi ne, %sign3A_673, %sign3A_680 : i32
          %rem3A_682 = arith.remsi %select_n3A_589, %jit3A_665 : i32
          %ne3A_683 = arith.constant 0 : i32
          %ne3A_684 = arith.cmpi ne, %rem3A_682, %ne3A_683 : i32
          %and3A_685 = arith.andi %ne3A_681, %ne3A_684 : i1
          %sub3A_686 = arith.constant 1 : i32
          %sub3A_687 = arith.subi %div3A_666, %sub3A_686 : i32
          %select_n3A_688 = arith.select %and3A_685, %sub3A_687, %div3A_666 : i32
          %add3A_689 = arith.constant 1 : i32
          %add3A_690 = arith.addi %mul3A_607, %add3A_689 : i32
          %jit3A_691 = arith.constant 8 : i32
          %eq3A_692 = arith.constant 0 : i32
          %eq3A_693 = arith.cmpi eq, %jit3A_691, %eq3A_692 : i32
          %jit3A_694 = arith.constant 1 : i32
          %select_n3A_695 = arith.select %eq3A_693, %jit3A_694, %jit3A_691 : i32
          %rem3A_696 = arith.remsi %select_n3A_589, %select_n3A_695 : i32
          %ne3A_697 = arith.constant 0 : i32
          %ne3A_698 = arith.cmpi ne, %rem3A_696, %ne3A_697 : i32
          %lt3A_699 = arith.constant 0 : i32
          %lt3A_700 = arith.cmpi slt, %rem3A_696, %lt3A_699 : i32
          %lt3A_701 = arith.constant 0 : i32
          %lt3A_702 = arith.cmpi slt, %select_n3A_695, %lt3A_701 : i32
          %ne3A_703 = arith.xori %lt3A_700, %lt3A_702 : i1
          %and3A_704 = arith.andi %ne3A_703, %ne3A_698 : i1
          %add3A_705 = arith.addi %rem3A_696, %select_n3A_695 : i32
          %select_n3A_706 = arith.select %and3A_704, %add3A_705, %rem3A_696 : i32
          %dma_start3A_707 = arith.constant 0 : i32
          %dma_start3A_708 = arith.constant 1 : i32
          %dma_start3A_709 = arith.constant 0 : i32
          %dma_start3A_710 = arith.constant 0 : i32
          %dma_start3A_711 = arith.constant 0 : i32
          %dma_start3A_712 = tpu.memref_slice %arg6[%dma_start3A_707, %dma_start3A_708, %dma_start3A_710, %dma_start3A_711] : memref<3x2x128x64xf32, #tpu.memory_space<vmem>> -> memref<1x1x128x64xf32, #tpu.memory_space<vmem>>
          %dma_start3A_713 = tpu.memref_squeeze %dma_start3A_712 : memref<1x1x128x64xf32, #tpu.memory_space<vmem>> -> memref<128x64xf32, #tpu.memory_space<vmem>>
          %dma_start3A_714 = arith.constant 0 : i32
          %dma_start3A_715 = tpu.memref_slice %arg5[%select_n3A_688, %add3A_690, %select_n3A_706, %dma_start3A_714] : memref<7x4x8x128xi32, #tpu.memory_space<vmem>> -> memref<1x1x1x128xi32, #tpu.memory_space<vmem>>
          %dma_start3A_716 = tpu.memref_squeeze %dma_start3A_715 : memref<1x1x1x128xi32, #tpu.memory_space<vmem>> -> memref<128xi32, #tpu.memory_space<vmem>>
          %dma_start3A_717 = arith.constant 0 : i32
          %dma_start3A_718 = arith.constant 0 : i32
          %dma_start3A_719 = tpu.memref_slice %arg3[%dma_start3A_717, %dma_start3A_718] : memref<1000000x64xf32, #tpu.memory_space<hbm>> -> memref<1000000x64xf32, #tpu.memory_space<hbm>>
          %dma_start3A_720 = tpu.memref_slice %arg8[%dma_start3A_709] : memref<3x!tpu.dma_semaphore, #tpu.memory_space<semaphore_mem>> -> memref<1x!tpu.dma_semaphore, #tpu.memory_space<semaphore_mem>>
          %dma_start3A_721 = tpu.memref_squeeze %dma_start3A_720 : memref<1x!tpu.dma_semaphore, #tpu.memory_space<semaphore_mem>> -> memref<!tpu.dma_semaphore, #tpu.memory_space<semaphore_mem>>
          tpu.enqueue_indirect_dma source(%dma_start3A_719 : memref<1000000x64xf32, #tpu.memory_space<hbm>>) target(%dma_start3A_713 : memref<128x64xf32, #tpu.memory_space<vmem>>) offsets(%dma_start3A_716 : memref<128xi32, #tpu.memory_space<vmem>>) semaphore(%dma_start3A_721 : memref<!tpu.dma_semaphore, #tpu.memory_space<semaphore_mem>>)
        } else {
        }
        %dma_wait3A_419 = arith.constant 0 : i32
        %dma_wait3A_420 = arith.constant 0 : i32
        %dma_wait3A_421 = arith.constant 0 : i32
        %dma_wait3A_422 = arith.constant 1 : i32
        %dma_wait3A_423 = arith.constant 0 : i32
        %dma_wait3A_424 = arith.constant 1 : i32
        %dma_wait3A_425 = arith.constant 0 : i32
        %dma_wait3A_426 = arith.constant 0 : i32
        %dma_wait3A_427 = tpu.memref_slice %arg6[%dma_wait3A_422, %dma_wait3A_423, %dma_wait3A_425, %dma_wait3A_426] : memref<3x2x128x64xf32, #tpu.memory_space<vmem>> -> memref<1x1x128x64xf32, #tpu.memory_space<vmem>>
        %dma_wait3A_428 = tpu.memref_squeeze %dma_wait3A_427 : memref<1x1x128x64xf32, #tpu.memory_space<vmem>> -> memref<128x64xf32, #tpu.memory_space<vmem>>
        %dma_wait3A_429 = arith.constant 0 : i32
        %dma_wait3A_430 = tpu.memref_slice %arg5[%dma_wait3A_419, %dma_wait3A_420, %dma_wait3A_421, %dma_wait3A_429] : memref<7x4x8x128xi32, #tpu.memory_space<vmem>> -> memref<1x1x1x128xi32, #tpu.memory_space<vmem>>
        %dma_wait3A_431 = tpu.memref_squeeze %dma_wait3A_430 : memref<1x1x1x128xi32, #tpu.memory_space<vmem>> -> memref<128xi32, #tpu.memory_space<vmem>>
        %dma_wait3A_432 = arith.constant 0 : i32
        %dma_wait3A_433 = arith.constant 0 : i32
        %dma_wait3A_434 = tpu.memref_slice %arg3[%dma_wait3A_432, %dma_wait3A_433] : memref<1000000x64xf32, #tpu.memory_space<hbm>> -> memref<1000000x64xf32, #tpu.memory_space<hbm>>
        %dma_wait3A_435 = tpu.memref_slice %arg8[%dma_wait3A_424] : memref<3x!tpu.dma_semaphore, #tpu.memory_space<semaphore_mem>> -> memref<1x!tpu.dma_semaphore, #tpu.memory_space<semaphore_mem>>
        %dma_wait3A_436 = tpu.memref_squeeze %dma_wait3A_435 : memref<1x!tpu.dma_semaphore, #tpu.memory_space<semaphore_mem>> -> memref<!tpu.dma_semaphore, #tpu.memory_space<semaphore_mem>>
        tpu.wait_indirect_dma semaphore(%dma_wait3A_436 : memref<!tpu.dma_semaphore, #tpu.memory_space<semaphore_mem>>) src(%dma_wait3A_434 : memref<1000000x64xf32, #tpu.memory_space<hbm>>) dst(%dma_wait3A_428 : memref<128x64xf32, #tpu.memory_space<vmem>>)
        %dma_wait3A_437 = arith.constant 0 : i32
        %dma_wait3A_438 = arith.constant 0 : i32
        %dma_wait3A_439 = arith.constant 0 : i32
        %dma_wait3A_440 = arith.constant 1 : i32
        %dma_wait3A_441 = arith.constant 1 : i32
        %dma_wait3A_442 = arith.constant 1 : i32
        %dma_wait3A_443 = arith.constant 0 : i32
        %dma_wait3A_444 = arith.constant 0 : i32
        %dma_wait3A_445 = tpu.memref_slice %arg6[%dma_wait3A_440, %dma_wait3A_441, %dma_wait3A_443, %dma_wait3A_444] : memref<3x2x128x64xf32, #tpu.memory_space<vmem>> -> memref<1x1x128x64xf32, #tpu.memory_space<vmem>>
        %dma_wait3A_446 = tpu.memref_squeeze %dma_wait3A_445 : memref<1x1x128x64xf32, #tpu.memory_space<vmem>> -> memref<128x64xf32, #tpu.memory_space<vmem>>
        %dma_wait3A_447 = arith.constant 0 : i32
        %dma_wait3A_448 = tpu.memref_slice %arg5[%dma_wait3A_437, %dma_wait3A_438, %dma_wait3A_439, %dma_wait3A_447] : memref<7x4x8x128xi32, #tpu.memory_space<vmem>> -> memref<1x1x1x128xi32, #tpu.memory_space<vmem>>
        %dma_wait3A_449 = tpu.memref_squeeze %dma_wait3A_448 : memref<1x1x1x128xi32, #tpu.memory_space<vmem>> -> memref<128xi32, #tpu.memory_space<vmem>>
        %dma_wait3A_450 = arith.constant 0 : i32
        %dma_wait3A_451 = arith.constant 0 : i32
        %dma_wait3A_452 = tpu.memref_slice %arg3[%dma_wait3A_450, %dma_wait3A_451] : memref<1000000x64xf32, #tpu.memory_space<hbm>> -> memref<1000000x64xf32, #tpu.memory_space<hbm>>
        %dma_wait3A_453 = tpu.memref_slice %arg8[%dma_wait3A_442] : memref<3x!tpu.dma_semaphore, #tpu.memory_space<semaphore_mem>> -> memref<1x!tpu.dma_semaphore, #tpu.memory_space<semaphore_mem>>
        %dma_wait3A_454 = tpu.memref_squeeze %dma_wait3A_453 : memref<1x!tpu.dma_semaphore, #tpu.memory_space<semaphore_mem>> -> memref<!tpu.dma_semaphore, #tpu.memory_space<semaphore_mem>>
        tpu.wait_indirect_dma semaphore(%dma_wait3A_454 : memref<!tpu.dma_semaphore, #tpu.memory_space<semaphore_mem>>) src(%dma_wait3A_452 : memref<1000000x64xf32, #tpu.memory_space<hbm>>) dst(%dma_wait3A_446 : memref<128x64xf32, #tpu.memory_space<vmem>>)
        %ge3A = arith.constant 3 : i32
        %ge3A_455 = arith.cmpi sge, %add3A_397, %ge3A : i32
        %convert_element_type3A_456 = arith.extui %ge3A_455 : i1 to i32
        %cond3A_457 = arith.constant 0 : i32
        %cond3A_458 = arith.cmpi ne, %convert_element_type3A_456, %cond3A_457 : i32
        scf.if %cond3A_458 {
          %dma_wait3A_564 = arith.constant 1 : i32
          %dma_wait3A_565 = arith.constant 0 : i32
          %dma_wait3A_566 = arith.constant 0 : i32
          %dma_wait3A_567 = arith.constant 0 : i32
          %dma_wait3A_568 = arith.constant 1 : i32
          %dma_wait3A_569 = arith.constant 0 : i32
          %dma_wait3A_570 = arith.constant 0 : i32
          %dma_wait3A_571 = arith.constant 0 : i32
          %dma_wait3A_572 = tpu.memref_slice %arg7[%dma_wait3A_564, %dma_wait3A_565, %dma_wait3A_569, %dma_wait3A_570, %dma_wait3A_571] : memref<3x2x8x8x129xf32, #tpu.memory_space<vmem>> -> memref<1x1x8x8x128xf32, #tpu.memory_space<vmem>>
          %dma_wait3A_573 = tpu.memref_squeeze %dma_wait3A_572 : memref<1x1x8x8x128xf32, #tpu.memory_space<vmem>> -> memref<8x8x128xf32, #tpu.memory_space<vmem>>
          %dma_wait3A_574 = arith.constant 0 : i32
          %dma_wait3A_575 = arith.constant 0 : i32
          %dma_wait3A_576 = arith.constant 0 : i32
          %dma_wait3A_577 = tpu.memref_slice %arg4[%dma_wait3A_566, %dma_wait3A_574, %dma_wait3A_567, %dma_wait3A_575, %dma_wait3A_576] : memref<50x8x128x8x128xf32, #tpu.memory_space<hbm>> -> memref<1x8x1x8x128xf32, #tpu.memory_space<hbm>>
          %dma_wait3A_578 = tpu.memref_squeeze %dma_wait3A_577 : memref<1x8x1x8x128xf32, #tpu.memory_space<hbm>> -> memref<8x8x128xf32, #tpu.memory_space<hbm>>
          %dma_wait3A_579 = tpu.memref_slice %arg9[%dma_wait3A_568] : memref<3x!tpu.dma_semaphore, #tpu.memory_space<semaphore_mem>> -> memref<1x!tpu.dma_semaphore, #tpu.memory_space<semaphore_mem>>
          %dma_wait3A_580 = tpu.memref_squeeze %dma_wait3A_579 : memref<1x!tpu.dma_semaphore, #tpu.memory_space<semaphore_mem>> -> memref<!tpu.dma_semaphore, #tpu.memory_space<semaphore_mem>>
          %dma_wait3A_581 = arith.constant 0 : i32
          %dma_wait3A_582 = arith.constant 0 : i32
          %dma_wait3A_583 = arith.constant 0 : i32
          %dma_wait3A_584 = tpu.memref_slice %arg4[%dma_wait3A_566, %dma_wait3A_581, %dma_wait3A_567, %dma_wait3A_582, %dma_wait3A_583] : memref<50x8x128x8x128xf32, #tpu.memory_space<hbm>> -> memref<1x8x1x8x128xf32, #tpu.memory_space<hbm>>
          %dma_wait3A_585 = tpu.memref_squeeze %dma_wait3A_584 : memref<1x8x1x8x128xf32, #tpu.memory_space<hbm>> -> memref<8x8x128xf32, #tpu.memory_space<hbm>>
          %dma_wait3A_586 = arith.constant 0 : i32
          %dma_wait3A_587 = arith.constant 0 : i32
          %dma_wait3A_588 = arith.constant 0 : i32
          %dma_wait3A_589 = tpu.memref_slice %arg7[%dma_wait3A_564, %dma_wait3A_565, %dma_wait3A_586, %dma_wait3A_587, %dma_wait3A_588] : memref<3x2x8x8x129xf32, #tpu.memory_space<vmem>> -> memref<1x1x8x8x128xf32, #tpu.memory_space<vmem>>
          %dma_wait3A_590 = tpu.memref_squeeze %dma_wait3A_589 : memref<1x1x8x8x128xf32, #tpu.memory_space<vmem>> -> memref<8x8x128xf32, #tpu.memory_space<vmem>>
          tpu.wait_dma2 semaphore(%dma_wait3A_580 : memref<!tpu.dma_semaphore, #tpu.memory_space<semaphore_mem>>) src(%dma_wait3A_590 : memref<8x8x128xf32, #tpu.memory_space<vmem>>) dst(%dma_wait3A_585 : memref<8x8x128xf32, #tpu.memory_space<hbm>>)
          %dma_wait3A_591 = arith.constant 1 : i32
          %dma_wait3A_592 = arith.constant 1 : i32
          %dma_wait3A_593 = arith.constant 0 : i32
          %dma_wait3A_594 = arith.constant 0 : i32
          %dma_wait3A_595 = arith.constant 1 : i32
          %dma_wait3A_596 = arith.constant 0 : i32
          %dma_wait3A_597 = arith.constant 0 : i32
          %dma_wait3A_598 = arith.constant 0 : i32
          %dma_wait3A_599 = tpu.memref_slice %arg7[%dma_wait3A_591, %dma_wait3A_592, %dma_wait3A_596, %dma_wait3A_597, %dma_wait3A_598] : memref<3x2x8x8x129xf32, #tpu.memory_space<vmem>> -> memref<1x1x8x8x128xf32, #tpu.memory_space<vmem>>
          %dma_wait3A_600 = tpu.memref_squeeze %dma_wait3A_599 : memref<1x1x8x8x128xf32, #tpu.memory_space<vmem>> -> memref<8x8x128xf32, #tpu.memory_space<vmem>>
          %dma_wait3A_601 = arith.constant 0 : i32
          %dma_wait3A_602 = arith.constant 0 : i32
          %dma_wait3A_603 = arith.constant 0 : i32
          %dma_wait3A_604 = tpu.memref_slice %arg4[%dma_wait3A_593, %dma_wait3A_601, %dma_wait3A_594, %dma_wait3A_602, %dma_wait3A_603] : memref<50x8x128x8x128xf32, #tpu.memory_space<hbm>> -> memref<1x8x1x8x128xf32, #tpu.memory_space<hbm>>
          %dma_wait3A_605 = tpu.memref_squeeze %dma_wait3A_604 : memref<1x8x1x8x128xf32, #tpu.memory_space<hbm>> -> memref<8x8x128xf32, #tpu.memory_space<hbm>>
          %dma_wait3A_606 = tpu.memref_slice %arg9[%dma_wait3A_595] : memref<3x!tpu.dma_semaphore, #tpu.memory_space<semaphore_mem>> -> memref<1x!tpu.dma_semaphore, #tpu.memory_space<semaphore_mem>>
          %dma_wait3A_607 = tpu.memref_squeeze %dma_wait3A_606 : memref<1x!tpu.dma_semaphore, #tpu.memory_space<semaphore_mem>> -> memref<!tpu.dma_semaphore, #tpu.memory_space<semaphore_mem>>
          %dma_wait3A_608 = arith.constant 0 : i32
          %dma_wait3A_609 = arith.constant 0 : i32
          %dma_wait3A_610 = arith.constant 0 : i32
          %dma_wait3A_611 = tpu.memref_slice %arg4[%dma_wait3A_593, %dma_wait3A_608, %dma_wait3A_594, %dma_wait3A_609, %dma_wait3A_610] : memref<50x8x128x8x128xf32, #tpu.memory_space<hbm>> -> memref<1x8x1x8x128xf32, #tpu.memory_space<hbm>>
          %dma_wait3A_612 = tpu.memref_squeeze %dma_wait3A_611 : memref<1x8x1x8x128xf32, #tpu.memory_space<hbm>> -> memref<8x8x128xf32, #tpu.memory_space<hbm>>
          %dma_wait3A_613 = arith.constant 0 : i32
          %dma_wait3A_614 = arith.constant 0 : i32
          %dma_wait3A_615 = arith.constant 0 : i32
          %dma_wait3A_616 = tpu.memref_slice %arg7[%dma_wait3A_591, %dma_wait3A_592, %dma_wait3A_613, %dma_wait3A_614, %dma_wait3A_615] : memref<3x2x8x8x129xf32, #tpu.memory_space<vmem>> -> memref<1x1x8x8x128xf32, #tpu.memory_space<vmem>>
          %dma_wait3A_617 = tpu.memref_squeeze %dma_wait3A_616 : memref<1x1x8x8x128xf32, #tpu.memory_space<vmem>> -> memref<8x8x128xf32, #tpu.memory_space<vmem>>
          tpu.wait_dma2 semaphore(%dma_wait3A_607 : memref<!tpu.dma_semaphore, #tpu.memory_space<semaphore_mem>>) src(%dma_wait3A_617 : memref<8x8x128xf32, #tpu.memory_space<vmem>>) dst(%dma_wait3A_612 : memref<8x8x128xf32, #tpu.memory_space<hbm>>)
        } else {
        }
        %scan3A_459 = arith.constant 0 : i32
        %scan3A_460 = arith.constant 0 : i32
        %scan3A_461 = arith.constant 32 : i32
        %scan3A_462 = arith.addi %scan3A_460, %scan3A_461 : i32
        %scan3A_463 = arith.constant 1 : i32
        scf.for %scan3A_564 = %scan3A_460 to %scan3A_462 step %scan3A_463  : i32 {
          %mul3A_565 = arith.constant 4 : i32
          %mul3A_566 = arith.muli %scan3A_564, %mul3A_565 : i32
          %add3A_567 = arith.constant 0 : i32
          %add3A_568 = arith.addi %mul3A_566, %add3A_567 : i32
          %broadcast_in_dim3A_569 = arith.constant 0 : i32
          %broadcast_in_dim3A_570 = vector.broadcast %broadcast_in_dim3A_569 : i32 to vector<16xi32>
          %add3A_571 = vector.broadcast %add3A_568 : i32 to vector<16xi32>
          %add3A_572 = arith.addi %broadcast_in_dim3A_570, %add3A_571 : vector<16xi32>
          %get3A = arith.constant 1 : i32
          %get3A_573 = arith.constant 0 : i32
          %get3A_574 = arith.constant 0 : i32
          %get3A_575 = arith.constant 0 : i32
          %get3A_576 = tpu.memref_slice %arg6[%get3A, %get3A_573, %get3A_574, %get3A_575] : memref<3x2x128x64xf32, #tpu.memory_space<vmem>> -> memref<1x1x128x64xf32, #tpu.memory_space<vmem>>
          %get3A_577 = tpu.memref_squeeze %get3A_576 : memref<1x1x128x64xf32, #tpu.memory_space<vmem>> -> memref<128x64xf32, #tpu.memory_space<vmem>>
          %get3A_578 = arith.index_cast %add3A_568 : i32 to index
          %get3A_579 = arith.constant 0 : index
          %get3A_580 = tpu.vector_load %get3A_577[%get3A_578, %get3A_579] {strides = array<i32>} : memref<128x64xf32, #tpu.memory_space<vmem>>, vector<16xf32>,
          %scatter3A = arith.constant 1 : i32
          %scatter3A_581 = arith.constant 0 : i32
          %scatter3A_582 = arith.constant 0 : i32
          %scatter3A_583 = arith.constant 0 : i32
          %scatter3A_584 = arith.constant 0 : i32
          %scatter3A_585 = tpu.memref_slice %arg7[%scatter3A, %scatter3A_581, %scatter3A_582, %scatter3A_583, %scatter3A_584] : memref<3x2x8x8x129xf32, #tpu.memory_space<vmem>> -> memref<1x1x8x8x129xf32, #tpu.memory_space<vmem>>
          %scatter3A_586 = tpu.memref_squeeze %scatter3A_585 : memref<1x1x8x8x129xf32, #tpu.memory_space<vmem>> -> memref<8x8x129xf32, #tpu.memory_space<vmem>>
          tpu.vector_store_idx %scatter3A_586[%add3A_25, %select_n3A_147, %add3A_572], %get3A_580 : memref<8x8x129xf32, #tpu.memory_space<vmem>>[vector<16xi32>, vector<16xi32>, vector<16xi32>], vector<16xf32>,
          %get3A_587 = arith.constant 1 : i32
          %get3A_588 = arith.constant 0 : i32
          %get3A_589 = arith.constant 0 : i32
          %get3A_590 = arith.constant 0 : i32
          %get3A_591 = tpu.memref_slice %arg6[%get3A_587, %get3A_588, %get3A_589, %get3A_590] : memref<3x2x128x64xf32, #tpu.memory_space<vmem>> -> memref<1x1x128x64xf32, #tpu.memory_space<vmem>>
          %get3A_592 = tpu.memref_squeeze %get3A_591 : memref<1x1x128x64xf32, #tpu.memory_space<vmem>> -> memref<128x64xf32, #tpu.memory_space<vmem>>
          %get3A_593 = arith.index_cast %add3A_568 : i32 to index
          %get3A_594 = arith.constant 16 : index
          %get3A_595 = tpu.vector_load %get3A_592[%get3A_593, %get3A_594] {strides = array<i32>} : memref<128x64xf32, #tpu.memory_space<vmem>>, vector<16xf32>,
          %scatter3A_596 = arith.constant 1 : i32
          %scatter3A_597 = arith.constant 0 : i32
          %scatter3A_598 = arith.constant 0 : i32
          %scatter3A_599 = arith.constant 0 : i32
          %scatter3A_600 = arith.constant 0 : i32
          %scatter3A_601 = tpu.memref_slice %arg7[%scatter3A_596, %scatter3A_597, %scatter3A_598, %scatter3A_599, %scatter3A_600] : memref<3x2x8x8x129xf32, #tpu.memory_space<vmem>> -> memref<1x1x8x8x129xf32, #tpu.memory_space<vmem>>
          %scatter3A_602 = tpu.memref_squeeze %scatter3A_601 : memref<1x1x8x8x129xf32, #tpu.memory_space<vmem>> -> memref<8x8x129xf32, #tpu.memory_space<vmem>>
          tpu.vector_store_idx %scatter3A_602[%add3A_59, %select_n3A_147, %add3A_572], %get3A_595 : memref<8x8x129xf32, #tpu.memory_space<vmem>>[vector<16xi32>, vector<16xi32>, vector<16xi32>], vector<16xf32>,
          %get3A_603 = arith.constant 1 : i32
          %get3A_604 = arith.constant 0 : i32
          %get3A_605 = arith.constant 0 : i32
          %get3A_606 = arith.constant 0 : i32
          %get3A_607 = tpu.memref_slice %arg6[%get3A_603, %get3A_604, %get3A_605, %get3A_606] : memref<3x2x128x64xf32, #tpu.memory_space<vmem>> -> memref<1x1x128x64xf32, #tpu.memory_space<vmem>>
          %get3A_608 = tpu.memref_squeeze %get3A_607 : memref<1x1x128x64xf32, #tpu.memory_space<vmem>> -> memref<128x64xf32, #tpu.memory_space<vmem>>
          %get3A_609 = arith.index_cast %add3A_568 : i32 to index
          %get3A_610 = arith.constant 32 : index
          %get3A_611 = tpu.vector_load %get3A_608[%get3A_609, %get3A_610] {strides = array<i32>} : memref<128x64xf32, #tpu.memory_space<vmem>>, vector<16xf32>,
          %scatter3A_612 = arith.constant 1 : i32
          %scatter3A_613 = arith.constant 0 : i32
          %scatter3A_614 = arith.constant 0 : i32
          %scatter3A_615 = arith.constant 0 : i32
          %scatter3A_616 = arith.constant 0 : i32
          %scatter3A_617 = tpu.memref_slice %arg7[%scatter3A_612, %scatter3A_613, %scatter3A_614, %scatter3A_615, %scatter3A_616] : memref<3x2x8x8x129xf32, #tpu.memory_space<vmem>> -> memref<1x1x8x8x129xf32, #tpu.memory_space<vmem>>
          %scatter3A_618 = tpu.memref_squeeze %scatter3A_617 : memref<1x1x8x8x129xf32, #tpu.memory_space<vmem>> -> memref<8x8x129xf32, #tpu.memory_space<vmem>>
          tpu.vector_store_idx %scatter3A_618[%add3A_93, %select_n3A_147, %add3A_572], %get3A_611 : memref<8x8x129xf32, #tpu.memory_space<vmem>>[vector<16xi32>, vector<16xi32>, vector<16xi32>], vector<16xf32>,
          %get3A_619 = arith.constant 1 : i32
          %get3A_620 = arith.constant 0 : i32
          %get3A_621 = arith.constant 0 : i32
          %get3A_622 = arith.constant 0 : i32
          %get3A_623 = tpu.memref_slice %arg6[%get3A_619, %get3A_620, %get3A_621, %get3A_622] : memref<3x2x128x64xf32, #tpu.memory_space<vmem>> -> memref<1x1x128x64xf32, #tpu.memory_space<vmem>>
          %get3A_624 = tpu.memref_squeeze %get3A_623 : memref<1x1x128x64xf32, #tpu.memory_space<vmem>> -> memref<128x64xf32, #tpu.memory_space<vmem>>
          %get3A_625 = arith.index_cast %add3A_568 : i32 to index
          %get3A_626 = arith.constant 48 : index
          %get3A_627 = tpu.vector_load %get3A_624[%get3A_625, %get3A_626] {strides = array<i32>} : memref<128x64xf32, #tpu.memory_space<vmem>>, vector<16xf32>,
          %scatter3A_628 = arith.constant 1 : i32
          %scatter3A_629 = arith.constant 0 : i32
          %scatter3A_630 = arith.constant 0 : i32
          %scatter3A_631 = arith.constant 0 : i32
          %scatter3A_632 = arith.constant 0 : i32
          %scatter3A_633 = tpu.memref_slice %arg7[%scatter3A_628, %scatter3A_629, %scatter3A_630, %scatter3A_631, %scatter3A_632] : memref<3x2x8x8x129xf32, #tpu.memory_space<vmem>> -> memref<1x1x8x8x129xf32, #tpu.memory_space<vmem>>
          %scatter3A_634 = tpu.memref_squeeze %scatter3A_633 : memref<1x1x8x8x129xf32, #tpu.memory_space<vmem>> -> memref<8x8x129xf32, #tpu.memory_space<vmem>>
          tpu.vector_store_idx %scatter3A_634[%add3A_127, %select_n3A_147, %add3A_572], %get3A_627 : memref<8x8x129xf32, #tpu.memory_space<vmem>>[vector<16xi32>, vector<16xi32>, vector<16xi32>], vector<16xf32>,
          %get3A_635 = arith.constant 1 : i32
          %get3A_636 = arith.constant 1 : i32
          %get3A_637 = arith.constant 0 : i32
          %get3A_638 = arith.constant 0 : i32
          %get3A_639 = tpu.memref_slice %arg6[%get3A_635, %get3A_636, %get3A_637, %get3A_638] : memref<3x2x128x64xf32, #tpu.memory_space<vmem>> -> memref<1x1x128x64xf32, #tpu.memory_space<vmem>>
          %get3A_640 = tpu.memref_squeeze %get3A_639 : memref<1x1x128x64xf32, #tpu.memory_space<vmem>> -> memref<128x64xf32, #tpu.memory_space<vmem>>
          %get3A_641 = arith.index_cast %add3A_568 : i32 to index
          %get3A_642 = arith.constant 0 : index
          %get3A_643 = tpu.vector_load %get3A_640[%get3A_641, %get3A_642] {strides = array<i32>} : memref<128x64xf32, #tpu.memory_space<vmem>>, vector<16xf32>,
          %scatter3A_644 = arith.constant 1 : i32
          %scatter3A_645 = arith.constant 1 : i32
          %scatter3A_646 = arith.constant 0 : i32
          %scatter3A_647 = arith.constant 0 : i32
          %scatter3A_648 = arith.constant 0 : i32
          %scatter3A_649 = tpu.memref_slice %arg7[%scatter3A_644, %scatter3A_645, %scatter3A_646, %scatter3A_647, %scatter3A_648] : memref<3x2x8x8x129xf32, #tpu.memory_space<vmem>> -> memref<1x1x8x8x129xf32, #tpu.memory_space<vmem>>
          %scatter3A_650 = tpu.memref_squeeze %scatter3A_649 : memref<1x1x8x8x129xf32, #tpu.memory_space<vmem>> -> memref<8x8x129xf32, #tpu.memory_space<vmem>>
          tpu.vector_store_idx %scatter3A_650[%add3A_25, %select_n3A_147, %add3A_572], %get3A_643 : memref<8x8x129xf32, #tpu.memory_space<vmem>>[vector<16xi32>, vector<16xi32>, vector<16xi32>], vector<16xf32>,
          %get3A_651 = arith.constant 1 : i32
          %get3A_652 = arith.constant 1 : i32
          %get3A_653 = arith.constant 0 : i32
          %get3A_654 = arith.constant 0 : i32
          %get3A_655 = tpu.memref_slice %arg6[%get3A_651, %get3A_652, %get3A_653, %get3A_654] : memref<3x2x128x64xf32, #tpu.memory_space<vmem>> -> memref<1x1x128x64xf32, #tpu.memory_space<vmem>>
          %get3A_656 = tpu.memref_squeeze %get3A_655 : memref<1x1x128x64xf32, #tpu.memory_space<vmem>> -> memref<128x64xf32, #tpu.memory_space<vmem>>
          %get3A_657 = arith.index_cast %add3A_568 : i32 to index
          %get3A_658 = arith.constant 16 : index
          %get3A_659 = tpu.vector_load %get3A_656[%get3A_657, %get3A_658] {strides = array<i32>} : memref<128x64xf32, #tpu.memory_space<vmem>>, vector<16xf32>,
          %scatter3A_660 = arith.constant 1 : i32
          %scatter3A_661 = arith.constant 1 : i32
          %scatter3A_662 = arith.constant 0 : i32
          %scatter3A_663 = arith.constant 0 : i32
          %scatter3A_664 = arith.constant 0 : i32
          %scatter3A_665 = tpu.memref_slice %arg7[%scatter3A_660, %scatter3A_661, %scatter3A_662, %scatter3A_663, %scatter3A_664] : memref<3x2x8x8x129xf32, #tpu.memory_space<vmem>> -> memref<1x1x8x8x129xf32, #tpu.memory_space<vmem>>
          %scatter3A_666 = tpu.memref_squeeze %scatter3A_665 : memref<1x1x8x8x129xf32, #tpu.memory_space<vmem>> -> memref<8x8x129xf32, #tpu.memory_space<vmem>>
          tpu.vector_store_idx %scatter3A_666[%add3A_59, %select_n3A_147, %add3A_572], %get3A_659 : memref<8x8x129xf32, #tpu.memory_space<vmem>>[vector<16xi32>, vector<16xi32>, vector<16xi32>], vector<16xf32>,
          %get3A_667 = arith.constant 1 : i32
          %get3A_668 = arith.constant 1 : i32
          %get3A_669 = arith.constant 0 : i32
          %get3A_670 = arith.constant 0 : i32
          %get3A_671 = tpu.memref_slice %arg6[%get3A_667, %get3A_668, %get3A_669, %get3A_670] : memref<3x2x128x64xf32, #tpu.memory_space<vmem>> -> memref<1x1x128x64xf32, #tpu.memory_space<vmem>>
          %get3A_672 = tpu.memref_squeeze %get3A_671 : memref<1x1x128x64xf32, #tpu.memory_space<vmem>> -> memref<128x64xf32, #tpu.memory_space<vmem>>
          %get3A_673 = arith.index_cast %add3A_568 : i32 to index
          %get3A_674 = arith.constant 32 : index
          %get3A_675 = tpu.vector_load %get3A_672[%get3A_673, %get3A_674] {strides = array<i32>} : memref<128x64xf32, #tpu.memory_space<vmem>>, vector<16xf32>,
          %scatter3A_676 = arith.constant 1 : i32
          %scatter3A_677 = arith.constant 1 : i32
          %scatter3A_678 = arith.constant 0 : i32
          %scatter3A_679 = arith.constant 0 : i32
          %scatter3A_680 = arith.constant 0 : i32
          %scatter3A_681 = tpu.memref_slice %arg7[%scatter3A_676, %scatter3A_677, %scatter3A_678, %scatter3A_679, %scatter3A_680] : memref<3x2x8x8x129xf32, #tpu.memory_space<vmem>> -> memref<1x1x8x8x129xf32, #tpu.memory_space<vmem>>
          %scatter3A_682 = tpu.memref_squeeze %scatter3A_681 : memref<1x1x8x8x129xf32, #tpu.memory_space<vmem>> -> memref<8x8x129xf32, #tpu.memory_space<vmem>>
          tpu.vector_store_idx %scatter3A_682[%add3A_93, %select_n3A_147, %add3A_572], %get3A_675 : memref<8x8x129xf32, #tpu.memory_space<vmem>>[vector<16xi32>, vector<16xi32>, vector<16xi32>], vector<16xf32>,
          %get3A_683 = arith.constant 1 : i32
          %get3A_684 = arith.constant 1 : i32
          %get3A_685 = arith.constant 0 : i32
          %get3A_686 = arith.constant 0 : i32
          %get3A_687 = tpu.memref_slice %arg6[%get3A_683, %get3A_684, %get3A_685, %get3A_686] : memref<3x2x128x64xf32, #tpu.memory_space<vmem>> -> memref<1x1x128x64xf32, #tpu.memory_space<vmem>>
          %get3A_688 = tpu.memref_squeeze %get3A_687 : memref<1x1x128x64xf32, #tpu.memory_space<vmem>> -> memref<128x64xf32, #tpu.memory_space<vmem>>
          %get3A_689 = arith.index_cast %add3A_568 : i32 to index
          %get3A_690 = arith.constant 48 : index
          %get3A_691 = tpu.vector_load %get3A_688[%get3A_689, %get3A_690] {strides = array<i32>} : memref<128x64xf32, #tpu.memory_space<vmem>>, vector<16xf32>,
          %scatter3A_692 = arith.constant 1 : i32
          %scatter3A_693 = arith.constant 1 : i32
          %scatter3A_694 = arith.constant 0 : i32
          %scatter3A_695 = arith.constant 0 : i32
          %scatter3A_696 = arith.constant 0 : i32
          %scatter3A_697 = tpu.memref_slice %arg7[%scatter3A_692, %scatter3A_693, %scatter3A_694, %scatter3A_695, %scatter3A_696] : memref<3x2x8x8x129xf32, #tpu.memory_space<vmem>> -> memref<1x1x8x8x129xf32, #tpu.memory_space<vmem>>
          %scatter3A_698 = tpu.memref_squeeze %scatter3A_697 : memref<1x1x8x8x129xf32, #tpu.memory_space<vmem>> -> memref<8x8x129xf32, #tpu.memory_space<vmem>>
          tpu.vector_store_idx %scatter3A_698[%add3A_127, %select_n3A_147, %add3A_572], %get3A_691 : memref<8x8x129xf32, #tpu.memory_space<vmem>>[vector<16xi32>, vector<16xi32>, vector<16xi32>], vector<16xf32>,
          %mul3A_699 = arith.constant 4 : i32
          %mul3A_700 = arith.muli %scan3A_564, %mul3A_699 : i32
          %add3A_701 = arith.constant 1 : i32
          %add3A_702 = arith.addi %mul3A_700, %add3A_701 : i32
          %broadcast_in_dim3A_703 = arith.constant 0 : i32
          %broadcast_in_dim3A_704 = vector.broadcast %broadcast_in_dim3A_703 : i32 to vector<16xi32>
          %add3A_705 = vector.broadcast %add3A_702 : i32 to vector<16xi32>
          %add3A_706 = arith.addi %broadcast_in_dim3A_704, %add3A_705 : vector<16xi32>
          %get3A_707 = arith.constant 1 : i32
          %get3A_708 = arith.constant 0 : i32
          %get3A_709 = arith.constant 0 : i32
          %get3A_710 = arith.constant 0 : i32
          %get3A_711 = tpu.memref_slice %arg6[%get3A_707, %get3A_708, %get3A_709, %get3A_710] : memref<3x2x128x64xf32, #tpu.memory_space<vmem>> -> memref<1x1x128x64xf32, #tpu.memory_space<vmem>>
          %get3A_712 = tpu.memref_squeeze %get3A_711 : memref<1x1x128x64xf32, #tpu.memory_space<vmem>> -> memref<128x64xf32, #tpu.memory_space<vmem>>
          %get3A_713 = arith.index_cast %add3A_702 : i32 to index
          %get3A_714 = arith.constant 0 : index
          %get3A_715 = tpu.vector_load %get3A_712[%get3A_713, %get3A_714] {strides = array<i32>} : memref<128x64xf32, #tpu.memory_space<vmem>>, vector<16xf32>,
          %scatter3A_716 = arith.constant 1 : i32
          %scatter3A_717 = arith.constant 0 : i32
          %scatter3A_718 = arith.constant 0 : i32
          %scatter3A_719 = arith.constant 0 : i32
          %scatter3A_720 = arith.constant 0 : i32
          %scatter3A_721 = tpu.memref_slice %arg7[%scatter3A_716, %scatter3A_717, %scatter3A_718, %scatter3A_719, %scatter3A_720] : memref<3x2x8x8x129xf32, #tpu.memory_space<vmem>> -> memref<1x1x8x8x129xf32, #tpu.memory_space<vmem>>
          %scatter3A_722 = tpu.memref_squeeze %scatter3A_721 : memref<1x1x8x8x129xf32, #tpu.memory_space<vmem>> -> memref<8x8x129xf32, #tpu.memory_space<vmem>>
          tpu.vector_store_idx %scatter3A_722[%add3A_25, %select_n3A_147, %add3A_706], %get3A_715 : memref<8x8x129xf32, #tpu.memory_space<vmem>>[vector<16xi32>, vector<16xi32>, vector<16xi32>], vector<16xf32>,
          %get3A_723 = arith.constant 1 : i32
          %get3A_724 = arith.constant 0 : i32
          %get3A_725 = arith.constant 0 : i32
          %get3A_726 = arith.constant 0 : i32
          %get3A_727 = tpu.memref_slice %arg6[%get3A_723, %get3A_724, %get3A_725, %get3A_726] : memref<3x2x128x64xf32, #tpu.memory_space<vmem>> -> memref<1x1x128x64xf32, #tpu.memory_space<vmem>>
          %get3A_728 = tpu.memref_squeeze %get3A_727 : memref<1x1x128x64xf32, #tpu.memory_space<vmem>> -> memref<128x64xf32, #tpu.memory_space<vmem>>
          %get3A_729 = arith.index_cast %add3A_702 : i32 to index
          %get3A_730 = arith.constant 16 : index
          %get3A_731 = tpu.vector_load %get3A_728[%get3A_729, %get3A_730] {strides = array<i32>} : memref<128x64xf32, #tpu.memory_space<vmem>>, vector<16xf32>,
          %scatter3A_732 = arith.constant 1 : i32
          %scatter3A_733 = arith.constant 0 : i32
          %scatter3A_734 = arith.constant 0 : i32
          %scatter3A_735 = arith.constant 0 : i32
          %scatter3A_736 = arith.constant 0 : i32
          %scatter3A_737 = tpu.memref_slice %arg7[%scatter3A_732, %scatter3A_733, %scatter3A_734, %scatter3A_735, %scatter3A_736] : memref<3x2x8x8x129xf32, #tpu.memory_space<vmem>> -> memref<1x1x8x8x129xf32, #tpu.memory_space<vmem>>
          %scatter3A_738 = tpu.memref_squeeze %scatter3A_737 : memref<1x1x8x8x129xf32, #tpu.memory_space<vmem>> -> memref<8x8x129xf32, #tpu.memory_space<vmem>>
          tpu.vector_store_idx %scatter3A_738[%add3A_59, %select_n3A_147, %add3A_706], %get3A_731 : memref<8x8x129xf32, #tpu.memory_space<vmem>>[vector<16xi32>, vector<16xi32>, vector<16xi32>], vector<16xf32>,
          %get3A_739 = arith.constant 1 : i32
          %get3A_740 = arith.constant 0 : i32
          %get3A_741 = arith.constant 0 : i32
          %get3A_742 = arith.constant 0 : i32
          %get3A_743 = tpu.memref_slice %arg6[%get3A_739, %get3A_740, %get3A_741, %get3A_742] : memref<3x2x128x64xf32, #tpu.memory_space<vmem>> -> memref<1x1x128x64xf32, #tpu.memory_space<vmem>>
          %get3A_744 = tpu.memref_squeeze %get3A_743 : memref<1x1x128x64xf32, #tpu.memory_space<vmem>> -> memref<128x64xf32, #tpu.memory_space<vmem>>
          %get3A_745 = arith.index_cast %add3A_702 : i32 to index
          %get3A_746 = arith.constant 32 : index
          %get3A_747 = tpu.vector_load %get3A_744[%get3A_745, %get3A_746] {strides = array<i32>} : memref<128x64xf32, #tpu.memory_space<vmem>>, vector<16xf32>,
          %scatter3A_748 = arith.constant 1 : i32
          %scatter3A_749 = arith.constant 0 : i32
          %scatter3A_750 = arith.constant 0 : i32
          %scatter3A_751 = arith.constant 0 : i32
          %scatter3A_752 = arith.constant 0 : i32
          %scatter3A_753 = tpu.memref_slice %arg7[%scatter3A_748, %scatter3A_749, %scatter3A_750, %scatter3A_751, %scatter3A_752] : memref<3x2x8x8x129xf32, #tpu.memory_space<vmem>> -> memref<1x1x8x8x129xf32, #tpu.memory_space<vmem>>
          %scatter3A_754 = tpu.memref_squeeze %scatter3A_753 : memref<1x1x8x8x129xf32, #tpu.memory_space<vmem>> -> memref<8x8x129xf32, #tpu.memory_space<vmem>>
          tpu.vector_store_idx %scatter3A_754[%add3A_93, %select_n3A_147, %add3A_706], %get3A_747 : memref<8x8x129xf32, #tpu.memory_space<vmem>>[vector<16xi32>, vector<16xi32>, vector<16xi32>], vector<16xf32>,
          %get3A_755 = arith.constant 1 : i32
          %get3A_756 = arith.constant 0 : i32
          %get3A_757 = arith.constant 0 : i32
          %get3A_758 = arith.constant 0 : i32
          %get3A_759 = tpu.memref_slice %arg6[%get3A_755, %get3A_756, %get3A_757, %get3A_758] : memref<3x2x128x64xf32, #tpu.memory_space<vmem>> -> memref<1x1x128x64xf32, #tpu.memory_space<vmem>>
          %get3A_760 = tpu.memref_squeeze %get3A_759 : memref<1x1x128x64xf32, #tpu.memory_space<vmem>> -> memref<128x64xf32, #tpu.memory_space<vmem>>
          %get3A_761 = arith.index_cast %add3A_702 : i32 to index
          %get3A_762 = arith.constant 48 : index
          %get3A_763 = tpu.vector_load %get3A_760[%get3A_761, %get3A_762] {strides = array<i32>} : memref<128x64xf32, #tpu.memory_space<vmem>>, vector<16xf32>,
          %scatter3A_764 = arith.constant 1 : i32
          %scatter3A_765 = arith.constant 0 : i32
          %scatter3A_766 = arith.constant 0 : i32
          %scatter3A_767 = arith.constant 0 : i32
          %scatter3A_768 = arith.constant 0 : i32
          %scatter3A_769 = tpu.memref_slice %arg7[%scatter3A_764, %scatter3A_765, %scatter3A_766, %scatter3A_767, %scatter3A_768] : memref<3x2x8x8x129xf32, #tpu.memory_space<vmem>> -> memref<1x1x8x8x129xf32, #tpu.memory_space<vmem>>
          %scatter3A_770 = tpu.memref_squeeze %scatter3A_769 : memref<1x1x8x8x129xf32, #tpu.memory_space<vmem>> -> memref<8x8x129xf32, #tpu.memory_space<vmem>>
          tpu.vector_store_idx %scatter3A_770[%add3A_127, %select_n3A_147, %add3A_706], %get3A_763 : memref<8x8x129xf32, #tpu.memory_space<vmem>>[vector<16xi32>, vector<16xi32>, vector<16xi32>], vector<16xf32>,
          %get3A_771 = arith.constant 1 : i32
          %get3A_772 = arith.constant 1 : i32
          %get3A_773 = arith.constant 0 : i32
          %get3A_774 = arith.constant 0 : i32
          %get3A_775 = tpu.memref_slice %arg6[%get3A_771, %get3A_772, %get3A_773, %get3A_774] : memref<3x2x128x64xf32, #tpu.memory_space<vmem>> -> memref<1x1x128x64xf32, #tpu.memory_space<vmem>>
          %get3A_776 = tpu.memref_squeeze %get3A_775 : memref<1x1x128x64xf32, #tpu.memory_space<vmem>> -> memref<128x64xf32, #tpu.memory_space<vmem>>
          %get3A_777 = arith.index_cast %add3A_702 : i32 to index
          %get3A_778 = arith.constant 0 : index
          %get3A_779 = tpu.vector_load %get3A_776[%get3A_777, %get3A_778] {strides = array<i32>} : memref<128x64xf32, #tpu.memory_space<vmem>>, vector<16xf32>,
          %scatter3A_780 = arith.constant 1 : i32
          %scatter3A_781 = arith.constant 1 : i32
          %scatter3A_782 = arith.constant 0 : i32
          %scatter3A_783 = arith.constant 0 : i32
          %scatter3A_784 = arith.constant 0 : i32
          %scatter3A_785 = tpu.memref_slice %arg7[%scatter3A_780, %scatter3A_781, %scatter3A_782, %scatter3A_783, %scatter3A_784] : memref<3x2x8x8x129xf32, #tpu.memory_space<vmem>> -> memref<1x1x8x8x129xf32, #tpu.memory_space<vmem>>
          %scatter3A_786 = tpu.memref_squeeze %scatter3A_785 : memref<1x1x8x8x129xf32, #tpu.memory_space<vmem>> -> memref<8x8x129xf32, #tpu.memory_space<vmem>>
          tpu.vector_store_idx %scatter3A_786[%add3A_25, %select_n3A_147, %add3A_706], %get3A_779 : memref<8x8x129xf32, #tpu.memory_space<vmem>>[vector<16xi32>, vector<16xi32>, vector<16xi32>], vector<16xf32>,
          %get3A_787 = arith.constant 1 : i32
          %get3A_788 = arith.constant 1 : i32
          %get3A_789 = arith.constant 0 : i32
          %get3A_790 = arith.constant 0 : i32
          %get3A_791 = tpu.memref_slice %arg6[%get3A_787, %get3A_788, %get3A_789, %get3A_790] : memref<3x2x128x64xf32, #tpu.memory_space<vmem>> -> memref<1x1x128x64xf32, #tpu.memory_space<vmem>>
          %get3A_792 = tpu.memref_squeeze %get3A_791 : memref<1x1x128x64xf32, #tpu.memory_space<vmem>> -> memref<128x64xf32, #tpu.memory_space<vmem>>
          %get3A_793 = arith.index_cast %add3A_702 : i32 to index
          %get3A_794 = arith.constant 16 : index
          %get3A_795 = tpu.vector_load %get3A_792[%get3A_793, %get3A_794] {strides = array<i32>} : memref<128x64xf32, #tpu.memory_space<vmem>>, vector<16xf32>,
          %scatter3A_796 = arith.constant 1 : i32
          %scatter3A_797 = arith.constant 1 : i32
          %scatter3A_798 = arith.constant 0 : i32
          %scatter3A_799 = arith.constant 0 : i32
          %scatter3A_800 = arith.constant 0 : i32
          %scatter3A_801 = tpu.memref_slice %arg7[%scatter3A_796, %scatter3A_797, %scatter3A_798, %scatter3A_799, %scatter3A_800] : memref<3x2x8x8x129xf32, #tpu.memory_space<vmem>> -> memref<1x1x8x8x129xf32, #tpu.memory_space<vmem>>
          %scatter3A_802 = tpu.memref_squeeze %scatter3A_801 : memref<1x1x8x8x129xf32, #tpu.memory_space<vmem>> -> memref<8x8x129xf32, #tpu.memory_space<vmem>>
          tpu.vector_store_idx %scatter3A_802[%add3A_59, %select_n3A_147, %add3A_706], %get3A_795 : memref<8x8x129xf32, #tpu.memory_space<vmem>>[vector<16xi32>, vector<16xi32>, vector<16xi32>], vector<16xf32>,
          %get3A_803 = arith.constant 1 : i32
          %get3A_804 = arith.constant 1 : i32
          %get3A_805 = arith.constant 0 : i32
          %get3A_806 = arith.constant 0 : i32
          %get3A_807 = tpu.memref_slice %arg6[%get3A_803, %get3A_804, %get3A_805, %get3A_806] : memref<3x2x128x64xf32, #tpu.memory_space<vmem>> -> memref<1x1x128x64xf32, #tpu.memory_space<vmem>>
          %get3A_808 = tpu.memref_squeeze %get3A_807 : memref<1x1x128x64xf32, #tpu.memory_space<vmem>> -> memref<128x64xf32, #tpu.memory_space<vmem>>
          %get3A_809 = arith.index_cast %add3A_702 : i32 to index
          %get3A_810 = arith.constant 32 : index
          %get3A_811 = tpu.vector_load %get3A_808[%get3A_809, %get3A_810] {strides = array<i32>} : memref<128x64xf32, #tpu.memory_space<vmem>>, vector<16xf32>,
          %scatter3A_812 = arith.constant 1 : i32
          %scatter3A_813 = arith.constant 1 : i32
          %scatter3A_814 = arith.constant 0 : i32
          %scatter3A_815 = arith.constant 0 : i32
          %scatter3A_816 = arith.constant 0 : i32
          %scatter3A_817 = tpu.memref_slice %arg7[%scatter3A_812, %scatter3A_813, %scatter3A_814, %scatter3A_815, %scatter3A_816] : memref<3x2x8x8x129xf32, #tpu.memory_space<vmem>> -> memref<1x1x8x8x129xf32, #tpu.memory_space<vmem>>
          %scatter3A_818 = tpu.memref_squeeze %scatter3A_817 : memref<1x1x8x8x129xf32, #tpu.memory_space<vmem>> -> memref<8x8x129xf32, #tpu.memory_space<vmem>>
          tpu.vector_store_idx %scatter3A_818[%add3A_93, %select_n3A_147, %add3A_706], %get3A_811 : memref<8x8x129xf32, #tpu.memory_space<vmem>>[vector<16xi32>, vector<16xi32>, vector<16xi32>], vector<16xf32>,
          %get3A_819 = arith.constant 1 : i32
          %get3A_820 = arith.constant 1 : i32
          %get3A_821 = arith.constant 0 : i32
          %get3A_822 = arith.constant 0 : i32
          %get3A_823 = tpu.memref_slice %arg6[%get3A_819, %get3A_820, %get3A_821, %get3A_822] : memref<3x2x128x64xf32, #tpu.memory_space<vmem>> -> memref<1x1x128x64xf32, #tpu.memory_space<vmem>>
          %get3A_824 = tpu.memref_squeeze %get3A_823 : memref<1x1x128x64xf32, #tpu.memory_space<vmem>> -> memref<128x64xf32, #tpu.memory_space<vmem>>
          %get3A_825 = arith.index_cast %add3A_702 : i32 to index
          %get3A_826 = arith.constant 48 : index
          %get3A_827 = tpu.vector_load %get3A_824[%get3A_825, %get3A_826] {strides = array<i32>} : memref<128x64xf32, #tpu.memory_space<vmem>>, vector<16xf32>,
          %scatter3A_828 = arith.constant 1 : i32
          %scatter3A_829 = arith.constant 1 : i32
          %scatter3A_830 = arith.constant 0 : i32
          %scatter3A_831 = arith.constant 0 : i32
          %scatter3A_832 = arith.constant 0 : i32
          %scatter3A_833 = tpu.memref_slice %arg7[%scatter3A_828, %scatter3A_829, %scatter3A_830, %scatter3A_831, %scatter3A_832] : memref<3x2x8x8x129xf32, #tpu.memory_space<vmem>> -> memref<1x1x8x8x129xf32, #tpu.memory_space<vmem>>
          %scatter3A_834 = tpu.memref_squeeze %scatter3A_833 : memref<1x1x8x8x129xf32, #tpu.memory_space<vmem>> -> memref<8x8x129xf32, #tpu.memory_space<vmem>>
          tpu.vector_store_idx %scatter3A_834[%add3A_127, %select_n3A_147, %add3A_706], %get3A_827 : memref<8x8x129xf32, #tpu.memory_space<vmem>>[vector<16xi32>, vector<16xi32>, vector<16xi32>], vector<16xf32>,
          %mul3A_835 = arith.constant 4 : i32
          %mul3A_836 = arith.muli %scan3A_564, %mul3A_835 : i32
          %add3A_837 = arith.constant 2 : i32
          %add3A_838 = arith.addi %mul3A_836, %add3A_837 : i32
          %broadcast_in_dim3A_839 = arith.constant 0 : i32
          %broadcast_in_dim3A_840 = vector.broadcast %broadcast_in_dim3A_839 : i32 to vector<16xi32>
          %add3A_841 = vector.broadcast %add3A_838 : i32 to vector<16xi32>
          %add3A_842 = arith.addi %broadcast_in_dim3A_840, %add3A_841 : vector<16xi32>
          %get3A_843 = arith.constant 1 : i32
          %get3A_844 = arith.constant 0 : i32
          %get3A_845 = arith.constant 0 : i32
          %get3A_846 = arith.constant 0 : i32
          %get3A_847 = tpu.memref_slice %arg6[%get3A_843, %get3A_844, %get3A_845, %get3A_846] : memref<3x2x128x64xf32, #tpu.memory_space<vmem>> -> memref<1x1x128x64xf32, #tpu.memory_space<vmem>>
          %get3A_848 = tpu.memref_squeeze %get3A_847 : memref<1x1x128x64xf32, #tpu.memory_space<vmem>> -> memref<128x64xf32, #tpu.memory_space<vmem>>
          %get3A_849 = arith.index_cast %add3A_838 : i32 to index
          %get3A_850 = arith.constant 0 : index
          %get3A_851 = tpu.vector_load %get3A_848[%get3A_849, %get3A_850] {strides = array<i32>} : memref<128x64xf32, #tpu.memory_space<vmem>>, vector<16xf32>,
          %scatter3A_852 = arith.constant 1 : i32
          %scatter3A_853 = arith.constant 0 : i32
          %scatter3A_854 = arith.constant 0 : i32
          %scatter3A_855 = arith.constant 0 : i32
          %scatter3A_856 = arith.constant 0 : i32
          %scatter3A_857 = tpu.memref_slice %arg7[%scatter3A_852, %scatter3A_853, %scatter3A_854, %scatter3A_855, %scatter3A_856] : memref<3x2x8x8x129xf32, #tpu.memory_space<vmem>> -> memref<1x1x8x8x129xf32, #tpu.memory_space<vmem>>
          %scatter3A_858 = tpu.memref_squeeze %scatter3A_857 : memref<1x1x8x8x129xf32, #tpu.memory_space<vmem>> -> memref<8x8x129xf32, #tpu.memory_space<vmem>>
          tpu.vector_store_idx %scatter3A_858[%add3A_25, %select_n3A_147, %add3A_842], %get3A_851 : memref<8x8x129xf32, #tpu.memory_space<vmem>>[vector<16xi32>, vector<16xi32>, vector<16xi32>], vector<16xf32>,
          %get3A_859 = arith.constant 1 : i32
          %get3A_860 = arith.constant 0 : i32
          %get3A_861 = arith.constant 0 : i32
          %get3A_862 = arith.constant 0 : i32
          %get3A_863 = tpu.memref_slice %arg6[%get3A_859, %get3A_860, %get3A_861, %get3A_862] : memref<3x2x128x64xf32, #tpu.memory_space<vmem>> -> memref<1x1x128x64xf32, #tpu.memory_space<vmem>>
          %get3A_864 = tpu.memref_squeeze %get3A_863 : memref<1x1x128x64xf32, #tpu.memory_space<vmem>> -> memref<128x64xf32, #tpu.memory_space<vmem>>
          %get3A_865 = arith.index_cast %add3A_838 : i32 to index
          %get3A_866 = arith.constant 16 : index
          %get3A_867 = tpu.vector_load %get3A_864[%get3A_865, %get3A_866] {strides = array<i32>} : memref<128x64xf32, #tpu.memory_space<vmem>>, vector<16xf32>,
          %scatter3A_868 = arith.constant 1 : i32
          %scatter3A_869 = arith.constant 0 : i32
          %scatter3A_870 = arith.constant 0 : i32
          %scatter3A_871 = arith.constant 0 : i32
          %scatter3A_872 = arith.constant 0 : i32
          %scatter3A_873 = tpu.memref_slice %arg7[%scatter3A_868, %scatter3A_869, %scatter3A_870, %scatter3A_871, %scatter3A_872] : memref<3x2x8x8x129xf32, #tpu.memory_space<vmem>> -> memref<1x1x8x8x129xf32, #tpu.memory_space<vmem>>
          %scatter3A_874 = tpu.memref_squeeze %scatter3A_873 : memref<1x1x8x8x129xf32, #tpu.memory_space<vmem>> -> memref<8x8x129xf32, #tpu.memory_space<vmem>>
          tpu.vector_store_idx %scatter3A_874[%add3A_59, %select_n3A_147, %add3A_842], %get3A_867 : memref<8x8x129xf32, #tpu.memory_space<vmem>>[vector<16xi32>, vector<16xi32>, vector<16xi32>], vector<16xf32>,
          %get3A_875 = arith.constant 1 : i32
          %get3A_876 = arith.constant 0 : i32
          %get3A_877 = arith.constant 0 : i32
          %get3A_878 = arith.constant 0 : i32
          %get3A_879 = tpu.memref_slice %arg6[%get3A_875, %get3A_876, %get3A_877, %get3A_878] : memref<3x2x128x64xf32, #tpu.memory_space<vmem>> -> memref<1x1x128x64xf32, #tpu.memory_space<vmem>>
          %get3A_880 = tpu.memref_squeeze %get3A_879 : memref<1x1x128x64xf32, #tpu.memory_space<vmem>> -> memref<128x64xf32, #tpu.memory_space<vmem>>
          %get3A_881 = arith.index_cast %add3A_838 : i32 to index
          %get3A_882 = arith.constant 32 : index
          %get3A_883 = tpu.vector_load %get3A_880[%get3A_881, %get3A_882] {strides = array<i32>} : memref<128x64xf32, #tpu.memory_space<vmem>>, vector<16xf32>,
          %scatter3A_884 = arith.constant 1 : i32
          %scatter3A_885 = arith.constant 0 : i32
          %scatter3A_886 = arith.constant 0 : i32
          %scatter3A_887 = arith.constant 0 : i32
          %scatter3A_888 = arith.constant 0 : i32
          %scatter3A_889 = tpu.memref_slice %arg7[%scatter3A_884, %scatter3A_885, %scatter3A_886, %scatter3A_887, %scatter3A_888] : memref<3x2x8x8x129xf32, #tpu.memory_space<vmem>> -> memref<1x1x8x8x129xf32, #tpu.memory_space<vmem>>
          %scatter3A_890 = tpu.memref_squeeze %scatter3A_889 : memref<1x1x8x8x129xf32, #tpu.memory_space<vmem>> -> memref<8x8x129xf32, #tpu.memory_space<vmem>>
          tpu.vector_store_idx %scatter3A_890[%add3A_93, %select_n3A_147, %add3A_842], %get3A_883 : memref<8x8x129xf32, #tpu.memory_space<vmem>>[vector<16xi32>, vector<16xi32>, vector<16xi32>], vector<16xf32>,
          %get3A_891 = arith.constant 1 : i32
          %get3A_892 = arith.constant 0 : i32
          %get3A_893 = arith.constant 0 : i32
          %get3A_894 = arith.constant 0 : i32
          %get3A_895 = tpu.memref_slice %arg6[%get3A_891, %get3A_892, %get3A_893, %get3A_894] : memref<3x2x128x64xf32, #tpu.memory_space<vmem>> -> memref<1x1x128x64xf32, #tpu.memory_space<vmem>>
          %get3A_896 = tpu.memref_squeeze %get3A_895 : memref<1x1x128x64xf32, #tpu.memory_space<vmem>> -> memref<128x64xf32, #tpu.memory_space<vmem>>
          %get3A_897 = arith.index_cast %add3A_838 : i32 to index
          %get3A_898 = arith.constant 48 : index
          %get3A_899 = tpu.vector_load %get3A_896[%get3A_897, %get3A_898] {strides = array<i32>} : memref<128x64xf32, #tpu.memory_space<vmem>>, vector<16xf32>,
          %scatter3A_900 = arith.constant 1 : i32
          %scatter3A_901 = arith.constant 0 : i32
          %scatter3A_902 = arith.constant 0 : i32
          %scatter3A_903 = arith.constant 0 : i32
          %scatter3A_904 = arith.constant 0 : i32
          %scatter3A_905 = tpu.memref_slice %arg7[%scatter3A_900, %scatter3A_901, %scatter3A_902, %scatter3A_903, %scatter3A_904] : memref<3x2x8x8x129xf32, #tpu.memory_space<vmem>> -> memref<1x1x8x8x129xf32, #tpu.memory_space<vmem>>
          %scatter3A_906 = tpu.memref_squeeze %scatter3A_905 : memref<1x1x8x8x129xf32, #tpu.memory_space<vmem>> -> memref<8x8x129xf32, #tpu.memory_space<vmem>>
          tpu.vector_store_idx %scatter3A_906[%add3A_127, %select_n3A_147, %add3A_842], %get3A_899 : memref<8x8x129xf32, #tpu.memory_space<vmem>>[vector<16xi32>, vector<16xi32>, vector<16xi32>], vector<16xf32>,
          %get3A_907 = arith.constant 1 : i32
          %get3A_908 = arith.constant 1 : i32
          %get3A_909 = arith.constant 0 : i32
          %get3A_910 = arith.constant 0 : i32
          %get3A_911 = tpu.memref_slice %arg6[%get3A_907, %get3A_908, %get3A_909, %get3A_910] : memref<3x2x128x64xf32, #tpu.memory_space<vmem>> -> memref<1x1x128x64xf32, #tpu.memory_space<vmem>>
          %get3A_912 = tpu.memref_squeeze %get3A_911 : memref<1x1x128x64xf32, #tpu.memory_space<vmem>> -> memref<128x64xf32, #tpu.memory_space<vmem>>
          %get3A_913 = arith.index_cast %add3A_838 : i32 to index
          %get3A_914 = arith.constant 0 : index
          %get3A_915 = tpu.vector_load %get3A_912[%get3A_913, %get3A_914] {strides = array<i32>} : memref<128x64xf32, #tpu.memory_space<vmem>>, vector<16xf32>,
          %scatter3A_916 = arith.constant 1 : i32
          %scatter3A_917 = arith.constant 1 : i32
          %scatter3A_918 = arith.constant 0 : i32
          %scatter3A_919 = arith.constant 0 : i32
          %scatter3A_920 = arith.constant 0 : i32
          %scatter3A_921 = tpu.memref_slice %arg7[%scatter3A_916, %scatter3A_917, %scatter3A_918, %scatter3A_919, %scatter3A_920] : memref<3x2x8x8x129xf32, #tpu.memory_space<vmem>> -> memref<1x1x8x8x129xf32, #tpu.memory_space<vmem>>
          %scatter3A_922 = tpu.memref_squeeze %scatter3A_921 : memref<1x1x8x8x129xf32, #tpu.memory_space<vmem>> -> memref<8x8x129xf32, #tpu.memory_space<vmem>>
          tpu.vector_store_idx %scatter3A_922[%add3A_25, %select_n3A_147, %add3A_842], %get3A_915 : memref<8x8x129xf32, #tpu.memory_space<vmem>>[vector<16xi32>, vector<16xi32>, vector<16xi32>], vector<16xf32>,
          %get3A_923 = arith.constant 1 : i32
          %get3A_924 = arith.constant 1 : i32
          %get3A_925 = arith.constant 0 : i32
          %get3A_926 = arith.constant 0 : i32
          %get3A_927 = tpu.memref_slice %arg6[%get3A_923, %get3A_924, %get3A_925, %get3A_926] : memref<3x2x128x64xf32, #tpu.memory_space<vmem>> -> memref<1x1x128x64xf32, #tpu.memory_space<vmem>>
          %get3A_928 = tpu.memref_squeeze %get3A_927 : memref<1x1x128x64xf32, #tpu.memory_space<vmem>> -> memref<128x64xf32, #tpu.memory_space<vmem>>
          %get3A_929 = arith.index_cast %add3A_838 : i32 to index
          %get3A_930 = arith.constant 16 : index
          %get3A_931 = tpu.vector_load %get3A_928[%get3A_929, %get3A_930] {strides = array<i32>} : memref<128x64xf32, #tpu.memory_space<vmem>>, vector<16xf32>,
          %scatter3A_932 = arith.constant 1 : i32
          %scatter3A_933 = arith.constant 1 : i32
          %scatter3A_934 = arith.constant 0 : i32
          %scatter3A_935 = arith.constant 0 : i32
          %scatter3A_936 = arith.constant 0 : i32
          %scatter3A_937 = tpu.memref_slice %arg7[%scatter3A_932, %scatter3A_933, %scatter3A_934, %scatter3A_935, %scatter3A_936] : memref<3x2x8x8x129xf32, #tpu.memory_space<vmem>> -> memref<1x1x8x8x129xf32, #tpu.memory_space<vmem>>
          %scatter3A_938 = tpu.memref_squeeze %scatter3A_937 : memref<1x1x8x8x129xf32, #tpu.memory_space<vmem>> -> memref<8x8x129xf32, #tpu.memory_space<vmem>>
          tpu.vector_store_idx %scatter3A_938[%add3A_59, %select_n3A_147, %add3A_842], %get3A_931 : memref<8x8x129xf32, #tpu.memory_space<vmem>>[vector<16xi32>, vector<16xi32>, vector<16xi32>], vector<16xf32>,
          %get3A_939 = arith.constant 1 : i32
          %get3A_940 = arith.constant 1 : i32
          %get3A_941 = arith.constant 0 : i32
          %get3A_942 = arith.constant 0 : i32
          %get3A_943 = tpu.memref_slice %arg6[%get3A_939, %get3A_940, %get3A_941, %get3A_942] : memref<3x2x128x64xf32, #tpu.memory_space<vmem>> -> memref<1x1x128x64xf32, #tpu.memory_space<vmem>>
          %get3A_944 = tpu.memref_squeeze %get3A_943 : memref<1x1x128x64xf32, #tpu.memory_space<vmem>> -> memref<128x64xf32, #tpu.memory_space<vmem>>
          %get3A_945 = arith.index_cast %add3A_838 : i32 to index
          %get3A_946 = arith.constant 32 : index
          %get3A_947 = tpu.vector_load %get3A_944[%get3A_945, %get3A_946] {strides = array<i32>} : memref<128x64xf32, #tpu.memory_space<vmem>>, vector<16xf32>,
          %scatter3A_948 = arith.constant 1 : i32
          %scatter3A_949 = arith.constant 1 : i32
          %scatter3A_950 = arith.constant 0 : i32
          %scatter3A_951 = arith.constant 0 : i32
          %scatter3A_952 = arith.constant 0 : i32
          %scatter3A_953 = tpu.memref_slice %arg7[%scatter3A_948, %scatter3A_949, %scatter3A_950, %scatter3A_951, %scatter3A_952] : memref<3x2x8x8x129xf32, #tpu.memory_space<vmem>> -> memref<1x1x8x8x129xf32, #tpu.memory_space<vmem>>
          %scatter3A_954 = tpu.memref_squeeze %scatter3A_953 : memref<1x1x8x8x129xf32, #tpu.memory_space<vmem>> -> memref<8x8x129xf32, #tpu.memory_space<vmem>>
          tpu.vector_store_idx %scatter3A_954[%add3A_93, %select_n3A_147, %add3A_842], %get3A_947 : memref<8x8x129xf32, #tpu.memory_space<vmem>>[vector<16xi32>, vector<16xi32>, vector<16xi32>], vector<16xf32>,
          %get3A_955 = arith.constant 1 : i32
          %get3A_956 = arith.constant 1 : i32
          %get3A_957 = arith.constant 0 : i32
          %get3A_958 = arith.constant 0 : i32
          %get3A_959 = tpu.memref_slice %arg6[%get3A_955, %get3A_956, %get3A_957, %get3A_958] : memref<3x2x128x64xf32, #tpu.memory_space<vmem>> -> memref<1x1x128x64xf32, #tpu.memory_space<vmem>>
          %get3A_960 = tpu.memref_squeeze %get3A_959 : memref<1x1x128x64xf32, #tpu.memory_space<vmem>> -> memref<128x64xf32, #tpu.memory_space<vmem>>
          %get3A_961 = arith.index_cast %add3A_838 : i32 to index
          %get3A_962 = arith.constant 48 : index
          %get3A_963 = tpu.vector_load %get3A_960[%get3A_961, %get3A_962] {strides = array<i32>} : memref<128x64xf32, #tpu.memory_space<vmem>>, vector<16xf32>,
          %scatter3A_964 = arith.constant 1 : i32
          %scatter3A_965 = arith.constant 1 : i32
          %scatter3A_966 = arith.constant 0 : i32
          %scatter3A_967 = arith.constant 0 : i32
          %scatter3A_968 = arith.constant 0 : i32
          %scatter3A_969 = tpu.memref_slice %arg7[%scatter3A_964, %scatter3A_965, %scatter3A_966, %scatter3A_967, %scatter3A_968] : memref<3x2x8x8x129xf32, #tpu.memory_space<vmem>> -> memref<1x1x8x8x129xf32, #tpu.memory_space<vmem>>
          %scatter3A_970 = tpu.memref_squeeze %scatter3A_969 : memref<1x1x8x8x129xf32, #tpu.memory_space<vmem>> -> memref<8x8x129xf32, #tpu.memory_space<vmem>>
          tpu.vector_store_idx %scatter3A_970[%add3A_127, %select_n3A_147, %add3A_842], %get3A_963 : memref<8x8x129xf32, #tpu.memory_space<vmem>>[vector<16xi32>, vector<16xi32>, vector<16xi32>], vector<16xf32>,
          %mul3A_971 = arith.constant 4 : i32
          %mul3A_972 = arith.muli %scan3A_564, %mul3A_971 : i32
          %add3A_973 = arith.constant 3 : i32
          %add3A_974 = arith.addi %mul3A_972, %add3A_973 : i32
          %broadcast_in_dim3A_975 = arith.constant 0 : i32
          %broadcast_in_dim3A_976 = vector.broadcast %broadcast_in_dim3A_975 : i32 to vector<16xi32>
          %add3A_977 = vector.broadcast %add3A_974 : i32 to vector<16xi32>
          %add3A_978 = arith.addi %broadcast_in_dim3A_976, %add3A_977 : vector<16xi32>
          %get3A_979 = arith.constant 1 : i32
          %get3A_980 = arith.constant 0 : i32
          %get3A_981 = arith.constant 0 : i32
          %get3A_982 = arith.constant 0 : i32
          %get3A_983 = tpu.memref_slice %arg6[%get3A_979, %get3A_980, %get3A_981, %get3A_982] : memref<3x2x128x64xf32, #tpu.memory_space<vmem>> -> memref<1x1x128x64xf32, #tpu.memory_space<vmem>>
          %get3A_984 = tpu.memref_squeeze %get3A_983 : memref<1x1x128x64xf32, #tpu.memory_space<vmem>> -> memref<128x64xf32, #tpu.memory_space<vmem>>
          %get3A_985 = arith.index_cast %add3A_974 : i32 to index
          %get3A_986 = arith.constant 0 : index
          %get3A_987 = tpu.vector_load %get3A_984[%get3A_985, %get3A_986] {strides = array<i32>} : memref<128x64xf32, #tpu.memory_space<vmem>>, vector<16xf32>,
          %scatter3A_988 = arith.constant 1 : i32
          %scatter3A_989 = arith.constant 0 : i32
          %scatter3A_990 = arith.constant 0 : i32
          %scatter3A_991 = arith.constant 0 : i32
          %scatter3A_992 = arith.constant 0 : i32
          %scatter3A_993 = tpu.memref_slice %arg7[%scatter3A_988, %scatter3A_989, %scatter3A_990, %scatter3A_991, %scatter3A_992] : memref<3x2x8x8x129xf32, #tpu.memory_space<vmem>> -> memref<1x1x8x8x129xf32, #tpu.memory_space<vmem>>
          %scatter3A_994 = tpu.memref_squeeze %scatter3A_993 : memref<1x1x8x8x129xf32, #tpu.memory_space<vmem>> -> memref<8x8x129xf32, #tpu.memory_space<vmem>>
          tpu.vector_store_idx %scatter3A_994[%add3A_25, %select_n3A_147, %add3A_978], %get3A_987 : memref<8x8x129xf32, #tpu.memory_space<vmem>>[vector<16xi32>, vector<16xi32>, vector<16xi32>], vector<16xf32>,
          %get3A_995 = arith.constant 1 : i32
          %get3A_996 = arith.constant 0 : i32
          %get3A_997 = arith.constant 0 : i32
          %get3A_998 = arith.constant 0 : i32
          %get3A_999 = tpu.memref_slice %arg6[%get3A_995, %get3A_996, %get3A_997, %get3A_998] : memref<3x2x128x64xf32, #tpu.memory_space<vmem>> -> memref<1x1x128x64xf32, #tpu.memory_space<vmem>>
          %get3A_1000 = tpu.memref_squeeze %get3A_999 : memref<1x1x128x64xf32, #tpu.memory_space<vmem>> -> memref<128x64xf32, #tpu.memory_space<vmem>>
          %get3A_1001 = arith.index_cast %add3A_974 : i32 to index
          %get3A_1002 = arith.constant 16 : index
          %get3A_1003 = tpu.vector_load %get3A_1000[%get3A_1001, %get3A_1002] {strides = array<i32>} : memref<128x64xf32, #tpu.memory_space<vmem>>, vector<16xf32>,
          %scatter3A_1004 = arith.constant 1 : i32
          %scatter3A_1005 = arith.constant 0 : i32
          %scatter3A_1006 = arith.constant 0 : i32
          %scatter3A_1007 = arith.constant 0 : i32
          %scatter3A_1008 = arith.constant 0 : i32
          %scatter3A_1009 = tpu.memref_slice %arg7[%scatter3A_1004, %scatter3A_1005, %scatter3A_1006, %scatter3A_1007, %scatter3A_1008] : memref<3x2x8x8x129xf32, #tpu.memory_space<vmem>> -> memref<1x1x8x8x129xf32, #tpu.memory_space<vmem>>
          %scatter3A_1010 = tpu.memref_squeeze %scatter3A_1009 : memref<1x1x8x8x129xf32, #tpu.memory_space<vmem>> -> memref<8x8x129xf32, #tpu.memory_space<vmem>>
          tpu.vector_store_idx %scatter3A_1010[%add3A_59, %select_n3A_147, %add3A_978], %get3A_1003 : memref<8x8x129xf32, #tpu.memory_space<vmem>>[vector<16xi32>, vector<16xi32>, vector<16xi32>], vector<16xf32>,
          %get3A_1011 = arith.constant 1 : i32
          %get3A_1012 = arith.constant 0 : i32
          %get3A_1013 = arith.constant 0 : i32
          %get3A_1014 = arith.constant 0 : i32
          %get3A_1015 = tpu.memref_slice %arg6[%get3A_1011, %get3A_1012, %get3A_1013, %get3A_1014] : memref<3x2x128x64xf32, #tpu.memory_space<vmem>> -> memref<1x1x128x64xf32, #tpu.memory_space<vmem>>
          %get3A_1016 = tpu.memref_squeeze %get3A_1015 : memref<1x1x128x64xf32, #tpu.memory_space<vmem>> -> memref<128x64xf32, #tpu.memory_space<vmem>>
          %get3A_1017 = arith.index_cast %add3A_974 : i32 to index
          %get3A_1018 = arith.constant 32 : index
          %get3A_1019 = tpu.vector_load %get3A_1016[%get3A_1017, %get3A_1018] {strides = array<i32>} : memref<128x64xf32, #tpu.memory_space<vmem>>, vector<16xf32>,
          %scatter3A_1020 = arith.constant 1 : i32
          %scatter3A_1021 = arith.constant 0 : i32
          %scatter3A_1022 = arith.constant 0 : i32
          %scatter3A_1023 = arith.constant 0 : i32
          %scatter3A_1024 = arith.constant 0 : i32
          %scatter3A_1025 = tpu.memref_slice %arg7[%scatter3A_1020, %scatter3A_1021, %scatter3A_1022, %scatter3A_1023, %scatter3A_1024] : memref<3x2x8x8x129xf32, #tpu.memory_space<vmem>> -> memref<1x1x8x8x129xf32, #tpu.memory_space<vmem>>
          %scatter3A_1026 = tpu.memref_squeeze %scatter3A_1025 : memref<1x1x8x8x129xf32, #tpu.memory_space<vmem>> -> memref<8x8x129xf32, #tpu.memory_space<vmem>>
          tpu.vector_store_idx %scatter3A_1026[%add3A_93, %select_n3A_147, %add3A_978], %get3A_1019 : memref<8x8x129xf32, #tpu.memory_space<vmem>>[vector<16xi32>, vector<16xi32>, vector<16xi32>], vector<16xf32>,
          %get3A_1027 = arith.constant 1 : i32
          %get3A_1028 = arith.constant 0 : i32
          %get3A_1029 = arith.constant 0 : i32
          %get3A_1030 = arith.constant 0 : i32
          %get3A_1031 = tpu.memref_slice %arg6[%get3A_1027, %get3A_1028, %get3A_1029, %get3A_1030] : memref<3x2x128x64xf32, #tpu.memory_space<vmem>> -> memref<1x1x128x64xf32, #tpu.memory_space<vmem>>
          %get3A_1032 = tpu.memref_squeeze %get3A_1031 : memref<1x1x128x64xf32, #tpu.memory_space<vmem>> -> memref<128x64xf32, #tpu.memory_space<vmem>>
          %get3A_1033 = arith.index_cast %add3A_974 : i32 to index
          %get3A_1034 = arith.constant 48 : index
          %get3A_1035 = tpu.vector_load %get3A_1032[%get3A_1033, %get3A_1034] {strides = array<i32>} : memref<128x64xf32, #tpu.memory_space<vmem>>, vector<16xf32>,
          %scatter3A_1036 = arith.constant 1 : i32
          %scatter3A_1037 = arith.constant 0 : i32
          %scatter3A_1038 = arith.constant 0 : i32
          %scatter3A_1039 = arith.constant 0 : i32
          %scatter3A_1040 = arith.constant 0 : i32
          %scatter3A_1041 = tpu.memref_slice %arg7[%scatter3A_1036, %scatter3A_1037, %scatter3A_1038, %scatter3A_1039, %scatter3A_1040] : memref<3x2x8x8x129xf32, #tpu.memory_space<vmem>> -> memref<1x1x8x8x129xf32, #tpu.memory_space<vmem>>
          %scatter3A_1042 = tpu.memref_squeeze %scatter3A_1041 : memref<1x1x8x8x129xf32, #tpu.memory_space<vmem>> -> memref<8x8x129xf32, #tpu.memory_space<vmem>>
          tpu.vector_store_idx %scatter3A_1042[%add3A_127, %select_n3A_147, %add3A_978], %get3A_1035 : memref<8x8x129xf32, #tpu.memory_space<vmem>>[vector<16xi32>, vector<16xi32>, vector<16xi32>], vector<16xf32>,
          %get3A_1043 = arith.constant 1 : i32
          %get3A_1044 = arith.constant 1 : i32
          %get3A_1045 = arith.constant 0 : i32
          %get3A_1046 = arith.constant 0 : i32
          %get3A_1047 = tpu.memref_slice %arg6[%get3A_1043, %get3A_1044, %get3A_1045, %get3A_1046] : memref<3x2x128x64xf32, #tpu.memory_space<vmem>> -> memref<1x1x128x64xf32, #tpu.memory_space<vmem>>
          %get3A_1048 = tpu.memref_squeeze %get3A_1047 : memref<1x1x128x64xf32, #tpu.memory_space<vmem>> -> memref<128x64xf32, #tpu.memory_space<vmem>>
          %get3A_1049 = arith.index_cast %add3A_974 : i32 to index
          %get3A_1050 = arith.constant 0 : index
          %get3A_1051 = tpu.vector_load %get3A_1048[%get3A_1049, %get3A_1050] {strides = array<i32>} : memref<128x64xf32, #tpu.memory_space<vmem>>, vector<16xf32>,
          %scatter3A_1052 = arith.constant 1 : i32
          %scatter3A_1053 = arith.constant 1 : i32
          %scatter3A_1054 = arith.constant 0 : i32
          %scatter3A_1055 = arith.constant 0 : i32
          %scatter3A_1056 = arith.constant 0 : i32
          %scatter3A_1057 = tpu.memref_slice %arg7[%scatter3A_1052, %scatter3A_1053, %scatter3A_1054, %scatter3A_1055, %scatter3A_1056] : memref<3x2x8x8x129xf32, #tpu.memory_space<vmem>> -> memref<1x1x8x8x129xf32, #tpu.memory_space<vmem>>
          %scatter3A_1058 = tpu.memref_squeeze %scatter3A_1057 : memref<1x1x8x8x129xf32, #tpu.memory_space<vmem>> -> memref<8x8x129xf32, #tpu.memory_space<vmem>>
          tpu.vector_store_idx %scatter3A_1058[%add3A_25, %select_n3A_147, %add3A_978], %get3A_1051 : memref<8x8x129xf32, #tpu.memory_space<vmem>>[vector<16xi32>, vector<16xi32>, vector<16xi32>], vector<16xf32>,
          %get3A_1059 = arith.constant 1 : i32
          %get3A_1060 = arith.constant 1 : i32
          %get3A_1061 = arith.constant 0 : i32
          %get3A_1062 = arith.constant 0 : i32
          %get3A_1063 = tpu.memref_slice %arg6[%get3A_1059, %get3A_1060, %get3A_1061, %get3A_1062] : memref<3x2x128x64xf32, #tpu.memory_space<vmem>> -> memref<1x1x128x64xf32, #tpu.memory_space<vmem>>
          %get3A_1064 = tpu.memref_squeeze %get3A_1063 : memref<1x1x128x64xf32, #tpu.memory_space<vmem>> -> memref<128x64xf32, #tpu.memory_space<vmem>>
          %get3A_1065 = arith.index_cast %add3A_974 : i32 to index
          %get3A_1066 = arith.constant 16 : index
          %get3A_1067 = tpu.vector_load %get3A_1064[%get3A_1065, %get3A_1066] {strides = array<i32>} : memref<128x64xf32, #tpu.memory_space<vmem>>, vector<16xf32>,
          %scatter3A_1068 = arith.constant 1 : i32
          %scatter3A_1069 = arith.constant 1 : i32
          %scatter3A_1070 = arith.constant 0 : i32
          %scatter3A_1071 = arith.constant 0 : i32
          %scatter3A_1072 = arith.constant 0 : i32
          %scatter3A_1073 = tpu.memref_slice %arg7[%scatter3A_1068, %scatter3A_1069, %scatter3A_1070, %scatter3A_1071, %scatter3A_1072] : memref<3x2x8x8x129xf32, #tpu.memory_space<vmem>> -> memref<1x1x8x8x129xf32, #tpu.memory_space<vmem>>
          %scatter3A_1074 = tpu.memref_squeeze %scatter3A_1073 : memref<1x1x8x8x129xf32, #tpu.memory_space<vmem>> -> memref<8x8x129xf32, #tpu.memory_space<vmem>>
          tpu.vector_store_idx %scatter3A_1074[%add3A_59, %select_n3A_147, %add3A_978], %get3A_1067 : memref<8x8x129xf32, #tpu.memory_space<vmem>>[vector<16xi32>, vector<16xi32>, vector<16xi32>], vector<16xf32>,
          %get3A_1075 = arith.constant 1 : i32
          %get3A_1076 = arith.constant 1 : i32
          %get3A_1077 = arith.constant 0 : i32
          %get3A_1078 = arith.constant 0 : i32
          %get3A_1079 = tpu.memref_slice %arg6[%get3A_1075, %get3A_1076, %get3A_1077, %get3A_1078] : memref<3x2x128x64xf32, #tpu.memory_space<vmem>> -> memref<1x1x128x64xf32, #tpu.memory_space<vmem>>
          %get3A_1080 = tpu.memref_squeeze %get3A_1079 : memref<1x1x128x64xf32, #tpu.memory_space<vmem>> -> memref<128x64xf32, #tpu.memory_space<vmem>>
          %get3A_1081 = arith.index_cast %add3A_974 : i32 to index
          %get3A_1082 = arith.constant 32 : index
          %get3A_1083 = tpu.vector_load %get3A_1080[%get3A_1081, %get3A_1082] {strides = array<i32>} : memref<128x64xf32, #tpu.memory_space<vmem>>, vector<16xf32>,
          %scatter3A_1084 = arith.constant 1 : i32
          %scatter3A_1085 = arith.constant 1 : i32
          %scatter3A_1086 = arith.constant 0 : i32
          %scatter3A_1087 = arith.constant 0 : i32
          %scatter3A_1088 = arith.constant 0 : i32
          %scatter3A_1089 = tpu.memref_slice %arg7[%scatter3A_1084, %scatter3A_1085, %scatter3A_1086, %scatter3A_1087, %scatter3A_1088] : memref<3x2x8x8x129xf32, #tpu.memory_space<vmem>> -> memref<1x1x8x8x129xf32, #tpu.memory_space<vmem>>
          %scatter3A_1090 = tpu.memref_squeeze %scatter3A_1089 : memref<1x1x8x8x129xf32, #tpu.memory_space<vmem>> -> memref<8x8x129xf32, #tpu.memory_space<vmem>>
          tpu.vector_store_idx %scatter3A_1090[%add3A_93, %select_n3A_147, %add3A_978], %get3A_1083 : memref<8x8x129xf32, #tpu.memory_space<vmem>>[vector<16xi32>, vector<16xi32>, vector<16xi32>], vector<16xf32>,
          %get3A_1091 = arith.constant 1 : i32
          %get3A_1092 = arith.constant 1 : i32
          %get3A_1093 = arith.constant 0 : i32
          %get3A_1094 = arith.constant 0 : i32
          %get3A_1095 = tpu.memref_slice %arg6[%get3A_1091, %get3A_1092, %get3A_1093, %get3A_1094] : memref<3x2x128x64xf32, #tpu.memory_space<vmem>> -> memref<1x1x128x64xf32, #tpu.memory_space<vmem>>
          %get3A_1096 = tpu.memref_squeeze %get3A_1095 : memref<1x1x128x64xf32, #tpu.memory_space<vmem>> -> memref<128x64xf32, #tpu.memory_space<vmem>>
          %get3A_1097 = arith.index_cast %add3A_974 : i32 to index
          %get3A_1098 = arith.constant 48 : index
          %get3A_1099 = tpu.vector_load %get3A_1096[%get3A_1097, %get3A_1098] {strides = array<i32>} : memref<128x64xf32, #tpu.memory_space<vmem>>, vector<16xf32>,
          %scatter3A_1100 = arith.constant 1 : i32
          %scatter3A_1101 = arith.constant 1 : i32
          %scatter3A_1102 = arith.constant 0 : i32
          %scatter3A_1103 = arith.constant 0 : i32
          %scatter3A_1104 = arith.constant 0 : i32
          %scatter3A_1105 = tpu.memref_slice %arg7[%scatter3A_1100, %scatter3A_1101, %scatter3A_1102, %scatter3A_1103, %scatter3A_1104] : memref<3x2x8x8x129xf32, #tpu.memory_space<vmem>> -> memref<1x1x8x8x129xf32, #tpu.memory_space<vmem>>
          %scatter3A_1106 = tpu.memref_squeeze %scatter3A_1105 : memref<1x1x8x8x129xf32, #tpu.memory_space<vmem>> -> memref<8x8x129xf32, #tpu.memory_space<vmem>>
          tpu.vector_store_idx %scatter3A_1106[%add3A_127, %select_n3A_147, %add3A_978], %get3A_1099 : memref<8x8x129xf32, #tpu.memory_space<vmem>>[vector<16xi32>, vector<16xi32>, vector<16xi32>], vector<16xf32>,
        }
        %scan3A_464 = arith.constant 32 : i32
        %jit3A_465 = arith.constant 2 : i32
        %div3A_466 = arith.divsi %add3A_397, %jit3A_465 : i32
        %sign3A_467 = arith.constant 0 : i32
        %sign3A_468 = arith.cmpi sgt, %add3A_397, %sign3A_467 : i32
        %sign3A_469 = arith.extui %sign3A_468 : i1 to i32
        %sign3A_470 = arith.constant 0 : i32
        %sign3A_471 = arith.cmpi slt, %add3A_397, %sign3A_470 : i32
        %sign3A_472 = arith.extui %sign3A_471 : i1 to i32
        %sign3A_473 = arith.subi %sign3A_469, %sign3A_472 : i32
        %sign3A_474 = arith.constant 0 : i32
        %sign3A_475 = arith.cmpi sgt, %jit3A_465, %sign3A_474 : i32
        %sign3A_476 = arith.extui %sign3A_475 : i1 to i32
        %sign3A_477 = arith.constant 0 : i32
        %sign3A_478 = arith.cmpi slt, %jit3A_465, %sign3A_477 : i32
        %sign3A_479 = arith.extui %sign3A_478 : i1 to i32
        %sign3A_480 = arith.subi %sign3A_476, %sign3A_479 : i32
        %ne3A_481 = arith.cmpi ne, %sign3A_473, %sign3A_480 : i32
        %rem3A_482 = arith.remsi %add3A_397, %jit3A_465 : i32
        %ne3A_483 = arith.constant 0 : i32
        %ne3A_484 = arith.cmpi ne, %rem3A_482, %ne3A_483 : i32
        %and3A_485 = arith.andi %ne3A_481, %ne3A_484 : i1
        %sub3A_486 = arith.constant 1 : i32
        %sub3A_487 = arith.subi %div3A_466, %sub3A_486 : i32
        %select_n3A_488 = arith.select %and3A_485, %sub3A_487, %div3A_466 : i32
        %mul3A_489 = arith.constant 4 : i32
        %mul3A_490 = arith.muli %add3A, %mul3A_489 : i32
        %jit3A_491 = arith.constant 2 : i32
        %eq3A_492 = arith.constant 0 : i32
        %eq3A_493 = arith.cmpi eq, %jit3A_491, %eq3A_492 : i32
        %jit3A_494 = arith.constant 1 : i32
        %select_n3A_495 = arith.select %eq3A_493, %jit3A_494, %jit3A_491 : i32
        %rem3A_496 = arith.remsi %add3A_397, %select_n3A_495 : i32
        %ne3A_497 = arith.constant 0 : i32
        %ne3A_498 = arith.cmpi ne, %rem3A_496, %ne3A_497 : i32
        %lt3A_499 = arith.constant 0 : i32
        %lt3A_500 = arith.cmpi slt, %rem3A_496, %lt3A_499 : i32
        %lt3A_501 = arith.constant 0 : i32
        %lt3A_502 = arith.cmpi slt, %select_n3A_495, %lt3A_501 : i32
        %ne3A_503 = arith.xori %lt3A_500, %lt3A_502 : i1
        %and3A_504 = arith.andi %ne3A_503, %ne3A_498 : i1
        %add3A_505 = arith.addi %rem3A_496, %select_n3A_495 : i32
        %select_n3A_506 = arith.select %and3A_504, %add3A_505, %rem3A_496 : i32
        %mul3A_507 = arith.constant 2 : i32
        %mul3A_508 = arith.muli %select_n3A_506, %mul3A_507 : i32
        %add3A_509 = arith.addi %mul3A_490, %mul3A_508 : i32
        %add3A_510 = arith.constant 0 : i32
        %add3A_511 = arith.addi %add3A_509, %add3A_510 : i32
        %dma_start3A_512 = arith.constant 1 : i32
        %dma_start3A_513 = arith.constant 0 : i32
        %dma_start3A_514 = arith.constant 1 : i32
        %dma_start3A_515 = arith.constant 0 : i32
        %dma_start3A_516 = arith.constant 0 : i32
        %dma_start3A_517 = arith.constant 0 : i32
        %dma_start3A_518 = tpu.memref_slice %arg7[%dma_start3A_512, %dma_start3A_513, %dma_start3A_515, %dma_start3A_516, %dma_start3A_517] : memref<3x2x8x8x129xf32, #tpu.memory_space<vmem>> -> memref<1x1x8x8x128xf32, #tpu.memory_space<vmem>>
        %dma_start3A_519 = tpu.memref_squeeze %dma_start3A_518 : memref<1x1x8x8x128xf32, #tpu.memory_space<vmem>> -> memref<8x8x128xf32, #tpu.memory_space<vmem>>
        %dma_start3A_520 = arith.constant 0 : i32
        %dma_start3A_521 = arith.constant 0 : i32
        %dma_start3A_522 = arith.constant 0 : i32
        %dma_start3A_523 = tpu.memref_slice %arg4[%select_n3A_488, %dma_start3A_520, %add3A_511, %dma_start3A_521, %dma_start3A_522] : memref<50x8x128x8x128xf32, #tpu.memory_space<hbm>> -> memref<1x8x1x8x128xf32, #tpu.memory_space<hbm>>
        %dma_start3A_524 = tpu.memref_squeeze %dma_start3A_523 : memref<1x8x1x8x128xf32, #tpu.memory_space<hbm>> -> memref<8x8x128xf32, #tpu.memory_space<hbm>>
        %dma_start3A_525 = tpu.memref_slice %arg9[%dma_start3A_514] : memref<3x!tpu.dma_semaphore, #tpu.memory_space<semaphore_mem>> -> memref<1x!tpu.dma_semaphore, #tpu.memory_space<semaphore_mem>>
        %dma_start3A_526 = tpu.memref_squeeze %dma_start3A_525 : memref<1x!tpu.dma_semaphore, #tpu.memory_space<semaphore_mem>> -> memref<!tpu.dma_semaphore, #tpu.memory_space<semaphore_mem>>
        %dma_start3A_527 = arith.constant 0 : i32
        %dma_start3A_528 = arith.constant 0 : i32
        %dma_start3A_529 = arith.constant 0 : i32
        %dma_start3A_530 = tpu.memref_slice %arg4[%select_n3A_488, %dma_start3A_527, %add3A_511, %dma_start3A_528, %dma_start3A_529] : memref<50x8x128x8x128xf32, #tpu.memory_space<hbm>> -> memref<1x8x1x8x128xf32, #tpu.memory_space<hbm>>
        %dma_start3A_531 = tpu.memref_squeeze %dma_start3A_530 : memref<1x8x1x8x128xf32, #tpu.memory_space<hbm>> -> memref<8x8x128xf32, #tpu.memory_space<hbm>>
        %dma_start3A_532 = arith.constant 0 : i32
        %dma_start3A_533 = arith.constant 0 : i32
        %dma_start3A_534 = arith.constant 0 : i32
        %dma_start3A_535 = tpu.memref_slice %arg7[%dma_start3A_512, %dma_start3A_513, %dma_start3A_532, %dma_start3A_533, %dma_start3A_534] : memref<3x2x8x8x129xf32, #tpu.memory_space<vmem>> -> memref<1x1x8x8x128xf32, #tpu.memory_space<vmem>>
        %dma_start3A_536 = tpu.memref_squeeze %dma_start3A_535 : memref<1x1x8x8x128xf32, #tpu.memory_space<vmem>> -> memref<8x8x128xf32, #tpu.memory_space<vmem>>
        tpu.enqueue_dma source(%dma_start3A_536 : memref<8x8x128xf32, #tpu.memory_space<vmem>>) target(%dma_start3A_531 : memref<8x8x128xf32, #tpu.memory_space<hbm>>) target_semaphore(%dma_start3A_526 : memref<!tpu.dma_semaphore, #tpu.memory_space<semaphore_mem>>)
        %add3A_537 = arith.constant 1 : i32
        %add3A_538 = arith.addi %add3A_509, %add3A_537 : i32
        %dma_start3A_539 = arith.constant 1 : i32
        %dma_start3A_540 = arith.constant 1 : i32
        %dma_start3A_541 = arith.constant 1 : i32
        %dma_start3A_542 = arith.constant 0 : i32
        %dma_start3A_543 = arith.constant 0 : i32
        %dma_start3A_544 = arith.constant 0 : i32
        %dma_start3A_545 = tpu.memref_slice %arg7[%dma_start3A_539, %dma_start3A_540, %dma_start3A_542, %dma_start3A_543, %dma_start3A_544] : memref<3x2x8x8x129xf32, #tpu.memory_space<vmem>> -> memref<1x1x8x8x128xf32, #tpu.memory_space<vmem>>
        %dma_start3A_546 = tpu.memref_squeeze %dma_start3A_545 : memref<1x1x8x8x128xf32, #tpu.memory_space<vmem>> -> memref<8x8x128xf32, #tpu.memory_space<vmem>>
        %dma_start3A_547 = arith.constant 0 : i32
        %dma_start3A_548 = arith.constant 0 : i32
        %dma_start3A_549 = arith.constant 0 : i32
        %dma_start3A_550 = tpu.memref_slice %arg4[%select_n3A_488, %dma_start3A_547, %add3A_538, %dma_start3A_548, %dma_start3A_549] : memref<50x8x128x8x128xf32, #tpu.memory_space<hbm>> -> memref<1x8x1x8x128xf32, #tpu.memory_space<hbm>>
        %dma_start3A_551 = tpu.memref_squeeze %dma_start3A_550 : memref<1x8x1x8x128xf32, #tpu.memory_space<hbm>> -> memref<8x8x128xf32, #tpu.memory_space<hbm>>
        %dma_start3A_552 = tpu.memref_slice %arg9[%dma_start3A_541] : memref<3x!tpu.dma_semaphore, #tpu.memory_space<semaphore_mem>> -> memref<1x!tpu.dma_semaphore, #tpu.memory_space<semaphore_mem>>
        %dma_start3A_553 = tpu.memref_squeeze %dma_start3A_552 : memref<1x!tpu.dma_semaphore, #tpu.memory_space<semaphore_mem>> -> memref<!tpu.dma_semaphore, #tpu.memory_space<semaphore_mem>>
        %dma_start3A_554 = arith.constant 0 : i32
        %dma_start3A_555 = arith.constant 0 : i32
        %dma_start3A_556 = arith.constant 0 : i32
        %dma_start3A_557 = tpu.memref_slice %arg4[%select_n3A_488, %dma_start3A_554, %add3A_538, %dma_start3A_555, %dma_start3A_556] : memref<50x8x128x8x128xf32, #tpu.memory_space<hbm>> -> memref<1x8x1x8x128xf32, #tpu.memory_space<hbm>>
        %dma_start3A_558 = tpu.memref_squeeze %dma_start3A_557 : memref<1x8x1x8x128xf32, #tpu.memory_space<hbm>> -> memref<8x8x128xf32, #tpu.memory_space<hbm>>
        %dma_start3A_559 = arith.constant 0 : i32
        %dma_start3A_560 = arith.constant 0 : i32
        %dma_start3A_561 = arith.constant 0 : i32
        %dma_start3A_562 = tpu.memref_slice %arg7[%dma_start3A_539, %dma_start3A_540, %dma_start3A_559, %dma_start3A_560, %dma_start3A_561] : memref<3x2x8x8x129xf32, #tpu.memory_space<vmem>> -> memref<1x1x8x8x128xf32, #tpu.memory_space<vmem>>
        %dma_start3A_563 = tpu.memref_squeeze %dma_start3A_562 : memref<1x1x8x8x128xf32, #tpu.memory_space<vmem>> -> memref<8x8x128xf32, #tpu.memory_space<vmem>>
        tpu.enqueue_dma source(%dma_start3A_563 : memref<8x8x128xf32, #tpu.memory_space<vmem>>) target(%dma_start3A_558 : memref<8x8x128xf32, #tpu.memory_space<hbm>>) target_semaphore(%dma_start3A_553 : memref<!tpu.dma_semaphore, #tpu.memory_space<semaphore_mem>>)
      } else {
      }
      %mul3A_403 = arith.constant 3 : i32
      %mul3A_404 = arith.muli %scan3A_387, %mul3A_403 : i32
      %add3A_405 = arith.constant 2 : i32
      %add3A_406 = arith.addi %mul3A_404, %add3A_405 : i32
      %le3A_407 = arith.constant 99 : i32
      %le3A_408 = arith.cmpi sle, %add3A_406, %le3A_407 : i32
      %convert_element_type3A_409 = arith.extui %le3A_408 : i1 to i32
      %cond3A_410 = arith.constant 0 : i32
      %cond3A_411 = arith.cmpi ne, %convert_element_type3A_409, %cond3A_410 : i32
      scf.if %cond3A_411 {
        %add3A_412 = arith.constant 2 : i32
        %add3A_413 = arith.addi %add3A_406, %add3A_412 : i32
        %le3A_414 = arith.constant 99 : i32
        %le3A_415 = arith.cmpi sle, %add3A_413, %le3A_414 : i32
        %convert_element_type3A_416 = arith.extui %le3A_415 : i1 to i32
        %cond3A_417 = arith.constant 0 : i32
        %cond3A_418 = arith.cmpi ne, %convert_element_type3A_416, %cond3A_417 : i32
        scf.if %cond3A_418 {
          %add3A_564 = arith.constant 2 : i32
          %add3A_565 = arith.addi %add3A_406, %add3A_564 : i32
          %jit3A_566 = arith.constant 2 : i32
          %div3A_567 = arith.divsi %add3A_565, %jit3A_566 : i32
          %sign3A_568 = arith.constant 0 : i32
          %sign3A_569 = arith.cmpi sgt, %add3A_565, %sign3A_568 : i32
          %sign3A_570 = arith.extui %sign3A_569 : i1 to i32
          %sign3A_571 = arith.constant 0 : i32
          %sign3A_572 = arith.cmpi slt, %add3A_565, %sign3A_571 : i32
          %sign3A_573 = arith.extui %sign3A_572 : i1 to i32
          %sign3A_574 = arith.subi %sign3A_570, %sign3A_573 : i32
          %sign3A_575 = arith.constant 0 : i32
          %sign3A_576 = arith.cmpi sgt, %jit3A_566, %sign3A_575 : i32
          %sign3A_577 = arith.extui %sign3A_576 : i1 to i32
          %sign3A_578 = arith.constant 0 : i32
          %sign3A_579 = arith.cmpi slt, %jit3A_566, %sign3A_578 : i32
          %sign3A_580 = arith.extui %sign3A_579 : i1 to i32
          %sign3A_581 = arith.subi %sign3A_577, %sign3A_580 : i32
          %ne3A_582 = arith.cmpi ne, %sign3A_574, %sign3A_581 : i32
          %rem3A_583 = arith.remsi %add3A_565, %jit3A_566 : i32
          %ne3A_584 = arith.constant 0 : i32
          %ne3A_585 = arith.cmpi ne, %rem3A_583, %ne3A_584 : i32
          %and3A_586 = arith.andi %ne3A_582, %ne3A_585 : i1
          %sub3A_587 = arith.constant 1 : i32
          %sub3A_588 = arith.subi %div3A_567, %sub3A_587 : i32
          %select_n3A_589 = arith.select %and3A_586, %sub3A_588, %div3A_567 : i32
          %jit3A_590 = arith.constant 2 : i32
          %eq3A_591 = arith.constant 0 : i32
          %eq3A_592 = arith.cmpi eq, %jit3A_590, %eq3A_591 : i32
          %jit3A_593 = arith.constant 1 : i32
          %select_n3A_594 = arith.select %eq3A_592, %jit3A_593, %jit3A_590 : i32
          %rem3A_595 = arith.remsi %add3A_565, %select_n3A_594 : i32
          %ne3A_596 = arith.constant 0 : i32
          %ne3A_597 = arith.cmpi ne, %rem3A_595, %ne3A_596 : i32
          %lt3A_598 = arith.constant 0 : i32
          %lt3A_599 = arith.cmpi slt, %rem3A_595, %lt3A_598 : i32
          %lt3A_600 = arith.constant 0 : i32
          %lt3A_601 = arith.cmpi slt, %select_n3A_594, %lt3A_600 : i32
          %ne3A_602 = arith.xori %lt3A_599, %lt3A_601 : i1
          %and3A_603 = arith.andi %ne3A_602, %ne3A_597 : i1
          %add3A_604 = arith.addi %rem3A_595, %select_n3A_594 : i32
          %select_n3A_605 = arith.select %and3A_603, %add3A_604, %rem3A_595 : i32
          %mul3A_606 = arith.constant 2 : i32
          %mul3A_607 = arith.muli %select_n3A_605, %mul3A_606 : i32
          %jit3A_608 = arith.constant 8 : i32
          %div3A_609 = arith.divsi %select_n3A_589, %jit3A_608 : i32
          %sign3A_610 = arith.constant 0 : i32
          %sign3A_611 = arith.cmpi sgt, %select_n3A_589, %sign3A_610 : i32
          %sign3A_612 = arith.extui %sign3A_611 : i1 to i32
          %sign3A_613 = arith.constant 0 : i32
          %sign3A_614 = arith.cmpi slt, %select_n3A_589, %sign3A_613 : i32
          %sign3A_615 = arith.extui %sign3A_614 : i1 to i32
          %sign3A_616 = arith.subi %sign3A_612, %sign3A_615 : i32
          %sign3A_617 = arith.constant 0 : i32
          %sign3A_618 = arith.cmpi sgt, %jit3A_608, %sign3A_617 : i32
          %sign3A_619 = arith.extui %sign3A_618 : i1 to i32
          %sign3A_620 = arith.constant 0 : i32
          %sign3A_621 = arith.cmpi slt, %jit3A_608, %sign3A_620 : i32
          %sign3A_622 = arith.extui %sign3A_621 : i1 to i32
          %sign3A_623 = arith.subi %sign3A_619, %sign3A_622 : i32
          %ne3A_624 = arith.cmpi ne, %sign3A_616, %sign3A_623 : i32
          %rem3A_625 = arith.remsi %select_n3A_589, %jit3A_608 : i32
          %ne3A_626 = arith.constant 0 : i32
          %ne3A_627 = arith.cmpi ne, %rem3A_625, %ne3A_626 : i32
          %and3A_628 = arith.andi %ne3A_624, %ne3A_627 : i1
          %sub3A_629 = arith.constant 1 : i32
          %sub3A_630 = arith.subi %div3A_609, %sub3A_629 : i32
          %select_n3A_631 = arith.select %and3A_628, %sub3A_630, %div3A_609 : i32
          %add3A_632 = arith.constant 0 : i32
          %add3A_633 = arith.addi %mul3A_607, %add3A_632 : i32
          %jit3A_634 = arith.constant 8 : i32
          %eq3A_635 = arith.constant 0 : i32
          %eq3A_636 = arith.cmpi eq, %jit3A_634, %eq3A_635 : i32
          %jit3A_637 = arith.constant 1 : i32
          %select_n3A_638 = arith.select %eq3A_636, %jit3A_637, %jit3A_634 : i32
          %rem3A_639 = arith.remsi %select_n3A_589, %select_n3A_638 : i32
          %ne3A_640 = arith.constant 0 : i32
          %ne3A_641 = arith.cmpi ne, %rem3A_639, %ne3A_640 : i32
          %lt3A_642 = arith.constant 0 : i32
          %lt3A_643 = arith.cmpi slt, %rem3A_639, %lt3A_642 : i32
          %lt3A_644 = arith.constant 0 : i32
          %lt3A_645 = arith.cmpi slt, %select_n3A_638, %lt3A_644 : i32
          %ne3A_646 = arith.xori %lt3A_643, %lt3A_645 : i1
          %and3A_647 = arith.andi %ne3A_646, %ne3A_641 : i1
          %add3A_648 = arith.addi %rem3A_639, %select_n3A_638 : i32
          %select_n3A_649 = arith.select %and3A_647, %add3A_648, %rem3A_639 : i32
          %dma_start3A_650 = arith.constant 1 : i32
          %dma_start3A_651 = arith.constant 0 : i32
          %dma_start3A_652 = arith.constant 1 : i32
          %dma_start3A_653 = arith.constant 0 : i32
          %dma_start3A_654 = arith.constant 0 : i32
          %dma_start3A_655 = tpu.memref_slice %arg6[%dma_start3A_650, %dma_start3A_651, %dma_start3A_653, %dma_start3A_654] : memref<3x2x128x64xf32, #tpu.memory_space<vmem>> -> memref<1x1x128x64xf32, #tpu.memory_space<vmem>>
          %dma_start3A_656 = tpu.memref_squeeze %dma_start3A_655 : memref<1x1x128x64xf32, #tpu.memory_space<vmem>> -> memref<128x64xf32, #tpu.memory_space<vmem>>
          %dma_start3A_657 = arith.constant 0 : i32
          %dma_start3A_658 = tpu.memref_slice %arg5[%select_n3A_631, %add3A_633, %select_n3A_649, %dma_start3A_657] : memref<7x4x8x128xi32, #tpu.memory_space<vmem>> -> memref<1x1x1x128xi32, #tpu.memory_space<vmem>>
          %dma_start3A_659 = tpu.memref_squeeze %dma_start3A_658 : memref<1x1x1x128xi32, #tpu.memory_space<vmem>> -> memref<128xi32, #tpu.memory_space<vmem>>
          %dma_start3A_660 = arith.constant 0 : i32
          %dma_start3A_661 = arith.constant 0 : i32
          %dma_start3A_662 = tpu.memref_slice %arg3[%dma_start3A_660, %dma_start3A_661] : memref<1000000x64xf32, #tpu.memory_space<hbm>> -> memref<1000000x64xf32, #tpu.memory_space<hbm>>
          %dma_start3A_663 = tpu.memref_slice %arg8[%dma_start3A_652] : memref<3x!tpu.dma_semaphore, #tpu.memory_space<semaphore_mem>> -> memref<1x!tpu.dma_semaphore, #tpu.memory_space<semaphore_mem>>
          %dma_start3A_664 = tpu.memref_squeeze %dma_start3A_663 : memref<1x!tpu.dma_semaphore, #tpu.memory_space<semaphore_mem>> -> memref<!tpu.dma_semaphore, #tpu.memory_space<semaphore_mem>>
          tpu.enqueue_indirect_dma source(%dma_start3A_662 : memref<1000000x64xf32, #tpu.memory_space<hbm>>) target(%dma_start3A_656 : memref<128x64xf32, #tpu.memory_space<vmem>>) offsets(%dma_start3A_659 : memref<128xi32, #tpu.memory_space<vmem>>) semaphore(%dma_start3A_664 : memref<!tpu.dma_semaphore, #tpu.memory_space<semaphore_mem>>)
          %jit3A_665 = arith.constant 8 : i32
          %div3A_666 = arith.divsi %select_n3A_589, %jit3A_665 : i32
          %sign3A_667 = arith.constant 0 : i32
          %sign3A_668 = arith.cmpi sgt, %select_n3A_589, %sign3A_667 : i32
          %sign3A_669 = arith.extui %sign3A_668 : i1 to i32
          %sign3A_670 = arith.constant 0 : i32
          %sign3A_671 = arith.cmpi slt, %select_n3A_589, %sign3A_670 : i32
          %sign3A_672 = arith.extui %sign3A_671 : i1 to i32
          %sign3A_673 = arith.subi %sign3A_669, %sign3A_672 : i32
          %sign3A_674 = arith.constant 0 : i32
          %sign3A_675 = arith.cmpi sgt, %jit3A_665, %sign3A_674 : i32
          %sign3A_676 = arith.extui %sign3A_675 : i1 to i32
          %sign3A_677 = arith.constant 0 : i32
          %sign3A_678 = arith.cmpi slt, %jit3A_665, %sign3A_677 : i32
          %sign3A_679 = arith.extui %sign3A_678 : i1 to i32
          %sign3A_680 = arith.subi %sign3A_676, %sign3A_679 : i32
          %ne3A_681 = arith.cmpi ne, %sign3A_673, %sign3A_680 : i32
          %rem3A_682 = arith.remsi %select_n3A_589, %jit3A_665 : i32
          %ne3A_683 = arith.constant 0 : i32
          %ne3A_684 = arith.cmpi ne, %rem3A_682, %ne3A_683 : i32
          %and3A_685 = arith.andi %ne3A_681, %ne3A_684 : i1
          %sub3A_686 = arith.constant 1 : i32
          %sub3A_687 = arith.subi %div3A_666, %sub3A_686 : i32
          %select_n3A_688 = arith.select %and3A_685, %sub3A_687, %div3A_666 : i32
          %add3A_689 = arith.constant 1 : i32
          %add3A_690 = arith.addi %mul3A_607, %add3A_689 : i32
          %jit3A_691 = arith.constant 8 : i32
          %eq3A_692 = arith.constant 0 : i32
          %eq3A_693 = arith.cmpi eq, %jit3A_691, %eq3A_692 : i32
          %jit3A_694 = arith.constant 1 : i32
          %select_n3A_695 = arith.select %eq3A_693, %jit3A_694, %jit3A_691 : i32
          %rem3A_696 = arith.remsi %select_n3A_589, %select_n3A_695 : i32
          %ne3A_697 = arith.constant 0 : i32
          %ne3A_698 = arith.cmpi ne, %rem3A_696, %ne3A_697 : i32
          %lt3A_699 = arith.constant 0 : i32
          %lt3A_700 = arith.cmpi slt, %rem3A_696, %lt3A_699 : i32
          %lt3A_701 = arith.constant 0 : i32
          %lt3A_702 = arith.cmpi slt, %select_n3A_695, %lt3A_701 : i32
          %ne3A_703 = arith.xori %lt3A_700, %lt3A_702 : i1
          %and3A_704 = arith.andi %ne3A_703, %ne3A_698 : i1
          %add3A_705 = arith.addi %rem3A_696, %select_n3A_695 : i32
          %select_n3A_706 = arith.select %and3A_704, %add3A_705, %rem3A_696 : i32
          %dma_start3A_707 = arith.constant 1 : i32
          %dma_start3A_708 = arith.constant 1 : i32
          %dma_start3A_709 = arith.constant 1 : i32
          %dma_start3A_710 = arith.constant 0 : i32
          %dma_start3A_711 = arith.constant 0 : i32
          %dma_start3A_712 = tpu.memref_slice %arg6[%dma_start3A_707, %dma_start3A_708, %dma_start3A_710, %dma_start3A_711] : memref<3x2x128x64xf32, #tpu.memory_space<vmem>> -> memref<1x1x128x64xf32, #tpu.memory_space<vmem>>
          %dma_start3A_713 = tpu.memref_squeeze %dma_start3A_712 : memref<1x1x128x64xf32, #tpu.memory_space<vmem>> -> memref<128x64xf32, #tpu.memory_space<vmem>>
          %dma_start3A_714 = arith.constant 0 : i32
          %dma_start3A_715 = tpu.memref_slice %arg5[%select_n3A_688, %add3A_690, %select_n3A_706, %dma_start3A_714] : memref<7x4x8x128xi32, #tpu.memory_space<vmem>> -> memref<1x1x1x128xi32, #tpu.memory_space<vmem>>
          %dma_start3A_716 = tpu.memref_squeeze %dma_start3A_715 : memref<1x1x1x128xi32, #tpu.memory_space<vmem>> -> memref<128xi32, #tpu.memory_space<vmem>>
          %dma_start3A_717 = arith.constant 0 : i32
          %dma_start3A_718 = arith.constant 0 : i32
          %dma_start3A_719 = tpu.memref_slice %arg3[%dma_start3A_717, %dma_start3A_718] : memref<1000000x64xf32, #tpu.memory_space<hbm>> -> memref<1000000x64xf32, #tpu.memory_space<hbm>>
          %dma_start3A_720 = tpu.memref_slice %arg8[%dma_start3A_709] : memref<3x!tpu.dma_semaphore, #tpu.memory_space<semaphore_mem>> -> memref<1x!tpu.dma_semaphore, #tpu.memory_space<semaphore_mem>>
          %dma_start3A_721 = tpu.memref_squeeze %dma_start3A_720 : memref<1x!tpu.dma_semaphore, #tpu.memory_space<semaphore_mem>> -> memref<!tpu.dma_semaphore, #tpu.memory_space<semaphore_mem>>
          tpu.enqueue_indirect_dma source(%dma_start3A_719 : memref<1000000x64xf32, #tpu.memory_space<hbm>>) target(%dma_start3A_713 : memref<128x64xf32, #tpu.memory_space<vmem>>) offsets(%dma_start3A_716 : memref<128xi32, #tpu.memory_space<vmem>>) semaphore(%dma_start3A_721 : memref<!tpu.dma_semaphore, #tpu.memory_space<semaphore_mem>>)
        } else {
        }
        %dma_wait3A_419 = arith.constant 0 : i32
        %dma_wait3A_420 = arith.constant 0 : i32
        %dma_wait3A_421 = arith.constant 0 : i32
        %dma_wait3A_422 = arith.constant 2 : i32
        %dma_wait3A_423 = arith.constant 0 : i32
        %dma_wait3A_424 = arith.constant 2 : i32
        %dma_wait3A_425 = arith.constant 0 : i32
        %dma_wait3A_426 = arith.constant 0 : i32
        %dma_wait3A_427 = tpu.memref_slice %arg6[%dma_wait3A_422, %dma_wait3A_423, %dma_wait3A_425, %dma_wait3A_426] : memref<3x2x128x64xf32, #tpu.memory_space<vmem>> -> memref<1x1x128x64xf32, #tpu.memory_space<vmem>>
        %dma_wait3A_428 = tpu.memref_squeeze %dma_wait3A_427 : memref<1x1x128x64xf32, #tpu.memory_space<vmem>> -> memref<128x64xf32, #tpu.memory_space<vmem>>
        %dma_wait3A_429 = arith.constant 0 : i32
        %dma_wait3A_430 = tpu.memref_slice %arg5[%dma_wait3A_419, %dma_wait3A_420, %dma_wait3A_421, %dma_wait3A_429] : memref<7x4x8x128xi32, #tpu.memory_space<vmem>> -> memref<1x1x1x128xi32, #tpu.memory_space<vmem>>
        %dma_wait3A_431 = tpu.memref_squeeze %dma_wait3A_430 : memref<1x1x1x128xi32, #tpu.memory_space<vmem>> -> memref<128xi32, #tpu.memory_space<vmem>>
        %dma_wait3A_432 = arith.constant 0 : i32
        %dma_wait3A_433 = arith.constant 0 : i32
        %dma_wait3A_434 = tpu.memref_slice %arg3[%dma_wait3A_432, %dma_wait3A_433] : memref<1000000x64xf32, #tpu.memory_space<hbm>> -> memref<1000000x64xf32, #tpu.memory_space<hbm>>
        %dma_wait3A_435 = tpu.memref_slice %arg8[%dma_wait3A_424] : memref<3x!tpu.dma_semaphore, #tpu.memory_space<semaphore_mem>> -> memref<1x!tpu.dma_semaphore, #tpu.memory_space<semaphore_mem>>
        %dma_wait3A_436 = tpu.memref_squeeze %dma_wait3A_435 : memref<1x!tpu.dma_semaphore, #tpu.memory_space<semaphore_mem>> -> memref<!tpu.dma_semaphore, #tpu.memory_space<semaphore_mem>>
        tpu.wait_indirect_dma semaphore(%dma_wait3A_436 : memref<!tpu.dma_semaphore, #tpu.memory_space<semaphore_mem>>) src(%dma_wait3A_434 : memref<1000000x64xf32, #tpu.memory_space<hbm>>) dst(%dma_wait3A_428 : memref<128x64xf32, #tpu.memory_space<vmem>>)
        %dma_wait3A_437 = arith.constant 0 : i32
        %dma_wait3A_438 = arith.constant 0 : i32
        %dma_wait3A_439 = arith.constant 0 : i32
        %dma_wait3A_440 = arith.constant 2 : i32
        %dma_wait3A_441 = arith.constant 1 : i32
        %dma_wait3A_442 = arith.constant 2 : i32
        %dma_wait3A_443 = arith.constant 0 : i32
        %dma_wait3A_444 = arith.constant 0 : i32
        %dma_wait3A_445 = tpu.memref_slice %arg6[%dma_wait3A_440, %dma_wait3A_441, %dma_wait3A_443, %dma_wait3A_444] : memref<3x2x128x64xf32, #tpu.memory_space<vmem>> -> memref<1x1x128x64xf32, #tpu.memory_space<vmem>>
        %dma_wait3A_446 = tpu.memref_squeeze %dma_wait3A_445 : memref<1x1x128x64xf32, #tpu.memory_space<vmem>> -> memref<128x64xf32, #tpu.memory_space<vmem>>
        %dma_wait3A_447 = arith.constant 0 : i32
        %dma_wait3A_448 = tpu.memref_slice %arg5[%dma_wait3A_437, %dma_wait3A_438, %dma_wait3A_439, %dma_wait3A_447] : memref<7x4x8x128xi32, #tpu.memory_space<vmem>> -> memref<1x1x1x128xi32, #tpu.memory_space<vmem>>
        %dma_wait3A_449 = tpu.memref_squeeze %dma_wait3A_448 : memref<1x1x1x128xi32, #tpu.memory_space<vmem>> -> memref<128xi32, #tpu.memory_space<vmem>>
        %dma_wait3A_450 = arith.constant 0 : i32
        %dma_wait3A_451 = arith.constant 0 : i32
        %dma_wait3A_452 = tpu.memref_slice %arg3[%dma_wait3A_450, %dma_wait3A_451] : memref<1000000x64xf32, #tpu.memory_space<hbm>> -> memref<1000000x64xf32, #tpu.memory_space<hbm>>
        %dma_wait3A_453 = tpu.memref_slice %arg8[%dma_wait3A_442] : memref<3x!tpu.dma_semaphore, #tpu.memory_space<semaphore_mem>> -> memref<1x!tpu.dma_semaphore, #tpu.memory_space<semaphore_mem>>
        %dma_wait3A_454 = tpu.memref_squeeze %dma_wait3A_453 : memref<1x!tpu.dma_semaphore, #tpu.memory_space<semaphore_mem>> -> memref<!tpu.dma_semaphore, #tpu.memory_space<semaphore_mem>>
        tpu.wait_indirect_dma semaphore(%dma_wait3A_454 : memref<!tpu.dma_semaphore, #tpu.memory_space<semaphore_mem>>) src(%dma_wait3A_452 : memref<1000000x64xf32, #tpu.memory_space<hbm>>) dst(%dma_wait3A_446 : memref<128x64xf32, #tpu.memory_space<vmem>>)
        %ge3A = arith.constant 3 : i32
        %ge3A_455 = arith.cmpi sge, %add3A_406, %ge3A : i32
        %convert_element_type3A_456 = arith.extui %ge3A_455 : i1 to i32
        %cond3A_457 = arith.constant 0 : i32
        %cond3A_458 = arith.cmpi ne, %convert_element_type3A_456, %cond3A_457 : i32
        scf.if %cond3A_458 {
          %dma_wait3A_564 = arith.constant 2 : i32
          %dma_wait3A_565 = arith.constant 0 : i32
          %dma_wait3A_566 = arith.constant 0 : i32
          %dma_wait3A_567 = arith.constant 0 : i32
          %dma_wait3A_568 = arith.constant 2 : i32
          %dma_wait3A_569 = arith.constant 0 : i32
          %dma_wait3A_570 = arith.constant 0 : i32
          %dma_wait3A_571 = arith.constant 0 : i32
          %dma_wait3A_572 = tpu.memref_slice %arg7[%dma_wait3A_564, %dma_wait3A_565, %dma_wait3A_569, %dma_wait3A_570, %dma_wait3A_571] : memref<3x2x8x8x129xf32, #tpu.memory_space<vmem>> -> memref<1x1x8x8x128xf32, #tpu.memory_space<vmem>>
          %dma_wait3A_573 = tpu.memref_squeeze %dma_wait3A_572 : memref<1x1x8x8x128xf32, #tpu.memory_space<vmem>> -> memref<8x8x128xf32, #tpu.memory_space<vmem>>
          %dma_wait3A_574 = arith.constant 0 : i32
          %dma_wait3A_575 = arith.constant 0 : i32
          %dma_wait3A_576 = arith.constant 0 : i32
          %dma_wait3A_577 = tpu.memref_slice %arg4[%dma_wait3A_566, %dma_wait3A_574, %dma_wait3A_567, %dma_wait3A_575, %dma_wait3A_576] : memref<50x8x128x8x128xf32, #tpu.memory_space<hbm>> -> memref<1x8x1x8x128xf32, #tpu.memory_space<hbm>>
          %dma_wait3A_578 = tpu.memref_squeeze %dma_wait3A_577 : memref<1x8x1x8x128xf32, #tpu.memory_space<hbm>> -> memref<8x8x128xf32, #tpu.memory_space<hbm>>
          %dma_wait3A_579 = tpu.memref_slice %arg9[%dma_wait3A_568] : memref<3x!tpu.dma_semaphore, #tpu.memory_space<semaphore_mem>> -> memref<1x!tpu.dma_semaphore, #tpu.memory_space<semaphore_mem>>
          %dma_wait3A_580 = tpu.memref_squeeze %dma_wait3A_579 : memref<1x!tpu.dma_semaphore, #tpu.memory_space<semaphore_mem>> -> memref<!tpu.dma_semaphore, #tpu.memory_space<semaphore_mem>>
          %dma_wait3A_581 = arith.constant 0 : i32
          %dma_wait3A_582 = arith.constant 0 : i32
          %dma_wait3A_583 = arith.constant 0 : i32
          %dma_wait3A_584 = tpu.memref_slice %arg4[%dma_wait3A_566, %dma_wait3A_581, %dma_wait3A_567, %dma_wait3A_582, %dma_wait3A_583] : memref<50x8x128x8x128xf32, #tpu.memory_space<hbm>> -> memref<1x8x1x8x128xf32, #tpu.memory_space<hbm>>
          %dma_wait3A_585 = tpu.memref_squeeze %dma_wait3A_584 : memref<1x8x1x8x128xf32, #tpu.memory_space<hbm>> -> memref<8x8x128xf32, #tpu.memory_space<hbm>>
          %dma_wait3A_586 = arith.constant 0 : i32
          %dma_wait3A_587 = arith.constant 0 : i32
          %dma_wait3A_588 = arith.constant 0 : i32
          %dma_wait3A_589 = tpu.memref_slice %arg7[%dma_wait3A_564, %dma_wait3A_565, %dma_wait3A_586, %dma_wait3A_587, %dma_wait3A_588] : memref<3x2x8x8x129xf32, #tpu.memory_space<vmem>> -> memref<1x1x8x8x128xf32, #tpu.memory_space<vmem>>
          %dma_wait3A_590 = tpu.memref_squeeze %dma_wait3A_589 : memref<1x1x8x8x128xf32, #tpu.memory_space<vmem>> -> memref<8x8x128xf32, #tpu.memory_space<vmem>>
          tpu.wait_dma2 semaphore(%dma_wait3A_580 : memref<!tpu.dma_semaphore, #tpu.memory_space<semaphore_mem>>) src(%dma_wait3A_590 : memref<8x8x128xf32, #tpu.memory_space<vmem>>) dst(%dma_wait3A_585 : memref<8x8x128xf32, #tpu.memory_space<hbm>>)
          %dma_wait3A_591 = arith.constant 2 : i32
          %dma_wait3A_592 = arith.constant 1 : i32
          %dma_wait3A_593 = arith.constant 0 : i32
          %dma_wait3A_594 = arith.constant 0 : i32
          %dma_wait3A_595 = arith.constant 2 : i32
          %dma_wait3A_596 = arith.constant 0 : i32
          %dma_wait3A_597 = arith.constant 0 : i32
          %dma_wait3A_598 = arith.constant 0 : i32
          %dma_wait3A_599 = tpu.memref_slice %arg7[%dma_wait3A_591, %dma_wait3A_592, %dma_wait3A_596, %dma_wait3A_597, %dma_wait3A_598] : memref<3x2x8x8x129xf32, #tpu.memory_space<vmem>> -> memref<1x1x8x8x128xf32, #tpu.memory_space<vmem>>
          %dma_wait3A_600 = tpu.memref_squeeze %dma_wait3A_599 : memref<1x1x8x8x128xf32, #tpu.memory_space<vmem>> -> memref<8x8x128xf32, #tpu.memory_space<vmem>>
          %dma_wait3A_601 = arith.constant 0 : i32
          %dma_wait3A_602 = arith.constant 0 : i32
          %dma_wait3A_603 = arith.constant 0 : i32
          %dma_wait3A_604 = tpu.memref_slice %arg4[%dma_wait3A_593, %dma_wait3A_601, %dma_wait3A_594, %dma_wait3A_602, %dma_wait3A_603] : memref<50x8x128x8x128xf32, #tpu.memory_space<hbm>> -> memref<1x8x1x8x128xf32, #tpu.memory_space<hbm>>
          %dma_wait3A_605 = tpu.memref_squeeze %dma_wait3A_604 : memref<1x8x1x8x128xf32, #tpu.memory_space<hbm>> -> memref<8x8x128xf32, #tpu.memory_space<hbm>>
          %dma_wait3A_606 = tpu.memref_slice %arg9[%dma_wait3A_595] : memref<3x!tpu.dma_semaphore, #tpu.memory_space<semaphore_mem>> -> memref<1x!tpu.dma_semaphore, #tpu.memory_space<semaphore_mem>>
          %dma_wait3A_607 = tpu.memref_squeeze %dma_wait3A_606 : memref<1x!tpu.dma_semaphore, #tpu.memory_space<semaphore_mem>> -> memref<!tpu.dma_semaphore, #tpu.memory_space<semaphore_mem>>
          %dma_wait3A_608 = arith.constant 0 : i32
          %dma_wait3A_609 = arith.constant 0 : i32
          %dma_wait3A_610 = arith.constant 0 : i32
          %dma_wait3A_611 = tpu.memref_slice %arg4[%dma_wait3A_593, %dma_wait3A_608, %dma_wait3A_594, %dma_wait3A_609, %dma_wait3A_610] : memref<50x8x128x8x128xf32, #tpu.memory_space<hbm>> -> memref<1x8x1x8x128xf32, #tpu.memory_space<hbm>>
          %dma_wait3A_612 = tpu.memref_squeeze %dma_wait3A_611 : memref<1x8x1x8x128xf32, #tpu.memory_space<hbm>> -> memref<8x8x128xf32, #tpu.memory_space<hbm>>
          %dma_wait3A_613 = arith.constant 0 : i32
          %dma_wait3A_614 = arith.constant 0 : i32
          %dma_wait3A_615 = arith.constant 0 : i32
          %dma_wait3A_616 = tpu.memref_slice %arg7[%dma_wait3A_591, %dma_wait3A_592, %dma_wait3A_613, %dma_wait3A_614, %dma_wait3A_615] : memref<3x2x8x8x129xf32, #tpu.memory_space<vmem>> -> memref<1x1x8x8x128xf32, #tpu.memory_space<vmem>>
          %dma_wait3A_617 = tpu.memref_squeeze %dma_wait3A_616 : memref<1x1x8x8x128xf32, #tpu.memory_space<vmem>> -> memref<8x8x128xf32, #tpu.memory_space<vmem>>
          tpu.wait_dma2 semaphore(%dma_wait3A_607 : memref<!tpu.dma_semaphore, #tpu.memory_space<semaphore_mem>>) src(%dma_wait3A_617 : memref<8x8x128xf32, #tpu.memory_space<vmem>>) dst(%dma_wait3A_612 : memref<8x8x128xf32, #tpu.memory_space<hbm>>)
        } else {
        }
        %scan3A_459 = arith.constant 0 : i32
        %scan3A_460 = arith.constant 0 : i32
        %scan3A_461 = arith.constant 32 : i32
        %scan3A_462 = arith.addi %scan3A_460, %scan3A_461 : i32
        %scan3A_463 = arith.constant 1 : i32
        scf.for %scan3A_564 = %scan3A_460 to %scan3A_462 step %scan3A_463  : i32 {
          %mul3A_565 = arith.constant 4 : i32
          %mul3A_566 = arith.muli %scan3A_564, %mul3A_565 : i32
          %add3A_567 = arith.constant 0 : i32
          %add3A_568 = arith.addi %mul3A_566, %add3A_567 : i32
          %broadcast_in_dim3A_569 = arith.constant 0 : i32
          %broadcast_in_dim3A_570 = vector.broadcast %broadcast_in_dim3A_569 : i32 to vector<16xi32>
          %add3A_571 = vector.broadcast %add3A_568 : i32 to vector<16xi32>
          %add3A_572 = arith.addi %broadcast_in_dim3A_570, %add3A_571 : vector<16xi32>
          %get3A = arith.constant 2 : i32
          %get3A_573 = arith.constant 0 : i32
          %get3A_574 = arith.constant 0 : i32
          %get3A_575 = arith.constant 0 : i32
          %get3A_576 = tpu.memref_slice %arg6[%get3A, %get3A_573, %get3A_574, %get3A_575] : memref<3x2x128x64xf32, #tpu.memory_space<vmem>> -> memref<1x1x128x64xf32, #tpu.memory_space<vmem>>
          %get3A_577 = tpu.memref_squeeze %get3A_576 : memref<1x1x128x64xf32, #tpu.memory_space<vmem>> -> memref<128x64xf32, #tpu.memory_space<vmem>>
          %get3A_578 = arith.index_cast %add3A_568 : i32 to index
          %get3A_579 = arith.constant 0 : index
          %get3A_580 = tpu.vector_load %get3A_577[%get3A_578, %get3A_579] {strides = array<i32>} : memref<128x64xf32, #tpu.memory_space<vmem>>, vector<16xf32>,
          %scatter3A = arith.constant 2 : i32
          %scatter3A_581 = arith.constant 0 : i32
          %scatter3A_582 = arith.constant 0 : i32
          %scatter3A_583 = arith.constant 0 : i32
          %scatter3A_584 = arith.constant 0 : i32
          %scatter3A_585 = tpu.memref_slice %arg7[%scatter3A, %scatter3A_581, %scatter3A_582, %scatter3A_583, %scatter3A_584] : memref<3x2x8x8x129xf32, #tpu.memory_space<vmem>> -> memref<1x1x8x8x129xf32, #tpu.memory_space<vmem>>
          %scatter3A_586 = tpu.memref_squeeze %scatter3A_585 : memref<1x1x8x8x129xf32, #tpu.memory_space<vmem>> -> memref<8x8x129xf32, #tpu.memory_space<vmem>>
          tpu.vector_store_idx %scatter3A_586[%add3A_25, %select_n3A_147, %add3A_572], %get3A_580 : memref<8x8x129xf32, #tpu.memory_space<vmem>>[vector<16xi32>, vector<16xi32>, vector<16xi32>], vector<16xf32>,
          %get3A_587 = arith.constant 2 : i32
          %get3A_588 = arith.constant 0 : i32
          %get3A_589 = arith.constant 0 : i32
          %get3A_590 = arith.constant 0 : i32
          %get3A_591 = tpu.memref_slice %arg6[%get3A_587, %get3A_588, %get3A_589, %get3A_590] : memref<3x2x128x64xf32, #tpu.memory_space<vmem>> -> memref<1x1x128x64xf32, #tpu.memory_space<vmem>>
          %get3A_592 = tpu.memref_squeeze %get3A_591 : memref<1x1x128x64xf32, #tpu.memory_space<vmem>> -> memref<128x64xf32, #tpu.memory_space<vmem>>
          %get3A_593 = arith.index_cast %add3A_568 : i32 to index
          %get3A_594 = arith.constant 16 : index
          %get3A_595 = tpu.vector_load %get3A_592[%get3A_593, %get3A_594] {strides = array<i32>} : memref<128x64xf32, #tpu.memory_space<vmem>>, vector<16xf32>,
          %scatter3A_596 = arith.constant 2 : i32
          %scatter3A_597 = arith.constant 0 : i32
          %scatter3A_598 = arith.constant 0 : i32
          %scatter3A_599 = arith.constant 0 : i32
          %scatter3A_600 = arith.constant 0 : i32
          %scatter3A_601 = tpu.memref_slice %arg7[%scatter3A_596, %scatter3A_597, %scatter3A_598, %scatter3A_599, %scatter3A_600] : memref<3x2x8x8x129xf32, #tpu.memory_space<vmem>> -> memref<1x1x8x8x129xf32, #tpu.memory_space<vmem>>
          %scatter3A_602 = tpu.memref_squeeze %scatter3A_601 : memref<1x1x8x8x129xf32, #tpu.memory_space<vmem>> -> memref<8x8x129xf32, #tpu.memory_space<vmem>>
          tpu.vector_store_idx %scatter3A_602[%add3A_59, %select_n3A_147, %add3A_572], %get3A_595 : memref<8x8x129xf32, #tpu.memory_space<vmem>>[vector<16xi32>, vector<16xi32>, vector<16xi32>], vector<16xf32>,
          %get3A_603 = arith.constant 2 : i32
          %get3A_604 = arith.constant 0 : i32
          %get3A_605 = arith.constant 0 : i32
          %get3A_606 = arith.constant 0 : i32
          %get3A_607 = tpu.memref_slice %arg6[%get3A_603, %get3A_604, %get3A_605, %get3A_606] : memref<3x2x128x64xf32, #tpu.memory_space<vmem>> -> memref<1x1x128x64xf32, #tpu.memory_space<vmem>>
          %get3A_608 = tpu.memref_squeeze %get3A_607 : memref<1x1x128x64xf32, #tpu.memory_space<vmem>> -> memref<128x64xf32, #tpu.memory_space<vmem>>
          %get3A_609 = arith.index_cast %add3A_568 : i32 to index
          %get3A_610 = arith.constant 32 : index
          %get3A_611 = tpu.vector_load %get3A_608[%get3A_609, %get3A_610] {strides = array<i32>} : memref<128x64xf32, #tpu.memory_space<vmem>>, vector<16xf32>,
          %scatter3A_612 = arith.constant 2 : i32
          %scatter3A_613 = arith.constant 0 : i32
          %scatter3A_614 = arith.constant 0 : i32
          %scatter3A_615 = arith.constant 0 : i32
          %scatter3A_616 = arith.constant 0 : i32
          %scatter3A_617 = tpu.memref_slice %arg7[%scatter3A_612, %scatter3A_613, %scatter3A_614, %scatter3A_615, %scatter3A_616] : memref<3x2x8x8x129xf32, #tpu.memory_space<vmem>> -> memref<1x1x8x8x129xf32, #tpu.memory_space<vmem>>
          %scatter3A_618 = tpu.memref_squeeze %scatter3A_617 : memref<1x1x8x8x129xf32, #tpu.memory_space<vmem>> -> memref<8x8x129xf32, #tpu.memory_space<vmem>>
          tpu.vector_store_idx %scatter3A_618[%add3A_93, %select_n3A_147, %add3A_572], %get3A_611 : memref<8x8x129xf32, #tpu.memory_space<vmem>>[vector<16xi32>, vector<16xi32>, vector<16xi32>], vector<16xf32>,
          %get3A_619 = arith.constant 2 : i32
          %get3A_620 = arith.constant 0 : i32
          %get3A_621 = arith.constant 0 : i32
          %get3A_622 = arith.constant 0 : i32
          %get3A_623 = tpu.memref_slice %arg6[%get3A_619, %get3A_620, %get3A_621, %get3A_622] : memref<3x2x128x64xf32, #tpu.memory_space<vmem>> -> memref<1x1x128x64xf32, #tpu.memory_space<vmem>>
          %get3A_624 = tpu.memref_squeeze %get3A_623 : memref<1x1x128x64xf32, #tpu.memory_space<vmem>> -> memref<128x64xf32, #tpu.memory_space<vmem>>
          %get3A_625 = arith.index_cast %add3A_568 : i32 to index
          %get3A_626 = arith.constant 48 : index
          %get3A_627 = tpu.vector_load %get3A_624[%get3A_625, %get3A_626] {strides = array<i32>} : memref<128x64xf32, #tpu.memory_space<vmem>>, vector<16xf32>,
          %scatter3A_628 = arith.constant 2 : i32
          %scatter3A_629 = arith.constant 0 : i32
          %scatter3A_630 = arith.constant 0 : i32
          %scatter3A_631 = arith.constant 0 : i32
          %scatter3A_632 = arith.constant 0 : i32
          %scatter3A_633 = tpu.memref_slice %arg7[%scatter3A_628, %scatter3A_629, %scatter3A_630, %scatter3A_631, %scatter3A_632] : memref<3x2x8x8x129xf32, #tpu.memory_space<vmem>> -> memref<1x1x8x8x129xf32, #tpu.memory_space<vmem>>
          %scatter3A_634 = tpu.memref_squeeze %scatter3A_633 : memref<1x1x8x8x129xf32, #tpu.memory_space<vmem>> -> memref<8x8x129xf32, #tpu.memory_space<vmem>>
          tpu.vector_store_idx %scatter3A_634[%add3A_127, %select_n3A_147, %add3A_572], %get3A_627 : memref<8x8x129xf32, #tpu.memory_space<vmem>>[vector<16xi32>, vector<16xi32>, vector<16xi32>], vector<16xf32>,
          %get3A_635 = arith.constant 2 : i32
          %get3A_636 = arith.constant 1 : i32
          %get3A_637 = arith.constant 0 : i32
          %get3A_638 = arith.constant 0 : i32
          %get3A_639 = tpu.memref_slice %arg6[%get3A_635, %get3A_636, %get3A_637, %get3A_638] : memref<3x2x128x64xf32, #tpu.memory_space<vmem>> -> memref<1x1x128x64xf32, #tpu.memory_space<vmem>>
          %get3A_640 = tpu.memref_squeeze %get3A_639 : memref<1x1x128x64xf32, #tpu.memory_space<vmem>> -> memref<128x64xf32, #tpu.memory_space<vmem>>
          %get3A_641 = arith.index_cast %add3A_568 : i32 to index
          %get3A_642 = arith.constant 0 : index
          %get3A_643 = tpu.vector_load %get3A_640[%get3A_641, %get3A_642] {strides = array<i32>} : memref<128x64xf32, #tpu.memory_space<vmem>>, vector<16xf32>,
          %scatter3A_644 = arith.constant 2 : i32
          %scatter3A_645 = arith.constant 1 : i32
          %scatter3A_646 = arith.constant 0 : i32
          %scatter3A_647 = arith.constant 0 : i32
          %scatter3A_648 = arith.constant 0 : i32
          %scatter3A_649 = tpu.memref_slice %arg7[%scatter3A_644, %scatter3A_645, %scatter3A_646, %scatter3A_647, %scatter3A_648] : memref<3x2x8x8x129xf32, #tpu.memory_space<vmem>> -> memref<1x1x8x8x129xf32, #tpu.memory_space<vmem>>
          %scatter3A_650 = tpu.memref_squeeze %scatter3A_649 : memref<1x1x8x8x129xf32, #tpu.memory_space<vmem>> -> memref<8x8x129xf32, #tpu.memory_space<vmem>>
          tpu.vector_store_idx %scatter3A_650[%add3A_25, %select_n3A_147, %add3A_572], %get3A_643 : memref<8x8x129xf32, #tpu.memory_space<vmem>>[vector<16xi32>, vector<16xi32>, vector<16xi32>], vector<16xf32>,
          %get3A_651 = arith.constant 2 : i32
          %get3A_652 = arith.constant 1 : i32
          %get3A_653 = arith.constant 0 : i32
          %get3A_654 = arith.constant 0 : i32
          %get3A_655 = tpu.memref_slice %arg6[%get3A_651, %get3A_652, %get3A_653, %get3A_654] : memref<3x2x128x64xf32, #tpu.memory_space<vmem>> -> memref<1x1x128x64xf32, #tpu.memory_space<vmem>>
          %get3A_656 = tpu.memref_squeeze %get3A_655 : memref<1x1x128x64xf32, #tpu.memory_space<vmem>> -> memref<128x64xf32, #tpu.memory_space<vmem>>
          %get3A_657 = arith.index_cast %add3A_568 : i32 to index
          %get3A_658 = arith.constant 16 : index
          %get3A_659 = tpu.vector_load %get3A_656[%get3A_657, %get3A_658] {strides = array<i32>} : memref<128x64xf32, #tpu.memory_space<vmem>>, vector<16xf32>,
          %scatter3A_660 = arith.constant 2 : i32
          %scatter3A_661 = arith.constant 1 : i32
          %scatter3A_662 = arith.constant 0 : i32
          %scatter3A_663 = arith.constant 0 : i32
          %scatter3A_664 = arith.constant 0 : i32
          %scatter3A_665 = tpu.memref_slice %arg7[%scatter3A_660, %scatter3A_661, %scatter3A_662, %scatter3A_663, %scatter3A_664] : memref<3x2x8x8x129xf32, #tpu.memory_space<vmem>> -> memref<1x1x8x8x129xf32, #tpu.memory_space<vmem>>
          %scatter3A_666 = tpu.memref_squeeze %scatter3A_665 : memref<1x1x8x8x129xf32, #tpu.memory_space<vmem>> -> memref<8x8x129xf32, #tpu.memory_space<vmem>>
          tpu.vector_store_idx %scatter3A_666[%add3A_59, %select_n3A_147, %add3A_572], %get3A_659 : memref<8x8x129xf32, #tpu.memory_space<vmem>>[vector<16xi32>, vector<16xi32>, vector<16xi32>], vector<16xf32>,
          %get3A_667 = arith.constant 2 : i32
          %get3A_668 = arith.constant 1 : i32
          %get3A_669 = arith.constant 0 : i32
          %get3A_670 = arith.constant 0 : i32
          %get3A_671 = tpu.memref_slice %arg6[%get3A_667, %get3A_668, %get3A_669, %get3A_670] : memref<3x2x128x64xf32, #tpu.memory_space<vmem>> -> memref<1x1x128x64xf32, #tpu.memory_space<vmem>>
          %get3A_672 = tpu.memref_squeeze %get3A_671 : memref<1x1x128x64xf32, #tpu.memory_space<vmem>> -> memref<128x64xf32, #tpu.memory_space<vmem>>
          %get3A_673 = arith.index_cast %add3A_568 : i32 to index
          %get3A_674 = arith.constant 32 : index
          %get3A_675 = tpu.vector_load %get3A_672[%get3A_673, %get3A_674] {strides = array<i32>} : memref<128x64xf32, #tpu.memory_space<vmem>>, vector<16xf32>,
          %scatter3A_676 = arith.constant 2 : i32
          %scatter3A_677 = arith.constant 1 : i32
          %scatter3A_678 = arith.constant 0 : i32
          %scatter3A_679 = arith.constant 0 : i32
          %scatter3A_680 = arith.constant 0 : i32
          %scatter3A_681 = tpu.memref_slice %arg7[%scatter3A_676, %scatter3A_677, %scatter3A_678, %scatter3A_679, %scatter3A_680] : memref<3x2x8x8x129xf32, #tpu.memory_space<vmem>> -> memref<1x1x8x8x129xf32, #tpu.memory_space<vmem>>
          %scatter3A_682 = tpu.memref_squeeze %scatter3A_681 : memref<1x1x8x8x129xf32, #tpu.memory_space<vmem>> -> memref<8x8x129xf32, #tpu.memory_space<vmem>>
          tpu.vector_store_idx %scatter3A_682[%add3A_93, %select_n3A_147, %add3A_572], %get3A_675 : memref<8x8x129xf32, #tpu.memory_space<vmem>>[vector<16xi32>, vector<16xi32>, vector<16xi32>], vector<16xf32>,
          %get3A_683 = arith.constant 2 : i32
          %get3A_684 = arith.constant 1 : i32
          %get3A_685 = arith.constant 0 : i32
          %get3A_686 = arith.constant 0 : i32
          %get3A_687 = tpu.memref_slice %arg6[%get3A_683, %get3A_684, %get3A_685, %get3A_686] : memref<3x2x128x64xf32, #tpu.memory_space<vmem>> -> memref<1x1x128x64xf32, #tpu.memory_space<vmem>>
          %get3A_688 = tpu.memref_squeeze %get3A_687 : memref<1x1x128x64xf32, #tpu.memory_space<vmem>> -> memref<128x64xf32, #tpu.memory_space<vmem>>
          %get3A_689 = arith.index_cast %add3A_568 : i32 to index
          %get3A_690 = arith.constant 48 : index
          %get3A_691 = tpu.vector_load %get3A_688[%get3A_689, %get3A_690] {strides = array<i32>} : memref<128x64xf32, #tpu.memory_space<vmem>>, vector<16xf32>,
          %scatter3A_692 = arith.constant 2 : i32
          %scatter3A_693 = arith.constant 1 : i32
          %scatter3A_694 = arith.constant 0 : i32
          %scatter3A_695 = arith.constant 0 : i32
          %scatter3A_696 = arith.constant 0 : i32
          %scatter3A_697 = tpu.memref_slice %arg7[%scatter3A_692, %scatter3A_693, %scatter3A_694, %scatter3A_695, %scatter3A_696] : memref<3x2x8x8x129xf32, #tpu.memory_space<vmem>> -> memref<1x1x8x8x129xf32, #tpu.memory_space<vmem>>
          %scatter3A_698 = tpu.memref_squeeze %scatter3A_697 : memref<1x1x8x8x129xf32, #tpu.memory_space<vmem>> -> memref<8x8x129xf32, #tpu.memory_space<vmem>>
          tpu.vector_store_idx %scatter3A_698[%add3A_127, %select_n3A_147, %add3A_572], %get3A_691 : memref<8x8x129xf32, #tpu.memory_space<vmem>>[vector<16xi32>, vector<16xi32>, vector<16xi32>], vector<16xf32>,
          %mul3A_699 = arith.constant 4 : i32
          %mul3A_700 = arith.muli %scan3A_564, %mul3A_699 : i32
          %add3A_701 = arith.constant 1 : i32
          %add3A_702 = arith.addi %mul3A_700, %add3A_701 : i32
          %broadcast_in_dim3A_703 = arith.constant 0 : i32
          %broadcast_in_dim3A_704 = vector.broadcast %broadcast_in_dim3A_703 : i32 to vector<16xi32>
          %add3A_705 = vector.broadcast %add3A_702 : i32 to vector<16xi32>
          %add3A_706 = arith.addi %broadcast_in_dim3A_704, %add3A_705 : vector<16xi32>
          %get3A_707 = arith.constant 2 : i32
          %get3A_708 = arith.constant 0 : i32
          %get3A_709 = arith.constant 0 : i32
          %get3A_710 = arith.constant 0 : i32
          %get3A_711 = tpu.memref_slice %arg6[%get3A_707, %get3A_708, %get3A_709, %get3A_710] : memref<3x2x128x64xf32, #tpu.memory_space<vmem>> -> memref<1x1x128x64xf32, #tpu.memory_space<vmem>>
          %get3A_712 = tpu.memref_squeeze %get3A_711 : memref<1x1x128x64xf32, #tpu.memory_space<vmem>> -> memref<128x64xf32, #tpu.memory_space<vmem>>
          %get3A_713 = arith.index_cast %add3A_702 : i32 to index
          %get3A_714 = arith.constant 0 : index
          %get3A_715 = tpu.vector_load %get3A_712[%get3A_713, %get3A_714] {strides = array<i32>} : memref<128x64xf32, #tpu.memory_space<vmem>>, vector<16xf32>,
          %scatter3A_716 = arith.constant 2 : i32
          %scatter3A_717 = arith.constant 0 : i32
          %scatter3A_718 = arith.constant 0 : i32
          %scatter3A_719 = arith.constant 0 : i32
          %scatter3A_720 = arith.constant 0 : i32
          %scatter3A_721 = tpu.memref_slice %arg7[%scatter3A_716, %scatter3A_717, %scatter3A_718, %scatter3A_719, %scatter3A_720] : memref<3x2x8x8x129xf32, #tpu.memory_space<vmem>> -> memref<1x1x8x8x129xf32, #tpu.memory_space<vmem>>
          %scatter3A_722 = tpu.memref_squeeze %scatter3A_721 : memref<1x1x8x8x129xf32, #tpu.memory_space<vmem>> -> memref<8x8x129xf32, #tpu.memory_space<vmem>>
          tpu.vector_store_idx %scatter3A_722[%add3A_25, %select_n3A_147, %add3A_706], %get3A_715 : memref<8x8x129xf32, #tpu.memory_space<vmem>>[vector<16xi32>, vector<16xi32>, vector<16xi32>], vector<16xf32>,
          %get3A_723 = arith.constant 2 : i32
          %get3A_724 = arith.constant 0 : i32
          %get3A_725 = arith.constant 0 : i32
          %get3A_726 = arith.constant 0 : i32
          %get3A_727 = tpu.memref_slice %arg6[%get3A_723, %get3A_724, %get3A_725, %get3A_726] : memref<3x2x128x64xf32, #tpu.memory_space<vmem>> -> memref<1x1x128x64xf32, #tpu.memory_space<vmem>>
          %get3A_728 = tpu.memref_squeeze %get3A_727 : memref<1x1x128x64xf32, #tpu.memory_space<vmem>> -> memref<128x64xf32, #tpu.memory_space<vmem>>
          %get3A_729 = arith.index_cast %add3A_702 : i32 to index
          %get3A_730 = arith.constant 16 : index
          %get3A_731 = tpu.vector_load %get3A_728[%get3A_729, %get3A_730] {strides = array<i32>} : memref<128x64xf32, #tpu.memory_space<vmem>>, vector<16xf32>,
          %scatter3A_732 = arith.constant 2 : i32
          %scatter3A_733 = arith.constant 0 : i32
          %scatter3A_734 = arith.constant 0 : i32
          %scatter3A_735 = arith.constant 0 : i32
          %scatter3A_736 = arith.constant 0 : i32
          %scatter3A_737 = tpu.memref_slice %arg7[%scatter3A_732, %scatter3A_733, %scatter3A_734, %scatter3A_735, %scatter3A_736] : memref<3x2x8x8x129xf32, #tpu.memory_space<vmem>> -> memref<1x1x8x8x129xf32, #tpu.memory_space<vmem>>
          %scatter3A_738 = tpu.memref_squeeze %scatter3A_737 : memref<1x1x8x8x129xf32, #tpu.memory_space<vmem>> -> memref<8x8x129xf32, #tpu.memory_space<vmem>>
          tpu.vector_store_idx %scatter3A_738[%add3A_59, %select_n3A_147, %add3A_706], %get3A_731 : memref<8x8x129xf32, #tpu.memory_space<vmem>>[vector<16xi32>, vector<16xi32>, vector<16xi32>], vector<16xf32>,
          %get3A_739 = arith.constant 2 : i32
          %get3A_740 = arith.constant 0 : i32
          %get3A_741 = arith.constant 0 : i32
          %get3A_742 = arith.constant 0 : i32
          %get3A_743 = tpu.memref_slice %arg6[%get3A_739, %get3A_740, %get3A_741, %get3A_742] : memref<3x2x128x64xf32, #tpu.memory_space<vmem>> -> memref<1x1x128x64xf32, #tpu.memory_space<vmem>>
          %get3A_744 = tpu.memref_squeeze %get3A_743 : memref<1x1x128x64xf32, #tpu.memory_space<vmem>> -> memref<128x64xf32, #tpu.memory_space<vmem>>
          %get3A_745 = arith.index_cast %add3A_702 : i32 to index
          %get3A_746 = arith.constant 32 : index
          %get3A_747 = tpu.vector_load %get3A_744[%get3A_745, %get3A_746] {strides = array<i32>} : memref<128x64xf32, #tpu.memory_space<vmem>>, vector<16xf32>,
          %scatter3A_748 = arith.constant 2 : i32
          %scatter3A_749 = arith.constant 0 : i32
          %scatter3A_750 = arith.constant 0 : i32
          %scatter3A_751 = arith.constant 0 : i32
          %scatter3A_752 = arith.constant 0 : i32
          %scatter3A_753 = tpu.memref_slice %arg7[%scatter3A_748, %scatter3A_749, %scatter3A_750, %scatter3A_751, %scatter3A_752] : memref<3x2x8x8x129xf32, #tpu.memory_space<vmem>> -> memref<1x1x8x8x129xf32, #tpu.memory_space<vmem>>
          %scatter3A_754 = tpu.memref_squeeze %scatter3A_753 : memref<1x1x8x8x129xf32, #tpu.memory_space<vmem>> -> memref<8x8x129xf32, #tpu.memory_space<vmem>>
          tpu.vector_store_idx %scatter3A_754[%add3A_93, %select_n3A_147, %add3A_706], %get3A_747 : memref<8x8x129xf32, #tpu.memory_space<vmem>>[vector<16xi32>, vector<16xi32>, vector<16xi32>], vector<16xf32>,
          %get3A_755 = arith.constant 2 : i32
          %get3A_756 = arith.constant 0 : i32
          %get3A_757 = arith.constant 0 : i32
          %get3A_758 = arith.constant 0 : i32
          %get3A_759 = tpu.memref_slice %arg6[%get3A_755, %get3A_756, %get3A_757, %get3A_758] : memref<3x2x128x64xf32, #tpu.memory_space<vmem>> -> memref<1x1x128x64xf32, #tpu.memory_space<vmem>>
          %get3A_760 = tpu.memref_squeeze %get3A_759 : memref<1x1x128x64xf32, #tpu.memory_space<vmem>> -> memref<128x64xf32, #tpu.memory_space<vmem>>
          %get3A_761 = arith.index_cast %add3A_702 : i32 to index
          %get3A_762 = arith.constant 48 : index
          %get3A_763 = tpu.vector_load %get3A_760[%get3A_761, %get3A_762] {strides = array<i32>} : memref<128x64xf32, #tpu.memory_space<vmem>>, vector<16xf32>,
          %scatter3A_764 = arith.constant 2 : i32
          %scatter3A_765 = arith.constant 0 : i32
          %scatter3A_766 = arith.constant 0 : i32
          %scatter3A_767 = arith.constant 0 : i32
          %scatter3A_768 = arith.constant 0 : i32
          %scatter3A_769 = tpu.memref_slice %arg7[%scatter3A_764, %scatter3A_765, %scatter3A_766, %scatter3A_767, %scatter3A_768] : memref<3x2x8x8x129xf32, #tpu.memory_space<vmem>> -> memref<1x1x8x8x129xf32, #tpu.memory_space<vmem>>
          %scatter3A_770 = tpu.memref_squeeze %scatter3A_769 : memref<1x1x8x8x129xf32, #tpu.memory_space<vmem>> -> memref<8x8x129xf32, #tpu.memory_space<vmem>>
          tpu.vector_store_idx %scatter3A_770[%add3A_127, %select_n3A_147, %add3A_706], %get3A_763 : memref<8x8x129xf32, #tpu.memory_space<vmem>>[vector<16xi32>, vector<16xi32>, vector<16xi32>], vector<16xf32>,
          %get3A_771 = arith.constant 2 : i32
          %get3A_772 = arith.constant 1 : i32
          %get3A_773 = arith.constant 0 : i32
          %get3A_774 = arith.constant 0 : i32
          %get3A_775 = tpu.memref_slice %arg6[%get3A_771, %get3A_772, %get3A_773, %get3A_774] : memref<3x2x128x64xf32, #tpu.memory_space<vmem>> -> memref<1x1x128x64xf32, #tpu.memory_space<vmem>>
          %get3A_776 = tpu.memref_squeeze %get3A_775 : memref<1x1x128x64xf32, #tpu.memory_space<vmem>> -> memref<128x64xf32, #tpu.memory_space<vmem>>
          %get3A_777 = arith.index_cast %add3A_702 : i32 to index
          %get3A_778 = arith.constant 0 : index
          %get3A_779 = tpu.vector_load %get3A_776[%get3A_777, %get3A_778] {strides = array<i32>} : memref<128x64xf32, #tpu.memory_space<vmem>>, vector<16xf32>,
          %scatter3A_780 = arith.constant 2 : i32
          %scatter3A_781 = arith.constant 1 : i32
          %scatter3A_782 = arith.constant 0 : i32
          %scatter3A_783 = arith.constant 0 : i32
          %scatter3A_784 = arith.constant 0 : i32
          %scatter3A_785 = tpu.memref_slice %arg7[%scatter3A_780, %scatter3A_781, %scatter3A_782, %scatter3A_783, %scatter3A_784] : memref<3x2x8x8x129xf32, #tpu.memory_space<vmem>> -> memref<1x1x8x8x129xf32, #tpu.memory_space<vmem>>
          %scatter3A_786 = tpu.memref_squeeze %scatter3A_785 : memref<1x1x8x8x129xf32, #tpu.memory_space<vmem>> -> memref<8x8x129xf32, #tpu.memory_space<vmem>>
          tpu.vector_store_idx %scatter3A_786[%add3A_25, %select_n3A_147, %add3A_706], %get3A_779 : memref<8x8x129xf32, #tpu.memory_space<vmem>>[vector<16xi32>, vector<16xi32>, vector<16xi32>], vector<16xf32>,
          %get3A_787 = arith.constant 2 : i32
          %get3A_788 = arith.constant 1 : i32
          %get3A_789 = arith.constant 0 : i32
          %get3A_790 = arith.constant 0 : i32
          %get3A_791 = tpu.memref_slice %arg6[%get3A_787, %get3A_788, %get3A_789, %get3A_790] : memref<3x2x128x64xf32, #tpu.memory_space<vmem>> -> memref<1x1x128x64xf32, #tpu.memory_space<vmem>>
          %get3A_792 = tpu.memref_squeeze %get3A_791 : memref<1x1x128x64xf32, #tpu.memory_space<vmem>> -> memref<128x64xf32, #tpu.memory_space<vmem>>
          %get3A_793 = arith.index_cast %add3A_702 : i32 to index
          %get3A_794 = arith.constant 16 : index
          %get3A_795 = tpu.vector_load %get3A_792[%get3A_793, %get3A_794] {strides = array<i32>} : memref<128x64xf32, #tpu.memory_space<vmem>>, vector<16xf32>,
          %scatter3A_796 = arith.constant 2 : i32
          %scatter3A_797 = arith.constant 1 : i32
          %scatter3A_798 = arith.constant 0 : i32
          %scatter3A_799 = arith.constant 0 : i32
          %scatter3A_800 = arith.constant 0 : i32
          %scatter3A_801 = tpu.memref_slice %arg7[%scatter3A_796, %scatter3A_797, %scatter3A_798, %scatter3A_799, %scatter3A_800] : memref<3x2x8x8x129xf32, #tpu.memory_space<vmem>> -> memref<1x1x8x8x129xf32, #tpu.memory_space<vmem>>
          %scatter3A_802 = tpu.memref_squeeze %scatter3A_801 : memref<1x1x8x8x129xf32, #tpu.memory_space<vmem>> -> memref<8x8x129xf32, #tpu.memory_space<vmem>>
          tpu.vector_store_idx %scatter3A_802[%add3A_59, %select_n3A_147, %add3A_706], %get3A_795 : memref<8x8x129xf32, #tpu.memory_space<vmem>>[vector<16xi32>, vector<16xi32>, vector<16xi32>], vector<16xf32>,
          %get3A_803 = arith.constant 2 : i32
          %get3A_804 = arith.constant 1 : i32
          %get3A_805 = arith.constant 0 : i32
          %get3A_806 = arith.constant 0 : i32
          %get3A_807 = tpu.memref_slice %arg6[%get3A_803, %get3A_804, %get3A_805, %get3A_806] : memref<3x2x128x64xf32, #tpu.memory_space<vmem>> -> memref<1x1x128x64xf32, #tpu.memory_space<vmem>>
          %get3A_808 = tpu.memref_squeeze %get3A_807 : memref<1x1x128x64xf32, #tpu.memory_space<vmem>> -> memref<128x64xf32, #tpu.memory_space<vmem>>
          %get3A_809 = arith.index_cast %add3A_702 : i32 to index
          %get3A_810 = arith.constant 32 : index
          %get3A_811 = tpu.vector_load %get3A_808[%get3A_809, %get3A_810] {strides = array<i32>} : memref<128x64xf32, #tpu.memory_space<vmem>>, vector<16xf32>,
          %scatter3A_812 = arith.constant 2 : i32
          %scatter3A_813 = arith.constant 1 : i32
          %scatter3A_814 = arith.constant 0 : i32
          %scatter3A_815 = arith.constant 0 : i32
          %scatter3A_816 = arith.constant 0 : i32
          %scatter3A_817 = tpu.memref_slice %arg7[%scatter3A_812, %scatter3A_813, %scatter3A_814, %scatter3A_815, %scatter3A_816] : memref<3x2x8x8x129xf32, #tpu.memory_space<vmem>> -> memref<1x1x8x8x129xf32, #tpu.memory_space<vmem>>
          %scatter3A_818 = tpu.memref_squeeze %scatter3A_817 : memref<1x1x8x8x129xf32, #tpu.memory_space<vmem>> -> memref<8x8x129xf32, #tpu.memory_space<vmem>>
          tpu.vector_store_idx %scatter3A_818[%add3A_93, %select_n3A_147, %add3A_706], %get3A_811 : memref<8x8x129xf32, #tpu.memory_space<vmem>>[vector<16xi32>, vector<16xi32>, vector<16xi32>], vector<16xf32>,
          %get3A_819 = arith.constant 2 : i32
          %get3A_820 = arith.constant 1 : i32
          %get3A_821 = arith.constant 0 : i32
          %get3A_822 = arith.constant 0 : i32
          %get3A_823 = tpu.memref_slice %arg6[%get3A_819, %get3A_820, %get3A_821, %get3A_822] : memref<3x2x128x64xf32, #tpu.memory_space<vmem>> -> memref<1x1x128x64xf32, #tpu.memory_space<vmem>>
          %get3A_824 = tpu.memref_squeeze %get3A_823 : memref<1x1x128x64xf32, #tpu.memory_space<vmem>> -> memref<128x64xf32, #tpu.memory_space<vmem>>
          %get3A_825 = arith.index_cast %add3A_702 : i32 to index
          %get3A_826 = arith.constant 48 : index
          %get3A_827 = tpu.vector_load %get3A_824[%get3A_825, %get3A_826] {strides = array<i32>} : memref<128x64xf32, #tpu.memory_space<vmem>>, vector<16xf32>,
          %scatter3A_828 = arith.constant 2 : i32
          %scatter3A_829 = arith.constant 1 : i32
          %scatter3A_830 = arith.constant 0 : i32
          %scatter3A_831 = arith.constant 0 : i32
          %scatter3A_832 = arith.constant 0 : i32
          %scatter3A_833 = tpu.memref_slice %arg7[%scatter3A_828, %scatter3A_829, %scatter3A_830, %scatter3A_831, %scatter3A_832] : memref<3x2x8x8x129xf32, #tpu.memory_space<vmem>> -> memref<1x1x8x8x129xf32, #tpu.memory_space<vmem>>
          %scatter3A_834 = tpu.memref_squeeze %scatter3A_833 : memref<1x1x8x8x129xf32, #tpu.memory_space<vmem>> -> memref<8x8x129xf32, #tpu.memory_space<vmem>>
          tpu.vector_store_idx %scatter3A_834[%add3A_127, %select_n3A_147, %add3A_706], %get3A_827 : memref<8x8x129xf32, #tpu.memory_space<vmem>>[vector<16xi32>, vector<16xi32>, vector<16xi32>], vector<16xf32>,
          %mul3A_835 = arith.constant 4 : i32
          %mul3A_836 = arith.muli %scan3A_564, %mul3A_835 : i32
          %add3A_837 = arith.constant 2 : i32
          %add3A_838 = arith.addi %mul3A_836, %add3A_837 : i32
          %broadcast_in_dim3A_839 = arith.constant 0 : i32
          %broadcast_in_dim3A_840 = vector.broadcast %broadcast_in_dim3A_839 : i32 to vector<16xi32>
          %add3A_841 = vector.broadcast %add3A_838 : i32 to vector<16xi32>
          %add3A_842 = arith.addi %broadcast_in_dim3A_840, %add3A_841 : vector<16xi32>
          %get3A_843 = arith.constant 2 : i32
          %get3A_844 = arith.constant 0 : i32
          %get3A_845 = arith.constant 0 : i32
          %get3A_846 = arith.constant 0 : i32
          %get3A_847 = tpu.memref_slice %arg6[%get3A_843, %get3A_844, %get3A_845, %get3A_846] : memref<3x2x128x64xf32, #tpu.memory_space<vmem>> -> memref<1x1x128x64xf32, #tpu.memory_space<vmem>>
          %get3A_848 = tpu.memref_squeeze %get3A_847 : memref<1x1x128x64xf32, #tpu.memory_space<vmem>> -> memref<128x64xf32, #tpu.memory_space<vmem>>
          %get3A_849 = arith.index_cast %add3A_838 : i32 to index
          %get3A_850 = arith.constant 0 : index
          %get3A_851 = tpu.vector_load %get3A_848[%get3A_849, %get3A_850] {strides = array<i32>} : memref<128x64xf32, #tpu.memory_space<vmem>>, vector<16xf32>,
          %scatter3A_852 = arith.constant 2 : i32
          %scatter3A_853 = arith.constant 0 : i32
          %scatter3A_854 = arith.constant 0 : i32
          %scatter3A_855 = arith.constant 0 : i32
          %scatter3A_856 = arith.constant 0 : i32
          %scatter3A_857 = tpu.memref_slice %arg7[%scatter3A_852, %scatter3A_853, %scatter3A_854, %scatter3A_855, %scatter3A_856] : memref<3x2x8x8x129xf32, #tpu.memory_space<vmem>> -> memref<1x1x8x8x129xf32, #tpu.memory_space<vmem>>
          %scatter3A_858 = tpu.memref_squeeze %scatter3A_857 : memref<1x1x8x8x129xf32, #tpu.memory_space<vmem>> -> memref<8x8x129xf32, #tpu.memory_space<vmem>>
          tpu.vector_store_idx %scatter3A_858[%add3A_25, %select_n3A_147, %add3A_842], %get3A_851 : memref<8x8x129xf32, #tpu.memory_space<vmem>>[vector<16xi32>, vector<16xi32>, vector<16xi32>], vector<16xf32>,
          %get3A_859 = arith.constant 2 : i32
          %get3A_860 = arith.constant 0 : i32
          %get3A_861 = arith.constant 0 : i32
          %get3A_862 = arith.constant 0 : i32
          %get3A_863 = tpu.memref_slice %arg6[%get3A_859, %get3A_860, %get3A_861, %get3A_862] : memref<3x2x128x64xf32, #tpu.memory_space<vmem>> -> memref<1x1x128x64xf32, #tpu.memory_space<vmem>>
          %get3A_864 = tpu.memref_squeeze %get3A_863 : memref<1x1x128x64xf32, #tpu.memory_space<vmem>> -> memref<128x64xf32, #tpu.memory_space<vmem>>
          %get3A_865 = arith.index_cast %add3A_838 : i32 to index
          %get3A_866 = arith.constant 16 : index
          %get3A_867 = tpu.vector_load %get3A_864[%get3A_865, %get3A_866] {strides = array<i32>} : memref<128x64xf32, #tpu.memory_space<vmem>>, vector<16xf32>,
          %scatter3A_868 = arith.constant 2 : i32
          %scatter3A_869 = arith.constant 0 : i32
          %scatter3A_870 = arith.constant 0 : i32
          %scatter3A_871 = arith.constant 0 : i32
          %scatter3A_872 = arith.constant 0 : i32
          %scatter3A_873 = tpu.memref_slice %arg7[%scatter3A_868, %scatter3A_869, %scatter3A_870, %scatter3A_871, %scatter3A_872] : memref<3x2x8x8x129xf32, #tpu.memory_space<vmem>> -> memref<1x1x8x8x129xf32, #tpu.memory_space<vmem>>
          %scatter3A_874 = tpu.memref_squeeze %scatter3A_873 : memref<1x1x8x8x129xf32, #tpu.memory_space<vmem>> -> memref<8x8x129xf32, #tpu.memory_space<vmem>>
          tpu.vector_store_idx %scatter3A_874[%add3A_59, %select_n3A_147, %add3A_842], %get3A_867 : memref<8x8x129xf32, #tpu.memory_space<vmem>>[vector<16xi32>, vector<16xi32>, vector<16xi32>], vector<16xf32>,
          %get3A_875 = arith.constant 2 : i32
          %get3A_876 = arith.constant 0 : i32
          %get3A_877 = arith.constant 0 : i32
          %get3A_878 = arith.constant 0 : i32
          %get3A_879 = tpu.memref_slice %arg6[%get3A_875, %get3A_876, %get3A_877, %get3A_878] : memref<3x2x128x64xf32, #tpu.memory_space<vmem>> -> memref<1x1x128x64xf32, #tpu.memory_space<vmem>>
          %get3A_880 = tpu.memref_squeeze %get3A_879 : memref<1x1x128x64xf32, #tpu.memory_space<vmem>> -> memref<128x64xf32, #tpu.memory_space<vmem>>
          %get3A_881 = arith.index_cast %add3A_838 : i32 to index
          %get3A_882 = arith.constant 32 : index
          %get3A_883 = tpu.vector_load %get3A_880[%get3A_881, %get3A_882] {strides = array<i32>} : memref<128x64xf32, #tpu.memory_space<vmem>>, vector<16xf32>,
          %scatter3A_884 = arith.constant 2 : i32
          %scatter3A_885 = arith.constant 0 : i32
          %scatter3A_886 = arith.constant 0 : i32
          %scatter3A_887 = arith.constant 0 : i32
          %scatter3A_888 = arith.constant 0 : i32
          %scatter3A_889 = tpu.memref_slice %arg7[%scatter3A_884, %scatter3A_885, %scatter3A_886, %scatter3A_887, %scatter3A_888] : memref<3x2x8x8x129xf32, #tpu.memory_space<vmem>> -> memref<1x1x8x8x129xf32, #tpu.memory_space<vmem>>
          %scatter3A_890 = tpu.memref_squeeze %scatter3A_889 : memref<1x1x8x8x129xf32, #tpu.memory_space<vmem>> -> memref<8x8x129xf32, #tpu.memory_space<vmem>>
          tpu.vector_store_idx %scatter3A_890[%add3A_93, %select_n3A_147, %add3A_842], %get3A_883 : memref<8x8x129xf32, #tpu.memory_space<vmem>>[vector<16xi32>, vector<16xi32>, vector<16xi32>], vector<16xf32>,
          %get3A_891 = arith.constant 2 : i32
          %get3A_892 = arith.constant 0 : i32
          %get3A_893 = arith.constant 0 : i32
          %get3A_894 = arith.constant 0 : i32
          %get3A_895 = tpu.memref_slice %arg6[%get3A_891, %get3A_892, %get3A_893, %get3A_894] : memref<3x2x128x64xf32, #tpu.memory_space<vmem>> -> memref<1x1x128x64xf32, #tpu.memory_space<vmem>>
          %get3A_896 = tpu.memref_squeeze %get3A_895 : memref<1x1x128x64xf32, #tpu.memory_space<vmem>> -> memref<128x64xf32, #tpu.memory_space<vmem>>
          %get3A_897 = arith.index_cast %add3A_838 : i32 to index
          %get3A_898 = arith.constant 48 : index
          %get3A_899 = tpu.vector_load %get3A_896[%get3A_897, %get3A_898] {strides = array<i32>} : memref<128x64xf32, #tpu.memory_space<vmem>>, vector<16xf32>,
          %scatter3A_900 = arith.constant 2 : i32
          %scatter3A_901 = arith.constant 0 : i32
          %scatter3A_902 = arith.constant 0 : i32
          %scatter3A_903 = arith.constant 0 : i32
          %scatter3A_904 = arith.constant 0 : i32
          %scatter3A_905 = tpu.memref_slice %arg7[%scatter3A_900, %scatter3A_901, %scatter3A_902, %scatter3A_903, %scatter3A_904] : memref<3x2x8x8x129xf32, #tpu.memory_space<vmem>> -> memref<1x1x8x8x129xf32, #tpu.memory_space<vmem>>
          %scatter3A_906 = tpu.memref_squeeze %scatter3A_905 : memref<1x1x8x8x129xf32, #tpu.memory_space<vmem>> -> memref<8x8x129xf32, #tpu.memory_space<vmem>>
          tpu.vector_store_idx %scatter3A_906[%add3A_127, %select_n3A_147, %add3A_842], %get3A_899 : memref<8x8x129xf32, #tpu.memory_space<vmem>>[vector<16xi32>, vector<16xi32>, vector<16xi32>], vector<16xf32>,
          %get3A_907 = arith.constant 2 : i32
          %get3A_908 = arith.constant 1 : i32
          %get3A_909 = arith.constant 0 : i32
          %get3A_910 = arith.constant 0 : i32
          %get3A_911 = tpu.memref_slice %arg6[%get3A_907, %get3A_908, %get3A_909, %get3A_910] : memref<3x2x128x64xf32, #tpu.memory_space<vmem>> -> memref<1x1x128x64xf32, #tpu.memory_space<vmem>>
          %get3A_912 = tpu.memref_squeeze %get3A_911 : memref<1x1x128x64xf32, #tpu.memory_space<vmem>> -> memref<128x64xf32, #tpu.memory_space<vmem>>
          %get3A_913 = arith.index_cast %add3A_838 : i32 to index
          %get3A_914 = arith.constant 0 : index
          %get3A_915 = tpu.vector_load %get3A_912[%get3A_913, %get3A_914] {strides = array<i32>} : memref<128x64xf32, #tpu.memory_space<vmem>>, vector<16xf32>,
          %scatter3A_916 = arith.constant 2 : i32
          %scatter3A_917 = arith.constant 1 : i32
          %scatter3A_918 = arith.constant 0 : i32
          %scatter3A_919 = arith.constant 0 : i32
          %scatter3A_920 = arith.constant 0 : i32
          %scatter3A_921 = tpu.memref_slice %arg7[%scatter3A_916, %scatter3A_917, %scatter3A_918, %scatter3A_919, %scatter3A_920] : memref<3x2x8x8x129xf32, #tpu.memory_space<vmem>> -> memref<1x1x8x8x129xf32, #tpu.memory_space<vmem>>
          %scatter3A_922 = tpu.memref_squeeze %scatter3A_921 : memref<1x1x8x8x129xf32, #tpu.memory_space<vmem>> -> memref<8x8x129xf32, #tpu.memory_space<vmem>>
          tpu.vector_store_idx %scatter3A_922[%add3A_25, %select_n3A_147, %add3A_842], %get3A_915 : memref<8x8x129xf32, #tpu.memory_space<vmem>>[vector<16xi32>, vector<16xi32>, vector<16xi32>], vector<16xf32>,
          %get3A_923 = arith.constant 2 : i32
          %get3A_924 = arith.constant 1 : i32
          %get3A_925 = arith.constant 0 : i32
          %get3A_926 = arith.constant 0 : i32
          %get3A_927 = tpu.memref_slice %arg6[%get3A_923, %get3A_924, %get3A_925, %get3A_926] : memref<3x2x128x64xf32, #tpu.memory_space<vmem>> -> memref<1x1x128x64xf32, #tpu.memory_space<vmem>>
          %get3A_928 = tpu.memref_squeeze %get3A_927 : memref<1x1x128x64xf32, #tpu.memory_space<vmem>> -> memref<128x64xf32, #tpu.memory_space<vmem>>
          %get3A_929 = arith.index_cast %add3A_838 : i32 to index
          %get3A_930 = arith.constant 16 : index
          %get3A_931 = tpu.vector_load %get3A_928[%get3A_929, %get3A_930] {strides = array<i32>} : memref<128x64xf32, #tpu.memory_space<vmem>>, vector<16xf32>,
          %scatter3A_932 = arith.constant 2 : i32
          %scatter3A_933 = arith.constant 1 : i32
          %scatter3A_934 = arith.constant 0 : i32
          %scatter3A_935 = arith.constant 0 : i32
          %scatter3A_936 = arith.constant 0 : i32
          %scatter3A_937 = tpu.memref_slice %arg7[%scatter3A_932, %scatter3A_933, %scatter3A_934, %scatter3A_935, %scatter3A_936] : memref<3x2x8x8x129xf32, #tpu.memory_space<vmem>> -> memref<1x1x8x8x129xf32, #tpu.memory_space<vmem>>
          %scatter3A_938 = tpu.memref_squeeze %scatter3A_937 : memref<1x1x8x8x129xf32, #tpu.memory_space<vmem>> -> memref<8x8x129xf32, #tpu.memory_space<vmem>>
          tpu.vector_store_idx %scatter3A_938[%add3A_59, %select_n3A_147, %add3A_842], %get3A_931 : memref<8x8x129xf32, #tpu.memory_space<vmem>>[vector<16xi32>, vector<16xi32>, vector<16xi32>], vector<16xf32>,
          %get3A_939 = arith.constant 2 : i32
          %get3A_940 = arith.constant 1 : i32
          %get3A_941 = arith.constant 0 : i32
          %get3A_942 = arith.constant 0 : i32
          %get3A_943 = tpu.memref_slice %arg6[%get3A_939, %get3A_940, %get3A_941, %get3A_942] : memref<3x2x128x64xf32, #tpu.memory_space<vmem>> -> memref<1x1x128x64xf32, #tpu.memory_space<vmem>>
          %get3A_944 = tpu.memref_squeeze %get3A_943 : memref<1x1x128x64xf32, #tpu.memory_space<vmem>> -> memref<128x64xf32, #tpu.memory_space<vmem>>
          %get3A_945 = arith.index_cast %add3A_838 : i32 to index
          %get3A_946 = arith.constant 32 : index
          %get3A_947 = tpu.vector_load %get3A_944[%get3A_945, %get3A_946] {strides = array<i32>} : memref<128x64xf32, #tpu.memory_space<vmem>>, vector<16xf32>,
          %scatter3A_948 = arith.constant 2 : i32
          %scatter3A_949 = arith.constant 1 : i32
          %scatter3A_950 = arith.constant 0 : i32
          %scatter3A_951 = arith.constant 0 : i32
          %scatter3A_952 = arith.constant 0 : i32
          %scatter3A_953 = tpu.memref_slice %arg7[%scatter3A_948, %scatter3A_949, %scatter3A_950, %scatter3A_951, %scatter3A_952] : memref<3x2x8x8x129xf32, #tpu.memory_space<vmem>> -> memref<1x1x8x8x129xf32, #tpu.memory_space<vmem>>
          %scatter3A_954 = tpu.memref_squeeze %scatter3A_953 : memref<1x1x8x8x129xf32, #tpu.memory_space<vmem>> -> memref<8x8x129xf32, #tpu.memory_space<vmem>>
          tpu.vector_store_idx %scatter3A_954[%add3A_93, %select_n3A_147, %add3A_842], %get3A_947 : memref<8x8x129xf32, #tpu.memory_space<vmem>>[vector<16xi32>, vector<16xi32>, vector<16xi32>], vector<16xf32>,
          %get3A_955 = arith.constant 2 : i32
          %get3A_956 = arith.constant 1 : i32
          %get3A_957 = arith.constant 0 : i32
          %get3A_958 = arith.constant 0 : i32
          %get3A_959 = tpu.memref_slice %arg6[%get3A_955, %get3A_956, %get3A_957, %get3A_958] : memref<3x2x128x64xf32, #tpu.memory_space<vmem>> -> memref<1x1x128x64xf32, #tpu.memory_space<vmem>>
          %get3A_960 = tpu.memref_squeeze %get3A_959 : memref<1x1x128x64xf32, #tpu.memory_space<vmem>> -> memref<128x64xf32, #tpu.memory_space<vmem>>
          %get3A_961 = arith.index_cast %add3A_838 : i32 to index
          %get3A_962 = arith.constant 48 : index
          %get3A_963 = tpu.vector_load %get3A_960[%get3A_961, %get3A_962] {strides = array<i32>} : memref<128x64xf32, #tpu.memory_space<vmem>>, vector<16xf32>,
          %scatter3A_964 = arith.constant 2 : i32
          %scatter3A_965 = arith.constant 1 : i32
          %scatter3A_966 = arith.constant 0 : i32
          %scatter3A_967 = arith.constant 0 : i32
          %scatter3A_968 = arith.constant 0 : i32
          %scatter3A_969 = tpu.memref_slice %arg7[%scatter3A_964, %scatter3A_965, %scatter3A_966, %scatter3A_967, %scatter3A_968] : memref<3x2x8x8x129xf32, #tpu.memory_space<vmem>> -> memref<1x1x8x8x129xf32, #tpu.memory_space<vmem>>
          %scatter3A_970 = tpu.memref_squeeze %scatter3A_969 : memref<1x1x8x8x129xf32, #tpu.memory_space<vmem>> -> memref<8x8x129xf32, #tpu.memory_space<vmem>>
          tpu.vector_store_idx %scatter3A_970[%add3A_127, %select_n3A_147, %add3A_842], %get3A_963 : memref<8x8x129xf32, #tpu.memory_space<vmem>>[vector<16xi32>, vector<16xi32>, vector<16xi32>], vector<16xf32>,
          %mul3A_971 = arith.constant 4 : i32
          %mul3A_972 = arith.muli %scan3A_564, %mul3A_971 : i32
          %add3A_973 = arith.constant 3 : i32
          %add3A_974 = arith.addi %mul3A_972, %add3A_973 : i32
          %broadcast_in_dim3A_975 = arith.constant 0 : i32
          %broadcast_in_dim3A_976 = vector.broadcast %broadcast_in_dim3A_975 : i32 to vector<16xi32>
          %add3A_977 = vector.broadcast %add3A_974 : i32 to vector<16xi32>
          %add3A_978 = arith.addi %broadcast_in_dim3A_976, %add3A_977 : vector<16xi32>
          %get3A_979 = arith.constant 2 : i32
          %get3A_980 = arith.constant 0 : i32
          %get3A_981 = arith.constant 0 : i32
          %get3A_982 = arith.constant 0 : i32
          %get3A_983 = tpu.memref_slice %arg6[%get3A_979, %get3A_980, %get3A_981, %get3A_982] : memref<3x2x128x64xf32, #tpu.memory_space<vmem>> -> memref<1x1x128x64xf32, #tpu.memory_space<vmem>>
          %get3A_984 = tpu.memref_squeeze %get3A_983 : memref<1x1x128x64xf32, #tpu.memory_space<vmem>> -> memref<128x64xf32, #tpu.memory_space<vmem>>
          %get3A_985 = arith.index_cast %add3A_974 : i32 to index
          %get3A_986 = arith.constant 0 : index
          %get3A_987 = tpu.vector_load %get3A_984[%get3A_985, %get3A_986] {strides = array<i32>} : memref<128x64xf32, #tpu.memory_space<vmem>>, vector<16xf32>,
          %scatter3A_988 = arith.constant 2 : i32
          %scatter3A_989 = arith.constant 0 : i32
          %scatter3A_990 = arith.constant 0 : i32
          %scatter3A_991 = arith.constant 0 : i32
          %scatter3A_992 = arith.constant 0 : i32
          %scatter3A_993 = tpu.memref_slice %arg7[%scatter3A_988, %scatter3A_989, %scatter3A_990, %scatter3A_991, %scatter3A_992] : memref<3x2x8x8x129xf32, #tpu.memory_space<vmem>> -> memref<1x1x8x8x129xf32, #tpu.memory_space<vmem>>
          %scatter3A_994 = tpu.memref_squeeze %scatter3A_993 : memref<1x1x8x8x129xf32, #tpu.memory_space<vmem>> -> memref<8x8x129xf32, #tpu.memory_space<vmem>>
          tpu.vector_store_idx %scatter3A_994[%add3A_25, %select_n3A_147, %add3A_978], %get3A_987 : memref<8x8x129xf32, #tpu.memory_space<vmem>>[vector<16xi32>, vector<16xi32>, vector<16xi32>], vector<16xf32>,
          %get3A_995 = arith.constant 2 : i32
          %get3A_996 = arith.constant 0 : i32
          %get3A_997 = arith.constant 0 : i32
          %get3A_998 = arith.constant 0 : i32
          %get3A_999 = tpu.memref_slice %arg6[%get3A_995, %get3A_996, %get3A_997, %get3A_998] : memref<3x2x128x64xf32, #tpu.memory_space<vmem>> -> memref<1x1x128x64xf32, #tpu.memory_space<vmem>>
          %get3A_1000 = tpu.memref_squeeze %get3A_999 : memref<1x1x128x64xf32, #tpu.memory_space<vmem>> -> memref<128x64xf32, #tpu.memory_space<vmem>>
          %get3A_1001 = arith.index_cast %add3A_974 : i32 to index
          %get3A_1002 = arith.constant 16 : index
          %get3A_1003 = tpu.vector_load %get3A_1000[%get3A_1001, %get3A_1002] {strides = array<i32>} : memref<128x64xf32, #tpu.memory_space<vmem>>, vector<16xf32>,
          %scatter3A_1004 = arith.constant 2 : i32
          %scatter3A_1005 = arith.constant 0 : i32
          %scatter3A_1006 = arith.constant 0 : i32
          %scatter3A_1007 = arith.constant 0 : i32
          %scatter3A_1008 = arith.constant 0 : i32
          %scatter3A_1009 = tpu.memref_slice %arg7[%scatter3A_1004, %scatter3A_1005, %scatter3A_1006, %scatter3A_1007, %scatter3A_1008] : memref<3x2x8x8x129xf32, #tpu.memory_space<vmem>> -> memref<1x1x8x8x129xf32, #tpu.memory_space<vmem>>
          %scatter3A_1010 = tpu.memref_squeeze %scatter3A_1009 : memref<1x1x8x8x129xf32, #tpu.memory_space<vmem>> -> memref<8x8x129xf32, #tpu.memory_space<vmem>>
          tpu.vector_store_idx %scatter3A_1010[%add3A_59, %select_n3A_147, %add3A_978], %get3A_1003 : memref<8x8x129xf32, #tpu.memory_space<vmem>>[vector<16xi32>, vector<16xi32>, vector<16xi32>], vector<16xf32>,
          %get3A_1011 = arith.constant 2 : i32
          %get3A_1012 = arith.constant 0 : i32
          %get3A_1013 = arith.constant 0 : i32
          %get3A_1014 = arith.constant 0 : i32
          %get3A_1015 = tpu.memref_slice %arg6[%get3A_1011, %get3A_1012, %get3A_1013, %get3A_1014] : memref<3x2x128x64xf32, #tpu.memory_space<vmem>> -> memref<1x1x128x64xf32, #tpu.memory_space<vmem>>
          %get3A_1016 = tpu.memref_squeeze %get3A_1015 : memref<1x1x128x64xf32, #tpu.memory_space<vmem>> -> memref<128x64xf32, #tpu.memory_space<vmem>>
          %get3A_1017 = arith.index_cast %add3A_974 : i32 to index
          %get3A_1018 = arith.constant 32 : index
          %get3A_1019 = tpu.vector_load %get3A_1016[%get3A_1017, %get3A_1018] {strides = array<i32>} : memref<128x64xf32, #tpu.memory_space<vmem>>, vector<16xf32>,
          %scatter3A_1020 = arith.constant 2 : i32
          %scatter3A_1021 = arith.constant 0 : i32
          %scatter3A_1022 = arith.constant 0 : i32
          %scatter3A_1023 = arith.constant 0 : i32
          %scatter3A_1024 = arith.constant 0 : i32
          %scatter3A_1025 = tpu.memref_slice %arg7[%scatter3A_1020, %scatter3A_1021, %scatter3A_1022, %scatter3A_1023, %scatter3A_1024] : memref<3x2x8x8x129xf32, #tpu.memory_space<vmem>> -> memref<1x1x8x8x129xf32, #tpu.memory_space<vmem>>
          %scatter3A_1026 = tpu.memref_squeeze %scatter3A_1025 : memref<1x1x8x8x129xf32, #tpu.memory_space<vmem>> -> memref<8x8x129xf32, #tpu.memory_space<vmem>>
          tpu.vector_store_idx %scatter3A_1026[%add3A_93, %select_n3A_147, %add3A_978], %get3A_1019 : memref<8x8x129xf32, #tpu.memory_space<vmem>>[vector<16xi32>, vector<16xi32>, vector<16xi32>], vector<16xf32>,
          %get3A_1027 = arith.constant 2 : i32
          %get3A_1028 = arith.constant 0 : i32
          %get3A_1029 = arith.constant 0 : i32
          %get3A_1030 = arith.constant 0 : i32
          %get3A_1031 = tpu.memref_slice %arg6[%get3A_1027, %get3A_1028, %get3A_1029, %get3A_1030] : memref<3x2x128x64xf32, #tpu.memory_space<vmem>> -> memref<1x1x128x64xf32, #tpu.memory_space<vmem>>
          %get3A_1032 = tpu.memref_squeeze %get3A_1031 : memref<1x1x128x64xf32, #tpu.memory_space<vmem>> -> memref<128x64xf32, #tpu.memory_space<vmem>>
          %get3A_1033 = arith.index_cast %add3A_974 : i32 to index
          %get3A_1034 = arith.constant 48 : index
          %get3A_1035 = tpu.vector_load %get3A_1032[%get3A_1033, %get3A_1034] {strides = array<i32>} : memref<128x64xf32, #tpu.memory_space<vmem>>, vector<16xf32>,
          %scatter3A_1036 = arith.constant 2 : i32
          %scatter3A_1037 = arith.constant 0 : i32
          %scatter3A_1038 = arith.constant 0 : i32
          %scatter3A_1039 = arith.constant 0 : i32
          %scatter3A_1040 = arith.constant 0 : i32
          %scatter3A_1041 = tpu.memref_slice %arg7[%scatter3A_1036, %scatter3A_1037, %scatter3A_1038, %scatter3A_1039, %scatter3A_1040] : memref<3x2x8x8x129xf32, #tpu.memory_space<vmem>> -> memref<1x1x8x8x129xf32, #tpu.memory_space<vmem>>
          %scatter3A_1042 = tpu.memref_squeeze %scatter3A_1041 : memref<1x1x8x8x129xf32, #tpu.memory_space<vmem>> -> memref<8x8x129xf32, #tpu.memory_space<vmem>>
          tpu.vector_store_idx %scatter3A_1042[%add3A_127, %select_n3A_147, %add3A_978], %get3A_1035 : memref<8x8x129xf32, #tpu.memory_space<vmem>>[vector<16xi32>, vector<16xi32>, vector<16xi32>], vector<16xf32>,
          %get3A_1043 = arith.constant 2 : i32
          %get3A_1044 = arith.constant 1 : i32
          %get3A_1045 = arith.constant 0 : i32
          %get3A_1046 = arith.constant 0 : i32
          %get3A_1047 = tpu.memref_slice %arg6[%get3A_1043, %get3A_1044, %get3A_1045, %get3A_1046] : memref<3x2x128x64xf32, #tpu.memory_space<vmem>> -> memref<1x1x128x64xf32, #tpu.memory_space<vmem>>
          %get3A_1048 = tpu.memref_squeeze %get3A_1047 : memref<1x1x128x64xf32, #tpu.memory_space<vmem>> -> memref<128x64xf32, #tpu.memory_space<vmem>>
          %get3A_1049 = arith.index_cast %add3A_974 : i32 to index
          %get3A_1050 = arith.constant 0 : index
          %get3A_1051 = tpu.vector_load %get3A_1048[%get3A_1049, %get3A_1050] {strides = array<i32>} : memref<128x64xf32, #tpu.memory_space<vmem>>, vector<16xf32>,
          %scatter3A_1052 = arith.constant 2 : i32
          %scatter3A_1053 = arith.constant 1 : i32
          %scatter3A_1054 = arith.constant 0 : i32
          %scatter3A_1055 = arith.constant 0 : i32
          %scatter3A_1056 = arith.constant 0 : i32
          %scatter3A_1057 = tpu.memref_slice %arg7[%scatter3A_1052, %scatter3A_1053, %scatter3A_1054, %scatter3A_1055, %scatter3A_1056] : memref<3x2x8x8x129xf32, #tpu.memory_space<vmem>> -> memref<1x1x8x8x129xf32, #tpu.memory_space<vmem>>
          %scatter3A_1058 = tpu.memref_squeeze %scatter3A_1057 : memref<1x1x8x8x129xf32, #tpu.memory_space<vmem>> -> memref<8x8x129xf32, #tpu.memory_space<vmem>>
          tpu.vector_store_idx %scatter3A_1058[%add3A_25, %select_n3A_147, %add3A_978], %get3A_1051 : memref<8x8x129xf32, #tpu.memory_space<vmem>>[vector<16xi32>, vector<16xi32>, vector<16xi32>], vector<16xf32>,
          %get3A_1059 = arith.constant 2 : i32
          %get3A_1060 = arith.constant 1 : i32
          %get3A_1061 = arith.constant 0 : i32
          %get3A_1062 = arith.constant 0 : i32
          %get3A_1063 = tpu.memref_slice %arg6[%get3A_1059, %get3A_1060, %get3A_1061, %get3A_1062] : memref<3x2x128x64xf32, #tpu.memory_space<vmem>> -> memref<1x1x128x64xf32, #tpu.memory_space<vmem>>
          %get3A_1064 = tpu.memref_squeeze %get3A_1063 : memref<1x1x128x64xf32, #tpu.memory_space<vmem>> -> memref<128x64xf32, #tpu.memory_space<vmem>>
          %get3A_1065 = arith.index_cast %add3A_974 : i32 to index
          %get3A_1066 = arith.constant 16 : index
          %get3A_1067 = tpu.vector_load %get3A_1064[%get3A_1065, %get3A_1066] {strides = array<i32>} : memref<128x64xf32, #tpu.memory_space<vmem>>, vector<16xf32>,
          %scatter3A_1068 = arith.constant 2 : i32
          %scatter3A_1069 = arith.constant 1 : i32
          %scatter3A_1070 = arith.constant 0 : i32
          %scatter3A_1071 = arith.constant 0 : i32
          %scatter3A_1072 = arith.constant 0 : i32
          %scatter3A_1073 = tpu.memref_slice %arg7[%scatter3A_1068, %scatter3A_1069, %scatter3A_1070, %scatter3A_1071, %scatter3A_1072] : memref<3x2x8x8x129xf32, #tpu.memory_space<vmem>> -> memref<1x1x8x8x129xf32, #tpu.memory_space<vmem>>
          %scatter3A_1074 = tpu.memref_squeeze %scatter3A_1073 : memref<1x1x8x8x129xf32, #tpu.memory_space<vmem>> -> memref<8x8x129xf32, #tpu.memory_space<vmem>>
          tpu.vector_store_idx %scatter3A_1074[%add3A_59, %select_n3A_147, %add3A_978], %get3A_1067 : memref<8x8x129xf32, #tpu.memory_space<vmem>>[vector<16xi32>, vector<16xi32>, vector<16xi32>], vector<16xf32>,
          %get3A_1075 = arith.constant 2 : i32
          %get3A_1076 = arith.constant 1 : i32
          %get3A_1077 = arith.constant 0 : i32
          %get3A_1078 = arith.constant 0 : i32
          %get3A_1079 = tpu.memref_slice %arg6[%get3A_1075, %get3A_1076, %get3A_1077, %get3A_1078] : memref<3x2x128x64xf32, #tpu.memory_space<vmem>> -> memref<1x1x128x64xf32, #tpu.memory_space<vmem>>
          %get3A_1080 = tpu.memref_squeeze %get3A_1079 : memref<1x1x128x64xf32, #tpu.memory_space<vmem>> -> memref<128x64xf32, #tpu.memory_space<vmem>>
          %get3A_1081 = arith.index_cast %add3A_974 : i32 to index
          %get3A_1082 = arith.constant 32 : index
          %get3A_1083 = tpu.vector_load %get3A_1080[%get3A_1081, %get3A_1082] {strides = array<i32>} : memref<128x64xf32, #tpu.memory_space<vmem>>, vector<16xf32>,
          %scatter3A_1084 = arith.constant 2 : i32
          %scatter3A_1085 = arith.constant 1 : i32
          %scatter3A_1086 = arith.constant 0 : i32
          %scatter3A_1087 = arith.constant 0 : i32
          %scatter3A_1088 = arith.constant 0 : i32
          %scatter3A_1089 = tpu.memref_slice %arg7[%scatter3A_1084, %scatter3A_1085, %scatter3A_1086, %scatter3A_1087, %scatter3A_1088] : memref<3x2x8x8x129xf32, #tpu.memory_space<vmem>> -> memref<1x1x8x8x129xf32, #tpu.memory_space<vmem>>
          %scatter3A_1090 = tpu.memref_squeeze %scatter3A_1089 : memref<1x1x8x8x129xf32, #tpu.memory_space<vmem>> -> memref<8x8x129xf32, #tpu.memory_space<vmem>>
          tpu.vector_store_idx %scatter3A_1090[%add3A_93, %select_n3A_147, %add3A_978], %get3A_1083 : memref<8x8x129xf32, #tpu.memory_space<vmem>>[vector<16xi32>, vector<16xi32>, vector<16xi32>], vector<16xf32>,
          %get3A_1091 = arith.constant 2 : i32
          %get3A_1092 = arith.constant 1 : i32
          %get3A_1093 = arith.constant 0 : i32
          %get3A_1094 = arith.constant 0 : i32
          %get3A_1095 = tpu.memref_slice %arg6[%get3A_1091, %get3A_1092, %get3A_1093, %get3A_1094] : memref<3x2x128x64xf32, #tpu.memory_space<vmem>> -> memref<1x1x128x64xf32, #tpu.memory_space<vmem>>
          %get3A_1096 = tpu.memref_squeeze %get3A_1095 : memref<1x1x128x64xf32, #tpu.memory_space<vmem>> -> memref<128x64xf32, #tpu.memory_space<vmem>>
          %get3A_1097 = arith.index_cast %add3A_974 : i32 to index
          %get3A_1098 = arith.constant 48 : index
          %get3A_1099 = tpu.vector_load %get3A_1096[%get3A_1097, %get3A_1098] {strides = array<i32>} : memref<128x64xf32, #tpu.memory_space<vmem>>, vector<16xf32>,
          %scatter3A_1100 = arith.constant 2 : i32
          %scatter3A_1101 = arith.constant 1 : i32
          %scatter3A_1102 = arith.constant 0 : i32
          %scatter3A_1103 = arith.constant 0 : i32
          %scatter3A_1104 = arith.constant 0 : i32
          %scatter3A_1105 = tpu.memref_slice %arg7[%scatter3A_1100, %scatter3A_1101, %scatter3A_1102, %scatter3A_1103, %scatter3A_1104] : memref<3x2x8x8x129xf32, #tpu.memory_space<vmem>> -> memref<1x1x8x8x129xf32, #tpu.memory_space<vmem>>
          %scatter3A_1106 = tpu.memref_squeeze %scatter3A_1105 : memref<1x1x8x8x129xf32, #tpu.memory_space<vmem>> -> memref<8x8x129xf32, #tpu.memory_space<vmem>>
          tpu.vector_store_idx %scatter3A_1106[%add3A_127, %select_n3A_147, %add3A_978], %get3A_1099 : memref<8x8x129xf32, #tpu.memory_space<vmem>>[vector<16xi32>, vector<16xi32>, vector<16xi32>], vector<16xf32>,
        }
        %scan3A_464 = arith.constant 32 : i32
        %jit3A_465 = arith.constant 2 : i32
        %div3A_466 = arith.divsi %add3A_406, %jit3A_465 : i32
        %sign3A_467 = arith.constant 0 : i32
        %sign3A_468 = arith.cmpi sgt, %add3A_406, %sign3A_467 : i32
        %sign3A_469 = arith.extui %sign3A_468 : i1 to i32
        %sign3A_470 = arith.constant 0 : i32
        %sign3A_471 = arith.cmpi slt, %add3A_406, %sign3A_470 : i32
        %sign3A_472 = arith.extui %sign3A_471 : i1 to i32
        %sign3A_473 = arith.subi %sign3A_469, %sign3A_472 : i32
        %sign3A_474 = arith.constant 0 : i32
        %sign3A_475 = arith.cmpi sgt, %jit3A_465, %sign3A_474 : i32
        %sign3A_476 = arith.extui %sign3A_475 : i1 to i32
        %sign3A_477 = arith.constant 0 : i32
        %sign3A_478 = arith.cmpi slt, %jit3A_465, %sign3A_477 : i32
        %sign3A_479 = arith.extui %sign3A_478 : i1 to i32
        %sign3A_480 = arith.subi %sign3A_476, %sign3A_479 : i32
        %ne3A_481 = arith.cmpi ne, %sign3A_473, %sign3A_480 : i32
        %rem3A_482 = arith.remsi %add3A_406, %jit3A_465 : i32
        %ne3A_483 = arith.constant 0 : i32
        %ne3A_484 = arith.cmpi ne, %rem3A_482, %ne3A_483 : i32
        %and3A_485 = arith.andi %ne3A_481, %ne3A_484 : i1
        %sub3A_486 = arith.constant 1 : i32
        %sub3A_487 = arith.subi %div3A_466, %sub3A_486 : i32
        %select_n3A_488 = arith.select %and3A_485, %sub3A_487, %div3A_466 : i32
        %mul3A_489 = arith.constant 4 : i32
        %mul3A_490 = arith.muli %add3A, %mul3A_489 : i32
        %jit3A_491 = arith.constant 2 : i32
        %eq3A_492 = arith.constant 0 : i32
        %eq3A_493 = arith.cmpi eq, %jit3A_491, %eq3A_492 : i32
        %jit3A_494 = arith.constant 1 : i32
        %select_n3A_495 = arith.select %eq3A_493, %jit3A_494, %jit3A_491 : i32
        %rem3A_496 = arith.remsi %add3A_406, %select_n3A_495 : i32
        %ne3A_497 = arith.constant 0 : i32
        %ne3A_498 = arith.cmpi ne, %rem3A_496, %ne3A_497 : i32
        %lt3A_499 = arith.constant 0 : i32
        %lt3A_500 = arith.cmpi slt, %rem3A_496, %lt3A_499 : i32
        %lt3A_501 = arith.constant 0 : i32
        %lt3A_502 = arith.cmpi slt, %select_n3A_495, %lt3A_501 : i32
        %ne3A_503 = arith.xori %lt3A_500, %lt3A_502 : i1
        %and3A_504 = arith.andi %ne3A_503, %ne3A_498 : i1
        %add3A_505 = arith.addi %rem3A_496, %select_n3A_495 : i32
        %select_n3A_506 = arith.select %and3A_504, %add3A_505, %rem3A_496 : i32
        %mul3A_507 = arith.constant 2 : i32
        %mul3A_508 = arith.muli %select_n3A_506, %mul3A_507 : i32
        %add3A_509 = arith.addi %mul3A_490, %mul3A_508 : i32
        %add3A_510 = arith.constant 0 : i32
        %add3A_511 = arith.addi %add3A_509, %add3A_510 : i32
        %dma_start3A_512 = arith.constant 2 : i32
        %dma_start3A_513 = arith.constant 0 : i32
        %dma_start3A_514 = arith.constant 2 : i32
        %dma_start3A_515 = arith.constant 0 : i32
        %dma_start3A_516 = arith.constant 0 : i32
        %dma_start3A_517 = arith.constant 0 : i32
        %dma_start3A_518 = tpu.memref_slice %arg7[%dma_start3A_512, %dma_start3A_513, %dma_start3A_515, %dma_start3A_516, %dma_start3A_517] : memref<3x2x8x8x129xf32, #tpu.memory_space<vmem>> -> memref<1x1x8x8x128xf32, #tpu.memory_space<vmem>>
        %dma_start3A_519 = tpu.memref_squeeze %dma_start3A_518 : memref<1x1x8x8x128xf32, #tpu.memory_space<vmem>> -> memref<8x8x128xf32, #tpu.memory_space<vmem>>
        %dma_start3A_520 = arith.constant 0 : i32
        %dma_start3A_521 = arith.constant 0 : i32
        %dma_start3A_522 = arith.constant 0 : i32
        %dma_start3A_523 = tpu.memref_slice %arg4[%select_n3A_488, %dma_start3A_520, %add3A_511, %dma_start3A_521, %dma_start3A_522] : memref<50x8x128x8x128xf32, #tpu.memory_space<hbm>> -> memref<1x8x1x8x128xf32, #tpu.memory_space<hbm>>
        %dma_start3A_524 = tpu.memref_squeeze %dma_start3A_523 : memref<1x8x1x8x128xf32, #tpu.memory_space<hbm>> -> memref<8x8x128xf32, #tpu.memory_space<hbm>>
        %dma_start3A_525 = tpu.memref_slice %arg9[%dma_start3A_514] : memref<3x!tpu.dma_semaphore, #tpu.memory_space<semaphore_mem>> -> memref<1x!tpu.dma_semaphore, #tpu.memory_space<semaphore_mem>>
        %dma_start3A_526 = tpu.memref_squeeze %dma_start3A_525 : memref<1x!tpu.dma_semaphore, #tpu.memory_space<semaphore_mem>> -> memref<!tpu.dma_semaphore, #tpu.memory_space<semaphore_mem>>
        %dma_start3A_527 = arith.constant 0 : i32
        %dma_start3A_528 = arith.constant 0 : i32
        %dma_start3A_529 = arith.constant 0 : i32
        %dma_start3A_530 = tpu.memref_slice %arg4[%select_n3A_488, %dma_start3A_527, %add3A_511, %dma_start3A_528, %dma_start3A_529] : memref<50x8x128x8x128xf32, #tpu.memory_space<hbm>> -> memref<1x8x1x8x128xf32, #tpu.memory_space<hbm>>
        %dma_start3A_531 = tpu.memref_squeeze %dma_start3A_530 : memref<1x8x1x8x128xf32, #tpu.memory_space<hbm>> -> memref<8x8x128xf32, #tpu.memory_space<hbm>>
        %dma_start3A_532 = arith.constant 0 : i32
        %dma_start3A_533 = arith.constant 0 : i32
        %dma_start3A_534 = arith.constant 0 : i32
        %dma_start3A_535 = tpu.memref_slice %arg7[%dma_start3A_512, %dma_start3A_513, %dma_start3A_532, %dma_start3A_533, %dma_start3A_534] : memref<3x2x8x8x129xf32, #tpu.memory_space<vmem>> -> memref<1x1x8x8x128xf32, #tpu.memory_space<vmem>>
        %dma_start3A_536 = tpu.memref_squeeze %dma_start3A_535 : memref<1x1x8x8x128xf32, #tpu.memory_space<vmem>> -> memref<8x8x128xf32, #tpu.memory_space<vmem>>
        tpu.enqueue_dma source(%dma_start3A_536 : memref<8x8x128xf32, #tpu.memory_space<vmem>>) target(%dma_start3A_531 : memref<8x8x128xf32, #tpu.memory_space<hbm>>) target_semaphore(%dma_start3A_526 : memref<!tpu.dma_semaphore, #tpu.memory_space<semaphore_mem>>)
        %add3A_537 = arith.constant 1 : i32
        %add3A_538 = arith.addi %add3A_509, %add3A_537 : i32
        %dma_start3A_539 = arith.constant 2 : i32
        %dma_start3A_540 = arith.constant 1 : i32
        %dma_start3A_541 = arith.constant 2 : i32
        %dma_start3A_542 = arith.constant 0 : i32
        %dma_start3A_543 = arith.constant 0 : i32
        %dma_start3A_544 = arith.constant 0 : i32
        %dma_start3A_545 = tpu.memref_slice %arg7[%dma_start3A_539, %dma_start3A_540, %dma_start3A_542, %dma_start3A_543, %dma_start3A_544] : memref<3x2x8x8x129xf32, #tpu.memory_space<vmem>> -> memref<1x1x8x8x128xf32, #tpu.memory_space<vmem>>
        %dma_start3A_546 = tpu.memref_squeeze %dma_start3A_545 : memref<1x1x8x8x128xf32, #tpu.memory_space<vmem>> -> memref<8x8x128xf32, #tpu.memory_space<vmem>>
        %dma_start3A_547 = arith.constant 0 : i32
        %dma_start3A_548 = arith.constant 0 : i32
        %dma_start3A_549 = arith.constant 0 : i32
        %dma_start3A_550 = tpu.memref_slice %arg4[%select_n3A_488, %dma_start3A_547, %add3A_538, %dma_start3A_548, %dma_start3A_549] : memref<50x8x128x8x128xf32, #tpu.memory_space<hbm>> -> memref<1x8x1x8x128xf32, #tpu.memory_space<hbm>>
        %dma_start3A_551 = tpu.memref_squeeze %dma_start3A_550 : memref<1x8x1x8x128xf32, #tpu.memory_space<hbm>> -> memref<8x8x128xf32, #tpu.memory_space<hbm>>
        %dma_start3A_552 = tpu.memref_slice %arg9[%dma_start3A_541] : memref<3x!tpu.dma_semaphore, #tpu.memory_space<semaphore_mem>> -> memref<1x!tpu.dma_semaphore, #tpu.memory_space<semaphore_mem>>
        %dma_start3A_553 = tpu.memref_squeeze %dma_start3A_552 : memref<1x!tpu.dma_semaphore, #tpu.memory_space<semaphore_mem>> -> memref<!tpu.dma_semaphore, #tpu.memory_space<semaphore_mem>>
        %dma_start3A_554 = arith.constant 0 : i32
        %dma_start3A_555 = arith.constant 0 : i32
        %dma_start3A_556 = arith.constant 0 : i32
        %dma_start3A_557 = tpu.memref_slice %arg4[%select_n3A_488, %dma_start3A_554, %add3A_538, %dma_start3A_555, %dma_start3A_556] : memref<50x8x128x8x128xf32, #tpu.memory_space<hbm>> -> memref<1x8x1x8x128xf32, #tpu.memory_space<hbm>>
        %dma_start3A_558 = tpu.memref_squeeze %dma_start3A_557 : memref<1x8x1x8x128xf32, #tpu.memory_space<hbm>> -> memref<8x8x128xf32, #tpu.memory_space<hbm>>
        %dma_start3A_559 = arith.constant 0 : i32
        %dma_start3A_560 = arith.constant 0 : i32
        %dma_start3A_561 = arith.constant 0 : i32
        %dma_start3A_562 = tpu.memref_slice %arg7[%dma_start3A_539, %dma_start3A_540, %dma_start3A_559, %dma_start3A_560, %dma_start3A_561] : memref<3x2x8x8x129xf32, #tpu.memory_space<vmem>> -> memref<1x1x8x8x128xf32, #tpu.memory_space<vmem>>
        %dma_start3A_563 = tpu.memref_squeeze %dma_start3A_562 : memref<1x1x8x8x128xf32, #tpu.memory_space<vmem>> -> memref<8x8x128xf32, #tpu.memory_space<vmem>>
        tpu.enqueue_dma source(%dma_start3A_563 : memref<8x8x128xf32, #tpu.memory_space<vmem>>) target(%dma_start3A_558 : memref<8x8x128xf32, #tpu.memory_space<hbm>>) target_semaphore(%dma_start3A_553 : memref<!tpu.dma_semaphore, #tpu.memory_space<semaphore_mem>>)
      } else {
      }
    }
    %scan3A_225 = arith.constant 34 : i32
    %dma_wait3A = arith.constant 0 : i32
    %dma_wait3A_226 = arith.constant 0 : i32
    %dma_wait3A_227 = arith.constant 0 : i32
    %dma_wait3A_228 = arith.constant 0 : i32
    %dma_wait3A_229 = arith.constant 0 : i32
    %dma_wait3A_230 = arith.constant 0 : i32
    %dma_wait3A_231 = arith.constant 0 : i32
    %dma_wait3A_232 = arith.constant 0 : i32
    %dma_wait3A_233 = tpu.memref_slice %arg7[%dma_wait3A, %dma_wait3A_226, %dma_wait3A_230, %dma_wait3A_231, %dma_wait3A_232] : memref<3x2x8x8x129xf32, #tpu.memory_space<vmem>> -> memref<1x1x8x8x128xf32, #tpu.memory_space<vmem>>
    %dma_wait3A_234 = tpu.memref_squeeze %dma_wait3A_233 : memref<1x1x8x8x128xf32, #tpu.memory_space<vmem>> -> memref<8x8x128xf32, #tpu.memory_space<vmem>>
    %dma_wait3A_235 = arith.constant 0 : i32
    %dma_wait3A_236 = arith.constant 0 : i32
    %dma_wait3A_237 = arith.constant 0 : i32
    %dma_wait3A_238 = tpu.memref_slice %arg4[%dma_wait3A_227, %dma_wait3A_235, %dma_wait3A_228, %dma_wait3A_236, %dma_wait3A_237] : memref<50x8x128x8x128xf32, #tpu.memory_space<hbm>> -> memref<1x8x1x8x128xf32, #tpu.memory_space<hbm>>
    %dma_wait3A_239 = tpu.memref_squeeze %dma_wait3A_238 : memref<1x8x1x8x128xf32, #tpu.memory_space<hbm>> -> memref<8x8x128xf32, #tpu.memory_space<hbm>>
    %dma_wait3A_240 = tpu.memref_slice %arg9[%dma_wait3A_229] : memref<3x!tpu.dma_semaphore, #tpu.memory_space<semaphore_mem>> -> memref<1x!tpu.dma_semaphore, #tpu.memory_space<semaphore_mem>>
    %dma_wait3A_241 = tpu.memref_squeeze %dma_wait3A_240 : memref<1x!tpu.dma_semaphore, #tpu.memory_space<semaphore_mem>> -> memref<!tpu.dma_semaphore, #tpu.memory_space<semaphore_mem>>
    %dma_wait3A_242 = arith.constant 0 : i32
    %dma_wait3A_243 = arith.constant 0 : i32
    %dma_wait3A_244 = arith.constant 0 : i32
    %dma_wait3A_245 = tpu.memref_slice %arg4[%dma_wait3A_227, %dma_wait3A_242, %dma_wait3A_228, %dma_wait3A_243, %dma_wait3A_244] : memref<50x8x128x8x128xf32, #tpu.memory_space<hbm>> -> memref<1x8x1x8x128xf32, #tpu.memory_space<hbm>>
    %dma_wait3A_246 = tpu.memref_squeeze %dma_wait3A_245 : memref<1x8x1x8x128xf32, #tpu.memory_space<hbm>> -> memref<8x8x128xf32, #tpu.memory_space<hbm>>
    %dma_wait3A_247 = arith.constant 0 : i32
    %dma_wait3A_248 = arith.constant 0 : i32
    %dma_wait3A_249 = arith.constant 0 : i32
    %dma_wait3A_250 = tpu.memref_slice %arg7[%dma_wait3A, %dma_wait3A_226, %dma_wait3A_247, %dma_wait3A_248, %dma_wait3A_249] : memref<3x2x8x8x129xf32, #tpu.memory_space<vmem>> -> memref<1x1x8x8x128xf32, #tpu.memory_space<vmem>>
    %dma_wait3A_251 = tpu.memref_squeeze %dma_wait3A_250 : memref<1x1x8x8x128xf32, #tpu.memory_space<vmem>> -> memref<8x8x128xf32, #tpu.memory_space<vmem>>
    tpu.wait_dma2 semaphore(%dma_wait3A_241 : memref<!tpu.dma_semaphore, #tpu.memory_space<semaphore_mem>>) src(%dma_wait3A_251 : memref<8x8x128xf32, #tpu.memory_space<vmem>>) dst(%dma_wait3A_246 : memref<8x8x128xf32, #tpu.memory_space<hbm>>)
    %dma_wait3A_252 = arith.constant 0 : i32
    %dma_wait3A_253 = arith.constant 1 : i32
    %dma_wait3A_254 = arith.constant 0 : i32
    %dma_wait3A_255 = arith.constant 0 : i32
    %dma_wait3A_256 = arith.constant 0 : i32
    %dma_wait3A_257 = arith.constant 0 : i32
    %dma_wait3A_258 = arith.constant 0 : i32
    %dma_wait3A_259 = arith.constant 0 : i32
    %dma_wait3A_260 = tpu.memref_slice %arg7[%dma_wait3A_252, %dma_wait3A_253, %dma_wait3A_257, %dma_wait3A_258, %dma_wait3A_259] : memref<3x2x8x8x129xf32, #tpu.memory_space<vmem>> -> memref<1x1x8x8x128xf32, #tpu.memory_space<vmem>>
    %dma_wait3A_261 = tpu.memref_squeeze %dma_wait3A_260 : memref<1x1x8x8x128xf32, #tpu.memory_space<vmem>> -> memref<8x8x128xf32, #tpu.memory_space<vmem>>
    %dma_wait3A_262 = arith.constant 0 : i32
    %dma_wait3A_263 = arith.constant 0 : i32
    %dma_wait3A_264 = arith.constant 0 : i32
    %dma_wait3A_265 = tpu.memref_slice %arg4[%dma_wait3A_254, %dma_wait3A_262, %dma_wait3A_255, %dma_wait3A_263, %dma_wait3A_264] : memref<50x8x128x8x128xf32, #tpu.memory_space<hbm>> -> memref<1x8x1x8x128xf32, #tpu.memory_space<hbm>>
    %dma_wait3A_266 = tpu.memref_squeeze %dma_wait3A_265 : memref<1x8x1x8x128xf32, #tpu.memory_space<hbm>> -> memref<8x8x128xf32, #tpu.memory_space<hbm>>
    %dma_wait3A_267 = tpu.memref_slice %arg9[%dma_wait3A_256] : memref<3x!tpu.dma_semaphore, #tpu.memory_space<semaphore_mem>> -> memref<1x!tpu.dma_semaphore, #tpu.memory_space<semaphore_mem>>
    %dma_wait3A_268 = tpu.memref_squeeze %dma_wait3A_267 : memref<1x!tpu.dma_semaphore, #tpu.memory_space<semaphore_mem>> -> memref<!tpu.dma_semaphore, #tpu.memory_space<semaphore_mem>>
    %dma_wait3A_269 = arith.constant 0 : i32
    %dma_wait3A_270 = arith.constant 0 : i32
    %dma_wait3A_271 = arith.constant 0 : i32
    %dma_wait3A_272 = tpu.memref_slice %arg4[%dma_wait3A_254, %dma_wait3A_269, %dma_wait3A_255, %dma_wait3A_270, %dma_wait3A_271] : memref<50x8x128x8x128xf32, #tpu.memory_space<hbm>> -> memref<1x8x1x8x128xf32, #tpu.memory_space<hbm>>
    %dma_wait3A_273 = tpu.memref_squeeze %dma_wait3A_272 : memref<1x8x1x8x128xf32, #tpu.memory_space<hbm>> -> memref<8x8x128xf32, #tpu.memory_space<hbm>>
    %dma_wait3A_274 = arith.constant 0 : i32
    %dma_wait3A_275 = arith.constant 0 : i32
    %dma_wait3A_276 = arith.constant 0 : i32
    %dma_wait3A_277 = tpu.memref_slice %arg7[%dma_wait3A_252, %dma_wait3A_253, %dma_wait3A_274, %dma_wait3A_275, %dma_wait3A_276] : memref<3x2x8x8x129xf32, #tpu.memory_space<vmem>> -> memref<1x1x8x8x128xf32, #tpu.memory_space<vmem>>
    %dma_wait3A_278 = tpu.memref_squeeze %dma_wait3A_277 : memref<1x1x8x8x128xf32, #tpu.memory_space<vmem>> -> memref<8x8x128xf32, #tpu.memory_space<vmem>>
    tpu.wait_dma2 semaphore(%dma_wait3A_268 : memref<!tpu.dma_semaphore, #tpu.memory_space<semaphore_mem>>) src(%dma_wait3A_278 : memref<8x8x128xf32, #tpu.memory_space<vmem>>) dst(%dma_wait3A_273 : memref<8x8x128xf32, #tpu.memory_space<hbm>>)
    %dma_wait3A_279 = arith.constant 1 : i32
    %dma_wait3A_280 = arith.constant 0 : i32
    %dma_wait3A_281 = arith.constant 0 : i32
    %dma_wait3A_282 = arith.constant 0 : i32
    %dma_wait3A_283 = arith.constant 1 : i32
    %dma_wait3A_284 = arith.constant 0 : i32
    %dma_wait3A_285 = arith.constant 0 : i32
    %dma_wait3A_286 = arith.constant 0 : i32
    %dma_wait3A_287 = tpu.memref_slice %arg7[%dma_wait3A_279, %dma_wait3A_280, %dma_wait3A_284, %dma_wait3A_285, %dma_wait3A_286] : memref<3x2x8x8x129xf32, #tpu.memory_space<vmem>> -> memref<1x1x8x8x128xf32, #tpu.memory_space<vmem>>
    %dma_wait3A_288 = tpu.memref_squeeze %dma_wait3A_287 : memref<1x1x8x8x128xf32, #tpu.memory_space<vmem>> -> memref<8x8x128xf32, #tpu.memory_space<vmem>>
    %dma_wait3A_289 = arith.constant 0 : i32
    %dma_wait3A_290 = arith.constant 0 : i32
    %dma_wait3A_291 = arith.constant 0 : i32
    %dma_wait3A_292 = tpu.memref_slice %arg4[%dma_wait3A_281, %dma_wait3A_289, %dma_wait3A_282, %dma_wait3A_290, %dma_wait3A_291] : memref<50x8x128x8x128xf32, #tpu.memory_space<hbm>> -> memref<1x8x1x8x128xf32, #tpu.memory_space<hbm>>
    %dma_wait3A_293 = tpu.memref_squeeze %dma_wait3A_292 : memref<1x8x1x8x128xf32, #tpu.memory_space<hbm>> -> memref<8x8x128xf32, #tpu.memory_space<hbm>>
    %dma_wait3A_294 = tpu.memref_slice %arg9[%dma_wait3A_283] : memref<3x!tpu.dma_semaphore, #tpu.memory_space<semaphore_mem>> -> memref<1x!tpu.dma_semaphore, #tpu.memory_space<semaphore_mem>>
    %dma_wait3A_295 = tpu.memref_squeeze %dma_wait3A_294 : memref<1x!tpu.dma_semaphore, #tpu.memory_space<semaphore_mem>> -> memref<!tpu.dma_semaphore, #tpu.memory_space<semaphore_mem>>
    %dma_wait3A_296 = arith.constant 0 : i32
    %dma_wait3A_297 = arith.constant 0 : i32
    %dma_wait3A_298 = arith.constant 0 : i32
    %dma_wait3A_299 = tpu.memref_slice %arg4[%dma_wait3A_281, %dma_wait3A_296, %dma_wait3A_282, %dma_wait3A_297, %dma_wait3A_298] : memref<50x8x128x8x128xf32, #tpu.memory_space<hbm>> -> memref<1x8x1x8x128xf32, #tpu.memory_space<hbm>>
    %dma_wait3A_300 = tpu.memref_squeeze %dma_wait3A_299 : memref<1x8x1x8x128xf32, #tpu.memory_space<hbm>> -> memref<8x8x128xf32, #tpu.memory_space<hbm>>
    %dma_wait3A_301 = arith.constant 0 : i32
    %dma_wait3A_302 = arith.constant 0 : i32
    %dma_wait3A_303 = arith.constant 0 : i32
    %dma_wait3A_304 = tpu.memref_slice %arg7[%dma_wait3A_279, %dma_wait3A_280, %dma_wait3A_301, %dma_wait3A_302, %dma_wait3A_303] : memref<3x2x8x8x129xf32, #tpu.memory_space<vmem>> -> memref<1x1x8x8x128xf32, #tpu.memory_space<vmem>>
    %dma_wait3A_305 = tpu.memref_squeeze %dma_wait3A_304 : memref<1x1x8x8x128xf32, #tpu.memory_space<vmem>> -> memref<8x8x128xf32, #tpu.memory_space<vmem>>
    tpu.wait_dma2 semaphore(%dma_wait3A_295 : memref<!tpu.dma_semaphore, #tpu.memory_space<semaphore_mem>>) src(%dma_wait3A_305 : memref<8x8x128xf32, #tpu.memory_space<vmem>>) dst(%dma_wait3A_300 : memref<8x8x128xf32, #tpu.memory_space<hbm>>)
    %dma_wait3A_306 = arith.constant 1 : i32
    %dma_wait3A_307 = arith.constant 1 : i32
    %dma_wait3A_308 = arith.constant 0 : i32
    %dma_wait3A_309 = arith.constant 0 : i32
    %dma_wait3A_310 = arith.constant 1 : i32
    %dma_wait3A_311 = arith.constant 0 : i32
    %dma_wait3A_312 = arith.constant 0 : i32
    %dma_wait3A_313 = arith.constant 0 : i32
    %dma_wait3A_314 = tpu.memref_slice %arg7[%dma_wait3A_306, %dma_wait3A_307, %dma_wait3A_311, %dma_wait3A_312, %dma_wait3A_313] : memref<3x2x8x8x129xf32, #tpu.memory_space<vmem>> -> memref<1x1x8x8x128xf32, #tpu.memory_space<vmem>>
    %dma_wait3A_315 = tpu.memref_squeeze %dma_wait3A_314 : memref<1x1x8x8x128xf32, #tpu.memory_space<vmem>> -> memref<8x8x128xf32, #tpu.memory_space<vmem>>
    %dma_wait3A_316 = arith.constant 0 : i32
    %dma_wait3A_317 = arith.constant 0 : i32
    %dma_wait3A_318 = arith.constant 0 : i32
    %dma_wait3A_319 = tpu.memref_slice %arg4[%dma_wait3A_308, %dma_wait3A_316, %dma_wait3A_309, %dma_wait3A_317, %dma_wait3A_318] : memref<50x8x128x8x128xf32, #tpu.memory_space<hbm>> -> memref<1x8x1x8x128xf32, #tpu.memory_space<hbm>>
    %dma_wait3A_320 = tpu.memref_squeeze %dma_wait3A_319 : memref<1x8x1x8x128xf32, #tpu.memory_space<hbm>> -> memref<8x8x128xf32, #tpu.memory_space<hbm>>
    %dma_wait3A_321 = tpu.memref_slice %arg9[%dma_wait3A_310] : memref<3x!tpu.dma_semaphore, #tpu.memory_space<semaphore_mem>> -> memref<1x!tpu.dma_semaphore, #tpu.memory_space<semaphore_mem>>
    %dma_wait3A_322 = tpu.memref_squeeze %dma_wait3A_321 : memref<1x!tpu.dma_semaphore, #tpu.memory_space<semaphore_mem>> -> memref<!tpu.dma_semaphore, #tpu.memory_space<semaphore_mem>>
    %dma_wait3A_323 = arith.constant 0 : i32
    %dma_wait3A_324 = arith.constant 0 : i32
    %dma_wait3A_325 = arith.constant 0 : i32
    %dma_wait3A_326 = tpu.memref_slice %arg4[%dma_wait3A_308, %dma_wait3A_323, %dma_wait3A_309, %dma_wait3A_324, %dma_wait3A_325] : memref<50x8x128x8x128xf32, #tpu.memory_space<hbm>> -> memref<1x8x1x8x128xf32, #tpu.memory_space<hbm>>
    %dma_wait3A_327 = tpu.memref_squeeze %dma_wait3A_326 : memref<1x8x1x8x128xf32, #tpu.memory_space<hbm>> -> memref<8x8x128xf32, #tpu.memory_space<hbm>>
    %dma_wait3A_328 = arith.constant 0 : i32
    %dma_wait3A_329 = arith.constant 0 : i32
    %dma_wait3A_330 = arith.constant 0 : i32
    %dma_wait3A_331 = tpu.memref_slice %arg7[%dma_wait3A_306, %dma_wait3A_307, %dma_wait3A_328, %dma_wait3A_329, %dma_wait3A_330] : memref<3x2x8x8x129xf32, #tpu.memory_space<vmem>> -> memref<1x1x8x8x128xf32, #tpu.memory_space<vmem>>
    %dma_wait3A_332 = tpu.memref_squeeze %dma_wait3A_331 : memref<1x1x8x8x128xf32, #tpu.memory_space<vmem>> -> memref<8x8x128xf32, #tpu.memory_space<vmem>>
    tpu.wait_dma2 semaphore(%dma_wait3A_322 : memref<!tpu.dma_semaphore, #tpu.memory_space<semaphore_mem>>) src(%dma_wait3A_332 : memref<8x8x128xf32, #tpu.memory_space<vmem>>) dst(%dma_wait3A_327 : memref<8x8x128xf32, #tpu.memory_space<hbm>>)
    %dma_wait3A_333 = arith.constant 2 : i32
    %dma_wait3A_334 = arith.constant 0 : i32
    %dma_wait3A_335 = arith.constant 0 : i32
    %dma_wait3A_336 = arith.constant 0 : i32
    %dma_wait3A_337 = arith.constant 2 : i32
    %dma_wait3A_338 = arith.constant 0 : i32
    %dma_wait3A_339 = arith.constant 0 : i32
    %dma_wait3A_340 = arith.constant 0 : i32
    %dma_wait3A_341 = tpu.memref_slice %arg7[%dma_wait3A_333, %dma_wait3A_334, %dma_wait3A_338, %dma_wait3A_339, %dma_wait3A_340] : memref<3x2x8x8x129xf32, #tpu.memory_space<vmem>> -> memref<1x1x8x8x128xf32, #tpu.memory_space<vmem>>
    %dma_wait3A_342 = tpu.memref_squeeze %dma_wait3A_341 : memref<1x1x8x8x128xf32, #tpu.memory_space<vmem>> -> memref<8x8x128xf32, #tpu.memory_space<vmem>>
    %dma_wait3A_343 = arith.constant 0 : i32
    %dma_wait3A_344 = arith.constant 0 : i32
    %dma_wait3A_345 = arith.constant 0 : i32
    %dma_wait3A_346 = tpu.memref_slice %arg4[%dma_wait3A_335, %dma_wait3A_343, %dma_wait3A_336, %dma_wait3A_344, %dma_wait3A_345] : memref<50x8x128x8x128xf32, #tpu.memory_space<hbm>> -> memref<1x8x1x8x128xf32, #tpu.memory_space<hbm>>
    %dma_wait3A_347 = tpu.memref_squeeze %dma_wait3A_346 : memref<1x8x1x8x128xf32, #tpu.memory_space<hbm>> -> memref<8x8x128xf32, #tpu.memory_space<hbm>>
    %dma_wait3A_348 = tpu.memref_slice %arg9[%dma_wait3A_337] : memref<3x!tpu.dma_semaphore, #tpu.memory_space<semaphore_mem>> -> memref<1x!tpu.dma_semaphore, #tpu.memory_space<semaphore_mem>>
    %dma_wait3A_349 = tpu.memref_squeeze %dma_wait3A_348 : memref<1x!tpu.dma_semaphore, #tpu.memory_space<semaphore_mem>> -> memref<!tpu.dma_semaphore, #tpu.memory_space<semaphore_mem>>
    %dma_wait3A_350 = arith.constant 0 : i32
    %dma_wait3A_351 = arith.constant 0 : i32
    %dma_wait3A_352 = arith.constant 0 : i32
    %dma_wait3A_353 = tpu.memref_slice %arg4[%dma_wait3A_335, %dma_wait3A_350, %dma_wait3A_336, %dma_wait3A_351, %dma_wait3A_352] : memref<50x8x128x8x128xf32, #tpu.memory_space<hbm>> -> memref<1x8x1x8x128xf32, #tpu.memory_space<hbm>>
    %dma_wait3A_354 = tpu.memref_squeeze %dma_wait3A_353 : memref<1x8x1x8x128xf32, #tpu.memory_space<hbm>> -> memref<8x8x128xf32, #tpu.memory_space<hbm>>
    %dma_wait3A_355 = arith.constant 0 : i32
    %dma_wait3A_356 = arith.constant 0 : i32
    %dma_wait3A_357 = arith.constant 0 : i32
    %dma_wait3A_358 = tpu.memref_slice %arg7[%dma_wait3A_333, %dma_wait3A_334, %dma_wait3A_355, %dma_wait3A_356, %dma_wait3A_357] : memref<3x2x8x8x129xf32, #tpu.memory_space<vmem>> -> memref<1x1x8x8x128xf32, #tpu.memory_space<vmem>>
    %dma_wait3A_359 = tpu.memref_squeeze %dma_wait3A_358 : memref<1x1x8x8x128xf32, #tpu.memory_space<vmem>> -> memref<8x8x128xf32, #tpu.memory_space<vmem>>
    tpu.wait_dma2 semaphore(%dma_wait3A_349 : memref<!tpu.dma_semaphore, #tpu.memory_space<semaphore_mem>>) src(%dma_wait3A_359 : memref<8x8x128xf32, #tpu.memory_space<vmem>>) dst(%dma_wait3A_354 : memref<8x8x128xf32, #tpu.memory_space<hbm>>)
    %dma_wait3A_360 = arith.constant 2 : i32
    %dma_wait3A_361 = arith.constant 1 : i32
    %dma_wait3A_362 = arith.constant 0 : i32
    %dma_wait3A_363 = arith.constant 0 : i32
    %dma_wait3A_364 = arith.constant 2 : i32
    %dma_wait3A_365 = arith.constant 0 : i32
    %dma_wait3A_366 = arith.constant 0 : i32
    %dma_wait3A_367 = arith.constant 0 : i32
    %dma_wait3A_368 = tpu.memref_slice %arg7[%dma_wait3A_360, %dma_wait3A_361, %dma_wait3A_365, %dma_wait3A_366, %dma_wait3A_367] : memref<3x2x8x8x129xf32, #tpu.memory_space<vmem>> -> memref<1x1x8x8x128xf32, #tpu.memory_space<vmem>>
    %dma_wait3A_369 = tpu.memref_squeeze %dma_wait3A_368 : memref<1x1x8x8x128xf32, #tpu.memory_space<vmem>> -> memref<8x8x128xf32, #tpu.memory_space<vmem>>
    %dma_wait3A_370 = arith.constant 0 : i32
    %dma_wait3A_371 = arith.constant 0 : i32
    %dma_wait3A_372 = arith.constant 0 : i32
    %dma_wait3A_373 = tpu.memref_slice %arg4[%dma_wait3A_362, %dma_wait3A_370, %dma_wait3A_363, %dma_wait3A_371, %dma_wait3A_372] : memref<50x8x128x8x128xf32, #tpu.memory_space<hbm>> -> memref<1x8x1x8x128xf32, #tpu.memory_space<hbm>>
    %dma_wait3A_374 = tpu.memref_squeeze %dma_wait3A_373 : memref<1x8x1x8x128xf32, #tpu.memory_space<hbm>> -> memref<8x8x128xf32, #tpu.memory_space<hbm>>
    %dma_wait3A_375 = tpu.memref_slice %arg9[%dma_wait3A_364] : memref<3x!tpu.dma_semaphore, #tpu.memory_space<semaphore_mem>> -> memref<1x!tpu.dma_semaphore, #tpu.memory_space<semaphore_mem>>
    %dma_wait3A_376 = tpu.memref_squeeze %dma_wait3A_375 : memref<1x!tpu.dma_semaphore, #tpu.memory_space<semaphore_mem>> -> memref<!tpu.dma_semaphore, #tpu.memory_space<semaphore_mem>>
    %dma_wait3A_377 = arith.constant 0 : i32
    %dma_wait3A_378 = arith.constant 0 : i32
    %dma_wait3A_379 = arith.constant 0 : i32
    %dma_wait3A_380 = tpu.memref_slice %arg4[%dma_wait3A_362, %dma_wait3A_377, %dma_wait3A_363, %dma_wait3A_378, %dma_wait3A_379] : memref<50x8x128x8x128xf32, #tpu.memory_space<hbm>> -> memref<1x8x1x8x128xf32, #tpu.memory_space<hbm>>
    %dma_wait3A_381 = tpu.memref_squeeze %dma_wait3A_380 : memref<1x8x1x8x128xf32, #tpu.memory_space<hbm>> -> memref<8x8x128xf32, #tpu.memory_space<hbm>>
    %dma_wait3A_382 = arith.constant 0 : i32
    %dma_wait3A_383 = arith.constant 0 : i32
    %dma_wait3A_384 = arith.constant 0 : i32
    %dma_wait3A_385 = tpu.memref_slice %arg7[%dma_wait3A_360, %dma_wait3A_361, %dma_wait3A_382, %dma_wait3A_383, %dma_wait3A_384] : memref<3x2x8x8x129xf32, #tpu.memory_space<vmem>> -> memref<1x1x8x8x128xf32, #tpu.memory_space<vmem>>
    %dma_wait3A_386 = tpu.memref_squeeze %dma_wait3A_385 : memref<1x1x8x8x128xf32, #tpu.memory_space<vmem>> -> memref<8x8x128xf32, #tpu.memory_space<vmem>>
    tpu.wait_dma2 semaphore(%dma_wait3A_376 : memref<!tpu.dma_semaphore, #tpu.memory_space<semaphore_mem>>) src(%dma_wait3A_386 : memref<8x8x128xf32, #tpu.memory_space<vmem>>) dst(%dma_wait3A_381 : memref<8x8x128xf32, #tpu.memory_space<hbm>>)
    return
  }
}

</mosaic_0001>

<sc_bundles>
// kernel: kernel.3.cloned.1.call-start
scs
__scs_entry_jumppad:
0x0: {  	(pc) =	sbr.rel $0x88, $3  }
0x1: {  	(tag) =	ssettag $0x0;
	lr =	simm.s32 $0x1  }
0x2: {  	[smem:$0x3F9F] =	sst lr;
	_ =	strace $0xD0000000  }
0x3: {  	_ = 	snop  }
0x4: {  	_ = 	snop  }
0x5: {  	_ = 	snop  }
0x6: {  	_ = 	snop  }
0x7: {  	_ = 	snop  }
__scs_overlays_trampoline_lowered:
0x8: {  	[smem:$0x3FAE] =	sst s0  }
0x9: {  	[smem:$0x3FAF] =	sst s1  }
0xa: {  	[smem:$0x3FB0] =	sst s2  }
0xb: {  	[smem:$0x3FB1] =	sst s3  }
0xc: {  	[smem:$0x3FB2] =	sst s4  }
0xd: {  	[smem:$0x3FB3] =	sst s5  }
0xe: {  	[smem:$0x3FB4] =	sst s6  }
0xf: {  	[smem:$0x3FB5] =	sst s7  }
0x10: {  	[smem:$0x3FB6] =	sst s8  }
0x11: {  	[smem:$0x3FB7] =	sst s9;
	s0 =	simm.s32 @!p0 $0x0  }
0x12: {  	s1 =	sld [smem:$0x3F9D];
	s0 =	simm.s32 @p0 $0x1  }
0x13: {  	[smem:$0x3FB8] =	sst s0;
	s0 =	simm.s32 @!p1 $0x0  }
0x14: {  	s2 =	sld [smem:$0x3F9C];
	s0 =	simm.s32 @p1 $0x1  }
0x15: {  	[smem:$0x3FB9] =	sst s0;
	s0 =	simm.s32 @!p2 $0x0  }
0x16: {  	s3 =	sld [smem:$0x3FDB];
	s0 =	simm.s32 @p2 $0x1  }
0x17: {  	s4 =	simm.s32 $0x1BF5;
	[smem:$0x3FBB] =	sst s0  }
0x18: {  	s0 =	sld [smem:$0x3F9E];
	_ =	swait.ge [sflag:s4], $0x0  }
0x19: {  	s7 =	sld [smem:$0x3F9F]  }
0x1a: {  	s8 =	sadd.s32 $0xFFFFE003, lr  }
0x1b: {  	s9 =	sadd.s32 $0xFFFFFEF7, lr;
	s5 =	simm.s32 $0xFFFFFFFF;
	p2 =	slt.u32 s8, $0xFFFFF086  }
0x1c: {  	p1 =	slt.u32 s9, $0xF7A;
	s5 =	simm.s32 @!p2 $0x0  }
0x1d: {  	s5 =	simm.s32 @p1 $0x1;
	p0 =	seq.s32 s7, s2  }
0x1e: {  	s7 =	smul.u32 @!p0 $0xF7A, s2;
	p2 =	seq.s32 @!p0 s5, $0x0  }
0x1f: {  	s9 =	smul.u32 $0xF7A, s1;
	s8 =	simm.s32 @!p0 $0x1BF5;
	p2 =	por !p2, p0  }
0x20: {  	[sflag:s8] =	ssyncset.s32 @!p0 $0xFFFFF086;
	s6 =	sadd.s32 @!p0 s3, s7;
	s7 =	simm.s32 @!p0 $0x108  }
0x21: {  	s3 =	sadd.s32 s3, s9;
	s6 =	sadd.s32 @!p0 $0x88, s6;
	s7 =	simm.s32 @p2 $0x1082  }
0x22: {  	[simem:s7], [sflag:s8] =	dma.local @!p0 [hbm:s6], $0xF7A  }
0x23: {  	s9 =	sor.u32 $0xD0000000, s2;
	s6 =	simm.s32 $0x108;
	_ =	swait.ge @!p0 [sflag:s8], $0x0  }
0x24: {  	s3 =	sadd.s32 $0x88, s3;
	s6 =	simm.s32 @!p1 $0x1082;
	[sflag:s4] =	ssyncset.s32 $0xFFFFF086  }
0x25: {  	[simem:s6], [sflag:s4] =	dma.local [hbm:s3], $0xF7A  }
0x26: {  	[smem:$0x3F9F] =	sst s1;
	(tag) =	ssettag s2;
	_ =	strace s9  }
0x27: {  	s1 =	sld [smem:$0x3FAF]  }
0x28: {  	s2 =	sld [smem:$0x3FB0]  }
0x29: {  	s4 =	sld [smem:$0x3FB2]  }
0x2a: {  	p0 =	seq.s32 s5, $0x0;
	s5 =	sld [smem:$0x3FB3]  }
0x2b: {  	s6 =	sld [smem:$0x3FB4]  }
0x2c: {  	s7 =	sld [smem:$0x3FB5]  }
0x2d: {  	s3 =	simm.s32 $0x108;
	s8 =	sld [smem:$0x3FB6]  }
0x2e: {  	s3 =	simm.s32 @!p0 $0x1082;
	s9 =	sld [smem:$0x3FB7]  }
0x2f: {  	lr =	sadd.s32 s0, s3;
	s0 =	sld [smem:$0x3FAE]  }
0x30: {  	s3 =	sld [smem:$0x3FB1]  }
0x31: {  	[smem:$0x3FBA] =	sst s10  }
0x32: {  	s10 =	sld [smem:$0x3FB8];
	_ =	sdelay $0x3  }
0x33: {  	p0 =	seq.s32 s10, $0x1;
	s10 =	sld [smem:$0x3FBA];
	_ =	sdelay $0x3  }
0x34: {  	[smem:$0x3FBA] =	sst s10  }
0x35: {  	s10 =	sld [smem:$0x3FB9];
	_ =	sdelay $0x3  }
0x36: {  	p1 =	seq.s32 s10, $0x1;
	s10 =	sld [smem:$0x3FBA];
	_ =	sdelay $0x3  }
0x37: {  	[smem:$0x3FBA] =	sst s10  }
0x38: {  	s10 =	sld [smem:$0x3FBB]  }
0x39: {  	_ = 	snop;
	(pc) =	sbr.ind lr, $3  }
0x3a: {  	_ = 	snop  }
0x3b: {  	_ = 	snop  }
0x3c: {  	p2 =	seq.s32 s10, $0x1;
	s10 =	sld [smem:$0x3FBA]  }
0x3d: {  	_ =	shalt  }
0x3e: {  	_ =	shalt  }
0x3f: {  	_ =	shalt  }
0x40: {  	_ =	shalt  }
0x41: {  	_ =	shalt  }
0x42: {  	_ =	shalt  }
0x43: {  	_ =	shalt  }
0x44: {  	_ =	shalt  }
0x45: {  	_ =	shalt  }
0x46: {  	_ =	shalt  }
0x47: {  	_ =	shalt  }
0x48: {  	_ =	shalt  }
0x49: {  	_ =	shalt  }
0x4a: {  	_ =	shalt  }
0x4b: {  	_ =	shalt  }
0x4c: {  	_ =	shalt  }
0x4d: {  	_ =	shalt  }
0x4e: {  	_ =	shalt  }
0x4f: {  	_ =	shalt  }
0x50: {  	_ =	shalt  }
0x51: {  	_ =	shalt  }
0x52: {  	_ =	shalt  }
0x53: {  	_ =	shalt  }
0x54: {  	_ =	shalt  }
0x55: {  	_ =	shalt  }
0x56: {  	_ =	shalt  }
0x57: {  	_ =	shalt  }
0x58: {  	_ =	shalt  }
0x59: {  	_ =	shalt  }
0x5a: {  	_ =	shalt  }
0x5b: {  	_ =	shalt  }
0x5c: {  	_ =	shalt  }
0x5d: {  	_ =	shalt  }
0x5e: {  	_ =	shalt  }
0x5f: {  	_ =	shalt  }
0x60: {  	_ =	shalt  }
0x61: {  	_ =	shalt  }
0x62: {  	_ =	shalt  }
0x63: {  	_ =	shalt  }
0x64: {  	_ =	shalt  }
0x65: {  	_ =	shalt  }
0x66: {  	_ =	shalt  }
0x67: {  	_ =	shalt  }
0x68: {  	_ =	shalt  }
0x69: {  	_ =	shalt  }
0x6a: {  	_ =	shalt  }
0x6b: {  	_ =	shalt  }
0x6c: {  	_ =	shalt  }
0x6d: {  	_ =	shalt  }
0x6e: {  	_ =	shalt  }
0x6f: {  	_ =	shalt  }
0x70: {  	_ =	shalt  }
0x71: {  	_ =	shalt  }
0x72: {  	_ =	shalt  }
0x73: {  	_ =	shalt  }
0x74: {  	_ =	shalt  }
0x75: {  	_ =	shalt  }
0x76: {  	_ =	shalt  }
0x77: {  	_ =	shalt  }
0x78: {  	_ =	shalt  }
0x79: {  	_ =	shalt  }
0x7a: {  	_ =	shalt  }
0x7b: {  	_ =	shalt  }
0x7c: {  	_ =	shalt  }
0x7d: {  	_ =	shalt  }
0x7e: {  	_ =	shalt  }
0x7f: {  	_ =	shalt  }
0x80: {  	_ =	shalt  }
0x81: {  	_ =	shalt  }
0x82: {  	_ =	shalt  }
0x83: {  	_ =	shalt  }
0x84: {  	_ =	shalt  }
0x85: {  	_ =	shalt  }
0x86: {  	_ =	shalt  }
0x87: {  	_ =	shalt  }
.Lfunc_end0:
.L_simem_size_0:
called_computation_lowered:
.L_overlay_start_0:
0x88: {  	s2 =	sld [smem:$0x3FD9]  }
0x89: {  	s3 =	sld [smem:$0x3FFE];
	_ =	sdelay $0x1  }
0x8a: {  	s1 =	srdreg.scid  }
0x8b: {  	s0 =	sand.u32 $0x1, s1  }
0x8c: {  	s17 =	sshll.u32 s0, $0xA;
	s2 =	sadd.s32 s3, s2  }
0x8d: {  	s2 =	sadd.s32 s2, s17  }
0x8e: {  	[smem:$0x3FC6] =	sst s2  }
0x8f: {  	_ = 	snop  }
0x90: {  	s2 =	sld [smem:$0x3FD0];
	(tm) =	ssettm $0x1  }
0x91: {  	s18 =	sld [smem:$0x3FFB];
	_ =	sdelay $0x3  }
0x92: {  	_ =	strace s18  }
0x93: {  	s3 =	sld [smem:$0x3FFC];
	_ =	sdelay $0x3  }
0x94: {  	_ =	strace s3  }
0x95: {  	s3 =	sld [smem:$0x3FFD];
	_ =	sdelay $0x3  }
0x96: {  	_ =	strace s3  }
0x97: {  	_ =	strace $0x8FFFFFFF  }
0x98: {  	s19 =	sld [smem:$0x3FDB];
	_ =	sdelay $0x1  }
0x99: {  	s4 =	simm.s32 $_scs_section_size  }
0x9a: {  	s5 =	simm.s32 $_size__tile_overlayer_lowered;
	s6 =	simm.s32 $_tile_overlayer_lowered  }
0x9b: {  	s22 =	simm.s32 $0x1BFF;
	s21 =	sshll.u32 s6, $0x1;
	s3 =	sadd.s32 s4, s19  }
0x9c: {  	s7 =	simm.s32 $0x0;
	s20 =	sshll.u32 s5, $0x1;
	s5 =	sadd.s32 s21, s3  }
0x9d: {  	[timem:s7], [sflag:s22] =	dma.local [hbm:s5], s20  }
0x9e: {  	_ =	swait.ge [sflag:s22], s20  }
0x9f: {  	s4 =	ssub.s32 $0x0, s20;
	[sflag:s22] =	ssyncset.done $0x0  }
0xa0: {  	[sflag:s22] =	ssyncadd.s32 s4;
	_ =	sdelay $0x1  }
0xa1: {  	s23 =	simm.s32 $0x1B8B  }
0xa2: {  	_ =	swait.ge [sflag:s23], $0x1  }
0xa3: {  	[sflag:s23] =	ssyncset.done $0x0  }
0xa4: {  	s25 =	simm.s32 $0x1B8E;
	s24 =	sld [smem:$0x3FFE];
	[sflag:s23] =	ssyncadd.s32 $0xFFFFFFFF  }
0xa5: {  	s26 =	simm.s32 $execute0_lowered;
	[smem:$0x3FD2] =	sst s25  }
0xa6: {  	s5 =	sshll.u32 s26, $0x1;
	_ =	strace $0x80000046;
	[dreg:$0x1] =	wrdreg $0xFFFFFFFF  }
0xa7: {  	s28 =	simm.s32 $_size_execute0_lowered;
	s3 =	sadd.s32 s3, s5;
	[dreg:$0x0] =	wrdreg $0x0  }
0xa8: {  	s5 =	sshll.u32 s28, $0x1;
	[dreg:$0x2] =	wrdreg s3  }
0xa9: {  	[dreg:$0x3] =	wrdreg s5  }
0xaa: {  	[dreg:$0x4] =	wrdreg $0xC0  }
0xab: {  	_ =	task [dreg:s7], $0x5FFFF  }
0xac: {  	[dreg:$0x1] =	wrdreg $0xFFFFFFFF  }
0xad: {  	[dreg:$0x0] =	wrdreg $0x60  }
0xae: {  	[dreg:$0x2] =	wrdreg s24  }
0xaf: {  	[dreg:$0x3] =	wrdreg s2  }
0xb0: {  	[dreg:$0x4] =	wrdreg $0x9  }
0xb1: {  	_ =	task.clear_ibuf [dreg:s7], $0x5FFFF;
	_ =	strace $0x90000046  }
0xb2: {  	s29 =	simm.s32 $0x9;
	_ =	strace $0x80000048  }
0xb3: {  	_ =	swait.ge [sflag:s29], $0x1  }
0xb4: {  	[sflag:s29] =	ssyncadd.s32 $0xFFFFFFFF  }
0xb5: {  	_ =	strace $0x90000048  }
0xb6: {  	_ =	sfence  }
0xb7: {  	s30 =	sld [smem:$0x0];
	_ =	sdelay $0x2  }
0xb8: {  	s31 =	sshll.u32 s1, $0xD;
	s1 =	sshrl.u32 s1, $0x2  }
0xb9: {  	s3 =	sand.u32 $0x4000, s31;
	s1 =	sadd.s32 s1, s30  }
0xba: {  	s0 =	sor.u32 s3, s0;
	s1 =	sshll.u32 s1, $0x11  }
0xbb: {  	s0 =	sor.u32 s1, s0  }
0xbc: {  	s0 =	sadd.s32 $0x8F2B, s0  }
0xbd: {  	[sflag:s0] =	ssyncadd.remote.s32 $0x1  }
0xbe: {  	_ =	sfence.sel $0xFFFF  }
0xbf: {  	[dreg:$0x0] =	wrdreg $0xFFFFFFFF;
	(pc) =	sbr.abs _section_cstart, $3  }
0xc0: {  	[dreg:$0x1] =	wrdreg $0xFFFFFFFF  }
0xc1: {  	_ =	task.clear_ibuf [dreg:s7], $0x2FFFF;
	_ =	strace $0x9FFFFFFF  }
0xc2: {  	(tm) =	ssettm $0x7FFFFFFF  }
0xc3: {  	_ =	shalt  }
tec
execute0_lowered:
.L_overlay_start_1:
0x0: {  	(tag) =	ssettag $0x1  }
0x1: {  	s0 =	rddreg [dreg:$0x0]  }
0x2: {  	s1 =	srdreg.scid;
	s2 =	rddreg [dreg:$0x1]  }
0x3: {  	s3 =	stileid.u32;
	s11 =	simm.s32 $0x80;
	s12 =	simm.s32 $0x7000  }
0x4: {  	s14 =	simm.s32 $0x9000;
	s19 =	simm.s32 $0x1;
	s20 =	simm.s32 $0x13000  }
0x5: {  	s21 =	simm.s32 $0x15200;
	s24 =	simm.s32 $0x6;
	s28 =	simm.s32 $0x19600  }
0x6: {  	s29 =	simm.s32 $0x3;
	s30 =	simm.s32 $0x1B800;
	s31 =	simm.s32 $0x1DA00  }
0x7: {  	s1 =	sand.u32 $0x1, s1;
	s4 =	sshll.u32 s3, $0x3;
	s3 =	simm.s32 $0x0  }
0x8: {  	s5 =	sshll.u32 s1, $0x2;
	s1 =	ssub.s32 $0x2, s1;
	[smem:$0x7FF] =	sst s3  }
.Ltmp0:
0x9: {  	s4 =	sor.u32 s5, s4;
	s6 =	sshrl.u32 s1, $0x1;
	(pc) =	sbr.rel .LBB2_1-.Ltmp0, $4  }
0xa: {  	v0 =	vlaneseq.u32;
	_ =	strace $0x80000047;
	s5 =	sshll.u32 s4, $0x7;
	s1 =	ssub.s32 s1, s6  }
0xb: {  	v0 =	vmul.u32 $0x88, v0;
	s7 =	sadd.s32 s5, s0;
	s5 =	sadd.s32 $0xF42A00, s0;
	s26 =	smax.u32 s1, $0x1  }
0xc: {  	s0 =	simm.s32 $0x0;
	s25 =	sadd.s32 $0x600, s7;
	[dreg:$0x4] =	wrdreg s26  }
0xd: {  	v1 =	vadd.s32 $0x880, v0;
	v2 =	vadd.s32 $0x1100, v0;
	v3 =	vadd.s32 $0x1980, v0;
	s26 =	simm.s32 $0x17400;
	[dreg:$0x3] =	wrdreg s25;
	s25 =	simm.s32 $0x2  }
.LBB2_22:
0xe: {  	s1 =	simm.s32 $0x4  }
0xf: {  	_ =	swait.ge [sflag:s1], $0x2000  }
0x10: {  	[sflag:s1] =	ssyncset.done $0x0  }
0x11: {  	[sflag:s1] =	ssyncadd.s32 $0xFFFFE000  }
0x12: {  	_ =	swait.ge [sflag:s1], $0x2000  }
0x13: {  	[sflag:s1] =	ssyncset.done $0x0  }
0x14: {  	s22 =	simm.s32 $0x5;
	[sflag:s1] =	ssyncadd.s32 $0xFFFFE000  }
0x15: {  	_ =	swait.ge [sflag:s22], $0x2000  }
0x16: {  	[sflag:s22] =	ssyncset.done $0x0  }
0x17: {  	[sflag:s22] =	ssyncadd.s32 $0xFFFFE000  }
0x18: {  	_ =	swait.ge [sflag:s22], $0x2000  }
0x19: {  	[sflag:s22] =	ssyncset.done $0x0  }
0x1a: {  	[sflag:s22] =	ssyncadd.s32 $0xFFFFE000  }
0x1b: {  	_ =	swait.ge [sflag:s24], $0x2000  }
0x1c: {  	[sflag:s24] =	ssyncset.done $0x0  }
0x1d: {  	[sflag:s24] =	ssyncadd.s32 $0xFFFFE000  }
0x1e: {  	_ =	swait.ge [sflag:s24], $0x2000  }
0x1f: {  	s0 =	sadd.s32 $0x1, s0;
	s23 =	rddreg [dreg:$0x4]  }
0x20: {  	p0 =	sne.s32 s0, s23  }
.Ltmp1:
0x21: {  	_ = 	snop;
	(pc) =	sbr.rel @!p0 .LBB2_23-.Ltmp1, $3  }
0x22: {  	_ =	sdelay $0x1  }
0x23: {  	[sflag:s24] =	ssyncset.done $0x0  }
0x24: {  	[sflag:s24] =	ssyncadd.s32 $0xFFFFE000  }
.LBB2_1:
0x25: {  	s1 =	rddreg [dreg:$0x3]  }
0x26: {  	s6 =	simm.s32 $0x1000;
	s7 =	simm.s32 $0x20000;
	s15 =	simm.s32 $0x7  }
0x27: {  	[tilespmem:s3], [sflag:$0x7] =	stream.strided.gather [hbm4b:s1+s6], $0x7000, s7, s6, $0x38;
	[tilespmem:$0x1FC00] =	vst v63  }
0x28: {  	_ =	swait.ge [sflag:s15], $0x7000  }
0x29: {  	[sflag:s15] =	ssyncset.done $0x0  }
0x2a: {  	[sflag:s15] =	ssyncadd.s32 $0xFFFF9000  }
0x2b: {  	[tilespmem:s12], [sflag:$0x1] =	stream.indirect.gather [hbm4b:s5+s11], $0x40, s3, s11, $0xb8;
	[tilespmem:$0x1FC00] =	vst v63  }
0x2c: {  	s16 =	simm.s32 $0x400  }
0x2d: {  	[tilespmem:s14], [sflag:$0x1] =	stream.indirect.gather [hbm4b:s5+s11], $0x40, s16, s11, $0xb8;
	[tilespmem:$0x1FC00] =	vst v63  }
0x2e: {  	s17 =	simm.s32 $0x800;
	s18 =	simm.s32 $0xB000  }
0x2f: {  	[tilespmem:s18], [sflag:$0x2] =	stream.indirect.gather [hbm4b:s5+s11], $0x40, s17, s11, $0xb8;
	[tilespmem:$0x1FC00] =	vst v63  }
0x30: {  	s22 =	simm.s32 $0xC00;
	s23 =	simm.s32 $0xD000;
	s1 =	simm.s32 $0x0  }
0x31: {  	[tilespmem:s23], [sflag:$0x2] =	stream.indirect.gather [hbm4b:s5+s11], $0x40, s22, s11, $0xb8;
	[tilespmem:$0x1FC00] =	vst v63  }
.LBB2_2:
0x32: {  	s8 =	smul.u32 $0x3, s1  }
0x33: {  	p1 =	seq.s32 s1, $0x21  }
0x34: {  	s6 =	sadd.s32 @!p1 $0x2, s8  }
0x35: {  	s9 =	sshll.u32 @!p1 s1, $0xB;
	s7 =	sshll.u32 @!p1 s6, $0x8  }
0x36: {  	s9 =	sand.u32 @!p1 $0x800, s9;
	s6 =	sshll.u32 @!p1 s6, $0x6;
	s7 =	sand.u32 @!p1 $0x1F000, s7  }
0x37: {  	s6 =	sand.u32 @!p1 $0x380, s6;
	s7 =	sor.u32 @!p1 s9, s7  }
0x38: {  	s9 =	simm.s32 @!p1 $0xF000;
	s6 =	sor.u32 @!p1 s6, s7;
	s7 =	simm.s32 @!p1 $0x80  }
0x39: {  	[tilespmem:s9], [sflag:$0x3] =	stream.indirect.gather @!p1 [hbm4b:s5+s7], $0x40, s6, s7, $0xb8;
	[tilespmem:$0x1FC00] =	vst v63  }
0x3a: {  	s6 =	sor.u32 @!p1 $0x400, s6;
	s9 =	simm.s32 @!p1 $0x11000  }
0x3b: {  	[tilespmem:s9], [sflag:$0x3] =	stream.indirect.gather @!p1 [hbm4b:s5+s7], $0x40, s6, s7, $0xb8;
	[tilespmem:$0x1FC00] =	vst v63  }
0x3c: {  	_ =	swait.ge [sflag:s19], $0x2000  }
0x3d: {  	[sflag:s19] =	ssyncset.done $0x0  }
0x3e: {  	[sflag:s19] =	ssyncadd.s32 $0xFFFFE000  }
0x3f: {  	_ =	swait.ge [sflag:s19], $0x2000  }
0x40: {  	p0 =	seq.s32 s1, $0x0;
	[sflag:s19] =	ssyncset.done $0x0  }
0x41: {  	s6 =	simm.s32 @!p0 $0x4;
	[sflag:s19] =	ssyncadd.s32 $0xFFFFE000  }
0x42: {  	_ =	swait.ge @!p0 [sflag:s6], $0x2000  }
0x43: {  	[sflag:s6] =	ssyncset.done @!p0 $0x0  }
0x44: {  	[sflag:s6] =	ssyncadd.s32 @!p0 $0xFFFFE000  }
0x45: {  	s17 =	simm.s32 $0x0;
	_ =	swait.ge @!p0 [sflag:s6], $0x2000  }
0x46: {  	v4 =	vmov s17;
	[sflag:s6] =	ssyncset.done @!p0 $0x0  }
0x47: {  	v4 =	vand.u32 $0x7C, v4;
	s9 =	simm.s32 $0x9000;
	[sflag:s6] =	ssyncadd.s32 @!p0 $0xFFFFE000  }
0x48: {  	v6 =	vadd.s32 v0, v4;
	v5 =	vld [tilespmem:s9+$0xFFFFE000];
	_ =	sdelay $0x4  }
0x49: {  	[tilespmem:v6+s20+$0x0] =	vst.idx.msk $0xffff, v5  }
0x4a: {  	v7 =	vadd.s32 v1, v4;
	v5 =	vld [tilespmem:s9+$0xFFFFE010];
	_ =	sdelay $0x4  }
0x4b: {  	[tilespmem:v7+s20+$0x0] =	vst.idx.msk $0xffff, v5  }
0x4c: {  	v8 =	vadd.s32 v2, v4;
	v5 =	vld [tilespmem:s9+$0xFFFFE020];
	_ =	sdelay $0x4  }
0x4d: {  	[tilespmem:v8+s20+$0x0] =	vst.idx.msk $0xffff, v5  }
0x4e: {  	v4 =	vadd.s32 v3, v4;
	v5 =	vld [tilespmem:s9+$0xFFFFE030];
	_ =	sdelay $0x4  }
0x4f: {  	[tilespmem:v4+s20+$0x0] =	vst.idx.msk $0xffff, v5  }
0x50: {  	v5 =	vld [tilespmem:s9+$0x0];
	_ =	sdelay $0x4  }
0x51: {  	[tilespmem:v6+s21+$0x0] =	vst.idx.msk $0xffff, v5  }
0x52: {  	v5 =	vld [tilespmem:s9+$0x10];
	_ =	sdelay $0x4  }
0x53: {  	[tilespmem:v7+s21+$0x0] =	vst.idx.msk $0xffff, v5  }
0x54: {  	v5 =	vld [tilespmem:s9+$0x20];
	_ =	sdelay $0x4  }
0x55: {  	[tilespmem:v8+s21+$0x0] =	vst.idx.msk $0xffff, v5  }
0x56: {  	v5 =	vld [tilespmem:s9+$0x30];
	_ =	sdelay $0x2  }
0x57: {  	s18 =	simm.s32 $0x1  }
0x58: {  	v6 =	vmov s18  }
0x59: {  	[tilespmem:v4+s21+$0x0] =	vst.idx.msk $0xffff, v5;
	v4 =	vand.u32 $0x7D, v6  }
0x5a: {  	v5 =	vld [tilespmem:s9+$0xFFFFE040];
	v6 =	vadd.s32 v0, v4;
	_ =	sdelay $0x4  }
0x5b: {  	[tilespmem:v6+s20+$0x0] =	vst.idx.msk $0xffff, v5  }
0x5c: {  	v7 =	vadd.s32 v1, v4;
	v5 =	vld [tilespmem:s9+$0xFFFFE050];
	_ =	sdelay $0x4  }
0x5d: {  	[tilespmem:v7+s20+$0x0] =	vst.idx.msk $0xffff, v5  }
0x5e: {  	v8 =	vadd.s32 v2, v4;
	v5 =	vld [tilespmem:s9+$0xFFFFE060];
	_ =	sdelay $0x4  }
0x5f: {  	[tilespmem:v8+s20+$0x0] =	vst.idx.msk $0xffff, v5  }
0x60: {  	v4 =	vadd.s32 v3, v4;
	v5 =	vld [tilespmem:s9+$0xFFFFE070];
	_ =	sdelay $0x4  }
0x61: {  	[tilespmem:v4+s20+$0x0] =	vst.idx.msk $0xffff, v5  }
0x62: {  	v5 =	vld [tilespmem:s9+$0x40];
	_ =	sdelay $0x4  }
0x63: {  	[tilespmem:v6+s21+$0x0] =	vst.idx.msk $0xffff, v5  }
0x64: {  	v5 =	vld [tilespmem:s9+$0x50];
	_ =	sdelay $0x4  }
0x65: {  	[tilespmem:v7+s21+$0x0] =	vst.idx.msk $0xffff, v5  }
0x66: {  	v5 =	vld [tilespmem:s9+$0x60];
	_ =	sdelay $0x4  }
0x67: {  	[tilespmem:v8+s21+$0x0] =	vst.idx.msk $0xffff, v5  }
0x68: {  	v5 =	vld [tilespmem:s9+$0x70];
	_ =	sdelay $0x2  }
0x69: {  	s22 =	simm.s32 $0x2  }
0x6a: {  	v6 =	vmov s22  }
0x6b: {  	[tilespmem:v4+s21+$0x0] =	vst.idx.msk $0xffff, v5;
	v4 =	vand.u32 $0x7E, v6  }
0x6c: {  	v5 =	vld [tilespmem:s9+$0xFFFFE080];
	v6 =	vadd.s32 v0, v4;
	_ =	sdelay $0x4  }
0x6d: {  	[tilespmem:v6+s20+$0x0] =	vst.idx.msk $0xffff, v5  }
0x6e: {  	v7 =	vadd.s32 v1, v4;
	v5 =	vld [tilespmem:s9+$0xFFFFE090];
	_ =	sdelay $0x4  }
0x6f: {  	[tilespmem:v7+s20+$0x0] =	vst.idx.msk $0xffff, v5  }
0x70: {  	v8 =	vadd.s32 v2, v4;
	v5 =	vld [tilespmem:s9+$0xFFFFE0A0];
	_ =	sdelay $0x4  }
0x71: {  	[tilespmem:v8+s20+$0x0] =	vst.idx.msk $0xffff, v5  }
0x72: {  	v4 =	vadd.s32 v3, v4;
	v5 =	vld [tilespmem:s9+$0xFFFFE0B0];
	_ =	sdelay $0x4  }
0x73: {  	[tilespmem:v4+s20+$0x0] =	vst.idx.msk $0xffff, v5  }
0x74: {  	v5 =	vld [tilespmem:s9+$0x80];
	_ =	sdelay $0x4  }
0x75: {  	[tilespmem:v6+s21+$0x0] =	vst.idx.msk $0xffff, v5  }
0x76: {  	v5 =	vld [tilespmem:s9+$0x90];
	_ =	sdelay $0x4  }
0x77: {  	[tilespmem:v7+s21+$0x0] =	vst.idx.msk $0xffff, v5  }
0x78: {  	v5 =	vld [tilespmem:s9+$0xA0];
	_ =	sdelay $0x4  }
0x79: {  	[tilespmem:v8+s21+$0x0] =	vst.idx.msk $0xffff, v5  }
0x7a: {  	v5 =	vld [tilespmem:s9+$0xB0];
	_ =	sdelay $0x2  }
0x7b: {  	s23 =	simm.s32 $0x3  }
0x7c: {  	v6 =	vmov s23  }
0x7d: {  	[tilespmem:v4+s21+$0x0] =	vst.idx.msk $0xffff, v5;
	v4 =	vand.u32 $0x7F, v6  }
0x7e: {  	v5 =	vld [tilespmem:s9+$0xFFFFE0C0];
	v6 =	vadd.s32 v0, v4;
	_ =	sdelay $0x4  }
0x7f: {  	[tilespmem:v6+s20+$0x0] =	vst.idx.msk $0xffff, v5  }
0x80: {  	v7 =	vadd.s32 v1, v4;
	v5 =	vld [tilespmem:s9+$0xFFFFE0D0];
	_ =	sdelay $0x4  }
0x81: {  	[tilespmem:v7+s20+$0x0] =	vst.idx.msk $0xffff, v5  }
0x82: {  	v8 =	vadd.s32 v2, v4;
	v5 =	vld [tilespmem:s9+$0xFFFFE0E0];
	_ =	sdelay $0x4  }
0x83: {  	[tilespmem:v8+s20+$0x0] =	vst.idx.msk $0xffff, v5  }
0x84: {  	v4 =	vadd.s32 v3, v4;
	v5 =	vld [tilespmem:s9+$0xFFFFE0F0];
	_ =	sdelay $0x4  }
0x85: {  	[tilespmem:v4+s20+$0x0] =	vst.idx.msk $0xffff, v5  }
0x86: {  	v5 =	vld [tilespmem:s9+$0xC0];
	_ =	sdelay $0x4  }
0x87: {  	[tilespmem:v6+s21+$0x0] =	vst.idx.msk $0xffff, v5  }
0x88: {  	v5 =	vld [tilespmem:s9+$0xD0];
	_ =	sdelay $0x4  }
0x89: {  	[tilespmem:v7+s21+$0x0] =	vst.idx.msk $0xffff, v5  }
0x8a: {  	v5 =	vld [tilespmem:s9+$0xE0];
	_ =	sdelay $0x4  }
0x8b: {  	[tilespmem:v8+s21+$0x0] =	vst.idx.msk $0xffff, v5  }
0x8c: {  	v5 =	vld [tilespmem:s9+$0xF0];
	_ =	sdelay $0x2  }
0x8d: {  	s13 =	simm.s32 $0x4  }
0x8e: {  	s6 =	simm.s32 $0x8;
	v6 =	vmov s13  }
.LBB2_3:
0x8f: {  	p2 =	sne.s32 s6, $0x7C;
	v6 =	vand.u32 $0x7C, v6;
	[tilespmem:v4+s21+$0x0] =	vst.idx.msk $0xffff, v5;
	s9 =	sadd.s32 $0x100, s9  }
0x90: {  	v4 =	vld [tilespmem:s9+$0xFFFFE000];
	v5 =	vadd.s32 v0, v6;
	_ =	sdelay $0x4  }
0x91: {  	[tilespmem:v5+s20+$0x0] =	vst.idx.msk $0xffff, v4  }
0x92: {  	v7 =	vadd.s32 v1, v6;
	v4 =	vld [tilespmem:s9+$0xFFFFE010];
	_ =	sdelay $0x4  }
0x93: {  	[tilespmem:v7+s20+$0x0] =	vst.idx.msk $0xffff, v4  }
0x94: {  	v8 =	vadd.s32 v2, v6;
	v4 =	vld [tilespmem:s9+$0xFFFFE020];
	_ =	sdelay $0x4  }
0x95: {  	[tilespmem:v8+s20+$0x0] =	vst.idx.msk $0xffff, v4  }
0x96: {  	v6 =	vadd.s32 v3, v6;
	v4 =	vld [tilespmem:s9+$0xFFFFE030];
	_ =	sdelay $0x4  }
0x97: {  	[tilespmem:v6+s20+$0x0] =	vst.idx.msk $0xffff, v4  }
0x98: {  	v4 =	vld [tilespmem:s9+$0x0];
	_ =	sdelay $0x4  }
0x99: {  	[tilespmem:v5+s21+$0x0] =	vst.idx.msk $0xffff, v4  }
0x9a: {  	v4 =	vld [tilespmem:s9+$0x10];
	_ =	sdelay $0x4  }
0x9b: {  	[tilespmem:v7+s21+$0x0] =	vst.idx.msk $0xffff, v4  }
0x9c: {  	v4 =	vld [tilespmem:s9+$0x20];
	_ =	sdelay $0x4  }
0x9d: {  	[tilespmem:v8+s21+$0x0] =	vst.idx.msk $0xffff, v4  }
0x9e: {  	v4 =	vld [tilespmem:s9+$0x30];
	_ =	sdelay $0x2  }
0x9f: {  	s7 =	sadd.s32 $0x1, s13  }
0xa0: {  	v5 =	vmov s7  }
0xa1: {  	[tilespmem:v6+s21+$0x0] =	vst.idx.msk $0xffff, v4;
	v4 =	vand.u32 $0x7D, v5  }
0xa2: {  	v5 =	vld [tilespmem:s9+$0xFFFFE040];
	v6 =	vadd.s32 v0, v4;
	_ =	sdelay $0x4  }
0xa3: {  	[tilespmem:v6+s20+$0x0] =	vst.idx.msk $0xffff, v5  }
0xa4: {  	v7 =	vadd.s32 v1, v4;
	v5 =	vld [tilespmem:s9+$0xFFFFE050];
	_ =	sdelay $0x4  }
0xa5: {  	[tilespmem:v7+s20+$0x0] =	vst.idx.msk $0xffff, v5  }
0xa6: {  	v8 =	vadd.s32 v2, v4;
	v5 =	vld [tilespmem:s9+$0xFFFFE060];
	_ =	sdelay $0x4  }
0xa7: {  	[tilespmem:v8+s20+$0x0] =	vst.idx.msk $0xffff, v5  }
0xa8: {  	v4 =	vadd.s32 v3, v4;
	v5 =	vld [tilespmem:s9+$0xFFFFE070];
	_ =	sdelay $0x4  }
0xa9: {  	[tilespmem:v4+s20+$0x0] =	vst.idx.msk $0xffff, v5  }
0xaa: {  	v5 =	vld [tilespmem:s9+$0x40];
	_ =	sdelay $0x4  }
0xab: {  	[tilespmem:v6+s21+$0x0] =	vst.idx.msk $0xffff, v5  }
0xac: {  	v5 =	vld [tilespmem:s9+$0x50];
	_ =	sdelay $0x4  }
0xad: {  	[tilespmem:v7+s21+$0x0] =	vst.idx.msk $0xffff, v5  }
0xae: {  	v5 =	vld [tilespmem:s9+$0x60];
	_ =	sdelay $0x4  }
0xaf: {  	[tilespmem:v8+s21+$0x0] =	vst.idx.msk $0xffff, v5  }
0xb0: {  	v5 =	vld [tilespmem:s9+$0x70];
	_ =	sdelay $0x2  }
0xb1: {  	s7 =	sadd.s32 $0x2, s13  }
0xb2: {  	v6 =	vmov s7  }
0xb3: {  	[tilespmem:v4+s21+$0x0] =	vst.idx.msk $0xffff, v5;
	v4 =	vand.u32 $0x7E, v6  }
0xb4: {  	v5 =	vld [tilespmem:s9+$0xFFFFE080];
	v6 =	vadd.s32 v0, v4;
	_ =	sdelay $0x4  }
0xb5: {  	[tilespmem:v6+s20+$0x0] =	vst.idx.msk $0xffff, v5  }
0xb6: {  	v7 =	vadd.s32 v1, v4;
	v5 =	vld [tilespmem:s9+$0xFFFFE090];
	_ =	sdelay $0x4  }
0xb7: {  	[tilespmem:v7+s20+$0x0] =	vst.idx.msk $0xffff, v5  }
0xb8: {  	v8 =	vadd.s32 v2, v4;
	v5 =	vld [tilespmem:s9+$0xFFFFE0A0];
	_ =	sdelay $0x4  }
0xb9: {  	[tilespmem:v8+s20+$0x0] =	vst.idx.msk $0xffff, v5  }
0xba: {  	v4 =	vadd.s32 v3, v4;
	v5 =	vld [tilespmem:s9+$0xFFFFE0B0];
	_ =	sdelay $0x4  }
0xbb: {  	[tilespmem:v4+s20+$0x0] =	vst.idx.msk $0xffff, v5  }
0xbc: {  	v5 =	vld [tilespmem:s9+$0x80];
	_ =	sdelay $0x4  }
0xbd: {  	[tilespmem:v6+s21+$0x0] =	vst.idx.msk $0xffff, v5  }
0xbe: {  	v5 =	vld [tilespmem:s9+$0x90];
	_ =	sdelay $0x4  }
0xbf: {  	[tilespmem:v7+s21+$0x0] =	vst.idx.msk $0xffff, v5  }
0xc0: {  	v5 =	vld [tilespmem:s9+$0xA0];
	_ =	sdelay $0x4  }
0xc1: {  	[tilespmem:v8+s21+$0x0] =	vst.idx.msk $0xffff, v5  }
0xc2: {  	v5 =	vld [tilespmem:s9+$0xB0];
	_ =	sdelay $0x2  }
0xc3: {  	s7 =	sadd.s32 $0x3, s13;
	s13 =	smov.u32 s6  }
0xc4: {  	v6 =	vmov s7  }
0xc5: {  	[tilespmem:v4+s21+$0x0] =	vst.idx.msk $0xffff, v5;
	v4 =	vand.u32 $0x7F, v6  }
0xc6: {  	v5 =	vld [tilespmem:s9+$0xFFFFE0C0];
	v6 =	vadd.s32 v0, v4;
	_ =	sdelay $0x4  }
0xc7: {  	[tilespmem:v6+s20+$0x0] =	vst.idx.msk $0xffff, v5  }
0xc8: {  	v7 =	vadd.s32 v1, v4;
	v5 =	vld [tilespmem:s9+$0xFFFFE0D0];
	_ =	sdelay $0x4  }
0xc9: {  	[tilespmem:v7+s20+$0x0] =	vst.idx.msk $0xffff, v5  }
0xca: {  	v8 =	vadd.s32 v2, v4;
	v5 =	vld [tilespmem:s9+$0xFFFFE0E0];
	_ =	sdelay $0x4  }
0xcb: {  	[tilespmem:v8+s20+$0x0] =	vst.idx.msk $0xffff, v5  }
0xcc: {  	v4 =	vadd.s32 v3, v4;
	v5 =	vld [tilespmem:s9+$0xFFFFE0F0];
	_ =	sdelay $0x4  }
0xcd: {  	[tilespmem:v4+s20+$0x0] =	vst.idx.msk $0xffff, v5  }
0xce: {  	v5 =	vld [tilespmem:s9+$0xC0];
	_ =	sdelay $0x4  }
0xcf: {  	[tilespmem:v6+s21+$0x0] =	vst.idx.msk $0xffff, v5  }
0xd0: {  	v5 =	vld [tilespmem:s9+$0xD0];
	_ =	sdelay $0x4  }
0xd1: {  	[tilespmem:v7+s21+$0x0] =	vst.idx.msk $0xffff, v5  }
0xd2: {  	v5 =	vld [tilespmem:s9+$0xE0];
	_ =	sdelay $0x4  }
0xd3: {  	[tilespmem:v8+s21+$0x0] =	vst.idx.msk $0xffff, v5  }
.Ltmp2:
0xd4: {  	v5 =	vld [tilespmem:s9+$0xF0];
	(pc) =	sbr.rel @p2 .LBB2_3-.Ltmp2, $2  }
0xd5: {  	_ =	sdelay $0x2  }
0xd6: {  	s6 =	sadd.s32 $0x4, s6;
	v6 =	vmov s13  }
0xd7: {  	_ =	sdelay $0x3  }
0xd8: {  	v6 =	vand.u32 $0x7C, v6;
	[tilespmem:v4+s21+$0x0] =	vst.idx.msk $0xffff, v5;
	s6 =	sadd.s32 $0x100, s9  }
0xd9: {  	v4 =	vld [tilespmem:s6+$0xFFFFE000];
	v5 =	vadd.s32 v0, v6;
	_ =	sdelay $0x4  }
0xda: {  	[tilespmem:v5+s20+$0x0] =	vst.idx.msk $0xffff, v4  }
0xdb: {  	v7 =	vadd.s32 v1, v6;
	v4 =	vld [tilespmem:s6+$0xFFFFE010];
	_ =	sdelay $0x4  }
0xdc: {  	[tilespmem:v7+s20+$0x0] =	vst.idx.msk $0xffff, v4  }
0xdd: {  	v8 =	vadd.s32 v2, v6;
	v4 =	vld [tilespmem:s6+$0xFFFFE020];
	_ =	sdelay $0x4  }
0xde: {  	[tilespmem:v8+s20+$0x0] =	vst.idx.msk $0xffff, v4  }
0xdf: {  	v6 =	vadd.s32 v3, v6;
	v4 =	vld [tilespmem:s6+$0xFFFFE030];
	_ =	sdelay $0x4  }
0xe0: {  	[tilespmem:v6+s20+$0x0] =	vst.idx.msk $0xffff, v4  }
0xe1: {  	v4 =	vld [tilespmem:s6+$0x0];
	_ =	sdelay $0x4  }
0xe2: {  	[tilespmem:v5+s21+$0x0] =	vst.idx.msk $0xffff, v4  }
0xe3: {  	v4 =	vld [tilespmem:s6+$0x10];
	_ =	sdelay $0x4  }
0xe4: {  	[tilespmem:v7+s21+$0x0] =	vst.idx.msk $0xffff, v4  }
0xe5: {  	v4 =	vld [tilespmem:s6+$0x20];
	_ =	sdelay $0x4  }
0xe6: {  	[tilespmem:v8+s21+$0x0] =	vst.idx.msk $0xffff, v4  }
0xe7: {  	v4 =	vld [tilespmem:s6+$0x30];
	_ =	sdelay $0x2  }
0xe8: {  	s7 =	sadd.s32 $0x1, s13  }
0xe9: {  	v5 =	vmov s7  }
0xea: {  	[tilespmem:v6+s21+$0x0] =	vst.idx.msk $0xffff, v4;
	v4 =	vand.u32 $0x7D, v5  }
0xeb: {  	v5 =	vld [tilespmem:s6+$0xFFFFE040];
	v55 =	vadd.s32 v0, v4;
	_ =	sdelay $0x4  }
0xec: {  	[tilespmem:v55+s20+$0x0] =	vst.idx.msk $0xffff, v5  }
0xed: {  	v56 =	vadd.s32 v1, v4;
	v5 =	vld [tilespmem:s6+$0xFFFFE050];
	_ =	sdelay $0x4  }
0xee: {  	[tilespmem:v56+s20+$0x0] =	vst.idx.msk $0xffff, v5  }
0xef: {  	v57 =	vadd.s32 v2, v4;
	v5 =	vld [tilespmem:s6+$0xFFFFE060];
	_ =	sdelay $0x4  }
0xf0: {  	[tilespmem:v57+s20+$0x0] =	vst.idx.msk $0xffff, v5  }
0xf1: {  	v4 =	vadd.s32 v3, v4;
	v5 =	vld [tilespmem:s6+$0xFFFFE070];
	_ =	sdelay $0x4  }
0xf2: {  	[tilespmem:v4+s20+$0x0] =	vst.idx.msk $0xffff, v5  }
0xf3: {  	v5 =	vld [tilespmem:s6+$0x40];
	_ =	sdelay $0x4  }
0xf4: {  	[tilespmem:v55+s21+$0x0] =	vst.idx.msk $0xffff, v5  }
0xf5: {  	v5 =	vld [tilespmem:s6+$0x50];
	_ =	sdelay $0x4  }
0xf6: {  	[tilespmem:v56+s21+$0x0] =	vst.idx.msk $0xffff, v5  }
0xf7: {  	v5 =	vld [tilespmem:s6+$0x60];
	_ =	sdelay $0x4  }
0xf8: {  	[tilespmem:v57+s21+$0x0] =	vst.idx.msk $0xffff, v5  }
0xf9: {  	v5 =	vld [tilespmem:s6+$0x70];
	_ =	sdelay $0x2  }
0xfa: {  	s10 =	sadd.s32 $0x2, s13  }
0xfb: {  	v58 =	vmov s10  }
0xfc: {  	[tilespmem:v4+s21+$0x0] =	vst.idx.msk $0xffff, v5;
	v4 =	vand.u32 $0x7E, v58  }
0xfd: {  	v5 =	vld [tilespmem:s6+$0xFFFFE080];
	v6 =	vadd.s32 v0, v4;
	_ =	sdelay $0x4  }
0xfe: {  	[tilespmem:v6+s20+$0x0] =	vst.idx.msk $0xffff, v5  }
0xff: {  	v59 =	vadd.s32 v1, v4;
	v5 =	vld [tilespmem:s6+$0xFFFFE090];
	_ =	sdelay $0x4  }
0x100: {  	[tilespmem:v59+s20+$0x0] =	vst.idx.msk $0xffff, v5  }
0x101: {  	v60 =	vadd.s32 v2, v4;
	v5 =	vld [tilespmem:s6+$0xFFFFE0A0];
	_ =	sdelay $0x4  }
0x102: {  	[tilespmem:v60+s20+$0x0] =	vst.idx.msk $0xffff, v5  }
0x103: {  	v4 =	vadd.s32 v3, v4;
	v5 =	vld [tilespmem:s6+$0xFFFFE0B0];
	_ =	sdelay $0x4  }
0x104: {  	[tilespmem:v4+s20+$0x0] =	vst.idx.msk $0xffff, v5  }
0x105: {  	v5 =	vld [tilespmem:s6+$0x80];
	_ =	sdelay $0x4  }
0x106: {  	[tilespmem:v6+s21+$0x0] =	vst.idx.msk $0xffff, v5  }
0x107: {  	v5 =	vld [tilespmem:s6+$0x90];
	_ =	sdelay $0x4  }
0x108: {  	[tilespmem:v59+s21+$0x0] =	vst.idx.msk $0xffff, v5  }
0x109: {  	v5 =	vld [tilespmem:s6+$0xA0];
	_ =	sdelay $0x4  }
0x10a: {  	[tilespmem:v60+s21+$0x0] =	vst.idx.msk $0xffff, v5  }
0x10b: {  	v5 =	vld [tilespmem:s6+$0xB0];
	_ =	sdelay $0x2  }
0x10c: {  	s15 =	sadd.s32 $0x3, s13  }
0x10d: {  	v61 =	vmov s15  }
0x10e: {  	[tilespmem:v4+s21+$0x0] =	vst.idx.msk $0xffff, v5;
	v4 =	vand.u32 $0x7F, v61  }
0x10f: {  	v5 =	vld [tilespmem:s6+$0xFFFFE0C0];
	v6 =	vadd.s32 v0, v4;
	_ =	sdelay $0x4  }
0x110: {  	[tilespmem:v6+s20+$0x0] =	vst.idx.msk $0xffff, v5  }
0x111: {  	v62 =	vadd.s32 v1, v4;
	v5 =	vld [tilespmem:s6+$0xFFFFE0D0];
	_ =	sdelay $0x4  }
0x112: {  	[tilespmem:v62+s20+$0x0] =	vst.idx.msk $0xffff, v5  }
0x113: {  	v63 =	vadd.s32 v2, v4;
	v5 =	vld [tilespmem:s6+$0xFFFFE0E0];
	_ =	sdelay $0x4  }
0x114: {  	[tilespmem:v63+s20+$0x0] =	vst.idx.msk $0xffff, v5  }
0x115: {  	v4 =	vadd.s32 v3, v4;
	v5 =	vld [tilespmem:s6+$0xFFFFE0F0];
	_ =	sdelay $0x4  }
0x116: {  	[tilespmem:v4+s20+$0x0] =	vst.idx.msk $0xffff, v5  }
0x117: {  	v5 =	vld [tilespmem:s6+$0xC0];
	_ =	sdelay $0x4  }
0x118: {  	[tilespmem:v6+s21+$0x0] =	vst.idx.msk $0xffff, v5  }
0x119: {  	v5 =	vld [tilespmem:s6+$0xD0];
	_ =	sdelay $0x4  }
0x11a: {  	[tilespmem:v62+s21+$0x0] =	vst.idx.msk $0xffff, v5  }
0x11b: {  	v5 =	vld [tilespmem:s6+$0xE0];
	_ =	sdelay $0x4  }
0x11c: {  	s16 =	sshll.u32 s1, $0x1;
	[tilespmem:v63+s21+$0x0] =	vst.idx.msk $0xffff, v5  }
0x11d: {  	s9 =	smul.u32 $0x180000, s1;
	s16 =	sand.u32 $0x2, s16;
	v5 =	vld [tilespmem:s6+$0xF0]  }
0x11e: {  	s7 =	sor.u32 s4, s16  }
0x11f: {  	s13 =	sshll.u32 s7, $0xA;
	s6 =	sand.u32 $0x7F00000, s9  }
0x120: {  	s7 =	sor.u32 s6, s13  }
0x121: {  	s7 =	sshrl.u32 s7, $0x3  }
0x122: {  	s17 =	simm.s32 $0x13000;
	s10 =	sadd.s32 s2, s7;
	[tilespmem:v4+s21+$0x0] =	vst.idx.msk $0xffff, v5  }
0x123: {  	[hbm4b:s10+s3] =	stream.linear.scatter [tilespmem:s17], [sflag:$0x4], $0x80, $0x38;
	[tilespmem:$0x1FC00] =	vst v63  }
0x124: {  	s18 =	simm.s32 $0x13088;
	s15 =	sadd.s32 $0x10, s10  }
0x125: {  	[hbm4b:s15+s3] =	stream.linear.scatter [tilespmem:s18], [sflag:$0x4], $0x80, $0x38;
	[tilespmem:$0x1FC00] =	vst v63  }
0x126: {  	s22 =	simm.s32 $0x13110;
	s7 =	simm.s32 $0x440;
	s23 =	sadd.s32 $0x20, s10  }
0x127: {  	[hbm4b:s23+s3] =	stream.linear.scatter [tilespmem:s22], [sflag:$0x4], $0x80, $0x38;
	[tilespmem:$0x1FC00] =	vst v63  }
0x128: {  	s17 =	simm.s32 $0x13198;
	s18 =	sadd.s32 $0x30, s10;
	s15 =	simm.s32 $0x2200  }
0x129: {  	[hbm4b:s18+s3] =	stream.linear.scatter [tilespmem:s17], [sflag:$0x4], $0x80, $0x38;
	[tilespmem:$0x1FC00] =	vst v63  }
0x12a: {  	s22 =	simm.s32 $0x13220;
	s23 =	sadd.s32 $0x40, s10;
	s17 =	simm.s32 $0x132A8  }
0x12b: {  	[hbm4b:s23+s3] =	stream.linear.scatter [tilespmem:s22], [sflag:$0x4], $0x80, $0x38;
	[tilespmem:$0x1FC00] =	vst v63  }
0x12c: {  	s18 =	sadd.s32 $0x50, s10;
	s22 =	simm.s32 $0x13330;
	s23 =	sadd.s32 $0x60, s10  }
0x12d: {  	[hbm4b:s18+s3] =	stream.linear.scatter [tilespmem:s17], [sflag:$0x4], $0x80, $0x38;
	[tilespmem:$0x1FC00] =	vst v63  }
0x12e: {  	s17 =	simm.s32 $0x133B8;
	s18 =	sadd.s32 $0x70, s10;
	s10 =	sadd.s32 $0x4000, s10  }
0x12f: {  	[hbm4b:s23+s3] =	stream.linear.scatter [tilespmem:s22], [sflag:$0x4], $0x80, $0x38;
	[tilespmem:$0x1FC00] =	vst v63  }
.LBB2_5:
0x130: {  	[hbm4b:s18+s3] =	stream.linear.scatter [tilespmem:s17], [sflag:$0x4], $0x80, $0x38;
	[tilespmem:$0x1FC00] =	vst v63  }
0x131: {  	s17 =	smov.u32 s7;
	s7 =	smov.u32 s15  }
0x132: {  	s22 =	sadd.s32 $0x1100, s15;
	s7 =	sshra.s32 s7, $0x2;
	s18 =	sadd.s32 $0x13000, s17  }
0x133: {  	[hbm4b:s10+s3] =	stream.linear.scatter [tilespmem:s18], [sflag:$0x4], $0x80, $0x38;
	[tilespmem:$0x1FC00] =	vst v63  }
0x134: {  	p2 =	sne.s32 s15, $0x7700;
	s15 =	sadd.s32 $0x13088, s17;
	s18 =	sadd.s32 $0x10, s10  }
0x135: {  	[hbm4b:s18+s3] =	stream.linear.scatter [tilespmem:s15], [sflag:$0x4], $0x80, $0x38;
	[tilespmem:$0x1FC00] =	vst v63  }
0x136: {  	s15 =	sadd.s32 $0x13110, s17;
	s18 =	sadd.s32 $0x20, s10  }
0x137: {  	[hbm4b:s18+s3] =	stream.linear.scatter [tilespmem:s15], [sflag:$0x4], $0x80, $0x38;
	[tilespmem:$0x1FC00] =	vst v63  }
0x138: {  	s15 =	sadd.s32 $0x13198, s17;
	s18 =	sadd.s32 $0x30, s10  }
0x139: {  	[hbm4b:s18+s3] =	stream.linear.scatter [tilespmem:s15], [sflag:$0x4], $0x80, $0x38;
	[tilespmem:$0x1FC00] =	vst v63  }
0x13a: {  	s15 =	sadd.s32 $0x13220, s17;
	s18 =	sadd.s32 $0x40, s10  }
0x13b: {  	[hbm4b:s18+s3] =	stream.linear.scatter [tilespmem:s15], [sflag:$0x4], $0x80, $0x38;
	[tilespmem:$0x1FC00] =	vst v63  }
.Ltmp3:
0x13c: {  	s15 =	sadd.s32 $0x132A8, s17;
	s18 =	sadd.s32 $0x50, s10;
	(pc) =	sbr.rel @p2 .LBB2_5-.Ltmp3, $4  }
0x13d: {  	[hbm4b:s18+s3] =	stream.linear.scatter [tilespmem:s15], [sflag:$0x4], $0x80, $0x38;
	[tilespmem:$0x1FC00] =	vst v63  }
0x13e: {  	s15 =	sadd.s32 $0x13330, s17;
	s18 =	sadd.s32 $0x60, s10;
	s17 =	sadd.s32 $0x133B8, s17  }
0x13f: {  	[hbm4b:s18+s3] =	stream.linear.scatter [tilespmem:s15], [sflag:$0x4], $0x80, $0x38;
	[tilespmem:$0x1FC00] =	vst v63  }
0x140: {  	s18 =	sadd.s32 $0x70, s10;
	s10 =	sadd.s32 $0x4000, s10;
	s15 =	smov.u32 s22  }
0x141: {  	[hbm4b:s18+s3] =	stream.linear.scatter [tilespmem:s17], [sflag:$0x4], $0x80, $0x38;
	[tilespmem:$0x1FC00] =	vst v63  }
0x142: {  	s15 =	sadd.s32 $0x13000, s7  }
0x143: {  	[hbm4b:s10+s3] =	stream.linear.scatter [tilespmem:s15], [sflag:$0x4], $0x80, $0x38;
	[tilespmem:$0x1FC00] =	vst v63  }
0x144: {  	s22 =	sadd.s32 $0x13088, s7;
	s23 =	sadd.s32 $0x10, s10  }
0x145: {  	[hbm4b:s23+s3] =	stream.linear.scatter [tilespmem:s22], [sflag:$0x4], $0x80, $0x38;
	[tilespmem:$0x1FC00] =	vst v63  }
0x146: {  	s17 =	sadd.s32 $0x13110, s7;
	s18 =	sadd.s32 $0x20, s10  }
0x147: {  	[hbm4b:s18+s3] =	stream.linear.scatter [tilespmem:s17], [sflag:$0x4], $0x80, $0x38;
	[tilespmem:$0x1FC00] =	vst v63  }
0x148: {  	s22 =	sadd.s32 $0x13198, s7;
	s23 =	sadd.s32 $0x30, s10  }
0x149: {  	[hbm4b:s23+s3] =	stream.linear.scatter [tilespmem:s22], [sflag:$0x4], $0x80, $0x38;
	[tilespmem:$0x1FC00] =	vst v63  }
0x14a: {  	s17 =	sadd.s32 $0x13220, s7;
	s18 =	sadd.s32 $0x40, s10  }
0x14b: {  	[hbm4b:s18+s3] =	stream.linear.scatter [tilespmem:s17], [sflag:$0x4], $0x80, $0x38;
	[tilespmem:$0x1FC00] =	vst v63  }
0x14c: {  	s15 =	sor.u32 $0x400, s13;
	s22 =	sadd.s32 $0x132A8, s7;
	s23 =	sadd.s32 $0x50, s10  }
0x14d: {  	[hbm4b:s23+s3] =	stream.linear.scatter [tilespmem:s22], [sflag:$0x4], $0x80, $0x38;
	[tilespmem:$0x1FC00] =	vst v63  }
0x14e: {  	s6 =	sor.u32 s6, s15;
	s17 =	sadd.s32 $0x13330, s7;
	s18 =	sadd.s32 $0x60, s10  }
0x14f: {  	[hbm4b:s18+s3] =	stream.linear.scatter [tilespmem:s17], [sflag:$0x4], $0x80, $0x38;
	[tilespmem:$0x1FC00] =	vst v63  }
0x150: {  	s6 =	sshrl.u32 s6, $0x3;
	s22 =	sadd.s32 $0x133B8, s7;
	s23 =	sadd.s32 $0x70, s10  }
0x151: {  	[hbm4b:s23+s3] =	stream.linear.scatter [tilespmem:s22], [sflag:$0x4], $0x80, $0x38;
	[tilespmem:$0x1FC00] =	vst v63  }
0x152: {  	s7 =	sadd.s32 s2, s6;
	s10 =	simm.s32 $0x15200  }
0x153: {  	[hbm4b:s7+s3] =	stream.linear.scatter [tilespmem:s10], [sflag:$0x4], $0x80, $0x38;
	[tilespmem:$0x1FC00] =	vst v63  }
0x154: {  	s17 =	simm.s32 $0x15288;
	s18 =	sadd.s32 $0x10, s7  }
0x155: {  	[hbm4b:s18+s3] =	stream.linear.scatter [tilespmem:s17], [sflag:$0x4], $0x80, $0x38;
	[tilespmem:$0x1FC00] =	vst v63  }
0x156: {  	s6 =	simm.s32 $0x440;
	s22 =	simm.s32 $0x15310;
	s23 =	sadd.s32 $0x20, s7  }
0x157: {  	[hbm4b:s23+s3] =	stream.linear.scatter [tilespmem:s22], [sflag:$0x4], $0x80, $0x38;
	[tilespmem:$0x1FC00] =	vst v63  }
0x158: {  	s10 =	simm.s32 $0x2200;
	s17 =	simm.s32 $0x15398;
	s18 =	sadd.s32 $0x30, s7  }
0x159: {  	[hbm4b:s18+s3] =	stream.linear.scatter [tilespmem:s17], [sflag:$0x4], $0x80, $0x38;
	[tilespmem:$0x1FC00] =	vst v63  }
0x15a: {  	s22 =	simm.s32 $0x15420;
	s23 =	sadd.s32 $0x40, s7;
	s17 =	simm.s32 $0x154A8  }
0x15b: {  	[hbm4b:s23+s3] =	stream.linear.scatter [tilespmem:s22], [sflag:$0x4], $0x80, $0x38;
	[tilespmem:$0x1FC00] =	vst v63  }
0x15c: {  	s18 =	sadd.s32 $0x50, s7;
	s22 =	simm.s32 $0x15530;
	s23 =	sadd.s32 $0x60, s7  }
0x15d: {  	[hbm4b:s18+s3] =	stream.linear.scatter [tilespmem:s17], [sflag:$0x4], $0x80, $0x38;
	[tilespmem:$0x1FC00] =	vst v63  }
0x15e: {  	s17 =	simm.s32 $0x155B8;
	s18 =	sadd.s32 $0x70, s7;
	s7 =	sadd.s32 $0x4000, s7  }
0x15f: {  	[hbm4b:s23+s3] =	stream.linear.scatter [tilespmem:s22], [sflag:$0x4], $0x80, $0x38;
	[tilespmem:$0x1FC00] =	vst v63  }
.LBB2_7:
0x160: {  	[hbm4b:s18+s3] =	stream.linear.scatter [tilespmem:s17], [sflag:$0x4], $0x80, $0x38;
	[tilespmem:$0x1FC00] =	vst v63  }
0x161: {  	s17 =	smov.u32 s6;
	s6 =	smov.u32 s10  }
0x162: {  	s22 =	sadd.s32 $0x1100, s10;
	s6 =	sshra.s32 s6, $0x2;
	s18 =	sadd.s32 $0x15200, s17  }
0x163: {  	[hbm4b:s7+s3] =	stream.linear.scatter [tilespmem:s18], [sflag:$0x4], $0x80, $0x38;
	[tilespmem:$0x1FC00] =	vst v63  }
0x164: {  	p2 =	sne.s32 s10, $0x7700;
	s10 =	sadd.s32 $0x15288, s17;
	s18 =	sadd.s32 $0x10, s7  }
0x165: {  	[hbm4b:s18+s3] =	stream.linear.scatter [tilespmem:s10], [sflag:$0x4], $0x80, $0x38;
	[tilespmem:$0x1FC00] =	vst v63  }
0x166: {  	s10 =	sadd.s32 $0x15310, s17;
	s18 =	sadd.s32 $0x20, s7  }
0x167: {  	[hbm4b:s18+s3] =	stream.linear.scatter [tilespmem:s10], [sflag:$0x4], $0x80, $0x38;
	[tilespmem:$0x1FC00] =	vst v63  }
0x168: {  	s10 =	sadd.s32 $0x15398, s17;
	s18 =	sadd.s32 $0x30, s7  }
0x169: {  	[hbm4b:s18+s3] =	stream.linear.scatter [tilespmem:s10], [sflag:$0x4], $0x80, $0x38;
	[tilespmem:$0x1FC00] =	vst v63  }
0x16a: {  	s10 =	sadd.s32 $0x15420, s17;
	s18 =	sadd.s32 $0x40, s7  }
0x16b: {  	[hbm4b:s18+s3] =	stream.linear.scatter [tilespmem:s10], [sflag:$0x4], $0x80, $0x38;
	[tilespmem:$0x1FC00] =	vst v63  }
.Ltmp4:
0x16c: {  	s10 =	sadd.s32 $0x154A8, s17;
	s18 =	sadd.s32 $0x50, s7;
	(pc) =	sbr.rel @p2 .LBB2_7-.Ltmp4, $4  }
0x16d: {  	[hbm4b:s18+s3] =	stream.linear.scatter [tilespmem:s10], [sflag:$0x4], $0x80, $0x38;
	[tilespmem:$0x1FC00] =	vst v63  }
0x16e: {  	s10 =	sadd.s32 $0x15530, s17;
	s18 =	sadd.s32 $0x60, s7;
	s17 =	sadd.s32 $0x155B8, s17  }
0x16f: {  	[hbm4b:s18+s3] =	stream.linear.scatter [tilespmem:s10], [sflag:$0x4], $0x80, $0x38;
	[tilespmem:$0x1FC00] =	vst v63  }
0x170: {  	s18 =	sadd.s32 $0x70, s7;
	s7 =	sadd.s32 $0x4000, s7;
	s10 =	smov.u32 s22  }
0x171: {  	[hbm4b:s18+s3] =	stream.linear.scatter [tilespmem:s17], [sflag:$0x4], $0x80, $0x38;
	[tilespmem:$0x1FC00] =	vst v63  }
0x172: {  	s10 =	sadd.s32 $0x15200, s6  }
0x173: {  	[hbm4b:s7+s3] =	stream.linear.scatter [tilespmem:s10], [sflag:$0x4], $0x80, $0x38;
	[tilespmem:$0x1FC00] =	vst v63  }
0x174: {  	s22 =	sadd.s32 $0x15288, s6;
	s23 =	sadd.s32 $0x10, s7  }
0x175: {  	[hbm4b:s23+s3] =	stream.linear.scatter [tilespmem:s22], [sflag:$0x4], $0x80, $0x38;
	[tilespmem:$0x1FC00] =	vst v63  }
0x176: {  	s17 =	sadd.s32 $0x15310, s6;
	s18 =	sadd.s32 $0x20, s7  }
0x177: {  	[hbm4b:s18+s3] =	stream.linear.scatter [tilespmem:s17], [sflag:$0x4], $0x80, $0x38;
	[tilespmem:$0x1FC00] =	vst v63  }
0x178: {  	s22 =	sadd.s32 $0x15398, s6;
	s23 =	sadd.s32 $0x30, s7  }
0x179: {  	[hbm4b:s23+s3] =	stream.linear.scatter [tilespmem:s22], [sflag:$0x4], $0x80, $0x38;
	[tilespmem:$0x1FC00] =	vst v63  }
0x17a: {  	s17 =	sadd.s32 $0x15420, s6;
	s18 =	sadd.s32 $0x40, s7  }
0x17b: {  	[hbm4b:s18+s3] =	stream.linear.scatter [tilespmem:s17], [sflag:$0x4], $0x80, $0x38;
	[tilespmem:$0x1FC00] =	vst v63  }
0x17c: {  	s22 =	sadd.s32 $0x154A8, s6;
	s23 =	sadd.s32 $0x50, s7  }
0x17d: {  	[hbm4b:s23+s3] =	stream.linear.scatter [tilespmem:s22], [sflag:$0x4], $0x80, $0x38;
	[tilespmem:$0x1FC00] =	vst v63  }
.Ltmp5:
0x17e: {  	_ = 	snop;
	(pc) =	sbr.rel @p1 .LBB2_22-.Ltmp5, $4  }
0x17f: {  	s17 =	sadd.s32 $0x15530, s6;
	s18 =	sadd.s32 $0x60, s7  }
0x180: {  	[hbm4b:s18+s3] =	stream.linear.scatter [tilespmem:s17], [sflag:$0x4], $0x80, $0x38;
	[tilespmem:$0x1FC00] =	vst v63  }
0x181: {  	s22 =	sadd.s32 $0x155B8, s6;
	s23 =	sadd.s32 $0x70, s7  }
0x182: {  	[hbm4b:s23+s3] =	stream.linear.scatter [tilespmem:s22], [sflag:$0x4], $0x80, $0x38;
	[tilespmem:$0x1FC00] =	vst v63  }
0x183: {  	s6 =	sadd.s32 $0x3, s8  }
0x184: {  	s7 =	sshll.u32 s6, $0x8;
	s10 =	sshll.u32 s6, $0xB  }
0x185: {  	s6 =	sshll.u32 s6, $0x6;
	s7 =	sand.u32 $0x1F000, s7;
	s10 =	sand.u32 $0x800, s10  }
0x186: {  	s6 =	sand.u32 $0x380, s6;
	s7 =	sor.u32 s10, s7  }
0x187: {  	s6 =	sor.u32 s6, s7  }
0x188: {  	[tilespmem:s12], [sflag:$0x1] =	stream.indirect.gather [hbm4b:s5+s11], $0x40, s6, s11, $0xb8;
	[tilespmem:$0x1FC00] =	vst v63  }
0x189: {  	s6 =	sor.u32 $0x400, s6  }
0x18a: {  	[tilespmem:s14], [sflag:$0x1] =	stream.indirect.gather [hbm4b:s5+s11], $0x40, s6, s11, $0xb8;
	[tilespmem:$0x1FC00] =	vst v63  }
0x18b: {  	_ =	swait.ge [sflag:s25], $0x2000  }
0x18c: {  	[sflag:s25] =	ssyncset.done $0x0  }
0x18d: {  	[sflag:s25] =	ssyncadd.s32 $0xFFFFE000  }
0x18e: {  	_ =	swait.ge [sflag:s25], $0x2000  }
0x18f: {  	[sflag:s25] =	ssyncset.done $0x0  }
0x190: {  	s6 =	simm.s32 @!p0 $0x5;
	[sflag:s25] =	ssyncadd.s32 $0xFFFFE000  }
0x191: {  	_ =	swait.ge @!p0 [sflag:s6], $0x2000  }
0x192: {  	[sflag:s6] =	ssyncset.done @!p0 $0x0  }
0x193: {  	[sflag:s6] =	ssyncadd.s32 @!p0 $0xFFFFE000  }
0x194: {  	s23 =	simm.s32 $0x0;
	_ =	swait.ge @!p0 [sflag:s6], $0x2000  }
0x195: {  	v4 =	vmov s23;
	[sflag:s6] =	ssyncset.done @!p0 $0x0  }
0x196: {  	v4 =	vand.u32 $0x7C, v4;
	s10 =	simm.s32 $0x0;
	[sflag:s6] =	ssyncadd.s32 @!p0 $0xFFFFE000  }
0x197: {  	v6 =	vadd.s32 v0, v4;
	v5 =	vld [tilespmem:s10+$0xB000];
	_ =	sdelay $0x4  }
0x198: {  	[tilespmem:v6+s26+$0x0] =	vst.idx.msk $0xffff, v5  }
0x199: {  	v7 =	vadd.s32 v1, v4;
	v5 =	vld [tilespmem:s10+$0xB010];
	_ =	sdelay $0x4  }
0x19a: {  	[tilespmem:v7+s26+$0x0] =	vst.idx.msk $0xffff, v5  }
0x19b: {  	v8 =	vadd.s32 v2, v4;
	v5 =	vld [tilespmem:s10+$0xB020];
	_ =	sdelay $0x4  }
0x19c: {  	[tilespmem:v8+s26+$0x0] =	vst.idx.msk $0xffff, v5  }
0x19d: {  	v4 =	vadd.s32 v3, v4;
	v5 =	vld [tilespmem:s10+$0xB030];
	_ =	sdelay $0x4  }
0x19e: {  	[tilespmem:v4+s26+$0x0] =	vst.idx.msk $0xffff, v5  }
0x19f: {  	v5 =	vld [tilespmem:s10+$0xD000];
	_ =	sdelay $0x4  }
0x1a0: {  	[tilespmem:v6+s28+$0x0] =	vst.idx.msk $0xffff, v5  }
0x1a1: {  	v5 =	vld [tilespmem:s10+$0xD010];
	_ =	sdelay $0x4  }
0x1a2: {  	[tilespmem:v7+s28+$0x0] =	vst.idx.msk $0xffff, v5  }
0x1a3: {  	v5 =	vld [tilespmem:s10+$0xD020];
	_ =	sdelay $0x4  }
0x1a4: {  	[tilespmem:v8+s28+$0x0] =	vst.idx.msk $0xffff, v5  }
0x1a5: {  	v5 =	vld [tilespmem:s10+$0xD030];
	_ =	sdelay $0x2  }
0x1a6: {  	s18 =	simm.s32 $0x1  }
0x1a7: {  	v6 =	vmov s18  }
0x1a8: {  	[tilespmem:v4+s28+$0x0] =	vst.idx.msk $0xffff, v5;
	v4 =	vand.u32 $0x7D, v6  }
0x1a9: {  	v5 =	vld [tilespmem:s10+$0xB040];
	v6 =	vadd.s32 v0, v4;
	_ =	sdelay $0x4  }
0x1aa: {  	[tilespmem:v6+s26+$0x0] =	vst.idx.msk $0xffff, v5  }
0x1ab: {  	v7 =	vadd.s32 v1, v4;
	v5 =	vld [tilespmem:s10+$0xB050];
	_ =	sdelay $0x4  }
0x1ac: {  	[tilespmem:v7+s26+$0x0] =	vst.idx.msk $0xffff, v5  }
0x1ad: {  	v61 =	vadd.s32 v2, v4;
	v5 =	vld [tilespmem:s10+$0xB060];
	_ =	sdelay $0x4  }
0x1ae: {  	[tilespmem:v61+s26+$0x0] =	vst.idx.msk $0xffff, v5  }
0x1af: {  	v4 =	vadd.s32 v3, v4;
	v5 =	vld [tilespmem:s10+$0xB070];
	_ =	sdelay $0x4  }
0x1b0: {  	[tilespmem:v4+s26+$0x0] =	vst.idx.msk $0xffff, v5  }
0x1b1: {  	v5 =	vld [tilespmem:s10+$0xD040];
	_ =	sdelay $0x4  }
0x1b2: {  	[tilespmem:v6+s28+$0x0] =	vst.idx.msk $0xffff, v5  }
0x1b3: {  	v5 =	vld [tilespmem:s10+$0xD050];
	_ =	sdelay $0x4  }
0x1b4: {  	[tilespmem:v7+s28+$0x0] =	vst.idx.msk $0xffff, v5  }
0x1b5: {  	v5 =	vld [tilespmem:s10+$0xD060];
	_ =	sdelay $0x4  }
0x1b6: {  	[tilespmem:v61+s28+$0x0] =	vst.idx.msk $0xffff, v5  }
0x1b7: {  	v5 =	vld [tilespmem:s10+$0xD070];
	_ =	sdelay $0x2  }
0x1b8: {  	s22 =	simm.s32 $0x2  }
0x1b9: {  	v6 =	vmov s22  }
0x1ba: {  	[tilespmem:v4+s28+$0x0] =	vst.idx.msk $0xffff, v5;
	v4 =	vand.u32 $0x7E, v6  }
0x1bb: {  	v5 =	vld [tilespmem:s10+$0xB080];
	v6 =	vadd.s32 v0, v4;
	_ =	sdelay $0x4  }
0x1bc: {  	[tilespmem:v6+s26+$0x0] =	vst.idx.msk $0xffff, v5  }
0x1bd: {  	v7 =	vadd.s32 v1, v4;
	v5 =	vld [tilespmem:s10+$0xB090];
	_ =	sdelay $0x4  }
0x1be: {  	[tilespmem:v7+s26+$0x0] =	vst.idx.msk $0xffff, v5  }
0x1bf: {  	v62 =	vadd.s32 v2, v4;
	v5 =	vld [tilespmem:s10+$0xB0A0];
	_ =	sdelay $0x4  }
0x1c0: {  	[tilespmem:v62+s26+$0x0] =	vst.idx.msk $0xffff, v5  }
0x1c1: {  	v4 =	vadd.s32 v3, v4;
	v5 =	vld [tilespmem:s10+$0xB0B0];
	_ =	sdelay $0x4  }
0x1c2: {  	[tilespmem:v4+s26+$0x0] =	vst.idx.msk $0xffff, v5  }
0x1c3: {  	v5 =	vld [tilespmem:s10+$0xD080];
	_ =	sdelay $0x4  }
0x1c4: {  	[tilespmem:v6+s28+$0x0] =	vst.idx.msk $0xffff, v5  }
0x1c5: {  	v5 =	vld [tilespmem:s10+$0xD090];
	_ =	sdelay $0x4  }
0x1c6: {  	[tilespmem:v7+s28+$0x0] =	vst.idx.msk $0xffff, v5  }
0x1c7: {  	v5 =	vld [tilespmem:s10+$0xD0A0];
	_ =	sdelay $0x4  }
0x1c8: {  	[tilespmem:v62+s28+$0x0] =	vst.idx.msk $0xffff, v5  }
0x1c9: {  	v5 =	vld [tilespmem:s10+$0xD0B0];
	_ =	sdelay $0x2  }
0x1ca: {  	s23 =	simm.s32 $0x3  }
0x1cb: {  	v6 =	vmov s23  }
0x1cc: {  	[tilespmem:v4+s28+$0x0] =	vst.idx.msk $0xffff, v5;
	v4 =	vand.u32 $0x7F, v6  }
0x1cd: {  	v5 =	vld [tilespmem:s10+$0xB0C0];
	v6 =	vadd.s32 v0, v4;
	_ =	sdelay $0x4  }
0x1ce: {  	[tilespmem:v6+s26+$0x0] =	vst.idx.msk $0xffff, v5  }
0x1cf: {  	v7 =	vadd.s32 v1, v4;
	v5 =	vld [tilespmem:s10+$0xB0D0];
	_ =	sdelay $0x4  }
0x1d0: {  	[tilespmem:v7+s26+$0x0] =	vst.idx.msk $0xffff, v5  }
0x1d1: {  	v63 =	vadd.s32 v2, v4;
	v5 =	vld [tilespmem:s10+$0xB0E0];
	_ =	sdelay $0x4  }
0x1d2: {  	[tilespmem:v63+s26+$0x0] =	vst.idx.msk $0xffff, v5  }
0x1d3: {  	v4 =	vadd.s32 v3, v4;
	v5 =	vld [tilespmem:s10+$0xB0F0];
	_ =	sdelay $0x4  }
0x1d4: {  	[tilespmem:v4+s26+$0x0] =	vst.idx.msk $0xffff, v5  }
0x1d5: {  	v5 =	vld [tilespmem:s10+$0xD0C0];
	_ =	sdelay $0x4  }
0x1d6: {  	[tilespmem:v6+s28+$0x0] =	vst.idx.msk $0xffff, v5  }
0x1d7: {  	v5 =	vld [tilespmem:s10+$0xD0D0];
	_ =	sdelay $0x4  }
0x1d8: {  	[tilespmem:v7+s28+$0x0] =	vst.idx.msk $0xffff, v5  }
0x1d9: {  	v5 =	vld [tilespmem:s10+$0xD0E0];
	_ =	sdelay $0x4  }
0x1da: {  	[tilespmem:v63+s28+$0x0] =	vst.idx.msk $0xffff, v5  }
0x1db: {  	v5 =	vld [tilespmem:s10+$0xD0F0];
	_ =	sdelay $0x1  }
0x1dc: {  	s17 =	sadd.s32 $0x1, s8;
	s7 =	simm.s32 $0x800  }
0x1dd: {  	s6 =	simm.s32 $0x400;
	s18 =	simm.s32 $0x7;
	s10 =	simm.s32 $0x4  }
.LBB2_10:
0x1de: {  	p1 =	sne.s32 s7, $0x7C00;
	v6 =	vmov s10  }
0x1df: {  	s10 =	sshra.s32 s6, $0x2;
	s6 =	smov.u32 s7;
	v6 =	vand.u32 $0x7C, v6;
	[tilespmem:v4+s28+$0x0] =	vst.idx.msk $0xffff, v5  }
0x1e0: {  	v4 =	vld [tilespmem:s10+$0xB000];
	v5 =	vadd.s32 v0, v6;
	_ =	sdelay $0x4  }
0x1e1: {  	[tilespmem:v5+s26+$0x0] =	vst.idx.msk $0xffff, v4  }
0x1e2: {  	v7 =	vadd.s32 v1, v6;
	v4 =	vld [tilespmem:s10+$0xB010];
	_ =	sdelay $0x4  }
0x1e3: {  	[tilespmem:v7+s26+$0x0] =	vst.idx.msk $0xffff, v4  }
0x1e4: {  	v8 =	vadd.s32 v2, v6;
	v4 =	vld [tilespmem:s10+$0xB020];
	_ =	sdelay $0x4  }
0x1e5: {  	[tilespmem:v8+s26+$0x0] =	vst.idx.msk $0xffff, v4  }
0x1e6: {  	v6 =	vadd.s32 v3, v6;
	v4 =	vld [tilespmem:s10+$0xB030];
	_ =	sdelay $0x4  }
0x1e7: {  	[tilespmem:v6+s26+$0x0] =	vst.idx.msk $0xffff, v4  }
0x1e8: {  	v4 =	vld [tilespmem:s10+$0xD000];
	_ =	sdelay $0x4  }
0x1e9: {  	[tilespmem:v5+s28+$0x0] =	vst.idx.msk $0xffff, v4  }
0x1ea: {  	v4 =	vld [tilespmem:s10+$0xD010];
	_ =	sdelay $0x4  }
0x1eb: {  	[tilespmem:v7+s28+$0x0] =	vst.idx.msk $0xffff, v4  }
0x1ec: {  	v4 =	vld [tilespmem:s10+$0xD020];
	_ =	sdelay $0x4  }
0x1ed: {  	[tilespmem:v8+s28+$0x0] =	vst.idx.msk $0xffff, v4  }
0x1ee: {  	v4 =	vld [tilespmem:s10+$0xD030];
	_ =	sdelay $0x2  }
0x1ef: {  	s22 =	sadd.s32 $0xFFFFFFFE, s18  }
0x1f0: {  	v5 =	vmov s22  }
0x1f1: {  	[tilespmem:v6+s28+$0x0] =	vst.idx.msk $0xffff, v4;
	v4 =	vand.u32 $0x7D, v5  }
0x1f2: {  	v5 =	vld [tilespmem:s10+$0xB040];
	v6 =	vadd.s32 v0, v4;
	_ =	sdelay $0x4  }
0x1f3: {  	[tilespmem:v6+s26+$0x0] =	vst.idx.msk $0xffff, v5  }
0x1f4: {  	v7 =	vadd.s32 v1, v4;
	v5 =	vld [tilespmem:s10+$0xB050];
	_ =	sdelay $0x4  }
0x1f5: {  	[tilespmem:v7+s26+$0x0] =	vst.idx.msk $0xffff, v5  }
0x1f6: {  	v8 =	vadd.s32 v2, v4;
	v5 =	vld [tilespmem:s10+$0xB060];
	_ =	sdelay $0x4  }
0x1f7: {  	[tilespmem:v8+s26+$0x0] =	vst.idx.msk $0xffff, v5  }
0x1f8: {  	v4 =	vadd.s32 v3, v4;
	v5 =	vld [tilespmem:s10+$0xB070];
	_ =	sdelay $0x4  }
0x1f9: {  	[tilespmem:v4+s26+$0x0] =	vst.idx.msk $0xffff, v5  }
0x1fa: {  	v5 =	vld [tilespmem:s10+$0xD040];
	_ =	sdelay $0x4  }
0x1fb: {  	[tilespmem:v6+s28+$0x0] =	vst.idx.msk $0xffff, v5  }
0x1fc: {  	v5 =	vld [tilespmem:s10+$0xD050];
	_ =	sdelay $0x4  }
0x1fd: {  	[tilespmem:v7+s28+$0x0] =	vst.idx.msk $0xffff, v5  }
0x1fe: {  	v5 =	vld [tilespmem:s10+$0xD060];
	_ =	sdelay $0x4  }
0x1ff: {  	[tilespmem:v8+s28+$0x0] =	vst.idx.msk $0xffff, v5  }
0x200: {  	v5 =	vld [tilespmem:s10+$0xD070];
	_ =	sdelay $0x2  }
0x201: {  	s22 =	sadd.s32 $0xFFFFFFFF, s18  }
0x202: {  	v6 =	vmov s22  }
0x203: {  	[tilespmem:v4+s28+$0x0] =	vst.idx.msk $0xffff, v5;
	v4 =	vand.u32 $0x7E, v6  }
0x204: {  	v5 =	vld [tilespmem:s10+$0xB080];
	v6 =	vadd.s32 v0, v4;
	_ =	sdelay $0x4  }
0x205: {  	[tilespmem:v6+s26+$0x0] =	vst.idx.msk $0xffff, v5  }
0x206: {  	v7 =	vadd.s32 v1, v4;
	v5 =	vld [tilespmem:s10+$0xB090];
	_ =	sdelay $0x4  }
0x207: {  	[tilespmem:v7+s26+$0x0] =	vst.idx.msk $0xffff, v5  }
0x208: {  	v8 =	vadd.s32 v2, v4;
	v5 =	vld [tilespmem:s10+$0xB0A0];
	_ =	sdelay $0x4  }
0x209: {  	[tilespmem:v8+s26+$0x0] =	vst.idx.msk $0xffff, v5  }
0x20a: {  	v4 =	vadd.s32 v3, v4;
	v5 =	vld [tilespmem:s10+$0xB0B0];
	_ =	sdelay $0x4  }
0x20b: {  	[tilespmem:v4+s26+$0x0] =	vst.idx.msk $0xffff, v5  }
0x20c: {  	v5 =	vld [tilespmem:s10+$0xD080];
	_ =	sdelay $0x4  }
0x20d: {  	[tilespmem:v6+s28+$0x0] =	vst.idx.msk $0xffff, v5  }
0x20e: {  	v5 =	vld [tilespmem:s10+$0xD090];
	_ =	sdelay $0x4  }
0x20f: {  	[tilespmem:v7+s28+$0x0] =	vst.idx.msk $0xffff, v5  }
0x210: {  	v5 =	vld [tilespmem:s10+$0xD0A0];
	_ =	sdelay $0x4  }
0x211: {  	[tilespmem:v8+s28+$0x0] =	vst.idx.msk $0xffff, v5  }
0x212: {  	v5 =	vld [tilespmem:s10+$0xD0B0];
	_ =	sdelay $0x3  }
0x213: {  	v6 =	vmov s18  }
0x214: {  	[tilespmem:v4+s28+$0x0] =	vst.idx.msk $0xffff, v5;
	v4 =	vand.u32 $0x7F, v6  }
0x215: {  	v5 =	vld [tilespmem:s10+$0xB0C0];
	v6 =	vadd.s32 v0, v4;
	_ =	sdelay $0x4  }
0x216: {  	[tilespmem:v6+s26+$0x0] =	vst.idx.msk $0xffff, v5  }
0x217: {  	v7 =	vadd.s32 v1, v4;
	v5 =	vld [tilespmem:s10+$0xB0D0];
	_ =	sdelay $0x4  }
0x218: {  	[tilespmem:v7+s26+$0x0] =	vst.idx.msk $0xffff, v5  }
0x219: {  	v8 =	vadd.s32 v2, v4;
	v5 =	vld [tilespmem:s10+$0xB0E0];
	_ =	sdelay $0x4  }
0x21a: {  	[tilespmem:v8+s26+$0x0] =	vst.idx.msk $0xffff, v5  }
0x21b: {  	v4 =	vadd.s32 v3, v4;
	v5 =	vld [tilespmem:s10+$0xB0F0];
	_ =	sdelay $0x4  }
0x21c: {  	[tilespmem:v4+s26+$0x0] =	vst.idx.msk $0xffff, v5  }
0x21d: {  	v5 =	vld [tilespmem:s10+$0xD0C0];
	_ =	sdelay $0x4  }
0x21e: {  	[tilespmem:v6+s28+$0x0] =	vst.idx.msk $0xffff, v5  }
0x21f: {  	v5 =	vld [tilespmem:s10+$0xD0D0];
	_ =	sdelay $0x4  }
0x220: {  	[tilespmem:v7+s28+$0x0] =	vst.idx.msk $0xffff, v5  }
0x221: {  	v5 =	vld [tilespmem:s10+$0xD0E0];
	_ =	sdelay $0x4  }
.Ltmp6:
0x222: {  	[tilespmem:v8+s28+$0x0] =	vst.idx.msk $0xffff, v5;
	(pc) =	sbr.rel @p1 .LBB2_10-.Ltmp6, $3  }
0x223: {  	v5 =	vld [tilespmem:s10+$0xD0F0];
	_ =	sdelay $0x1  }
0x224: {  	s18 =	sadd.s32 $0x4, s18  }
0x225: {  	s7 =	sadd.s32 $0x400, s7;
	s10 =	sadd.s32 $0xFFFFFFFD, s18  }
0x226: {  	_ =	sdelay $0x2  }
0x227: {  	v6 =	vmov s10  }
0x228: {  	s6 =	sshra.s32 s6, $0x2;
	v6 =	vand.u32 $0x7C, v6;
	[tilespmem:v4+s28+$0x0] =	vst.idx.msk $0xffff, v5  }
0x229: {  	v4 =	vld [tilespmem:s6+$0xB000];
	v5 =	vadd.s32 v0, v6;
	_ =	sdelay $0x4  }
0x22a: {  	[tilespmem:v5+s26+$0x0] =	vst.idx.msk $0xffff, v4  }
0x22b: {  	v7 =	vadd.s32 v1, v6;
	v4 =	vld [tilespmem:s6+$0xB010];
	_ =	sdelay $0x4  }
0x22c: {  	[tilespmem:v7+s26+$0x0] =	vst.idx.msk $0xffff, v4  }
0x22d: {  	v8 =	vadd.s32 v2, v6;
	v4 =	vld [tilespmem:s6+$0xB020];
	_ =	sdelay $0x4  }
0x22e: {  	[tilespmem:v8+s26+$0x0] =	vst.idx.msk $0xffff, v4  }
0x22f: {  	v6 =	vadd.s32 v3, v6;
	v4 =	vld [tilespmem:s6+$0xB030];
	_ =	sdelay $0x4  }
0x230: {  	[tilespmem:v6+s26+$0x0] =	vst.idx.msk $0xffff, v4  }
0x231: {  	v4 =	vld [tilespmem:s6+$0xD000];
	_ =	sdelay $0x4  }
0x232: {  	[tilespmem:v5+s28+$0x0] =	vst.idx.msk $0xffff, v4  }
0x233: {  	v4 =	vld [tilespmem:s6+$0xD010];
	_ =	sdelay $0x4  }
0x234: {  	[tilespmem:v7+s28+$0x0] =	vst.idx.msk $0xffff, v4  }
0x235: {  	v4 =	vld [tilespmem:s6+$0xD020];
	_ =	sdelay $0x4  }
0x236: {  	[tilespmem:v8+s28+$0x0] =	vst.idx.msk $0xffff, v4  }
0x237: {  	v4 =	vld [tilespmem:s6+$0xD030];
	_ =	sdelay $0x2  }
0x238: {  	s7 =	sadd.s32 $0xFFFFFFFE, s18  }
0x239: {  	v5 =	vmov s7  }
0x23a: {  	[tilespmem:v6+s28+$0x0] =	vst.idx.msk $0xffff, v4;
	v4 =	vand.u32 $0x7D, v5  }
0x23b: {  	v5 =	vld [tilespmem:s6+$0xB040];
	v55 =	vadd.s32 v0, v4;
	_ =	sdelay $0x4  }
0x23c: {  	[tilespmem:v55+s26+$0x0] =	vst.idx.msk $0xffff, v5  }
0x23d: {  	v56 =	vadd.s32 v1, v4;
	v5 =	vld [tilespmem:s6+$0xB050];
	_ =	sdelay $0x4  }
0x23e: {  	[tilespmem:v56+s26+$0x0] =	vst.idx.msk $0xffff, v5  }
0x23f: {  	v57 =	vadd.s32 v2, v4;
	v5 =	vld [tilespmem:s6+$0xB060];
	_ =	sdelay $0x4  }
0x240: {  	[tilespmem:v57+s26+$0x0] =	vst.idx.msk $0xffff, v5  }
0x241: {  	v4 =	vadd.s32 v3, v4;
	v5 =	vld [tilespmem:s6+$0xB070];
	_ =	sdelay $0x4  }
0x242: {  	[tilespmem:v4+s26+$0x0] =	vst.idx.msk $0xffff, v5  }
0x243: {  	v5 =	vld [tilespmem:s6+$0xD040];
	_ =	sdelay $0x4  }
0x244: {  	[tilespmem:v55+s28+$0x0] =	vst.idx.msk $0xffff, v5  }
0x245: {  	v5 =	vld [tilespmem:s6+$0xD050];
	_ =	sdelay $0x4  }
0x246: {  	[tilespmem:v56+s28+$0x0] =	vst.idx.msk $0xffff, v5  }
0x247: {  	v5 =	vld [tilespmem:s6+$0xD060];
	_ =	sdelay $0x4  }
0x248: {  	[tilespmem:v57+s28+$0x0] =	vst.idx.msk $0xffff, v5  }
0x249: {  	v5 =	vld [tilespmem:s6+$0xD070];
	_ =	sdelay $0x2  }
0x24a: {  	s23 =	sadd.s32 $0xFFFFFFFF, s18  }
0x24b: {  	v58 =	vmov s23  }
0x24c: {  	[tilespmem:v4+s28+$0x0] =	vst.idx.msk $0xffff, v5;
	v4 =	vand.u32 $0x7E, v58  }
0x24d: {  	v5 =	vld [tilespmem:s6+$0xB080];
	v6 =	vadd.s32 v0, v4;
	_ =	sdelay $0x4  }
0x24e: {  	[tilespmem:v6+s26+$0x0] =	vst.idx.msk $0xffff, v5  }
0x24f: {  	v59 =	vadd.s32 v1, v4;
	v5 =	vld [tilespmem:s6+$0xB090];
	_ =	sdelay $0x4  }
0x250: {  	[tilespmem:v59+s26+$0x0] =	vst.idx.msk $0xffff, v5  }
0x251: {  	v60 =	vadd.s32 v2, v4;
	v5 =	vld [tilespmem:s6+$0xB0A0];
	_ =	sdelay $0x4  }
0x252: {  	[tilespmem:v60+s26+$0x0] =	vst.idx.msk $0xffff, v5  }
0x253: {  	v4 =	vadd.s32 v3, v4;
	v5 =	vld [tilespmem:s6+$0xB0B0];
	_ =	sdelay $0x4  }
0x254: {  	[tilespmem:v4+s26+$0x0] =	vst.idx.msk $0xffff, v5  }
0x255: {  	v5 =	vld [tilespmem:s6+$0xD080];
	_ =	sdelay $0x4  }
0x256: {  	[tilespmem:v6+s28+$0x0] =	vst.idx.msk $0xffff, v5  }
0x257: {  	v5 =	vld [tilespmem:s6+$0xD090];
	_ =	sdelay $0x4  }
0x258: {  	[tilespmem:v59+s28+$0x0] =	vst.idx.msk $0xffff, v5  }
0x259: {  	v5 =	vld [tilespmem:s6+$0xD0A0];
	_ =	sdelay $0x4  }
0x25a: {  	[tilespmem:v60+s28+$0x0] =	vst.idx.msk $0xffff, v5  }
0x25b: {  	v5 =	vld [tilespmem:s6+$0xD0B0];
	_ =	sdelay $0x3  }
0x25c: {  	v61 =	vmov s18  }
0x25d: {  	[tilespmem:v4+s28+$0x0] =	vst.idx.msk $0xffff, v5;
	v4 =	vand.u32 $0x7F, v61  }
0x25e: {  	v5 =	vld [tilespmem:s6+$0xB0C0];
	v6 =	vadd.s32 v0, v4;
	_ =	sdelay $0x4  }
0x25f: {  	[tilespmem:v6+s26+$0x0] =	vst.idx.msk $0xffff, v5  }
0x260: {  	v62 =	vadd.s32 v1, v4;
	v5 =	vld [tilespmem:s6+$0xB0D0];
	_ =	sdelay $0x4  }
0x261: {  	[tilespmem:v62+s26+$0x0] =	vst.idx.msk $0xffff, v5  }
0x262: {  	v63 =	vadd.s32 v2, v4;
	v5 =	vld [tilespmem:s6+$0xB0E0];
	_ =	sdelay $0x4  }
0x263: {  	[tilespmem:v63+s26+$0x0] =	vst.idx.msk $0xffff, v5  }
0x264: {  	v4 =	vadd.s32 v3, v4;
	v5 =	vld [tilespmem:s6+$0xB0F0];
	_ =	sdelay $0x4  }
0x265: {  	[tilespmem:v4+s26+$0x0] =	vst.idx.msk $0xffff, v5  }
0x266: {  	v5 =	vld [tilespmem:s6+$0xD0C0];
	_ =	sdelay $0x4  }
0x267: {  	[tilespmem:v6+s28+$0x0] =	vst.idx.msk $0xffff, v5  }
0x268: {  	v5 =	vld [tilespmem:s6+$0xD0D0];
	_ =	sdelay $0x4  }
0x269: {  	[tilespmem:v62+s28+$0x0] =	vst.idx.msk $0xffff, v5  }
0x26a: {  	v5 =	vld [tilespmem:s6+$0xD0E0];
	_ =	sdelay $0x4  }
0x26b: {  	s10 =	sshll.u32 s17, $0x1;
	[tilespmem:v63+s28+$0x0] =	vst.idx.msk $0xffff, v5  }
0x26c: {  	s18 =	sand.u32 $0x2, s10;
	v5 =	vld [tilespmem:s6+$0xD0F0]  }
0x26d: {  	s22 =	sshll.u32 s17, $0x13;
	s6 =	sor.u32 s4, s18  }
0x26e: {  	s7 =	sand.u32 $0xFF00000, s22;
	s6 =	sshll.u32 s6, $0xA  }
0x26f: {  	s6 =	sor.u32 s7, s6  }
0x270: {  	s6 =	sshrl.u32 s6, $0x3  }
0x271: {  	s23 =	simm.s32 $0x17400;
	s10 =	sadd.s32 s2, s6;
	[tilespmem:v4+s28+$0x0] =	vst.idx.msk $0xffff, v5  }
0x272: {  	[hbm4b:s10+s3] =	stream.linear.scatter [tilespmem:s23], [sflag:$0x5], $0x80, $0x38;
	[tilespmem:$0x1FC00] =	vst v63  }
0x273: {  	s17 =	simm.s32 $0x17488;
	s18 =	sadd.s32 $0x10, s10  }
0x274: {  	[hbm4b:s18+s3] =	stream.linear.scatter [tilespmem:s17], [sflag:$0x5], $0x80, $0x38;
	[tilespmem:$0x1FC00] =	vst v63  }
0x275: {  	s22 =	simm.s32 $0x17510;
	s23 =	sadd.s32 $0x20, s10  }
0x276: {  	[hbm4b:s23+s3] =	stream.linear.scatter [tilespmem:s22], [sflag:$0x5], $0x80, $0x38;
	[tilespmem:$0x1FC00] =	vst v63  }
0x277: {  	s17 =	simm.s32 $0x17598;
	s18 =	sadd.s32 $0x30, s10  }
0x278: {  	[hbm4b:s18+s3] =	stream.linear.scatter [tilespmem:s17], [sflag:$0x5], $0x80, $0x38;
	[tilespmem:$0x1FC00] =	vst v63  }
0x279: {  	s22 =	simm.s32 $0x17620;
	s23 =	sadd.s32 $0x40, s10  }
0x27a: {  	[hbm4b:s23+s3] =	stream.linear.scatter [tilespmem:s22], [sflag:$0x5], $0x80, $0x38;
	[tilespmem:$0x1FC00] =	vst v63  }
0x27b: {  	s7 =	simm.s32 $0x440;
	s17 =	simm.s32 $0x176A8;
	s18 =	sadd.s32 $0x50, s10  }
0x27c: {  	[hbm4b:s18+s3] =	stream.linear.scatter [tilespmem:s17], [sflag:$0x5], $0x80, $0x38;
	[tilespmem:$0x1FC00] =	vst v63  }
0x27d: {  	s22 =	simm.s32 $0x17730;
	s23 =	sadd.s32 $0x60, s10;
	s17 =	simm.s32 $0x2200  }
0x27e: {  	[hbm4b:s23+s3] =	stream.linear.scatter [tilespmem:s22], [sflag:$0x5], $0x80, $0x38;
	[tilespmem:$0x1FC00] =	vst v63  }
0x27f: {  	s18 =	simm.s32 $0x177B8;
	s22 =	sadd.s32 $0x70, s10;
	s10 =	sadd.s32 $0x4000, s10  }
.LBB2_12:
0x280: {  	[hbm4b:s22+s3] =	stream.linear.scatter [tilespmem:s18], [sflag:$0x5], $0x80, $0x38;
	[tilespmem:$0x1FC00] =	vst v63  }
0x281: {  	s18 =	smov.u32 s7;
	s7 =	smov.u32 s17  }
0x282: {  	s23 =	sadd.s32 $0x1100, s17;
	s7 =	sshra.s32 s7, $0x2;
	s22 =	sadd.s32 $0x17400, s18  }
0x283: {  	[hbm4b:s10+s3] =	stream.linear.scatter [tilespmem:s22], [sflag:$0x5], $0x80, $0x38;
	[tilespmem:$0x1FC00] =	vst v63  }
0x284: {  	p1 =	sne.s32 s17, $0x7700;
	s17 =	sadd.s32 $0x17488, s18;
	s22 =	sadd.s32 $0x10, s10  }
0x285: {  	[hbm4b:s22+s3] =	stream.linear.scatter [tilespmem:s17], [sflag:$0x5], $0x80, $0x38;
	[tilespmem:$0x1FC00] =	vst v63  }
0x286: {  	s17 =	sadd.s32 $0x17510, s18;
	s22 =	sadd.s32 $0x20, s10  }
0x287: {  	[hbm4b:s22+s3] =	stream.linear.scatter [tilespmem:s17], [sflag:$0x5], $0x80, $0x38;
	[tilespmem:$0x1FC00] =	vst v63  }
0x288: {  	s17 =	sadd.s32 $0x17598, s18;
	s22 =	sadd.s32 $0x30, s10  }
0x289: {  	[hbm4b:s22+s3] =	stream.linear.scatter [tilespmem:s17], [sflag:$0x5], $0x80, $0x38;
	[tilespmem:$0x1FC00] =	vst v63  }
0x28a: {  	s17 =	sadd.s32 $0x17620, s18;
	s22 =	sadd.s32 $0x40, s10  }
0x28b: {  	[hbm4b:s22+s3] =	stream.linear.scatter [tilespmem:s17], [sflag:$0x5], $0x80, $0x38;
	[tilespmem:$0x1FC00] =	vst v63  }
.Ltmp7:
0x28c: {  	s17 =	sadd.s32 $0x176A8, s18;
	s22 =	sadd.s32 $0x50, s10;
	(pc) =	sbr.rel @p1 .LBB2_12-.Ltmp7, $4  }
0x28d: {  	[hbm4b:s22+s3] =	stream.linear.scatter [tilespmem:s17], [sflag:$0x5], $0x80, $0x38;
	[tilespmem:$0x1FC00] =	vst v63  }
0x28e: {  	s17 =	sadd.s32 $0x17730, s18;
	s22 =	sadd.s32 $0x60, s10;
	s18 =	sadd.s32 $0x177B8, s18  }
0x28f: {  	[hbm4b:s22+s3] =	stream.linear.scatter [tilespmem:s17], [sflag:$0x5], $0x80, $0x38;
	[tilespmem:$0x1FC00] =	vst v63  }
0x290: {  	s22 =	sadd.s32 $0x70, s10;
	s10 =	sadd.s32 $0x4000, s10;
	s17 =	smov.u32 s23  }
0x291: {  	[hbm4b:s22+s3] =	stream.linear.scatter [tilespmem:s18], [sflag:$0x5], $0x80, $0x38;
	[tilespmem:$0x1FC00] =	vst v63  }
0x292: {  	s17 =	sadd.s32 $0x17400, s7  }
0x293: {  	[hbm4b:s10+s3] =	stream.linear.scatter [tilespmem:s17], [sflag:$0x5], $0x80, $0x38;
	[tilespmem:$0x1FC00] =	vst v63  }
0x294: {  	s22 =	sadd.s32 $0x17488, s7;
	s23 =	sadd.s32 $0x10, s10  }
0x295: {  	[hbm4b:s23+s3] =	stream.linear.scatter [tilespmem:s22], [sflag:$0x5], $0x80, $0x38;
	[tilespmem:$0x1FC00] =	vst v63  }
0x296: {  	s22 =	sadd.s32 $0x17510, s7;
	s23 =	sadd.s32 $0x20, s10  }
0x297: {  	[hbm4b:s23+s3] =	stream.linear.scatter [tilespmem:s22], [sflag:$0x5], $0x80, $0x38;
	[tilespmem:$0x1FC00] =	vst v63  }
0x298: {  	s22 =	sadd.s32 $0x17598, s7;
	s23 =	sadd.s32 $0x30, s10  }
0x299: {  	[hbm4b:s23+s3] =	stream.linear.scatter [tilespmem:s22], [sflag:$0x5], $0x80, $0x38;
	[tilespmem:$0x1FC00] =	vst v63  }
0x29a: {  	s22 =	sadd.s32 $0x17620, s7;
	s23 =	sadd.s32 $0x40, s10  }
0x29b: {  	[hbm4b:s23+s3] =	stream.linear.scatter [tilespmem:s22], [sflag:$0x5], $0x80, $0x38;
	[tilespmem:$0x1FC00] =	vst v63  }
0x29c: {  	s22 =	sadd.s32 $0x176A8, s7;
	s23 =	sadd.s32 $0x50, s10  }
0x29d: {  	[hbm4b:s23+s3] =	stream.linear.scatter [tilespmem:s22], [sflag:$0x5], $0x80, $0x38;
	[tilespmem:$0x1FC00] =	vst v63  }
0x29e: {  	s22 =	sadd.s32 $0x17730, s7;
	s23 =	sadd.s32 $0x60, s10  }
0x29f: {  	[hbm4b:s23+s3] =	stream.linear.scatter [tilespmem:s22], [sflag:$0x5], $0x80, $0x38;
	[tilespmem:$0x1FC00] =	vst v63  }
0x2a0: {  	s6 =	sor.u32 $0x80, s6;
	s22 =	sadd.s32 $0x177B8, s7;
	s23 =	sadd.s32 $0x70, s10  }
0x2a1: {  	[hbm4b:s23+s3] =	stream.linear.scatter [tilespmem:s22], [sflag:$0x5], $0x80, $0x38;
	[tilespmem:$0x1FC00] =	vst v63  }
0x2a2: {  	s7 =	sadd.s32 s2, s6;
	s10 =	simm.s32 $0x19600  }
0x2a3: {  	[hbm4b:s7+s3] =	stream.linear.scatter [tilespmem:s10], [sflag:$0x5], $0x80, $0x38;
	[tilespmem:$0x1FC00] =	vst v63  }
0x2a4: {  	s17 =	simm.s32 $0x19688;
	s18 =	sadd.s32 $0x10, s7  }
0x2a5: {  	[hbm4b:s18+s3] =	stream.linear.scatter [tilespmem:s17], [sflag:$0x5], $0x80, $0x38;
	[tilespmem:$0x1FC00] =	vst v63  }
0x2a6: {  	s6 =	simm.s32 $0x440;
	s22 =	simm.s32 $0x19710;
	s23 =	sadd.s32 $0x20, s7  }
0x2a7: {  	[hbm4b:s23+s3] =	stream.linear.scatter [tilespmem:s22], [sflag:$0x5], $0x80, $0x38;
	[tilespmem:$0x1FC00] =	vst v63  }
0x2a8: {  	s10 =	simm.s32 $0x2200;
	s17 =	simm.s32 $0x19798;
	s18 =	sadd.s32 $0x30, s7  }
0x2a9: {  	[hbm4b:s18+s3] =	stream.linear.scatter [tilespmem:s17], [sflag:$0x5], $0x80, $0x38;
	[tilespmem:$0x1FC00] =	vst v63  }
0x2aa: {  	s22 =	simm.s32 $0x19820;
	s23 =	sadd.s32 $0x40, s7;
	s17 =	simm.s32 $0x198A8  }
0x2ab: {  	[hbm4b:s23+s3] =	stream.linear.scatter [tilespmem:s22], [sflag:$0x5], $0x80, $0x38;
	[tilespmem:$0x1FC00] =	vst v63  }
0x2ac: {  	s18 =	sadd.s32 $0x50, s7;
	s22 =	simm.s32 $0x19930;
	s23 =	sadd.s32 $0x60, s7  }
0x2ad: {  	[hbm4b:s18+s3] =	stream.linear.scatter [tilespmem:s17], [sflag:$0x5], $0x80, $0x38;
	[tilespmem:$0x1FC00] =	vst v63  }
0x2ae: {  	s17 =	simm.s32 $0x199B8;
	s18 =	sadd.s32 $0x70, s7;
	s7 =	sadd.s32 $0x4000, s7  }
0x2af: {  	[hbm4b:s23+s3] =	stream.linear.scatter [tilespmem:s22], [sflag:$0x5], $0x80, $0x38;
	[tilespmem:$0x1FC00] =	vst v63  }
.LBB2_14:
0x2b0: {  	[hbm4b:s18+s3] =	stream.linear.scatter [tilespmem:s17], [sflag:$0x5], $0x80, $0x38;
	[tilespmem:$0x1FC00] =	vst v63  }
0x2b1: {  	s17 =	smov.u32 s6;
	s6 =	smov.u32 s10  }
0x2b2: {  	s22 =	sadd.s32 $0x1100, s10;
	s6 =	sshra.s32 s6, $0x2;
	s18 =	sadd.s32 $0x19600, s17  }
0x2b3: {  	[hbm4b:s7+s3] =	stream.linear.scatter [tilespmem:s18], [sflag:$0x5], $0x80, $0x38;
	[tilespmem:$0x1FC00] =	vst v63  }
0x2b4: {  	p1 =	sne.s32 s10, $0x7700;
	s10 =	sadd.s32 $0x19688, s17;
	s18 =	sadd.s32 $0x10, s7  }
0x2b5: {  	[hbm4b:s18+s3] =	stream.linear.scatter [tilespmem:s10], [sflag:$0x5], $0x80, $0x38;
	[tilespmem:$0x1FC00] =	vst v63  }
0x2b6: {  	s10 =	sadd.s32 $0x19710, s17;
	s18 =	sadd.s32 $0x20, s7  }
0x2b7: {  	[hbm4b:s18+s3] =	stream.linear.scatter [tilespmem:s10], [sflag:$0x5], $0x80, $0x38;
	[tilespmem:$0x1FC00] =	vst v63  }
0x2b8: {  	s10 =	sadd.s32 $0x19798, s17;
	s18 =	sadd.s32 $0x30, s7  }
0x2b9: {  	[hbm4b:s18+s3] =	stream.linear.scatter [tilespmem:s10], [sflag:$0x5], $0x80, $0x38;
	[tilespmem:$0x1FC00] =	vst v63  }
0x2ba: {  	s10 =	sadd.s32 $0x19820, s17;
	s18 =	sadd.s32 $0x40, s7  }
0x2bb: {  	[hbm4b:s18+s3] =	stream.linear.scatter [tilespmem:s10], [sflag:$0x5], $0x80, $0x38;
	[tilespmem:$0x1FC00] =	vst v63  }
.Ltmp8:
0x2bc: {  	s10 =	sadd.s32 $0x198A8, s17;
	s18 =	sadd.s32 $0x50, s7;
	(pc) =	sbr.rel @p1 .LBB2_14-.Ltmp8, $4  }
0x2bd: {  	[hbm4b:s18+s3] =	stream.linear.scatter [tilespmem:s10], [sflag:$0x5], $0x80, $0x38;
	[tilespmem:$0x1FC00] =	vst v63  }
0x2be: {  	s10 =	sadd.s32 $0x19930, s17;
	s18 =	sadd.s32 $0x60, s7;
	s17 =	sadd.s32 $0x199B8, s17  }
0x2bf: {  	[hbm4b:s18+s3] =	stream.linear.scatter [tilespmem:s10], [sflag:$0x5], $0x80, $0x38;
	[tilespmem:$0x1FC00] =	vst v63  }
0x2c0: {  	s18 =	sadd.s32 $0x70, s7;
	s7 =	sadd.s32 $0x4000, s7;
	s10 =	smov.u32 s22  }
0x2c1: {  	[hbm4b:s18+s3] =	stream.linear.scatter [tilespmem:s17], [sflag:$0x5], $0x80, $0x38;
	[tilespmem:$0x1FC00] =	vst v63  }
0x2c2: {  	s10 =	sadd.s32 $0x19600, s6  }
0x2c3: {  	[hbm4b:s7+s3] =	stream.linear.scatter [tilespmem:s10], [sflag:$0x5], $0x80, $0x38;
	[tilespmem:$0x1FC00] =	vst v63  }
0x2c4: {  	s22 =	sadd.s32 $0x19688, s6;
	s23 =	sadd.s32 $0x10, s7  }
0x2c5: {  	[hbm4b:s23+s3] =	stream.linear.scatter [tilespmem:s22], [sflag:$0x5], $0x80, $0x38;
	[tilespmem:$0x1FC00] =	vst v63  }
0x2c6: {  	s17 =	sadd.s32 $0x19710, s6;
	s18 =	sadd.s32 $0x20, s7  }
0x2c7: {  	[hbm4b:s18+s3] =	stream.linear.scatter [tilespmem:s17], [sflag:$0x5], $0x80, $0x38;
	[tilespmem:$0x1FC00] =	vst v63  }
0x2c8: {  	s22 =	sadd.s32 $0x19798, s6;
	s23 =	sadd.s32 $0x30, s7  }
0x2c9: {  	[hbm4b:s23+s3] =	stream.linear.scatter [tilespmem:s22], [sflag:$0x5], $0x80, $0x38;
	[tilespmem:$0x1FC00] =	vst v63  }
0x2ca: {  	s17 =	sadd.s32 $0x19820, s6;
	s18 =	sadd.s32 $0x40, s7  }
0x2cb: {  	[hbm4b:s18+s3] =	stream.linear.scatter [tilespmem:s17], [sflag:$0x5], $0x80, $0x38;
	[tilespmem:$0x1FC00] =	vst v63  }
0x2cc: {  	p1 =	sgt.u32 s1, $0x1F;
	s22 =	sadd.s32 $0x198A8, s6;
	s23 =	sadd.s32 $0x50, s7  }
0x2cd: {  	[hbm4b:s23+s3] =	stream.linear.scatter [tilespmem:s22], [sflag:$0x5], $0x80, $0x38;
	[tilespmem:$0x1FC00] =	vst v63  }
0x2ce: {  	s18 =	sadd.s32 $0x19930, s6;
	s23 =	sadd.s32 $0x199B8, s6;
	s6 =	sadd.s32 @!p1 $0x4, s8  }
0x2cf: {  	s10 =	sadd.s32 $0x70, s7;
	s22 =	sadd.s32 $0x60, s7;
	s7 =	sshll.u32 @!p1 s6, $0x8  }
0x2d0: {  	[hbm4b:s22+s3] =	stream.linear.scatter [tilespmem:s18], [sflag:$0x5], $0x80, $0x38;
	[tilespmem:$0x1FC00] =	vst v63  }
0x2d1: {  	s8 =	sshll.u32 @!p1 s16, $0xA;
	s6 =	sshll.u32 @!p1 s6, $0x6;
	s7 =	sand.u32 @!p1 $0xF000, s7  }
0x2d2: {  	s6 =	sand.u32 @!p1 $0x380, s6;
	s7 =	sor.u32 @!p1 s8, s7  }
0x2d3: {  	[hbm4b:s10+s3] =	stream.linear.scatter [tilespmem:s23], [sflag:$0x5], $0x80, $0x38;
	[tilespmem:$0x1FC00] =	vst v63  }
0x2d4: {  	s8 =	simm.s32 @!p1 $0xB000;
	s6 =	sor.u32 @!p1 s6, s7;
	s7 =	simm.s32 @!p1 $0x80  }
0x2d5: {  	[tilespmem:s8], [sflag:$0x2] =	stream.indirect.gather @!p1 [hbm4b:s5+s7], $0x40, s6, s7, $0xb8;
	[tilespmem:$0x1FC00] =	vst v63  }
0x2d6: {  	s6 =	sadd.s32 @!p1 $0x400, s6;
	s8 =	simm.s32 @!p1 $0xD000  }
0x2d7: {  	[tilespmem:s8], [sflag:$0x2] =	stream.indirect.gather @!p1 [hbm4b:s5+s7], $0x40, s6, s7, $0xb8;
	[tilespmem:$0x1FC00] =	vst v63  }
0x2d8: {  	_ =	swait.ge [sflag:s29], $0x2000  }
0x2d9: {  	[sflag:s29] =	ssyncset.done $0x0  }
0x2da: {  	[sflag:s29] =	ssyncadd.s32 $0xFFFFE000  }
0x2db: {  	_ =	swait.ge [sflag:s29], $0x2000  }
0x2dc: {  	[sflag:s29] =	ssyncset.done $0x0  }
0x2dd: {  	s6 =	simm.s32 @!p0 $0x6;
	[sflag:s29] =	ssyncadd.s32 $0xFFFFE000  }
0x2de: {  	_ =	swait.ge @!p0 [sflag:s6], $0x2000  }
0x2df: {  	[sflag:s6] =	ssyncset.done @!p0 $0x0  }
0x2e0: {  	[sflag:s6] =	ssyncadd.s32 @!p0 $0xFFFFE000  }
0x2e1: {  	s16 =	simm.s32 $0x0;
	_ =	swait.ge @!p0 [sflag:s6], $0x2000  }
0x2e2: {  	v4 =	vmov s16;
	[sflag:s6] =	ssyncset.done @!p0 $0x0  }
0x2e3: {  	s17 =	simm.s32 $0x0;
	v4 =	vand.u32 $0x7C, v4;
	[sflag:s6] =	ssyncadd.s32 @!p0 $0xFFFFE000  }
0x2e4: {  	v6 =	vadd.s32 v0, v4;
	v5 =	vld [tilespmem:s17+$0xF000];
	_ =	sdelay $0x4  }
0x2e5: {  	[tilespmem:v6+s30+$0x0] =	vst.idx.msk $0xffff, v5  }
0x2e6: {  	v7 =	vadd.s32 v1, v4;
	v5 =	vld [tilespmem:s17+$0xF010];
	_ =	sdelay $0x4  }
0x2e7: {  	[tilespmem:v7+s30+$0x0] =	vst.idx.msk $0xffff, v5  }
0x2e8: {  	v8 =	vadd.s32 v2, v4;
	v5 =	vld [tilespmem:s17+$0xF020];
	_ =	sdelay $0x4  }
0x2e9: {  	[tilespmem:v8+s30+$0x0] =	vst.idx.msk $0xffff, v5  }
0x2ea: {  	v4 =	vadd.s32 v3, v4;
	v5 =	vld [tilespmem:s17+$0xF030];
	_ =	sdelay $0x4  }
0x2eb: {  	[tilespmem:v4+s30+$0x0] =	vst.idx.msk $0xffff, v5  }
0x2ec: {  	v5 =	vld [tilespmem:s17+$0x11000];
	_ =	sdelay $0x4  }
0x2ed: {  	[tilespmem:v6+s31+$0x0] =	vst.idx.msk $0xffff, v5  }
0x2ee: {  	v5 =	vld [tilespmem:s17+$0x11010];
	_ =	sdelay $0x4  }
0x2ef: {  	[tilespmem:v7+s31+$0x0] =	vst.idx.msk $0xffff, v5  }
0x2f0: {  	v5 =	vld [tilespmem:s17+$0x11020];
	_ =	sdelay $0x4  }
0x2f1: {  	[tilespmem:v8+s31+$0x0] =	vst.idx.msk $0xffff, v5  }
0x2f2: {  	v5 =	vld [tilespmem:s17+$0x11030];
	_ =	sdelay $0x2  }
0x2f3: {  	s18 =	simm.s32 $0x1  }
0x2f4: {  	v6 =	vmov s18  }
0x2f5: {  	[tilespmem:v4+s31+$0x0] =	vst.idx.msk $0xffff, v5;
	v4 =	vand.u32 $0x7D, v6  }
0x2f6: {  	v5 =	vld [tilespmem:s17+$0xF040];
	v6 =	vadd.s32 v0, v4;
	_ =	sdelay $0x4  }
0x2f7: {  	[tilespmem:v6+s30+$0x0] =	vst.idx.msk $0xffff, v5  }
0x2f8: {  	v7 =	vadd.s32 v1, v4;
	v5 =	vld [tilespmem:s17+$0xF050];
	_ =	sdelay $0x4  }
0x2f9: {  	[tilespmem:v7+s30+$0x0] =	vst.idx.msk $0xffff, v5  }
0x2fa: {  	v61 =	vadd.s32 v2, v4;
	v5 =	vld [tilespmem:s17+$0xF060];
	_ =	sdelay $0x4  }
0x2fb: {  	[tilespmem:v61+s30+$0x0] =	vst.idx.msk $0xffff, v5  }
0x2fc: {  	v4 =	vadd.s32 v3, v4;
	v5 =	vld [tilespmem:s17+$0xF070];
	_ =	sdelay $0x4  }
0x2fd: {  	[tilespmem:v4+s30+$0x0] =	vst.idx.msk $0xffff, v5  }
0x2fe: {  	v5 =	vld [tilespmem:s17+$0x11040];
	_ =	sdelay $0x4  }
0x2ff: {  	[tilespmem:v6+s31+$0x0] =	vst.idx.msk $0xffff, v5  }
0x300: {  	v5 =	vld [tilespmem:s17+$0x11050];
	_ =	sdelay $0x4  }
0x301: {  	[tilespmem:v7+s31+$0x0] =	vst.idx.msk $0xffff, v5  }
0x302: {  	v5 =	vld [tilespmem:s17+$0x11060];
	_ =	sdelay $0x4  }
0x303: {  	[tilespmem:v61+s31+$0x0] =	vst.idx.msk $0xffff, v5  }
0x304: {  	v5 =	vld [tilespmem:s17+$0x11070];
	_ =	sdelay $0x2  }
0x305: {  	s22 =	simm.s32 $0x2  }
0x306: {  	v6 =	vmov s22  }
0x307: {  	[tilespmem:v4+s31+$0x0] =	vst.idx.msk $0xffff, v5;
	v4 =	vand.u32 $0x7E, v6  }
0x308: {  	v5 =	vld [tilespmem:s17+$0xF080];
	v6 =	vadd.s32 v0, v4;
	_ =	sdelay $0x4  }
0x309: {  	[tilespmem:v6+s30+$0x0] =	vst.idx.msk $0xffff, v5  }
0x30a: {  	v7 =	vadd.s32 v1, v4;
	v5 =	vld [tilespmem:s17+$0xF090];
	_ =	sdelay $0x4  }
0x30b: {  	[tilespmem:v7+s30+$0x0] =	vst.idx.msk $0xffff, v5  }
0x30c: {  	v62 =	vadd.s32 v2, v4;
	v5 =	vld [tilespmem:s17+$0xF0A0];
	_ =	sdelay $0x4  }
0x30d: {  	[tilespmem:v62+s30+$0x0] =	vst.idx.msk $0xffff, v5  }
0x30e: {  	v4 =	vadd.s32 v3, v4;
	v5 =	vld [tilespmem:s17+$0xF0B0];
	_ =	sdelay $0x4  }
0x30f: {  	[tilespmem:v4+s30+$0x0] =	vst.idx.msk $0xffff, v5  }
0x310: {  	v5 =	vld [tilespmem:s17+$0x11080];
	_ =	sdelay $0x4  }
0x311: {  	[tilespmem:v6+s31+$0x0] =	vst.idx.msk $0xffff, v5  }
0x312: {  	v5 =	vld [tilespmem:s17+$0x11090];
	_ =	sdelay $0x4  }
0x313: {  	[tilespmem:v7+s31+$0x0] =	vst.idx.msk $0xffff, v5  }
0x314: {  	v5 =	vld [tilespmem:s17+$0x110A0];
	_ =	sdelay $0x4  }
0x315: {  	[tilespmem:v62+s31+$0x0] =	vst.idx.msk $0xffff, v5  }
0x316: {  	v5 =	vld [tilespmem:s17+$0x110B0];
	_ =	sdelay $0x2  }
0x317: {  	s23 =	simm.s32 $0x3  }
0x318: {  	v6 =	vmov s23  }
0x319: {  	[tilespmem:v4+s31+$0x0] =	vst.idx.msk $0xffff, v5;
	v4 =	vand.u32 $0x7F, v6  }
0x31a: {  	v5 =	vld [tilespmem:s17+$0xF0C0];
	v6 =	vadd.s32 v0, v4;
	_ =	sdelay $0x4  }
0x31b: {  	[tilespmem:v6+s30+$0x0] =	vst.idx.msk $0xffff, v5  }
0x31c: {  	v7 =	vadd.s32 v1, v4;
	v5 =	vld [tilespmem:s17+$0xF0D0];
	_ =	sdelay $0x4  }
0x31d: {  	[tilespmem:v7+s30+$0x0] =	vst.idx.msk $0xffff, v5  }
0x31e: {  	v63 =	vadd.s32 v2, v4;
	v5 =	vld [tilespmem:s17+$0xF0E0];
	_ =	sdelay $0x4  }
0x31f: {  	[tilespmem:v63+s30+$0x0] =	vst.idx.msk $0xffff, v5  }
0x320: {  	v4 =	vadd.s32 v3, v4;
	v5 =	vld [tilespmem:s17+$0xF0F0];
	_ =	sdelay $0x4  }
0x321: {  	[tilespmem:v4+s30+$0x0] =	vst.idx.msk $0xffff, v5  }
0x322: {  	v5 =	vld [tilespmem:s17+$0x110C0];
	_ =	sdelay $0x4  }
0x323: {  	[tilespmem:v6+s31+$0x0] =	vst.idx.msk $0xffff, v5  }
0x324: {  	v5 =	vld [tilespmem:s17+$0x110D0];
	_ =	sdelay $0x4  }
0x325: {  	[tilespmem:v7+s31+$0x0] =	vst.idx.msk $0xffff, v5  }
0x326: {  	v5 =	vld [tilespmem:s17+$0x110E0];
	_ =	sdelay $0x4  }
0x327: {  	[tilespmem:v63+s31+$0x0] =	vst.idx.msk $0xffff, v5  }
0x328: {  	v5 =	vld [tilespmem:s17+$0x110F0];
	_ =	sdelay $0x1  }
0x329: {  	s10 =	simm.s32 $0x4  }
0x32a: {  	s8 =	simm.s32 $0x7;
	s7 =	simm.s32 $0x800;
	s6 =	simm.s32 $0x400  }
.LBB2_16:
0x32b: {  	p0 =	sne.s32 s7, $0x7C00;
	v6 =	vmov s10  }
0x32c: {  	s10 =	sshra.s32 s6, $0x2;
	s6 =	smov.u32 s7;
	v6 =	vand.u32 $0x7C, v6;
	[tilespmem:v4+s31+$0x0] =	vst.idx.msk $0xffff, v5  }
0x32d: {  	v4 =	vld [tilespmem:s10+$0xF000];
	v5 =	vadd.s32 v0, v6;
	_ =	sdelay $0x4  }
0x32e: {  	[tilespmem:v5+s30+$0x0] =	vst.idx.msk $0xffff, v4  }
0x32f: {  	v7 =	vadd.s32 v1, v6;
	v4 =	vld [tilespmem:s10+$0xF010];
	_ =	sdelay $0x4  }
0x330: {  	[tilespmem:v7+s30+$0x0] =	vst.idx.msk $0xffff, v4  }
0x331: {  	v8 =	vadd.s32 v2, v6;
	v4 =	vld [tilespmem:s10+$0xF020];
	_ =	sdelay $0x4  }
0x332: {  	[tilespmem:v8+s30+$0x0] =	vst.idx.msk $0xffff, v4  }
0x333: {  	v6 =	vadd.s32 v3, v6;
	v4 =	vld [tilespmem:s10+$0xF030];
	_ =	sdelay $0x4  }
0x334: {  	[tilespmem:v6+s30+$0x0] =	vst.idx.msk $0xffff, v4  }
0x335: {  	v4 =	vld [tilespmem:s10+$0x11000];
	_ =	sdelay $0x4  }
0x336: {  	[tilespmem:v5+s31+$0x0] =	vst.idx.msk $0xffff, v4  }
0x337: {  	v4 =	vld [tilespmem:s10+$0x11010];
	_ =	sdelay $0x4  }
0x338: {  	[tilespmem:v7+s31+$0x0] =	vst.idx.msk $0xffff, v4  }
0x339: {  	v4 =	vld [tilespmem:s10+$0x11020];
	_ =	sdelay $0x4  }
0x33a: {  	[tilespmem:v8+s31+$0x0] =	vst.idx.msk $0xffff, v4  }
0x33b: {  	v4 =	vld [tilespmem:s10+$0x11030];
	_ =	sdelay $0x2  }
0x33c: {  	s16 =	sadd.s32 $0xFFFFFFFE, s8  }
0x33d: {  	v5 =	vmov s16  }
0x33e: {  	[tilespmem:v6+s31+$0x0] =	vst.idx.msk $0xffff, v4;
	v4 =	vand.u32 $0x7D, v5  }
0x33f: {  	v5 =	vld [tilespmem:s10+$0xF040];
	v6 =	vadd.s32 v0, v4;
	_ =	sdelay $0x4  }
0x340: {  	[tilespmem:v6+s30+$0x0] =	vst.idx.msk $0xffff, v5  }
0x341: {  	v7 =	vadd.s32 v1, v4;
	v5 =	vld [tilespmem:s10+$0xF050];
	_ =	sdelay $0x4  }
0x342: {  	[tilespmem:v7+s30+$0x0] =	vst.idx.msk $0xffff, v5  }
0x343: {  	v8 =	vadd.s32 v2, v4;
	v5 =	vld [tilespmem:s10+$0xF060];
	_ =	sdelay $0x4  }
0x344: {  	[tilespmem:v8+s30+$0x0] =	vst.idx.msk $0xffff, v5  }
0x345: {  	v4 =	vadd.s32 v3, v4;
	v5 =	vld [tilespmem:s10+$0xF070];
	_ =	sdelay $0x4  }
0x346: {  	[tilespmem:v4+s30+$0x0] =	vst.idx.msk $0xffff, v5  }
0x347: {  	v5 =	vld [tilespmem:s10+$0x11040];
	_ =	sdelay $0x4  }
0x348: {  	[tilespmem:v6+s31+$0x0] =	vst.idx.msk $0xffff, v5  }
0x349: {  	v5 =	vld [tilespmem:s10+$0x11050];
	_ =	sdelay $0x4  }
0x34a: {  	[tilespmem:v7+s31+$0x0] =	vst.idx.msk $0xffff, v5  }
0x34b: {  	v5 =	vld [tilespmem:s10+$0x11060];
	_ =	sdelay $0x4  }
0x34c: {  	[tilespmem:v8+s31+$0x0] =	vst.idx.msk $0xffff, v5  }
0x34d: {  	v5 =	vld [tilespmem:s10+$0x11070];
	_ =	sdelay $0x2  }
0x34e: {  	s16 =	sadd.s32 $0xFFFFFFFF, s8  }
0x34f: {  	v6 =	vmov s16  }
0x350: {  	[tilespmem:v4+s31+$0x0] =	vst.idx.msk $0xffff, v5;
	v4 =	vand.u32 $0x7E, v6  }
0x351: {  	v5 =	vld [tilespmem:s10+$0xF080];
	v6 =	vadd.s32 v0, v4;
	_ =	sdelay $0x4  }
0x352: {  	[tilespmem:v6+s30+$0x0] =	vst.idx.msk $0xffff, v5  }
0x353: {  	v7 =	vadd.s32 v1, v4;
	v5 =	vld [tilespmem:s10+$0xF090];
	_ =	sdelay $0x4  }
0x354: {  	[tilespmem:v7+s30+$0x0] =	vst.idx.msk $0xffff, v5  }
0x355: {  	v8 =	vadd.s32 v2, v4;
	v5 =	vld [tilespmem:s10+$0xF0A0];
	_ =	sdelay $0x4  }
0x356: {  	[tilespmem:v8+s30+$0x0] =	vst.idx.msk $0xffff, v5  }
0x357: {  	v4 =	vadd.s32 v3, v4;
	v5 =	vld [tilespmem:s10+$0xF0B0];
	_ =	sdelay $0x4  }
0x358: {  	[tilespmem:v4+s30+$0x0] =	vst.idx.msk $0xffff, v5  }
0x359: {  	v5 =	vld [tilespmem:s10+$0x11080];
	_ =	sdelay $0x4  }
0x35a: {  	[tilespmem:v6+s31+$0x0] =	vst.idx.msk $0xffff, v5  }
0x35b: {  	v5 =	vld [tilespmem:s10+$0x11090];
	_ =	sdelay $0x4  }
0x35c: {  	[tilespmem:v7+s31+$0x0] =	vst.idx.msk $0xffff, v5  }
0x35d: {  	v5 =	vld [tilespmem:s10+$0x110A0];
	_ =	sdelay $0x4  }
0x35e: {  	[tilespmem:v8+s31+$0x0] =	vst.idx.msk $0xffff, v5  }
0x35f: {  	v5 =	vld [tilespmem:s10+$0x110B0];
	_ =	sdelay $0x3  }
0x360: {  	v6 =	vmov s8  }
0x361: {  	[tilespmem:v4+s31+$0x0] =	vst.idx.msk $0xffff, v5;
	v4 =	vand.u32 $0x7F, v6  }
0x362: {  	v5 =	vld [tilespmem:s10+$0xF0C0];
	v6 =	vadd.s32 v0, v4;
	_ =	sdelay $0x4  }
0x363: {  	[tilespmem:v6+s30+$0x0] =	vst.idx.msk $0xffff, v5  }
0x364: {  	v7 =	vadd.s32 v1, v4;
	v5 =	vld [tilespmem:s10+$0xF0D0];
	_ =	sdelay $0x4  }
0x365: {  	[tilespmem:v7+s30+$0x0] =	vst.idx.msk $0xffff, v5  }
0x366: {  	v8 =	vadd.s32 v2, v4;
	v5 =	vld [tilespmem:s10+$0xF0E0];
	_ =	sdelay $0x4  }
0x367: {  	[tilespmem:v8+s30+$0x0] =	vst.idx.msk $0xffff, v5  }
0x368: {  	v4 =	vadd.s32 v3, v4;
	v5 =	vld [tilespmem:s10+$0xF0F0];
	_ =	sdelay $0x4  }
0x369: {  	[tilespmem:v4+s30+$0x0] =	vst.idx.msk $0xffff, v5  }
0x36a: {  	v5 =	vld [tilespmem:s10+$0x110C0];
	_ =	sdelay $0x4  }
0x36b: {  	[tilespmem:v6+s31+$0x0] =	vst.idx.msk $0xffff, v5  }
0x36c: {  	v5 =	vld [tilespmem:s10+$0x110D0];
	_ =	sdelay $0x4  }
0x36d: {  	[tilespmem:v7+s31+$0x0] =	vst.idx.msk $0xffff, v5  }
0x36e: {  	v5 =	vld [tilespmem:s10+$0x110E0];
	_ =	sdelay $0x4  }
.Ltmp9:
0x36f: {  	[tilespmem:v8+s31+$0x0] =	vst.idx.msk $0xffff, v5;
	(pc) =	sbr.rel @p0 .LBB2_16-.Ltmp9, $3  }
0x370: {  	v5 =	vld [tilespmem:s10+$0x110F0];
	_ =	sdelay $0x1  }
0x371: {  	s8 =	sadd.s32 $0x4, s8  }
0x372: {  	s7 =	sadd.s32 $0x400, s7;
	s10 =	sadd.s32 $0xFFFFFFFD, s8  }
0x373: {  	_ =	sdelay $0x2  }
0x374: {  	v6 =	vmov s10  }
0x375: {  	s6 =	sshra.s32 s6, $0x2;
	v6 =	vand.u32 $0x7C, v6;
	[tilespmem:v4+s31+$0x0] =	vst.idx.msk $0xffff, v5  }
0x376: {  	v4 =	vld [tilespmem:s6+$0xF000];
	v5 =	vadd.s32 v0, v6;
	_ =	sdelay $0x4  }
0x377: {  	[tilespmem:v5+s30+$0x0] =	vst.idx.msk $0xffff, v4  }
0x378: {  	v7 =	vadd.s32 v1, v6;
	v4 =	vld [tilespmem:s6+$0xF010];
	_ =	sdelay $0x4  }
0x379: {  	[tilespmem:v7+s30+$0x0] =	vst.idx.msk $0xffff, v4  }
0x37a: {  	v8 =	vadd.s32 v2, v6;
	v4 =	vld [tilespmem:s6+$0xF020];
	_ =	sdelay $0x4  }
0x37b: {  	[tilespmem:v8+s30+$0x0] =	vst.idx.msk $0xffff, v4  }
0x37c: {  	v6 =	vadd.s32 v3, v6;
	v4 =	vld [tilespmem:s6+$0xF030];
	_ =	sdelay $0x4  }
0x37d: {  	[tilespmem:v6+s30+$0x0] =	vst.idx.msk $0xffff, v4  }
0x37e: {  	v4 =	vld [tilespmem:s6+$0x11000];
	_ =	sdelay $0x4  }
0x37f: {  	[tilespmem:v5+s31+$0x0] =	vst.idx.msk $0xffff, v4  }
0x380: {  	v4 =	vld [tilespmem:s6+$0x11010];
	_ =	sdelay $0x4  }
0x381: {  	[tilespmem:v7+s31+$0x0] =	vst.idx.msk $0xffff, v4  }
0x382: {  	v4 =	vld [tilespmem:s6+$0x11020];
	_ =	sdelay $0x4  }
0x383: {  	[tilespmem:v8+s31+$0x0] =	vst.idx.msk $0xffff, v4  }
0x384: {  	v4 =	vld [tilespmem:s6+$0x11030];
	_ =	sdelay $0x2  }
0x385: {  	s7 =	sadd.s32 $0xFFFFFFFE, s8  }
0x386: {  	v5 =	vmov s7  }
0x387: {  	[tilespmem:v6+s31+$0x0] =	vst.idx.msk $0xffff, v4;
	v4 =	vand.u32 $0x7D, v5  }
0x388: {  	v5 =	vld [tilespmem:s6+$0xF040];
	v55 =	vadd.s32 v0, v4;
	_ =	sdelay $0x4  }
0x389: {  	[tilespmem:v55+s30+$0x0] =	vst.idx.msk $0xffff, v5  }
0x38a: {  	v56 =	vadd.s32 v1, v4;
	v5 =	vld [tilespmem:s6+$0xF050];
	_ =	sdelay $0x4  }
0x38b: {  	[tilespmem:v56+s30+$0x0] =	vst.idx.msk $0xffff, v5  }
0x38c: {  	v57 =	vadd.s32 v2, v4;
	v5 =	vld [tilespmem:s6+$0xF060];
	_ =	sdelay $0x4  }
0x38d: {  	[tilespmem:v57+s30+$0x0] =	vst.idx.msk $0xffff, v5  }
0x38e: {  	v4 =	vadd.s32 v3, v4;
	v5 =	vld [tilespmem:s6+$0xF070];
	_ =	sdelay $0x4  }
0x38f: {  	[tilespmem:v4+s30+$0x0] =	vst.idx.msk $0xffff, v5  }
0x390: {  	v5 =	vld [tilespmem:s6+$0x11040];
	_ =	sdelay $0x4  }
0x391: {  	[tilespmem:v55+s31+$0x0] =	vst.idx.msk $0xffff, v5  }
0x392: {  	v5 =	vld [tilespmem:s6+$0x11050];
	_ =	sdelay $0x4  }
0x393: {  	[tilespmem:v56+s31+$0x0] =	vst.idx.msk $0xffff, v5  }
0x394: {  	v5 =	vld [tilespmem:s6+$0x11060];
	_ =	sdelay $0x4  }
0x395: {  	[tilespmem:v57+s31+$0x0] =	vst.idx.msk $0xffff, v5  }
0x396: {  	v5 =	vld [tilespmem:s6+$0x11070];
	_ =	sdelay $0x2  }
0x397: {  	s23 =	sadd.s32 $0xFFFFFFFF, s8  }
0x398: {  	v58 =	vmov s23  }
0x399: {  	[tilespmem:v4+s31+$0x0] =	vst.idx.msk $0xffff, v5;
	v4 =	vand.u32 $0x7E, v58  }
0x39a: {  	v5 =	vld [tilespmem:s6+$0xF080];
	v6 =	vadd.s32 v0, v4;
	_ =	sdelay $0x4  }
0x39b: {  	[tilespmem:v6+s30+$0x0] =	vst.idx.msk $0xffff, v5  }
0x39c: {  	v59 =	vadd.s32 v1, v4;
	v5 =	vld [tilespmem:s6+$0xF090];
	_ =	sdelay $0x4  }
0x39d: {  	[tilespmem:v59+s30+$0x0] =	vst.idx.msk $0xffff, v5  }
0x39e: {  	v60 =	vadd.s32 v2, v4;
	v5 =	vld [tilespmem:s6+$0xF0A0];
	_ =	sdelay $0x4  }
0x39f: {  	[tilespmem:v60+s30+$0x0] =	vst.idx.msk $0xffff, v5  }
0x3a0: {  	v4 =	vadd.s32 v3, v4;
	v5 =	vld [tilespmem:s6+$0xF0B0];
	_ =	sdelay $0x4  }
0x3a1: {  	[tilespmem:v4+s30+$0x0] =	vst.idx.msk $0xffff, v5  }
0x3a2: {  	v5 =	vld [tilespmem:s6+$0x11080];
	_ =	sdelay $0x4  }
0x3a3: {  	[tilespmem:v6+s31+$0x0] =	vst.idx.msk $0xffff, v5  }
0x3a4: {  	v5 =	vld [tilespmem:s6+$0x11090];
	_ =	sdelay $0x4  }
0x3a5: {  	[tilespmem:v59+s31+$0x0] =	vst.idx.msk $0xffff, v5  }
0x3a6: {  	v5 =	vld [tilespmem:s6+$0x110A0];
	_ =	sdelay $0x4  }
0x3a7: {  	[tilespmem:v60+s31+$0x0] =	vst.idx.msk $0xffff, v5  }
0x3a8: {  	v5 =	vld [tilespmem:s6+$0x110B0];
	_ =	sdelay $0x3  }
0x3a9: {  	v61 =	vmov s8  }
0x3aa: {  	[tilespmem:v4+s31+$0x0] =	vst.idx.msk $0xffff, v5;
	v4 =	vand.u32 $0x7F, v61  }
0x3ab: {  	v5 =	vld [tilespmem:s6+$0xF0C0];
	v6 =	vadd.s32 v0, v4;
	_ =	sdelay $0x4  }
0x3ac: {  	[tilespmem:v6+s30+$0x0] =	vst.idx.msk $0xffff, v5  }
0x3ad: {  	v62 =	vadd.s32 v1, v4;
	v5 =	vld [tilespmem:s6+$0xF0D0];
	_ =	sdelay $0x4  }
0x3ae: {  	[tilespmem:v62+s30+$0x0] =	vst.idx.msk $0xffff, v5  }
0x3af: {  	v63 =	vadd.s32 v2, v4;
	v5 =	vld [tilespmem:s6+$0xF0E0];
	_ =	sdelay $0x4  }
0x3b0: {  	[tilespmem:v63+s30+$0x0] =	vst.idx.msk $0xffff, v5  }
0x3b1: {  	v4 =	vadd.s32 v3, v4;
	v5 =	vld [tilespmem:s6+$0xF0F0];
	_ =	sdelay $0x4  }
0x3b2: {  	[tilespmem:v4+s30+$0x0] =	vst.idx.msk $0xffff, v5  }
0x3b3: {  	v5 =	vld [tilespmem:s6+$0x110C0];
	_ =	sdelay $0x4  }
0x3b4: {  	[tilespmem:v6+s31+$0x0] =	vst.idx.msk $0xffff, v5  }
0x3b5: {  	v5 =	vld [tilespmem:s6+$0x110D0];
	_ =	sdelay $0x4  }
0x3b6: {  	[tilespmem:v62+s31+$0x0] =	vst.idx.msk $0xffff, v5  }
0x3b7: {  	v5 =	vld [tilespmem:s6+$0x110E0];
	_ =	sdelay $0x4  }
0x3b8: {  	[tilespmem:v63+s31+$0x0] =	vst.idx.msk $0xffff, v5  }
0x3b9: {  	v5 =	vld [tilespmem:s6+$0x110F0]  }
0x3ba: {  	s10 =	sadd.s32 $0x100000, s9  }
0x3bb: {  	s6 =	sand.u32 $0xFF00000, s10  }
0x3bc: {  	s13 =	sor.u32 s6, s13  }
0x3bd: {  	s7 =	sshrl.u32 s13, $0x3  }
0x3be: {  	s16 =	simm.s32 $0x1B800;
	s8 =	sadd.s32 s2, s7;
	[tilespmem:v4+s31+$0x0] =	vst.idx.msk $0xffff, v5  }
0x3bf: {  	[hbm4b:s8+s3] =	stream.linear.scatter [tilespmem:s16], [sflag:$0x6], $0x80, $0x38;
	[tilespmem:$0x1FC00] =	vst v63  }
0x3c0: {  	s17 =	simm.s32 $0x1B888;
	s18 =	sadd.s32 $0x10, s8  }
0x3c1: {  	[hbm4b:s18+s3] =	stream.linear.scatter [tilespmem:s17], [sflag:$0x6], $0x80, $0x38;
	[tilespmem:$0x1FC00] =	vst v63  }
0x3c2: {  	s22 =	simm.s32 $0x1B910;
	s9 =	simm.s32 $0x1B998;
	s23 =	sadd.s32 $0x20, s8  }
0x3c3: {  	[hbm4b:s23+s3] =	stream.linear.scatter [tilespmem:s22], [sflag:$0x6], $0x80, $0x38;
	[tilespmem:$0x1FC00] =	vst v63  }
0x3c4: {  	s13 =	simm.s32 $0x1BA20;
	s7 =	simm.s32 $0x440;
	s10 =	sadd.s32 $0x30, s8  }
0x3c5: {  	[hbm4b:s10+s3] =	stream.linear.scatter [tilespmem:s9], [sflag:$0x6], $0x80, $0x38;
	[tilespmem:$0x1FC00] =	vst v63  }
0x3c6: {  	s16 =	sadd.s32 $0x40, s8;
	s17 =	simm.s32 $0x1BAA8;
	s18 =	sadd.s32 $0x50, s8  }
0x3c7: {  	[hbm4b:s16+s3] =	stream.linear.scatter [tilespmem:s13], [sflag:$0x6], $0x80, $0x38;
	[tilespmem:$0x1FC00] =	vst v63  }
0x3c8: {  	s22 =	simm.s32 $0x1BB30;
	s23 =	sadd.s32 $0x60, s8;
	s9 =	simm.s32 $0x2200  }
0x3c9: {  	[hbm4b:s18+s3] =	stream.linear.scatter [tilespmem:s17], [sflag:$0x6], $0x80, $0x38;
	[tilespmem:$0x1FC00] =	vst v63  }
0x3ca: {  	s10 =	simm.s32 $0x1BBB8;
	s13 =	sadd.s32 $0x70, s8;
	s8 =	sadd.s32 $0x4000, s8  }
0x3cb: {  	[hbm4b:s23+s3] =	stream.linear.scatter [tilespmem:s22], [sflag:$0x6], $0x80, $0x38;
	[tilespmem:$0x1FC00] =	vst v63  }
.LBB2_18:
0x3cc: {  	[hbm4b:s13+s3] =	stream.linear.scatter [tilespmem:s10], [sflag:$0x6], $0x80, $0x38;
	[tilespmem:$0x1FC00] =	vst v63  }
0x3cd: {  	s10 =	smov.u32 s7;
	s7 =	smov.u32 s9  }
0x3ce: {  	s16 =	sadd.s32 $0x1100, s9;
	s7 =	sshra.s32 s7, $0x2;
	s13 =	sadd.s32 $0x1B800, s10  }
0x3cf: {  	[hbm4b:s8+s3] =	stream.linear.scatter [tilespmem:s13], [sflag:$0x6], $0x80, $0x38;
	[tilespmem:$0x1FC00] =	vst v63  }
0x3d0: {  	p0 =	sne.s32 s9, $0x7700;
	s9 =	sadd.s32 $0x1B888, s10;
	s13 =	sadd.s32 $0x10, s8  }
0x3d1: {  	[hbm4b:s13+s3] =	stream.linear.scatter [tilespmem:s9], [sflag:$0x6], $0x80, $0x38;
	[tilespmem:$0x1FC00] =	vst v63  }
0x3d2: {  	s9 =	sadd.s32 $0x1B910, s10;
	s13 =	sadd.s32 $0x20, s8  }
0x3d3: {  	[hbm4b:s13+s3] =	stream.linear.scatter [tilespmem:s9], [sflag:$0x6], $0x80, $0x38;
	[tilespmem:$0x1FC00] =	vst v63  }
0x3d4: {  	s9 =	sadd.s32 $0x1B998, s10;
	s13 =	sadd.s32 $0x30, s8  }
0x3d5: {  	[hbm4b:s13+s3] =	stream.linear.scatter [tilespmem:s9], [sflag:$0x6], $0x80, $0x38;
	[tilespmem:$0x1FC00] =	vst v63  }
0x3d6: {  	s9 =	sadd.s32 $0x1BA20, s10;
	s13 =	sadd.s32 $0x40, s8  }
0x3d7: {  	[hbm4b:s13+s3] =	stream.linear.scatter [tilespmem:s9], [sflag:$0x6], $0x80, $0x38;
	[tilespmem:$0x1FC00] =	vst v63  }
.Ltmp10:
0x3d8: {  	s9 =	sadd.s32 $0x1BAA8, s10;
	s13 =	sadd.s32 $0x50, s8;
	(pc) =	sbr.rel @p0 .LBB2_18-.Ltmp10, $4  }
0x3d9: {  	[hbm4b:s13+s3] =	stream.linear.scatter [tilespmem:s9], [sflag:$0x6], $0x80, $0x38;
	[tilespmem:$0x1FC00] =	vst v63  }
0x3da: {  	s9 =	sadd.s32 $0x1BB30, s10;
	s13 =	sadd.s32 $0x60, s8;
	s10 =	sadd.s32 $0x1BBB8, s10  }
0x3db: {  	[hbm4b:s13+s3] =	stream.linear.scatter [tilespmem:s9], [sflag:$0x6], $0x80, $0x38;
	[tilespmem:$0x1FC00] =	vst v63  }
0x3dc: {  	s13 =	sadd.s32 $0x70, s8;
	s8 =	sadd.s32 $0x4000, s8;
	s9 =	smov.u32 s16  }
0x3dd: {  	[hbm4b:s13+s3] =	stream.linear.scatter [tilespmem:s10], [sflag:$0x6], $0x80, $0x38;
	[tilespmem:$0x1FC00] =	vst v63  }
0x3de: {  	s9 =	sadd.s32 $0x1B800, s7  }
0x3df: {  	[hbm4b:s8+s3] =	stream.linear.scatter [tilespmem:s9], [sflag:$0x6], $0x80, $0x38;
	[tilespmem:$0x1FC00] =	vst v63  }
0x3e0: {  	s17 =	sadd.s32 $0x1B888, s7;
	s18 =	sadd.s32 $0x10, s8  }
0x3e1: {  	[hbm4b:s18+s3] =	stream.linear.scatter [tilespmem:s17], [sflag:$0x6], $0x80, $0x38;
	[tilespmem:$0x1FC00] =	vst v63  }
0x3e2: {  	s22 =	sadd.s32 $0x1B910, s7;
	s23 =	sadd.s32 $0x20, s8  }
0x3e3: {  	[hbm4b:s23+s3] =	stream.linear.scatter [tilespmem:s22], [sflag:$0x6], $0x80, $0x38;
	[tilespmem:$0x1FC00] =	vst v63  }
0x3e4: {  	s13 =	sadd.s32 $0x1B998, s7;
	s16 =	sadd.s32 $0x30, s8  }
0x3e5: {  	[hbm4b:s16+s3] =	stream.linear.scatter [tilespmem:s13], [sflag:$0x6], $0x80, $0x38;
	[tilespmem:$0x1FC00] =	vst v63  }
0x3e6: {  	s17 =	sadd.s32 $0x1BA20, s7;
	s18 =	sadd.s32 $0x40, s8  }
0x3e7: {  	[hbm4b:s18+s3] =	stream.linear.scatter [tilespmem:s17], [sflag:$0x6], $0x80, $0x38;
	[tilespmem:$0x1FC00] =	vst v63  }
0x3e8: {  	s22 =	sadd.s32 $0x1BAA8, s7;
	s23 =	sadd.s32 $0x50, s8  }
0x3e9: {  	[hbm4b:s23+s3] =	stream.linear.scatter [tilespmem:s22], [sflag:$0x6], $0x80, $0x38;
	[tilespmem:$0x1FC00] =	vst v63  }
0x3ea: {  	s10 =	sadd.s32 $0x1BB30, s7;
	s6 =	sor.u32 s6, s15;
	s13 =	sadd.s32 $0x60, s8  }
0x3eb: {  	[hbm4b:s13+s3] =	stream.linear.scatter [tilespmem:s10], [sflag:$0x6], $0x80, $0x38;
	[tilespmem:$0x1FC00] =	vst v63  }
0x3ec: {  	s6 =	sshrl.u32 s6, $0x3;
	s16 =	sadd.s32 $0x1BBB8, s7;
	s17 =	sadd.s32 $0x70, s8  }
0x3ed: {  	[hbm4b:s17+s3] =	stream.linear.scatter [tilespmem:s16], [sflag:$0x6], $0x80, $0x38;
	[tilespmem:$0x1FC00] =	vst v63  }
0x3ee: {  	s7 =	sadd.s32 s2, s6;
	s18 =	simm.s32 $0x1DA00  }
0x3ef: {  	[hbm4b:s7+s3] =	stream.linear.scatter [tilespmem:s18], [sflag:$0x6], $0x80, $0x38;
	[tilespmem:$0x1FC00] =	vst v63  }
0x3f0: {  	s22 =	simm.s32 $0x1DA88;
	s23 =	sadd.s32 $0x10, s7  }
0x3f1: {  	[hbm4b:s23+s3] =	stream.linear.scatter [tilespmem:s22], [sflag:$0x6], $0x80, $0x38;
	[tilespmem:$0x1FC00] =	vst v63  }
0x3f2: {  	s15 =	simm.s32 $0x1DC20;
	s9 =	sadd.s32 $0x20, s7;
	s8 =	simm.s32 $0x1DB10  }
0x3f3: {  	[hbm4b:s9+s3] =	stream.linear.scatter [tilespmem:s8], [sflag:$0x6], $0x80, $0x38;
	[tilespmem:$0x1FC00] =	vst v63  }
0x3f4: {  	s6 =	simm.s32 $0x440;
	s10 =	simm.s32 $0x1DB98;
	s13 =	sadd.s32 $0x30, s7  }
0x3f5: {  	[hbm4b:s13+s3] =	stream.linear.scatter [tilespmem:s10], [sflag:$0x6], $0x80, $0x38;
	[tilespmem:$0x1FC00] =	vst v63  }
0x3f6: {  	s16 =	sadd.s32 $0x40, s7;
	s17 =	simm.s32 $0x1DCA8;
	s18 =	sadd.s32 $0x50, s7  }
0x3f7: {  	[hbm4b:s16+s3] =	stream.linear.scatter [tilespmem:s15], [sflag:$0x6], $0x80, $0x38;
	[tilespmem:$0x1FC00] =	vst v63  }
0x3f8: {  	s22 =	simm.s32 $0x1DD30;
	s23 =	sadd.s32 $0x60, s7;
	s8 =	simm.s32 $0x2200  }
0x3f9: {  	[hbm4b:s18+s3] =	stream.linear.scatter [tilespmem:s17], [sflag:$0x6], $0x80, $0x38;
	[tilespmem:$0x1FC00] =	vst v63  }
0x3fa: {  	s9 =	simm.s32 $0x1DDB8;
	s10 =	sadd.s32 $0x70, s7;
	s7 =	sadd.s32 $0x4000, s7  }
0x3fb: {  	[hbm4b:s23+s3] =	stream.linear.scatter [tilespmem:s22], [sflag:$0x6], $0x80, $0x38;
	[tilespmem:$0x1FC00] =	vst v63  }
.LBB2_20:
0x3fc: {  	[hbm4b:s10+s3] =	stream.linear.scatter [tilespmem:s9], [sflag:$0x6], $0x80, $0x38;
	[tilespmem:$0x1FC00] =	vst v63  }
0x3fd: {  	s9 =	smov.u32 s6;
	s6 =	smov.u32 s8  }
0x3fe: {  	s13 =	sadd.s32 $0x1100, s8;
	s6 =	sshra.s32 s6, $0x2;
	s10 =	sadd.s32 $0x1DA00, s9  }
0x3ff: {  	[hbm4b:s7+s3] =	stream.linear.scatter [tilespmem:s10], [sflag:$0x6], $0x80, $0x38;
	[tilespmem:$0x1FC00] =	vst v63  }
0x400: {  	p0 =	sne.s32 s8, $0x7700;
	s8 =	sadd.s32 $0x1DA88, s9;
	s10 =	sadd.s32 $0x10, s7  }
0x401: {  	[hbm4b:s10+s3] =	stream.linear.scatter [tilespmem:s8], [sflag:$0x6], $0x80, $0x38;
	[tilespmem:$0x1FC00] =	vst v63  }
0x402: {  	s8 =	sadd.s32 $0x1DB10, s9;
	s10 =	sadd.s32 $0x20, s7  }
0x403: {  	[hbm4b:s10+s3] =	stream.linear.scatter [tilespmem:s8], [sflag:$0x6], $0x80, $0x38;
	[tilespmem:$0x1FC00] =	vst v63  }
0x404: {  	s8 =	sadd.s32 $0x1DB98, s9;
	s10 =	sadd.s32 $0x30, s7  }
0x405: {  	[hbm4b:s10+s3] =	stream.linear.scatter [tilespmem:s8], [sflag:$0x6], $0x80, $0x38;
	[tilespmem:$0x1FC00] =	vst v63  }
0x406: {  	s8 =	sadd.s32 $0x1DC20, s9;
	s10 =	sadd.s32 $0x40, s7  }
0x407: {  	[hbm4b:s10+s3] =	stream.linear.scatter [tilespmem:s8], [sflag:$0x6], $0x80, $0x38;
	[tilespmem:$0x1FC00] =	vst v63  }
.Ltmp11:
0x408: {  	s8 =	sadd.s32 $0x1DCA8, s9;
	s10 =	sadd.s32 $0x50, s7;
	(pc) =	sbr.rel @p0 .LBB2_20-.Ltmp11, $4  }
0x409: {  	[hbm4b:s10+s3] =	stream.linear.scatter [tilespmem:s8], [sflag:$0x6], $0x80, $0x38;
	[tilespmem:$0x1FC00] =	vst v63  }
0x40a: {  	s8 =	sadd.s32 $0x1DD30, s9;
	s10 =	sadd.s32 $0x60, s7;
	s9 =	sadd.s32 $0x1DDB8, s9  }
0x40b: {  	[hbm4b:s10+s3] =	stream.linear.scatter [tilespmem:s8], [sflag:$0x6], $0x80, $0x38;
	[tilespmem:$0x1FC00] =	vst v63  }
0x40c: {  	s10 =	sadd.s32 $0x70, s7;
	s7 =	sadd.s32 $0x4000, s7;
	s8 =	smov.u32 s13  }
0x40d: {  	[hbm4b:s10+s3] =	stream.linear.scatter [tilespmem:s9], [sflag:$0x6], $0x80, $0x38;
	[tilespmem:$0x1FC00] =	vst v63  }
0x40e: {  	s8 =	sadd.s32 $0x1DA00, s6  }
0x40f: {  	[hbm4b:s7+s3] =	stream.linear.scatter [tilespmem:s8], [sflag:$0x6], $0x80, $0x38;
	[tilespmem:$0x1FC00] =	vst v63  }
0x410: {  	s15 =	sadd.s32 $0x1DA88, s6;
	s16 =	sadd.s32 $0x10, s7  }
0x411: {  	[hbm4b:s16+s3] =	stream.linear.scatter [tilespmem:s15], [sflag:$0x6], $0x80, $0x38;
	[tilespmem:$0x1FC00] =	vst v63  }
0x412: {  	s17 =	sadd.s32 $0x1DB10, s6;
	s18 =	sadd.s32 $0x20, s7  }
0x413: {  	[hbm4b:s18+s3] =	stream.linear.scatter [tilespmem:s17], [sflag:$0x6], $0x80, $0x38;
	[tilespmem:$0x1FC00] =	vst v63  }
0x414: {  	s22 =	sadd.s32 $0x1DB98, s6;
	s23 =	sadd.s32 $0x30, s7  }
0x415: {  	[hbm4b:s23+s3] =	stream.linear.scatter [tilespmem:s22], [sflag:$0x6], $0x80, $0x38;
	[tilespmem:$0x1FC00] =	vst v63  }
0x416: {  	s10 =	sadd.s32 $0x1DC20, s6;
	s13 =	sadd.s32 $0x40, s7;
	s1 =	sadd.s32 $0x1, s1  }
0x417: {  	[hbm4b:s13+s3] =	stream.linear.scatter [tilespmem:s10], [sflag:$0x6], $0x80, $0x38;
	[tilespmem:$0x1FC00] =	vst v63  }
0x418: {  	p0 =	sne.s32 s1, $0x22;
	s15 =	sadd.s32 $0x1DCA8, s6;
	s16 =	sadd.s32 $0x50, s7  }
0x419: {  	[hbm4b:s16+s3] =	stream.linear.scatter [tilespmem:s15], [sflag:$0x6], $0x80, $0x38;
	[tilespmem:$0x1FC00] =	vst v63  }
.Ltmp12:
0x41a: {  	_ = 	snop;
	(pc) =	sbr.rel @p0 .LBB2_2-.Ltmp12, $4  }
.Ltmp13:
0x41b: {  	s17 =	sadd.s32 $0x1DD30, s6;
	s18 =	sadd.s32 $0x60, s7;
	(pc) =	sbr.rel @!p0 .LBB2_22-.Ltmp13, $4  }
0x41c: {  	[hbm4b:s18+s3] =	stream.linear.scatter [tilespmem:s17], [sflag:$0x6], $0x80, $0x38;
	[tilespmem:$0x1FC00] =	vst v63  }
0x41d: {  	s22 =	sadd.s32 $0x1DDB8, s6;
	s23 =	sadd.s32 $0x70, s7  }
0x41e: {  	[hbm4b:s23+s3] =	stream.linear.scatter [tilespmem:s22], [sflag:$0x6], $0x80, $0x38;
	[tilespmem:$0x1FC00] =	vst v63  }
0x41f: {  	_ = 	snop  }
.LBB2_23:
0x420: {  	_ =	sfence.sel $0x180000  }
0x421: {  	[bflag:$0x0] =	sbarrier.arrive $0xFFFF  }
0x422: {  	_ =	strace $0x90000047  }
0x423: {  	s0 =	stileid.u32;
	[bflag:$0x2] =	sbarrier.arrive $0xFFFF  }
0x424: {  	p0 =	sne.s32 s0, $0x0;
	s0 =	rddreg [dreg:$0x2]  }
0x425: {  	s0 =	sadd.s32 @!p0 $0x100000, s0  }
0x426: {  	[sflag:s0] =	ssyncadd.tile.s32 @!p0 $0x1;
	_ =	shalt  }
.Lfunc_end2:
_tile_overlayer_lowered:
.L_overlay_start_2:
0x427: {  	(tag) =	ssettag $0x2  }
0x428: {  	s0 =	rddreg [dreg:$0x0];
	s2 =	stileid.u32  }
0x429: {  	s1 =	rddreg [dreg:$0x1];
	p0 =	sne.s32 s2, $0x0  }
0x42a: {  	s3 =	rddreg [dreg:$0x2];
	[bflag:$0x3] =	sbarrier.arrive $0xFFFF;
	s2 =	simm.s32 @!p0 $0x1C07  }
0x42b: {  	[timem:s3], [sflag:s2] =	dma.local @!p0 [hbm:s0], s1  }
0x42c: {  	s0 =	simm.s32 @!p0 $0x7  }
0x42d: {  	_ =	swait.ge @!p0 [sflag:s0], s1  }
0x42e: {  	s1 =	ssub.s32 @!p0 $0x0, s1;
	[sflag:s0] =	ssyncset.done @!p0 $0x0  }
0x42f: {  	[sflag:s0] =	ssyncadd.s32 @!p0 s1  }
0x430: {  	[bflag:$0x3] =	sbarrier.arrive $0xFFFF  }
0x431: {  	_ =	shalt  }

</sc_bundles>
